<compile_context>
chip_gen: v7x
topology: tpu7x:2x2x1
jax: 0.10.2.dev20260603
libtpu: 0.0.44.dev20260713+nightly
codegen_flags: <defaults>
</compile_context>

<pallas_src>
import functools

import jax
import jax.numpy as jnp
from jax import lax
from jax.experimental import pallas as pl
from jax.experimental.pallas import tpu as pltpu
from jax.experimental.pallas import tpu_sc as plsc

N = 10000
NP = 10240
E = 320000
D = 128
NC, NS = 2, 16
DUMMY = N
RPT = NP // NS

KA = 80
KC = 320
CH = 64
BR = 256
NB = NP // BR

_mesh = plsc.VectorSubcoreMesh(core_axis_name="c", subcore_axis_name="s")


@functools.partial(
    pl.kernel,
    out_type=jax.ShapeDtypeStruct((NP, D), jnp.float32),
    mesh=_mesh,
    scratch_types=[
        pltpu.VMEM((8, 64), jnp.int32),
        pltpu.VMEM((64, D), jnp.float32),
        pltpu.SemaphoreType.DMA,
    ],
)
def _xcor_kernel(permidx_hbm, x_hbm, xcor_hbm, idx_v, pbuf, psem):
    c = lax.axis_index("c")
    s = lax.axis_index("s")
    w = c * NS + s
    pltpu.sync_copy(permidx_hbm.at[w], idx_v)
    base = w * 5 * 64

    def pbody(j, carry):
        pltpu.async_copy(x_hbm.at[idx_v.at[j]], pbuf, psem).wait()
        pltpu.sync_copy(pbuf, xcor_hbm.at[pl.ds(base + j * 64, 64)])
        return carry

    lax.fori_loop(0, 5, pbody, 0)


NSUP = KC // 8


@functools.partial(
    pl.kernel,
    out_type=jax.ShapeDtypeStruct((NC * NP, D), jnp.float32),
    mesh=_mesh,
    scratch_types=[
        pltpu.VMEM((2, 8, CH), jnp.int32),
        pltpu.VMEM((2, 8, CH), jnp.int32),
        pltpu.VMEM((CH, D), jnp.float32),
        pltpu.VMEM((CH, D), jnp.float32),
        pltpu.VMEM_SHARED((NP, D), jnp.float32),
        pltpu.SemaphoreType.DMA,
        pltpu.SemaphoreType.DMA,
        pltpu.SemaphoreType.DMA,
        pltpu.SemaphoreType.DMA,
    ],
)
def _spmm_kernel(table_hbm, srcidx_hbm, dstidx_hbm, out_hbm,
                 idxs2, idxd2, buf0, buf1, acc_sh, sem0, sem1, semi0, semi1):
    c = lax.axis_index("c")
    s = lax.axis_index("s")
    w = c * NS + s
    sbase = w * KC
    dbase = s * KC
    row0 = s * RPT

    def zbody(r, carry):
        for k in range(D // 16):
            buf0[r, pl.ds(k * 16, 16)] = jnp.zeros((16,), jnp.float32)
        return carry

    lax.fori_loop(0, CH, zbody, 0)
    for j in range(RPT // CH):
        pltpu.sync_copy(buf0, acc_sh.at[pl.ds(row0 + j * CH, CH)])
    plsc.subcore_barrier()

    pltpu.sync_copy(srcidx_hbm.at[pl.ds(sbase, 8)], idxs2.at[0])
    pltpu.sync_copy(dstidx_hbm.at[pl.ds(dbase, 8)], idxd2.at[0])
    pltpu.async_copy(table_hbm.at[idxs2.at[0, 0]], buf0, sem0)

    def do_super(b, slot, nxt, last):
        if not last:
            pltpu.async_copy(srcidx_hbm.at[pl.ds(sbase + 8 * b + 8, 8)],
                             idxs2.at[nxt], semi0)
            pltpu.async_copy(dstidx_hbm.at[pl.ds(dbase + 8 * b + 8, 8)],
                             idxd2.at[nxt], semi1)
        for k in range(8):
            bufc, semc = (buf0, sem0) if k % 2 == 0 else (buf1, sem1)
            bufn, semn = (buf1, sem1) if k % 2 == 0 else (buf0, sem0)
            pltpu.make_async_copy(table_hbm.at[idxs2.at[slot, k]],
                                  bufc, semc).wait()
            if k == 6 and not last:
                pltpu.make_async_copy(srcidx_hbm.at[pl.ds(sbase + 8 * b + 8, 8)],
                                      idxs2.at[nxt], semi0).wait()
                pltpu.make_async_copy(dstidx_hbm.at[pl.ds(dbase + 8 * b + 8, 8)],
                                      idxd2.at[nxt], semi1).wait()
            if k < 7:
                pltpu.async_copy(table_hbm.at[idxs2.at[slot, k + 1]], bufn, semn)
            elif not last:
                pltpu.async_copy(table_hbm.at[idxs2.at[nxt, 0]], bufn, semn)
            pltpu.sync_copy(bufc, acc_sh.at[idxd2.at[slot, k]], add=True)

    def body(b, carry):
        slot = b % 2
        do_super(b, slot, 1 - slot, last=False)
        return carry

    lax.fori_loop(0, NSUP - 1, body, 0)
    do_super(NSUP - 1, (NSUP - 1) % 2, NSUP % 2, last=True)
    plsc.subcore_barrier()
    pltpu.sync_copy(acc_sh.at[pl.ds(row0, RPT)],
                    out_hbm.at[pl.ds(c * NP + row0, RPT)])


def _dis_from(deg_ref):
    return lax.rsqrt(deg_ref[:, 0] + 1.0)[:, None]


def _dense1_body(xp_ref, xc_ref, w1_ref, deg_ref, t1_ref):
    dis = _dis_from(deg_ref)
    t1_ref[0] = dis * jnp.dot(xp_ref[...], w1_ref[...],
                              preferred_element_type=jnp.float32)
    t1_ref[1] = dis * jnp.dot(xc_ref[...], w1_ref[...],
                              preferred_element_type=jnp.float32)


def _dense1(xp, xc, w1, degp):
    return pl.pallas_call(
        _dense1_body,
        grid=(NB,),
        in_specs=[
            pl.BlockSpec((BR, D), lambda r: (r, 0)),
            pl.BlockSpec((BR, D), lambda r: (r, 0)),
            pl.BlockSpec((D, D), lambda r: (0, 0)),
            pl.BlockSpec((BR, 16), lambda r: (r, 0)),
        ],
        out_specs=pl.BlockSpec((2, BR, D), lambda r: (0, r, 0)),
        out_shape=jax.ShapeDtypeStruct((2, NP, D), jnp.float32),
    )(xp, xc, w1, degp)


def _dense2_body(s1_ref, t1_ref, deg_ref, w2_ref, b1_ref, t2_ref):
    dis = _dis_from(deg_ref)
    z = jnp.maximum(dis * (s1_ref[0] + t1_ref[0]) + b1_ref[...], 0.0)
    t2_ref[0] = dis * jnp.dot(z, w2_ref[...], preferred_element_type=jnp.float32)


def _dense2(s1, t1, degp, w2, b1):
    return pl.pallas_call(
        _dense2_body,
        grid=(2, NB),
        in_specs=[
            pl.BlockSpec((1, BR, D), lambda g, r: (g, r, 0)),
            pl.BlockSpec((1, BR, D), lambda g, r: (g, r, 0)),
            pl.BlockSpec((BR, 16), lambda g, r: (r, 0)),
            pl.BlockSpec((D, D), lambda g, r: (0, 0)),
            pl.BlockSpec((1, D), lambda g, r: (0, 0)),
        ],
        out_specs=pl.BlockSpec((1, BR, D), lambda g, r: (g, r, 0)),
        out_shape=jax.ShapeDtypeStruct((2, NP, D), jnp.float32),
    )(s1, t1, degp, w2, b1)


def _final_body(s2_ref, t2_ref, deg_ref, b2_ref, out_ref, s_ref, acc_ref):
    g = pl.program_id(0)
    r = pl.program_id(1)
    dis = _dis_from(deg_ref)
    out = dis * (s2_ref[0] + t2_ref[0]) + b2_ref[...]
    out_ref[0] = out

    @pl.when(jnp.logical_and(g == 0, r == 0))
    def _():
        acc_ref[...] = jnp.zeros((8, D), jnp.float32)

    @pl.when(g == 0)
    def _():
        gid = r * BR + lax.broadcasted_iota(jnp.int32, (BR, 1), 0)
        masked = jnp.where(gid < N, out, 0.0)
        acc_ref[...] += masked.reshape(BR // 8, 8, D).sum(axis=0)

    @pl.when(jnp.logical_and(g == 0, r == NB - 1))
    def _():
        total = acc_ref[...].sum(axis=0, keepdims=True)
        mean = jnp.broadcast_to(total / float(N), (8, D))
        s_ref[...] = 1.0 / (1.0 + jnp.exp(-mean))


def _final(s2, t2, degp, b2):
    return pl.pallas_call(
        _final_body,
        grid=(2, NB),
        in_specs=[
            pl.BlockSpec((1, BR, D), lambda g, r: (g, r, 0)),
            pl.BlockSpec((1, BR, D), lambda g, r: (g, r, 0)),
            pl.BlockSpec((BR, 16), lambda g, r: (r, 0)),
            pl.BlockSpec((1, D), lambda g, r: (0, 0)),
        ],
        out_specs=[
            pl.BlockSpec((1, BR, D), lambda g, r: (g, r, 0)),
            pl.BlockSpec((8, D), lambda g, r: (0, 0)),
        ],
        out_shape=[
            jax.ShapeDtypeStruct((2, NP, D), jnp.float32),
            jax.ShapeDtypeStruct((8, D), jnp.float32),
        ],
        scratch_shapes=[pltpu.VMEM((8, D), jnp.float32)],
    )(s2, t2, degp, b2)


def kernel(x, edge_index, W1, b1, W2, b2):
    src = edge_index[0].astype(jnp.int32)
    dst = edge_index[1].astype(jnp.int32)

    perm = jax.random.permutation(jax.random.key(42), N).astype(jnp.int32)
    permfull = jnp.full((NP,), N, jnp.int32).at[:N].set(perm)
    permidx = jnp.pad(permfull.reshape(NC * NS, 5, 64), ((0, 0), (0, 3), (0, 0)),
                      constant_values=N)
    xp = jnp.zeros((NP, D), jnp.float32).at[:N].set(x)

    srcb = jnp.pad(src.reshape(NS, E // NS), ((0, 0), (0, KC * CH - E // NS)),
                   constant_values=DUMMY).reshape(NS, KC, CH)
    srcidx = jnp.stack([srcb, srcb + NP]).reshape(NC * NS * KC, CH)
    dstidx = jnp.pad(dst.reshape(NS, E // NS), ((0, 0), (0, KC * CH - E // NS)),
                     constant_values=DUMMY).reshape(NS * KC, CH)

    ones_table = jnp.zeros((NC * NP, D), jnp.float32).at[:, 0].set(1.0)
    srcidx0 = jnp.full_like(srcidx, DUMMY)
    s0 = _spmm_kernel(ones_table, srcidx0, dstidx)
    degc = s0[:NP, :16]

    xc = _xcor_kernel(permidx, xp)
    t1 = _dense1(xp, xc, W1, degc)
    s1 = _spmm_kernel(t1.reshape(2 * NP, D), srcidx, dstidx)
    t2 = _dense2(s1.reshape(2, NP, D), t1, degc, W2, b1.reshape(1, D))
    s2 = _spmm_kernel(t2.reshape(2 * NP, D), srcidx, dstidx)
    out2, sraw = _final(s2.reshape(2, NP, D), t2, degc, b2.reshape(1, D))

    pos_z = out2[0, :N]
    neg_z = out2[1, :N]
    s = sraw[0]
    return pos_z, neg_z, s

# --- scband reference (transcript-rebuilt; emitter-appended) ---
"""Pipeline reference for scband-dgimodule-33191507264215 (READ-ONLY COPY).

The authoritative reference and input builder live on the scoring server;
editing this copy changes nothing except your own understanding.
"""

import jax, jax.numpy as jnp
import numpy as np

N_NODES = 10000
N_EDGES = 320000
D_FEAT = 128
D_HID = 128
D_OUT = 128


def glorot(key, fan_in, fan_out):
    limit = jnp.sqrt(6.0 / (fan_in + fan_out))
    return jax.random.uniform(key, (fan_in, fan_out), minval=-limit, maxval=limit, dtype=jnp.float32)


def setup_inputs(seed: int = 0) -> dict:
    key = jax.random.key(seed)
    k_x, k_e, k_w1, k_w2 = jax.random.split(key, 4)
    x = jax.random.normal(k_x, (N_NODES, D_FEAT), dtype=jnp.float32)
    edge_index = jax.random.randint(k_e, (2, N_EDGES), 0, N_NODES, dtype=jnp.int64)
    W1 = glorot(k_w1, D_FEAT, D_HID)
    b1 = jnp.zeros((D_HID,), dtype=jnp.float32)
    W2 = glorot(k_w2, D_HID, D_OUT)
    b2 = jnp.zeros((D_OUT,), dtype=jnp.float32)
    return {"x": x, "edge_index": edge_index, "W1": W1, "b1": b1, "W2": W2, "b2": b2}


def gcn_conv(x, edge_index, W, b, num_nodes):
    # PyG GCNConv semantics: add self-loops, symmetric normalization, linear, scatter-add
    src = edge_index[0]
    dst = edge_index[1]
    loop = jnp.arange(num_nodes, dtype=src.dtype)
    src = jnp.concatenate([src, loop])
    dst = jnp.concatenate([dst, loop])
    deg = jnp.zeros((num_nodes,), dtype=jnp.float32).at[dst].add(1.0)
    deg_inv_sqrt = jnp.where(deg > 0, 1.0 / jnp.sqrt(deg), 0.0)
    norm = jnp.take(deg_inv_sqrt, src) * jnp.take(deg_inv_sqrt, dst)
    h = x @ W
    msg = jnp.take(h, src, axis=0) * norm[:, None]
    out = jnp.zeros((num_nodes, W.shape[1]), dtype=jnp.float32).at[dst].add(msg)
    return out + b


def encoder(x, edge_index, W1, b1, W2, b2):
    n = x.shape[0]
    h = jax.nn.relu(gcn_conv(x, edge_index, W1, b1, n))
    return gcn_conv(h, edge_index, W2, b2, n)


def reference(x, edge_index, W1, b1, W2, b2):
    n = x.shape[0]
    # positive embeddings
    pos_z = encoder(x, edge_index, W1, b1, W2, b2)
    # corruption: permute node features (fixed key for determinism)
    perm = jax.random.permutation(jax.random.key(42), n)
    x_cor = jnp.take(x, perm, axis=0)
    neg_z = encoder(x_cor, edge_index, W1, b1, W2, b2)
    # summary: sigmoid of mean over nodes of pos_z
    s = jax.nn.sigmoid(pos_z.mean(axis=0))
    return pos_z, neg_z, s

if __name__ == "__main__":
    import jax
    _d = setup_inputs()
    print(jax.jit(kernel)(*tuple(_d.values())))

</pallas_src>

<mosaic_0001>
#map = affine_map<(d0, d1) -> (0, 0)>
module attributes {stable_mosaic.version = 14 : i64} {
  func.func @_spmm_kernel(%arg0: i32, %arg1: i32, %arg2: memref<20480x128xf32, #tpu.memory_space<hbm>>, %arg3: memref<10240x64xi32, #tpu.memory_space<hbm>>, %arg4: memref<5120x64xi32, #tpu.memory_space<hbm>>, %arg5: memref<20480x128xf32, #tpu.memory_space<hbm>>, %arg6: memref<2x8x64xi32, #tpu.memory_space<vmem>>, %arg7: memref<2x8x64xi32, #tpu.memory_space<vmem>>, %arg8: memref<64x128xf32, #tpu.memory_space<vmem>>, %arg9: memref<64x128xf32, #tpu.memory_space<vmem>>, %arg10: memref<10240x128xf32, #tpu.memory_space<vmem_shared>>, %arg11: memref<!tpu.dma_semaphore, #tpu.memory_space<semaphore_mem>>, %arg12: memref<!tpu.dma_semaphore, #tpu.memory_space<semaphore_mem>>, %arg13: memref<!tpu.dma_semaphore, #tpu.memory_space<semaphore_mem>>, %arg14: memref<!tpu.dma_semaphore, #tpu.memory_space<semaphore_mem>>) attributes {dimension_semantics = [#tpu.dimension_semantics<core_parallel>, #tpu.dimension_semantics<subcore_parallel>], iteration_bounds = array<i64: 2, 16>, scalar_prefetch = 0 : i64, scratch_operands = 9 : i64, tpu.core_type = #tpu.core_type<sc_vector_subcore>, window_params = [{transform_indices = #map}, {transform_indices = #map}, {transform_indices = #map}, {transform_indices = #map}]} {
    %mul3A = arith.constant 16 : i32
    %mul3A_0 = arith.muli %arg0, %mul3A : i32
    %add3A = arith.addi %mul3A_0, %arg1 : i32
    %mul3A_1 = arith.constant 320 : i32
    %mul3A_2 = arith.muli %add3A, %mul3A_1 : i32
    %mul3A_3 = arith.constant 320 : i32
    %mul3A_4 = arith.muli %arg1, %mul3A_3 : i32
    %mul3A_5 = arith.constant 640 : i32
    %mul3A_6 = arith.muli %arg1, %mul3A_5 : i32
    %scan3A = arith.constant 0 : i32
    %scan3A_7 = arith.constant 0 : i32
    %scan3A_8 = arith.constant 64 : i32
    %scan3A_9 = arith.addi %scan3A_7, %scan3A_8 : i32
    %scan3A_10 = arith.constant 1 : i32
    scf.for %scan3A_185 = %scan3A_7 to %scan3A_9 step %scan3A_10  : i32 {
      %broadcast_in_dim3A = arith.constant 0.000000e+00 : f32
      %broadcast_in_dim3A_186 = vector.broadcast %broadcast_in_dim3A : f32 to vector<16xf32>
      %swap3A = arith.index_cast %scan3A_185 : i32 to index
      %swap3A_187 = arith.constant 0 : index
      %swap3A_188 = tpu.vector_load %arg8[%swap3A, %swap3A_187] {strides = array<i32>} : memref<64x128xf32, #tpu.memory_space<vmem>>, vector<1x16xf32>,
      %swap3A_189 = vector.shape_cast %swap3A_188 : vector<1x16xf32> to vector<16xf32>
      %swap3A_190 = vector.shape_cast %broadcast_in_dim3A_186 : vector<16xf32> to vector<1x16xf32>
      tpu.vector_store %arg8[%swap3A, %swap3A_187], %swap3A_190 {strides = array<i32>} : memref<64x128xf32, #tpu.memory_space<vmem>>, vector<1x16xf32>,
      %broadcast_in_dim3A_191 = arith.constant 0.000000e+00 : f32
      %broadcast_in_dim3A_192 = vector.broadcast %broadcast_in_dim3A_191 : f32 to vector<16xf32>
      %swap3A_193 = arith.index_cast %scan3A_185 : i32 to index
      %swap3A_194 = arith.constant 16 : index
      %swap3A_195 = tpu.vector_load %arg8[%swap3A_193, %swap3A_194] {strides = array<i32>} : memref<64x128xf32, #tpu.memory_space<vmem>>, vector<1x16xf32>,
      %swap3A_196 = vector.shape_cast %swap3A_195 : vector<1x16xf32> to vector<16xf32>
      %swap3A_197 = vector.shape_cast %broadcast_in_dim3A_192 : vector<16xf32> to vector<1x16xf32>
      tpu.vector_store %arg8[%swap3A_193, %swap3A_194], %swap3A_197 {strides = array<i32>} : memref<64x128xf32, #tpu.memory_space<vmem>>, vector<1x16xf32>,
      %broadcast_in_dim3A_198 = arith.constant 0.000000e+00 : f32
      %broadcast_in_dim3A_199 = vector.broadcast %broadcast_in_dim3A_198 : f32 to vector<16xf32>
      %swap3A_200 = arith.index_cast %scan3A_185 : i32 to index
      %swap3A_201 = arith.constant 32 : index
      %swap3A_202 = tpu.vector_load %arg8[%swap3A_200, %swap3A_201] {strides = array<i32>} : memref<64x128xf32, #tpu.memory_space<vmem>>, vector<1x16xf32>,
      %swap3A_203 = vector.shape_cast %swap3A_202 : vector<1x16xf32> to vector<16xf32>
      %swap3A_204 = vector.shape_cast %broadcast_in_dim3A_199 : vector<16xf32> to vector<1x16xf32>
      tpu.vector_store %arg8[%swap3A_200, %swap3A_201], %swap3A_204 {strides = array<i32>} : memref<64x128xf32, #tpu.memory_space<vmem>>, vector<1x16xf32>,
      %broadcast_in_dim3A_205 = arith.constant 0.000000e+00 : f32
      %broadcast_in_dim3A_206 = vector.broadcast %broadcast_in_dim3A_205 : f32 to vector<16xf32>
      %swap3A_207 = arith.index_cast %scan3A_185 : i32 to index
      %swap3A_208 = arith.constant 48 : index
      %swap3A_209 = tpu.vector_load %arg8[%swap3A_207, %swap3A_208] {strides = array<i32>} : memref<64x128xf32, #tpu.memory_space<vmem>>, vector<1x16xf32>,
      %swap3A_210 = vector.shape_cast %swap3A_209 : vector<1x16xf32> to vector<16xf32>
      %swap3A_211 = vector.shape_cast %broadcast_in_dim3A_206 : vector<16xf32> to vector<1x16xf32>
      tpu.vector_store %arg8[%swap3A_207, %swap3A_208], %swap3A_211 {strides = array<i32>} : memref<64x128xf32, #tpu.memory_space<vmem>>, vector<1x16xf32>,
      %broadcast_in_dim3A_212 = arith.constant 0.000000e+00 : f32
      %broadcast_in_dim3A_213 = vector.broadcast %broadcast_in_dim3A_212 : f32 to vector<16xf32>
      %swap3A_214 = arith.index_cast %scan3A_185 : i32 to index
      %swap3A_215 = arith.constant 64 : index
      %swap3A_216 = tpu.vector_load %arg8[%swap3A_214, %swap3A_215] {strides = array<i32>} : memref<64x128xf32, #tpu.memory_space<vmem>>, vector<1x16xf32>,
      %swap3A_217 = vector.shape_cast %swap3A_216 : vector<1x16xf32> to vector<16xf32>
      %swap3A_218 = vector.shape_cast %broadcast_in_dim3A_213 : vector<16xf32> to vector<1x16xf32>
      tpu.vector_store %arg8[%swap3A_214, %swap3A_215], %swap3A_218 {strides = array<i32>} : memref<64x128xf32, #tpu.memory_space<vmem>>, vector<1x16xf32>,
      %broadcast_in_dim3A_219 = arith.constant 0.000000e+00 : f32
      %broadcast_in_dim3A_220 = vector.broadcast %broadcast_in_dim3A_219 : f32 to vector<16xf32>
      %swap3A_221 = arith.index_cast %scan3A_185 : i32 to index
      %swap3A_222 = arith.constant 80 : index
      %swap3A_223 = tpu.vector_load %arg8[%swap3A_221, %swap3A_222] {strides = array<i32>} : memref<64x128xf32, #tpu.memory_space<vmem>>, vector<1x16xf32>,
      %swap3A_224 = vector.shape_cast %swap3A_223 : vector<1x16xf32> to vector<16xf32>
      %swap3A_225 = vector.shape_cast %broadcast_in_dim3A_220 : vector<16xf32> to vector<1x16xf32>
      tpu.vector_store %arg8[%swap3A_221, %swap3A_222], %swap3A_225 {strides = array<i32>} : memref<64x128xf32, #tpu.memory_space<vmem>>, vector<1x16xf32>,
      %broadcast_in_dim3A_226 = arith.constant 0.000000e+00 : f32
      %broadcast_in_dim3A_227 = vector.broadcast %broadcast_in_dim3A_226 : f32 to vector<16xf32>
      %swap3A_228 = arith.index_cast %scan3A_185 : i32 to index
      %swap3A_229 = arith.constant 96 : index
      %swap3A_230 = tpu.vector_load %arg8[%swap3A_228, %swap3A_229] {strides = array<i32>} : memref<64x128xf32, #tpu.memory_space<vmem>>, vector<1x16xf32>,
      %swap3A_231 = vector.shape_cast %swap3A_230 : vector<1x16xf32> to vector<16xf32>
      %swap3A_232 = vector.shape_cast %broadcast_in_dim3A_227 : vector<16xf32> to vector<1x16xf32>
      tpu.vector_store %arg8[%swap3A_228, %swap3A_229], %swap3A_232 {strides = array<i32>} : memref<64x128xf32, #tpu.memory_space<vmem>>, vector<1x16xf32>,
      %broadcast_in_dim3A_233 = arith.constant 0.000000e+00 : f32
      %broadcast_in_dim3A_234 = vector.broadcast %broadcast_in_dim3A_233 : f32 to vector<16xf32>
      %swap3A_235 = arith.index_cast %scan3A_185 : i32 to index
      %swap3A_236 = arith.constant 112 : index
      %swap3A_237 = tpu.vector_load %arg8[%swap3A_235, %swap3A_236] {strides = array<i32>} : memref<64x128xf32, #tpu.memory_space<vmem>>, vector<1x16xf32>,
      %swap3A_238 = vector.shape_cast %swap3A_237 : vector<1x16xf32> to vector<16xf32>
      %swap3A_239 = vector.shape_cast %broadcast_in_dim3A_234 : vector<16xf32> to vector<1x16xf32>
      tpu.vector_store %arg8[%swap3A_235, %swap3A_236], %swap3A_239 {strides = array<i32>} : memref<64x128xf32, #tpu.memory_space<vmem>>, vector<1x16xf32>,
    }
    %scan3A_11 = arith.constant 64 : i32
    %add3A_12 = arith.constant 0 : i32
    %add3A_13 = arith.addi %mul3A_6, %add3A_12 : i32
    "tpu.region"() ({
      %run_scoped3A_185 = tpu.sem_alloc : memref<!tpu.dma_semaphore, #tpu.memory_space<semaphore_mem>>
      %dma_start3A_186 = arith.constant 0 : i32
      %dma_start3A_187 = tpu.memref_slice %arg10[%add3A_13, %dma_start3A_186] : memref<10240x128xf32, #tpu.memory_space<vmem_shared>> -> memref<64x128xf32, #tpu.memory_space<vmem_shared>>
      %dma_start3A_188 = arith.constant 0 : i32
      %dma_start3A_189 = tpu.memref_slice %arg10[%add3A_13, %dma_start3A_188] : memref<10240x128xf32, #tpu.memory_space<vmem_shared>> -> memref<64x128xf32, #tpu.memory_space<vmem_shared>>
      tpu.enqueue_dma source(%arg8 : memref<64x128xf32, #tpu.memory_space<vmem>>) target(%dma_start3A_189 : memref<64x128xf32, #tpu.memory_space<vmem_shared>>) target_semaphore(%run_scoped3A_185 : memref<!tpu.dma_semaphore, #tpu.memory_space<semaphore_mem>>)
      %dma_wait3A_190 = arith.constant 0 : i32
      %dma_wait3A_191 = tpu.memref_slice %arg10[%add3A_13, %dma_wait3A_190] : memref<10240x128xf32, #tpu.memory_space<vmem_shared>> -> memref<64x128xf32, #tpu.memory_space<vmem_shared>>
      %dma_wait3A_192 = arith.constant 0 : i32
      %dma_wait3A_193 = tpu.memref_slice %arg10[%add3A_13, %dma_wait3A_192] : memref<10240x128xf32, #tpu.memory_space<vmem_shared>> -> memref<64x128xf32, #tpu.memory_space<vmem_shared>>
      tpu.wait_dma2 semaphore(%run_scoped3A_185 : memref<!tpu.dma_semaphore, #tpu.memory_space<semaphore_mem>>) src(%arg8 : memref<64x128xf32, #tpu.memory_space<vmem>>) dst(%dma_wait3A_193 : memref<64x128xf32, #tpu.memory_space<vmem_shared>>)
      tpu.yield
    }) : () -> ()
    %add3A_14 = arith.constant 64 : i32
    %add3A_15 = arith.addi %mul3A_6, %add3A_14 : i32
    "tpu.region"() ({
      %run_scoped3A_185 = tpu.sem_alloc : memref<!tpu.dma_semaphore, #tpu.memory_space<semaphore_mem>>
      %dma_start3A_186 = arith.constant 0 : i32
      %dma_start3A_187 = tpu.memref_slice %arg10[%add3A_15, %dma_start3A_186] : memref<10240x128xf32, #tpu.memory_space<vmem_shared>> -> memref<64x128xf32, #tpu.memory_space<vmem_shared>>
      %dma_start3A_188 = arith.constant 0 : i32
      %dma_start3A_189 = tpu.memref_slice %arg10[%add3A_15, %dma_start3A_188] : memref<10240x128xf32, #tpu.memory_space<vmem_shared>> -> memref<64x128xf32, #tpu.memory_space<vmem_shared>>
      tpu.enqueue_dma source(%arg8 : memref<64x128xf32, #tpu.memory_space<vmem>>) target(%dma_start3A_189 : memref<64x128xf32, #tpu.memory_space<vmem_shared>>) target_semaphore(%run_scoped3A_185 : memref<!tpu.dma_semaphore, #tpu.memory_space<semaphore_mem>>)
      %dma_wait3A_190 = arith.constant 0 : i32
      %dma_wait3A_191 = tpu.memref_slice %arg10[%add3A_15, %dma_wait3A_190] : memref<10240x128xf32, #tpu.memory_space<vmem_shared>> -> memref<64x128xf32, #tpu.memory_space<vmem_shared>>
      %dma_wait3A_192 = arith.constant 0 : i32
      %dma_wait3A_193 = tpu.memref_slice %arg10[%add3A_15, %dma_wait3A_192] : memref<10240x128xf32, #tpu.memory_space<vmem_shared>> -> memref<64x128xf32, #tpu.memory_space<vmem_shared>>
      tpu.wait_dma2 semaphore(%run_scoped3A_185 : memref<!tpu.dma_semaphore, #tpu.memory_space<semaphore_mem>>) src(%arg8 : memref<64x128xf32, #tpu.memory_space<vmem>>) dst(%dma_wait3A_193 : memref<64x128xf32, #tpu.memory_space<vmem_shared>>)
      tpu.yield
    }) : () -> ()
    %add3A_16 = arith.constant 128 : i32
    %add3A_17 = arith.addi %mul3A_6, %add3A_16 : i32
    "tpu.region"() ({
      %run_scoped3A_185 = tpu.sem_alloc : memref<!tpu.dma_semaphore, #tpu.memory_space<semaphore_mem>>
      %dma_start3A_186 = arith.constant 0 : i32
      %dma_start3A_187 = tpu.memref_slice %arg10[%add3A_17, %dma_start3A_186] : memref<10240x128xf32, #tpu.memory_space<vmem_shared>> -> memref<64x128xf32, #tpu.memory_space<vmem_shared>>
      %dma_start3A_188 = arith.constant 0 : i32
      %dma_start3A_189 = tpu.memref_slice %arg10[%add3A_17, %dma_start3A_188] : memref<10240x128xf32, #tpu.memory_space<vmem_shared>> -> memref<64x128xf32, #tpu.memory_space<vmem_shared>>
      tpu.enqueue_dma source(%arg8 : memref<64x128xf32, #tpu.memory_space<vmem>>) target(%dma_start3A_189 : memref<64x128xf32, #tpu.memory_space<vmem_shared>>) target_semaphore(%run_scoped3A_185 : memref<!tpu.dma_semaphore, #tpu.memory_space<semaphore_mem>>)
      %dma_wait3A_190 = arith.constant 0 : i32
      %dma_wait3A_191 = tpu.memref_slice %arg10[%add3A_17, %dma_wait3A_190] : memref<10240x128xf32, #tpu.memory_space<vmem_shared>> -> memref<64x128xf32, #tpu.memory_space<vmem_shared>>
      %dma_wait3A_192 = arith.constant 0 : i32
      %dma_wait3A_193 = tpu.memref_slice %arg10[%add3A_17, %dma_wait3A_192] : memref<10240x128xf32, #tpu.memory_space<vmem_shared>> -> memref<64x128xf32, #tpu.memory_space<vmem_shared>>
      tpu.wait_dma2 semaphore(%run_scoped3A_185 : memref<!tpu.dma_semaphore, #tpu.memory_space<semaphore_mem>>) src(%arg8 : memref<64x128xf32, #tpu.memory_space<vmem>>) dst(%dma_wait3A_193 : memref<64x128xf32, #tpu.memory_space<vmem_shared>>)
      tpu.yield
    }) : () -> ()
    %add3A_18 = arith.constant 192 : i32
    %add3A_19 = arith.addi %mul3A_6, %add3A_18 : i32
    "tpu.region"() ({
      %run_scoped3A_185 = tpu.sem_alloc : memref<!tpu.dma_semaphore, #tpu.memory_space<semaphore_mem>>
      %dma_start3A_186 = arith.constant 0 : i32
      %dma_start3A_187 = tpu.memref_slice %arg10[%add3A_19, %dma_start3A_186] : memref<10240x128xf32, #tpu.memory_space<vmem_shared>> -> memref<64x128xf32, #tpu.memory_space<vmem_shared>>
      %dma_start3A_188 = arith.constant 0 : i32
      %dma_start3A_189 = tpu.memref_slice %arg10[%add3A_19, %dma_start3A_188] : memref<10240x128xf32, #tpu.memory_space<vmem_shared>> -> memref<64x128xf32, #tpu.memory_space<vmem_shared>>
      tpu.enqueue_dma source(%arg8 : memref<64x128xf32, #tpu.memory_space<vmem>>) target(%dma_start3A_189 : memref<64x128xf32, #tpu.memory_space<vmem_shared>>) target_semaphore(%run_scoped3A_185 : memref<!tpu.dma_semaphore, #tpu.memory_space<semaphore_mem>>)
      %dma_wait3A_190 = arith.constant 0 : i32
      %dma_wait3A_191 = tpu.memref_slice %arg10[%add3A_19, %dma_wait3A_190] : memref<10240x128xf32, #tpu.memory_space<vmem_shared>> -> memref<64x128xf32, #tpu.memory_space<vmem_shared>>
      %dma_wait3A_192 = arith.constant 0 : i32
      %dma_wait3A_193 = tpu.memref_slice %arg10[%add3A_19, %dma_wait3A_192] : memref<10240x128xf32, #tpu.memory_space<vmem_shared>> -> memref<64x128xf32, #tpu.memory_space<vmem_shared>>
      tpu.wait_dma2 semaphore(%run_scoped3A_185 : memref<!tpu.dma_semaphore, #tpu.memory_space<semaphore_mem>>) src(%arg8 : memref<64x128xf32, #tpu.memory_space<vmem>>) dst(%dma_wait3A_193 : memref<64x128xf32, #tpu.memory_space<vmem_shared>>)
      tpu.yield
    }) : () -> ()
    %add3A_20 = arith.constant 256 : i32
    %add3A_21 = arith.addi %mul3A_6, %add3A_20 : i32
    "tpu.region"() ({
      %run_scoped3A_185 = tpu.sem_alloc : memref<!tpu.dma_semaphore, #tpu.memory_space<semaphore_mem>>
      %dma_start3A_186 = arith.constant 0 : i32
      %dma_start3A_187 = tpu.memref_slice %arg10[%add3A_21, %dma_start3A_186] : memref<10240x128xf32, #tpu.memory_space<vmem_shared>> -> memref<64x128xf32, #tpu.memory_space<vmem_shared>>
      %dma_start3A_188 = arith.constant 0 : i32
      %dma_start3A_189 = tpu.memref_slice %arg10[%add3A_21, %dma_start3A_188] : memref<10240x128xf32, #tpu.memory_space<vmem_shared>> -> memref<64x128xf32, #tpu.memory_space<vmem_shared>>
      tpu.enqueue_dma source(%arg8 : memref<64x128xf32, #tpu.memory_space<vmem>>) target(%dma_start3A_189 : memref<64x128xf32, #tpu.memory_space<vmem_shared>>) target_semaphore(%run_scoped3A_185 : memref<!tpu.dma_semaphore, #tpu.memory_space<semaphore_mem>>)
      %dma_wait3A_190 = arith.constant 0 : i32
      %dma_wait3A_191 = tpu.memref_slice %arg10[%add3A_21, %dma_wait3A_190] : memref<10240x128xf32, #tpu.memory_space<vmem_shared>> -> memref<64x128xf32, #tpu.memory_space<vmem_shared>>
      %dma_wait3A_192 = arith.constant 0 : i32
      %dma_wait3A_193 = tpu.memref_slice %arg10[%add3A_21, %dma_wait3A_192] : memref<10240x128xf32, #tpu.memory_space<vmem_shared>> -> memref<64x128xf32, #tpu.memory_space<vmem_shared>>
      tpu.wait_dma2 semaphore(%run_scoped3A_185 : memref<!tpu.dma_semaphore, #tpu.memory_space<semaphore_mem>>) src(%arg8 : memref<64x128xf32, #tpu.memory_space<vmem>>) dst(%dma_wait3A_193 : memref<64x128xf32, #tpu.memory_space<vmem_shared>>)
      tpu.yield
    }) : () -> ()
    %add3A_22 = arith.constant 320 : i32
    %add3A_23 = arith.addi %mul3A_6, %add3A_22 : i32
    "tpu.region"() ({
      %run_scoped3A_185 = tpu.sem_alloc : memref<!tpu.dma_semaphore, #tpu.memory_space<semaphore_mem>>
      %dma_start3A_186 = arith.constant 0 : i32
      %dma_start3A_187 = tpu.memref_slice %arg10[%add3A_23, %dma_start3A_186] : memref<10240x128xf32, #tpu.memory_space<vmem_shared>> -> memref<64x128xf32, #tpu.memory_space<vmem_shared>>
      %dma_start3A_188 = arith.constant 0 : i32
      %dma_start3A_189 = tpu.memref_slice %arg10[%add3A_23, %dma_start3A_188] : memref<10240x128xf32, #tpu.memory_space<vmem_shared>> -> memref<64x128xf32, #tpu.memory_space<vmem_shared>>
      tpu.enqueue_dma source(%arg8 : memref<64x128xf32, #tpu.memory_space<vmem>>) target(%dma_start3A_189 : memref<64x128xf32, #tpu.memory_space<vmem_shared>>) target_semaphore(%run_scoped3A_185 : memref<!tpu.dma_semaphore, #tpu.memory_space<semaphore_mem>>)
      %dma_wait3A_190 = arith.constant 0 : i32
      %dma_wait3A_191 = tpu.memref_slice %arg10[%add3A_23, %dma_wait3A_190] : memref<10240x128xf32, #tpu.memory_space<vmem_shared>> -> memref<64x128xf32, #tpu.memory_space<vmem_shared>>
      %dma_wait3A_192 = arith.constant 0 : i32
      %dma_wait3A_193 = tpu.memref_slice %arg10[%add3A_23, %dma_wait3A_192] : memref<10240x128xf32, #tpu.memory_space<vmem_shared>> -> memref<64x128xf32, #tpu.memory_space<vmem_shared>>
      tpu.wait_dma2 semaphore(%run_scoped3A_185 : memref<!tpu.dma_semaphore, #tpu.memory_space<semaphore_mem>>) src(%arg8 : memref<64x128xf32, #tpu.memory_space<vmem>>) dst(%dma_wait3A_193 : memref<64x128xf32, #tpu.memory_space<vmem_shared>>)
      tpu.yield
    }) : () -> ()
    %add3A_24 = arith.constant 384 : i32
    %add3A_25 = arith.addi %mul3A_6, %add3A_24 : i32
    "tpu.region"() ({
      %run_scoped3A_185 = tpu.sem_alloc : memref<!tpu.dma_semaphore, #tpu.memory_space<semaphore_mem>>
      %dma_start3A_186 = arith.constant 0 : i32
      %dma_start3A_187 = tpu.memref_slice %arg10[%add3A_25, %dma_start3A_186] : memref<10240x128xf32, #tpu.memory_space<vmem_shared>> -> memref<64x128xf32, #tpu.memory_space<vmem_shared>>
      %dma_start3A_188 = arith.constant 0 : i32
      %dma_start3A_189 = tpu.memref_slice %arg10[%add3A_25, %dma_start3A_188] : memref<10240x128xf32, #tpu.memory_space<vmem_shared>> -> memref<64x128xf32, #tpu.memory_space<vmem_shared>>
      tpu.enqueue_dma source(%arg8 : memref<64x128xf32, #tpu.memory_space<vmem>>) target(%dma_start3A_189 : memref<64x128xf32, #tpu.memory_space<vmem_shared>>) target_semaphore(%run_scoped3A_185 : memref<!tpu.dma_semaphore, #tpu.memory_space<semaphore_mem>>)
      %dma_wait3A_190 = arith.constant 0 : i32
      %dma_wait3A_191 = tpu.memref_slice %arg10[%add3A_25, %dma_wait3A_190] : memref<10240x128xf32, #tpu.memory_space<vmem_shared>> -> memref<64x128xf32, #tpu.memory_space<vmem_shared>>
      %dma_wait3A_192 = arith.constant 0 : i32
      %dma_wait3A_193 = tpu.memref_slice %arg10[%add3A_25, %dma_wait3A_192] : memref<10240x128xf32, #tpu.memory_space<vmem_shared>> -> memref<64x128xf32, #tpu.memory_space<vmem_shared>>
      tpu.wait_dma2 semaphore(%run_scoped3A_185 : memref<!tpu.dma_semaphore, #tpu.memory_space<semaphore_mem>>) src(%arg8 : memref<64x128xf32, #tpu.memory_space<vmem>>) dst(%dma_wait3A_193 : memref<64x128xf32, #tpu.memory_space<vmem_shared>>)
      tpu.yield
    }) : () -> ()
    %add3A_26 = arith.constant 448 : i32
    %add3A_27 = arith.addi %mul3A_6, %add3A_26 : i32
    "tpu.region"() ({
      %run_scoped3A_185 = tpu.sem_alloc : memref<!tpu.dma_semaphore, #tpu.memory_space<semaphore_mem>>
      %dma_start3A_186 = arith.constant 0 : i32
      %dma_start3A_187 = tpu.memref_slice %arg10[%add3A_27, %dma_start3A_186] : memref<10240x128xf32, #tpu.memory_space<vmem_shared>> -> memref<64x128xf32, #tpu.memory_space<vmem_shared>>
      %dma_start3A_188 = arith.constant 0 : i32
      %dma_start3A_189 = tpu.memref_slice %arg10[%add3A_27, %dma_start3A_188] : memref<10240x128xf32, #tpu.memory_space<vmem_shared>> -> memref<64x128xf32, #tpu.memory_space<vmem_shared>>
      tpu.enqueue_dma source(%arg8 : memref<64x128xf32, #tpu.memory_space<vmem>>) target(%dma_start3A_189 : memref<64x128xf32, #tpu.memory_space<vmem_shared>>) target_semaphore(%run_scoped3A_185 : memref<!tpu.dma_semaphore, #tpu.memory_space<semaphore_mem>>)
      %dma_wait3A_190 = arith.constant 0 : i32
      %dma_wait3A_191 = tpu.memref_slice %arg10[%add3A_27, %dma_wait3A_190] : memref<10240x128xf32, #tpu.memory_space<vmem_shared>> -> memref<64x128xf32, #tpu.memory_space<vmem_shared>>
      %dma_wait3A_192 = arith.constant 0 : i32
      %dma_wait3A_193 = tpu.memref_slice %arg10[%add3A_27, %dma_wait3A_192] : memref<10240x128xf32, #tpu.memory_space<vmem_shared>> -> memref<64x128xf32, #tpu.memory_space<vmem_shared>>
      tpu.wait_dma2 semaphore(%run_scoped3A_185 : memref<!tpu.dma_semaphore, #tpu.memory_space<semaphore_mem>>) src(%arg8 : memref<64x128xf32, #tpu.memory_space<vmem>>) dst(%dma_wait3A_193 : memref<64x128xf32, #tpu.memory_space<vmem_shared>>)
      tpu.yield
    }) : () -> ()
    %add3A_28 = arith.constant 512 : i32
    %add3A_29 = arith.addi %mul3A_6, %add3A_28 : i32
    "tpu.region"() ({
      %run_scoped3A_185 = tpu.sem_alloc : memref<!tpu.dma_semaphore, #tpu.memory_space<semaphore_mem>>
      %dma_start3A_186 = arith.constant 0 : i32
      %dma_start3A_187 = tpu.memref_slice %arg10[%add3A_29, %dma_start3A_186] : memref<10240x128xf32, #tpu.memory_space<vmem_shared>> -> memref<64x128xf32, #tpu.memory_space<vmem_shared>>
      %dma_start3A_188 = arith.constant 0 : i32
      %dma_start3A_189 = tpu.memref_slice %arg10[%add3A_29, %dma_start3A_188] : memref<10240x128xf32, #tpu.memory_space<vmem_shared>> -> memref<64x128xf32, #tpu.memory_space<vmem_shared>>
      tpu.enqueue_dma source(%arg8 : memref<64x128xf32, #tpu.memory_space<vmem>>) target(%dma_start3A_189 : memref<64x128xf32, #tpu.memory_space<vmem_shared>>) target_semaphore(%run_scoped3A_185 : memref<!tpu.dma_semaphore, #tpu.memory_space<semaphore_mem>>)
      %dma_wait3A_190 = arith.constant 0 : i32
      %dma_wait3A_191 = tpu.memref_slice %arg10[%add3A_29, %dma_wait3A_190] : memref<10240x128xf32, #tpu.memory_space<vmem_shared>> -> memref<64x128xf32, #tpu.memory_space<vmem_shared>>
      %dma_wait3A_192 = arith.constant 0 : i32
      %dma_wait3A_193 = tpu.memref_slice %arg10[%add3A_29, %dma_wait3A_192] : memref<10240x128xf32, #tpu.memory_space<vmem_shared>> -> memref<64x128xf32, #tpu.memory_space<vmem_shared>>
      tpu.wait_dma2 semaphore(%run_scoped3A_185 : memref<!tpu.dma_semaphore, #tpu.memory_space<semaphore_mem>>) src(%arg8 : memref<64x128xf32, #tpu.memory_space<vmem>>) dst(%dma_wait3A_193 : memref<64x128xf32, #tpu.memory_space<vmem_shared>>)
      tpu.yield
    }) : () -> ()
    %add3A_30 = arith.constant 576 : i32
    %add3A_31 = arith.addi %mul3A_6, %add3A_30 : i32
    "tpu.region"() ({
      %run_scoped3A_185 = tpu.sem_alloc : memref<!tpu.dma_semaphore, #tpu.memory_space<semaphore_mem>>
      %dma_start3A_186 = arith.constant 0 : i32
      %dma_start3A_187 = tpu.memref_slice %arg10[%add3A_31, %dma_start3A_186] : memref<10240x128xf32, #tpu.memory_space<vmem_shared>> -> memref<64x128xf32, #tpu.memory_space<vmem_shared>>
      %dma_start3A_188 = arith.constant 0 : i32
      %dma_start3A_189 = tpu.memref_slice %arg10[%add3A_31, %dma_start3A_188] : memref<10240x128xf32, #tpu.memory_space<vmem_shared>> -> memref<64x128xf32, #tpu.memory_space<vmem_shared>>
      tpu.enqueue_dma source(%arg8 : memref<64x128xf32, #tpu.memory_space<vmem>>) target(%dma_start3A_189 : memref<64x128xf32, #tpu.memory_space<vmem_shared>>) target_semaphore(%run_scoped3A_185 : memref<!tpu.dma_semaphore, #tpu.memory_space<semaphore_mem>>)
      %dma_wait3A_190 = arith.constant 0 : i32
      %dma_wait3A_191 = tpu.memref_slice %arg10[%add3A_31, %dma_wait3A_190] : memref<10240x128xf32, #tpu.memory_space<vmem_shared>> -> memref<64x128xf32, #tpu.memory_space<vmem_shared>>
      %dma_wait3A_192 = arith.constant 0 : i32
      %dma_wait3A_193 = tpu.memref_slice %arg10[%add3A_31, %dma_wait3A_192] : memref<10240x128xf32, #tpu.memory_space<vmem_shared>> -> memref<64x128xf32, #tpu.memory_space<vmem_shared>>
      tpu.wait_dma2 semaphore(%run_scoped3A_185 : memref<!tpu.dma_semaphore, #tpu.memory_space<semaphore_mem>>) src(%arg8 : memref<64x128xf32, #tpu.memory_space<vmem>>) dst(%dma_wait3A_193 : memref<64x128xf32, #tpu.memory_space<vmem_shared>>)
      tpu.yield
    }) : () -> ()
    %barrier3A = arith.constant 0 : index
    tpu.barrier barrier_id(%barrier3A)
    %run_scoped3A = arith.constant 0 : i32
    "tpu.region"() ({
      %run_scoped3A_185 = tpu.sem_alloc : memref<!tpu.dma_semaphore, #tpu.memory_space<semaphore_mem>>
      %dma_start3A_186 = arith.constant 0 : i32
      %dma_start3A_187 = arith.constant 0 : i32
      %dma_start3A_188 = tpu.memref_slice %arg6[%run_scoped3A, %dma_start3A_186, %dma_start3A_187] : memref<2x8x64xi32, #tpu.memory_space<vmem>> -> memref<1x8x64xi32, #tpu.memory_space<vmem>>
      %dma_start3A_189 = tpu.memref_squeeze %dma_start3A_188 : memref<1x8x64xi32, #tpu.memory_space<vmem>> -> memref<8x64xi32, #tpu.memory_space<vmem>>
      %dma_start3A_190 = arith.constant 0 : i32
      %dma_start3A_191 = tpu.memref_slice %arg3[%mul3A_2, %dma_start3A_190] : memref<10240x64xi32, #tpu.memory_space<hbm>> -> memref<8x64xi32, #tpu.memory_space<hbm>>
      %dma_start3A_192 = arith.constant 0 : i32
      %dma_start3A_193 = arith.constant 0 : i32
      %dma_start3A_194 = tpu.memref_slice %arg6[%run_scoped3A, %dma_start3A_192, %dma_start3A_193] : memref<2x8x64xi32, #tpu.memory_space<vmem>> -> memref<1x8x64xi32, #tpu.memory_space<vmem>>
      %dma_start3A_195 = tpu.memref_squeeze %dma_start3A_194 : memref<1x8x64xi32, #tpu.memory_space<vmem>> -> memref<8x64xi32, #tpu.memory_space<vmem>>
      %dma_start3A_196 = arith.constant 0 : i32
      %dma_start3A_197 = tpu.memref_slice %arg3[%mul3A_2, %dma_start3A_196] : memref<10240x64xi32, #tpu.memory_space<hbm>> -> memref<8x64xi32, #tpu.memory_space<hbm>>
      tpu.enqueue_dma source(%dma_start3A_197 : memref<8x64xi32, #tpu.memory_space<hbm>>) target(%dma_start3A_195 : memref<8x64xi32, #tpu.memory_space<vmem>>) target_semaphore(%run_scoped3A_185 : memref<!tpu.dma_semaphore, #tpu.memory_space<semaphore_mem>>)
      %dma_wait3A_198 = arith.constant 0 : i32
      %dma_wait3A_199 = arith.constant 0 : i32
      %dma_wait3A_200 = tpu.memref_slice %arg6[%run_scoped3A, %dma_wait3A_198, %dma_wait3A_199] : memref<2x8x64xi32, #tpu.memory_space<vmem>> -> memref<1x8x64xi32, #tpu.memory_space<vmem>>
      %dma_wait3A_201 = tpu.memref_squeeze %dma_wait3A_200 : memref<1x8x64xi32, #tpu.memory_space<vmem>> -> memref<8x64xi32, #tpu.memory_space<vmem>>
      %dma_wait3A_202 = arith.constant 0 : i32
      %dma_wait3A_203 = tpu.memref_slice %arg3[%mul3A_2, %dma_wait3A_202] : memref<10240x64xi32, #tpu.memory_space<hbm>> -> memref<8x64xi32, #tpu.memory_space<hbm>>
      %dma_wait3A_204 = arith.constant 0 : i32
      %dma_wait3A_205 = arith.constant 0 : i32
      %dma_wait3A_206 = tpu.memref_slice %arg6[%run_scoped3A, %dma_wait3A_204, %dma_wait3A_205] : memref<2x8x64xi32, #tpu.memory_space<vmem>> -> memref<1x8x64xi32, #tpu.memory_space<vmem>>
      %dma_wait3A_207 = tpu.memref_squeeze %dma_wait3A_206 : memref<1x8x64xi32, #tpu.memory_space<vmem>> -> memref<8x64xi32, #tpu.memory_space<vmem>>
      %dma_wait3A_208 = arith.constant 0 : i32
      %dma_wait3A_209 = tpu.memref_slice %arg3[%mul3A_2, %dma_wait3A_208] : memref<10240x64xi32, #tpu.memory_space<hbm>> -> memref<8x64xi32, #tpu.memory_space<hbm>>
      tpu.wait_dma2 semaphore(%run_scoped3A_185 : memref<!tpu.dma_semaphore, #tpu.memory_space<semaphore_mem>>) src(%dma_wait3A_209 : memref<8x64xi32, #tpu.memory_space<hbm>>) dst(%dma_wait3A_207 : memref<8x64xi32, #tpu.memory_space<vmem>>)
      tpu.yield
    }) : () -> ()
    %run_scoped3A_32 = arith.constant 0 : i32
    "tpu.region"() ({
      %run_scoped3A_185 = tpu.sem_alloc : memref<!tpu.dma_semaphore, #tpu.memory_space<semaphore_mem>>
      %dma_start3A_186 = arith.constant 0 : i32
      %dma_start3A_187 = arith.constant 0 : i32
      %dma_start3A_188 = tpu.memref_slice %arg7[%run_scoped3A_32, %dma_start3A_186, %dma_start3A_187] : memref<2x8x64xi32, #tpu.memory_space<vmem>> -> memref<1x8x64xi32, #tpu.memory_space<vmem>>
      %dma_start3A_189 = tpu.memref_squeeze %dma_start3A_188 : memref<1x8x64xi32, #tpu.memory_space<vmem>> -> memref<8x64xi32, #tpu.memory_space<vmem>>
      %dma_start3A_190 = arith.constant 0 : i32
      %dma_start3A_191 = tpu.memref_slice %arg4[%mul3A_4, %dma_start3A_190] : memref<5120x64xi32, #tpu.memory_space<hbm>> -> memref<8x64xi32, #tpu.memory_space<hbm>>
      %dma_start3A_192 = arith.constant 0 : i32
      %dma_start3A_193 = arith.constant 0 : i32
      %dma_start3A_194 = tpu.memref_slice %arg7[%run_scoped3A_32, %dma_start3A_192, %dma_start3A_193] : memref<2x8x64xi32, #tpu.memory_space<vmem>> -> memref<1x8x64xi32, #tpu.memory_space<vmem>>
      %dma_start3A_195 = tpu.memref_squeeze %dma_start3A_194 : memref<1x8x64xi32, #tpu.memory_space<vmem>> -> memref<8x64xi32, #tpu.memory_space<vmem>>
      %dma_start3A_196 = arith.constant 0 : i32
      %dma_start3A_197 = tpu.memref_slice %arg4[%mul3A_4, %dma_start3A_196] : memref<5120x64xi32, #tpu.memory_space<hbm>> -> memref<8x64xi32, #tpu.memory_space<hbm>>
      tpu.enqueue_dma source(%dma_start3A_197 : memref<8x64xi32, #tpu.memory_space<hbm>>) target(%dma_start3A_195 : memref<8x64xi32, #tpu.memory_space<vmem>>) target_semaphore(%run_scoped3A_185 : memref<!tpu.dma_semaphore, #tpu.memory_space<semaphore_mem>>)
      %dma_wait3A_198 = arith.constant 0 : i32
      %dma_wait3A_199 = arith.constant 0 : i32
      %dma_wait3A_200 = tpu.memref_slice %arg7[%run_scoped3A_32, %dma_wait3A_198, %dma_wait3A_199] : memref<2x8x64xi32, #tpu.memory_space<vmem>> -> memref<1x8x64xi32, #tpu.memory_space<vmem>>
      %dma_wait3A_201 = tpu.memref_squeeze %dma_wait3A_200 : memref<1x8x64xi32, #tpu.memory_space<vmem>> -> memref<8x64xi32, #tpu.memory_space<vmem>>
      %dma_wait3A_202 = arith.constant 0 : i32
      %dma_wait3A_203 = tpu.memref_slice %arg4[%mul3A_4, %dma_wait3A_202] : memref<5120x64xi32, #tpu.memory_space<hbm>> -> memref<8x64xi32, #tpu.memory_space<hbm>>
      %dma_wait3A_204 = arith.constant 0 : i32
      %dma_wait3A_205 = arith.constant 0 : i32
      %dma_wait3A_206 = tpu.memref_slice %arg7[%run_scoped3A_32, %dma_wait3A_204, %dma_wait3A_205] : memref<2x8x64xi32, #tpu.memory_space<vmem>> -> memref<1x8x64xi32, #tpu.memory_space<vmem>>
      %dma_wait3A_207 = tpu.memref_squeeze %dma_wait3A_206 : memref<1x8x64xi32, #tpu.memory_space<vmem>> -> memref<8x64xi32, #tpu.memory_space<vmem>>
      %dma_wait3A_208 = arith.constant 0 : i32
      %dma_wait3A_209 = tpu.memref_slice %arg4[%mul3A_4, %dma_wait3A_208] : memref<5120x64xi32, #tpu.memory_space<hbm>> -> memref<8x64xi32, #tpu.memory_space<hbm>>
      tpu.wait_dma2 semaphore(%run_scoped3A_185 : memref<!tpu.dma_semaphore, #tpu.memory_space<semaphore_mem>>) src(%dma_wait3A_209 : memref<8x64xi32, #tpu.memory_space<hbm>>) dst(%dma_wait3A_207 : memref<8x64xi32, #tpu.memory_space<vmem>>)
      tpu.yield
    }) : () -> ()
    %dma_start3A = arith.constant 0 : i32
    %dma_start3A_33 = arith.constant 0 : i32
    %dma_start3A_34 = arith.constant 0 : i32
    %dma_start3A_35 = tpu.memref_slice %arg6[%dma_start3A, %dma_start3A_33, %dma_start3A_34] : memref<2x8x64xi32, #tpu.memory_space<vmem>> -> memref<1x1x64xi32, #tpu.memory_space<vmem>>
    %dma_start3A_36 = tpu.memref_squeeze %dma_start3A_35 : memref<1x1x64xi32, #tpu.memory_space<vmem>> -> memref<64xi32, #tpu.memory_space<vmem>>
    %dma_start3A_37 = arith.constant 0 : i32
    %dma_start3A_38 = arith.constant 0 : i32
    %dma_start3A_39 = tpu.memref_slice %arg2[%dma_start3A_37, %dma_start3A_38] : memref<20480x128xf32, #tpu.memory_space<hbm>> -> memref<20480x128xf32, #tpu.memory_space<hbm>>
    tpu.enqueue_indirect_dma source(%dma_start3A_39 : memref<20480x128xf32, #tpu.memory_space<hbm>>) target(%arg8 : memref<64x128xf32, #tpu.memory_space<vmem>>) offsets(%dma_start3A_36 : memref<64xi32, #tpu.memory_space<vmem>>) semaphore(%arg11 : memref<!tpu.dma_semaphore, #tpu.memory_space<semaphore_mem>>)
    %scan3A_40 = arith.constant 0 : i32
    %scan3A_41 = arith.constant 0 : i32
    %scan3A_42 = arith.constant 39 : i32
    %scan3A_43 = arith.addi %scan3A_41, %scan3A_42 : i32
    %scan3A_44 = arith.constant 1 : i32
    scf.for %scan3A_185 = %scan3A_41 to %scan3A_43 step %scan3A_44  : i32 {
      %jit3A = arith.constant 2 : i32
      %eq3A = arith.constant 0 : i32
      %eq3A_186 = arith.cmpi eq, %jit3A, %eq3A : i32
      %jit3A_187 = arith.constant 1 : i32
      %select_n3A = arith.select %eq3A_186, %jit3A_187, %jit3A : i32
      %rem3A = arith.remsi %scan3A_185, %select_n3A : i32
      %ne3A = arith.constant 0 : i32
      %ne3A_188 = arith.cmpi ne, %rem3A, %ne3A : i32
      %lt3A = arith.constant 0 : i32
      %lt3A_189 = arith.cmpi slt, %rem3A, %lt3A : i32
      %lt3A_190 = arith.constant 0 : i32
      %lt3A_191 = arith.cmpi slt, %select_n3A, %lt3A_190 : i32
      %ne3A_192 = arith.xori %lt3A_189, %lt3A_191 : i1
      %and3A = arith.andi %ne3A_192, %ne3A_188 : i1
      %add3A_193 = arith.addi %rem3A, %select_n3A : i32
      %select_n3A_194 = arith.select %and3A, %add3A_193, %rem3A : i32
      %sub3A = arith.constant 1 : i32
      %sub3A_195 = arith.subi %sub3A, %select_n3A_194 : i32
      %mul3A_196 = arith.constant 8 : i32
      %mul3A_197 = arith.muli %mul3A_196, %scan3A_185 : i32
      %add3A_198 = arith.addi %mul3A_2, %mul3A_197 : i32
      %add3A_199 = arith.constant 8 : i32
      %add3A_200 = arith.addi %add3A_198, %add3A_199 : i32
      %dma_start3A_201 = arith.constant 0 : i32
      %dma_start3A_202 = arith.constant 0 : i32
      %dma_start3A_203 = tpu.memref_slice %arg6[%sub3A_195, %dma_start3A_201, %dma_start3A_202] : memref<2x8x64xi32, #tpu.memory_space<vmem>> -> memref<1x8x64xi32, #tpu.memory_space<vmem>>
      %dma_start3A_204 = tpu.memref_squeeze %dma_start3A_203 : memref<1x8x64xi32, #tpu.memory_space<vmem>> -> memref<8x64xi32, #tpu.memory_space<vmem>>
      %dma_start3A_205 = arith.constant 0 : i32
      %dma_start3A_206 = tpu.memref_slice %arg3[%add3A_200, %dma_start3A_205] : memref<10240x64xi32, #tpu.memory_space<hbm>> -> memref<8x64xi32, #tpu.memory_space<hbm>>
      %dma_start3A_207 = arith.constant 0 : i32
      %dma_start3A_208 = arith.constant 0 : i32
      %dma_start3A_209 = tpu.memref_slice %arg6[%sub3A_195, %dma_start3A_207, %dma_start3A_208] : memref<2x8x64xi32, #tpu.memory_space<vmem>> -> memref<1x8x64xi32, #tpu.memory_space<vmem>>
      %dma_start3A_210 = tpu.memref_squeeze %dma_start3A_209 : memref<1x8x64xi32, #tpu.memory_space<vmem>> -> memref<8x64xi32, #tpu.memory_space<vmem>>
      %dma_start3A_211 = arith.constant 0 : i32
      %dma_start3A_212 = tpu.memref_slice %arg3[%add3A_200, %dma_start3A_211] : memref<10240x64xi32, #tpu.memory_space<hbm>> -> memref<8x64xi32, #tpu.memory_space<hbm>>
      tpu.enqueue_dma source(%dma_start3A_212 : memref<8x64xi32, #tpu.memory_space<hbm>>) target(%dma_start3A_210 : memref<8x64xi32, #tpu.memory_space<vmem>>) target_semaphore(%arg13 : memref<!tpu.dma_semaphore, #tpu.memory_space<semaphore_mem>>)
      %mul3A_213 = arith.constant 8 : i32
      %mul3A_214 = arith.muli %mul3A_213, %scan3A_185 : i32
      %add3A_215 = arith.addi %mul3A_4, %mul3A_214 : i32
      %add3A_216 = arith.constant 8 : i32
      %add3A_217 = arith.addi %add3A_215, %add3A_216 : i32
      %dma_start3A_218 = arith.constant 0 : i32
      %dma_start3A_219 = arith.constant 0 : i32
      %dma_start3A_220 = tpu.memref_slice %arg7[%sub3A_195, %dma_start3A_218, %dma_start3A_219] : memref<2x8x64xi32, #tpu.memory_space<vmem>> -> memref<1x8x64xi32, #tpu.memory_space<vmem>>
      %dma_start3A_221 = tpu.memref_squeeze %dma_start3A_220 : memref<1x8x64xi32, #tpu.memory_space<vmem>> -> memref<8x64xi32, #tpu.memory_space<vmem>>
      %dma_start3A_222 = arith.constant 0 : i32
      %dma_start3A_223 = tpu.memref_slice %arg4[%add3A_217, %dma_start3A_222] : memref<5120x64xi32, #tpu.memory_space<hbm>> -> memref<8x64xi32, #tpu.memory_space<hbm>>
      %dma_start3A_224 = arith.constant 0 : i32
      %dma_start3A_225 = arith.constant 0 : i32
      %dma_start3A_226 = tpu.memref_slice %arg7[%sub3A_195, %dma_start3A_224, %dma_start3A_225] : memref<2x8x64xi32, #tpu.memory_space<vmem>> -> memref<1x8x64xi32, #tpu.memory_space<vmem>>
      %dma_start3A_227 = tpu.memref_squeeze %dma_start3A_226 : memref<1x8x64xi32, #tpu.memory_space<vmem>> -> memref<8x64xi32, #tpu.memory_space<vmem>>
      %dma_start3A_228 = arith.constant 0 : i32
      %dma_start3A_229 = tpu.memref_slice %arg4[%add3A_217, %dma_start3A_228] : memref<5120x64xi32, #tpu.memory_space<hbm>> -> memref<8x64xi32, #tpu.memory_space<hbm>>
      tpu.enqueue_dma source(%dma_start3A_229 : memref<8x64xi32, #tpu.memory_space<hbm>>) target(%dma_start3A_227 : memref<8x64xi32, #tpu.memory_space<vmem>>) target_semaphore(%arg14 : memref<!tpu.dma_semaphore, #tpu.memory_space<semaphore_mem>>)
      %dma_wait3A_230 = arith.constant 0 : i32
      %dma_wait3A_231 = arith.constant 0 : i32
      %dma_wait3A_232 = tpu.memref_slice %arg6[%select_n3A_194, %dma_wait3A_230, %dma_wait3A_231] : memref<2x8x64xi32, #tpu.memory_space<vmem>> -> memref<1x1x64xi32, #tpu.memory_space<vmem>>
      %dma_wait3A_233 = tpu.memref_squeeze %dma_wait3A_232 : memref<1x1x64xi32, #tpu.memory_space<vmem>> -> memref<64xi32, #tpu.memory_space<vmem>>
      %dma_wait3A_234 = arith.constant 0 : i32
      %dma_wait3A_235 = arith.constant 0 : i32
      %dma_wait3A_236 = tpu.memref_slice %arg2[%dma_wait3A_234, %dma_wait3A_235] : memref<20480x128xf32, #tpu.memory_space<hbm>> -> memref<20480x128xf32, #tpu.memory_space<hbm>>
      tpu.wait_indirect_dma semaphore(%arg11 : memref<!tpu.dma_semaphore, #tpu.memory_space<semaphore_mem>>) src(%dma_wait3A_236 : memref<20480x128xf32, #tpu.memory_space<hbm>>) dst(%arg8 : memref<64x128xf32, #tpu.memory_space<vmem>>)
      %dma_start3A_237 = arith.constant 1 : i32
      %dma_start3A_238 = arith.constant 0 : i32
      %dma_start3A_239 = tpu.memref_slice %arg6[%select_n3A_194, %dma_start3A_237, %dma_start3A_238] : memref<2x8x64xi32, #tpu.memory_space<vmem>> -> memref<1x1x64xi32, #tpu.memory_space<vmem>>
      %dma_start3A_240 = tpu.memref_squeeze %dma_start3A_239 : memref<1x1x64xi32, #tpu.memory_space<vmem>> -> memref<64xi32, #tpu.memory_space<vmem>>
      %dma_start3A_241 = arith.constant 0 : i32
      %dma_start3A_242 = arith.constant 0 : i32
      %dma_start3A_243 = tpu.memref_slice %arg2[%dma_start3A_241, %dma_start3A_242] : memref<20480x128xf32, #tpu.memory_space<hbm>> -> memref<20480x128xf32, #tpu.memory_space<hbm>>
      tpu.enqueue_indirect_dma source(%dma_start3A_243 : memref<20480x128xf32, #tpu.memory_space<hbm>>) target(%arg9 : memref<64x128xf32, #tpu.memory_space<vmem>>) offsets(%dma_start3A_240 : memref<64xi32, #tpu.memory_space<vmem>>) semaphore(%arg12 : memref<!tpu.dma_semaphore, #tpu.memory_space<semaphore_mem>>)
      %run_scoped3A_244 = arith.constant 0 : i32
      "tpu.region"() ({
        %run_scoped3A_384 = tpu.sem_alloc : memref<!tpu.dma_semaphore, #tpu.memory_space<semaphore_mem>>
        %dma_start3A_385 = arith.constant 0 : i32
        %dma_start3A_386 = tpu.memref_slice %arg7[%select_n3A_194, %run_scoped3A_244, %dma_start3A_385] : memref<2x8x64xi32, #tpu.memory_space<vmem>> -> memref<1x1x64xi32, #tpu.memory_space<vmem>>
        %dma_start3A_387 = tpu.memref_squeeze %dma_start3A_386 : memref<1x1x64xi32, #tpu.memory_space<vmem>> -> memref<64xi32, #tpu.memory_space<vmem>>
        %dma_start3A_388 = arith.constant 0 : i32
        %dma_start3A_389 = arith.constant 0 : i32
        %dma_start3A_390 = tpu.memref_slice %arg10[%dma_start3A_388, %dma_start3A_389] : memref<10240x128xf32, #tpu.memory_space<vmem_shared>> -> memref<10240x128xf32, #tpu.memory_space<vmem_shared>>
        tpu.enqueue_indirect_dma source(%arg8 : memref<64x128xf32, #tpu.memory_space<vmem>>) target(%dma_start3A_390 : memref<10240x128xf32, #tpu.memory_space<vmem_shared>>) offsets(%dma_start3A_387 : memref<64xi32, #tpu.memory_space<vmem>>) semaphore(%run_scoped3A_384 : memref<!tpu.dma_semaphore, #tpu.memory_space<semaphore_mem>>) {add = true}
        %dma_wait3A_391 = arith.constant 0 : i32
        %dma_wait3A_392 = tpu.memref_slice %arg7[%select_n3A_194, %run_scoped3A_244, %dma_wait3A_391] : memref<2x8x64xi32, #tpu.memory_space<vmem>> -> memref<1x1x64xi32, #tpu.memory_space<vmem>>
        %dma_wait3A_393 = tpu.memref_squeeze %dma_wait3A_392 : memref<1x1x64xi32, #tpu.memory_space<vmem>> -> memref<64xi32, #tpu.memory_space<vmem>>
        %dma_wait3A_394 = arith.constant 0 : i32
        %dma_wait3A_395 = arith.constant 0 : i32
        %dma_wait3A_396 = tpu.memref_slice %arg10[%dma_wait3A_394, %dma_wait3A_395] : memref<10240x128xf32, #tpu.memory_space<vmem_shared>> -> memref<10240x128xf32, #tpu.memory_space<vmem_shared>>
        tpu.wait_indirect_dma semaphore(%run_scoped3A_384 : memref<!tpu.dma_semaphore, #tpu.memory_space<semaphore_mem>>) src(%arg8 : memref<64x128xf32, #tpu.memory_space<vmem>>) dst(%dma_wait3A_396 : memref<10240x128xf32, #tpu.memory_space<vmem_shared>>)
        tpu.yield
      }) : () -> ()
      %dma_wait3A_245 = arith.constant 1 : i32
      %dma_wait3A_246 = arith.constant 0 : i32
      %dma_wait3A_247 = tpu.memref_slice %arg6[%select_n3A_194, %dma_wait3A_245, %dma_wait3A_246] : memref<2x8x64xi32, #tpu.memory_space<vmem>> -> memref<1x1x64xi32, #tpu.memory_space<vmem>>
      %dma_wait3A_248 = tpu.memref_squeeze %dma_wait3A_247 : memref<1x1x64xi32, #tpu.memory_space<vmem>> -> memref<64xi32, #tpu.memory_space<vmem>>
      %dma_wait3A_249 = arith.constant 0 : i32
      %dma_wait3A_250 = arith.constant 0 : i32
      %dma_wait3A_251 = tpu.memref_slice %arg2[%dma_wait3A_249, %dma_wait3A_250] : memref<20480x128xf32, #tpu.memory_space<hbm>> -> memref<20480x128xf32, #tpu.memory_space<hbm>>
      tpu.wait_indirect_dma semaphore(%arg12 : memref<!tpu.dma_semaphore, #tpu.memory_space<semaphore_mem>>) src(%dma_wait3A_251 : memref<20480x128xf32, #tpu.memory_space<hbm>>) dst(%arg9 : memref<64x128xf32, #tpu.memory_space<vmem>>)
      %dma_start3A_252 = arith.constant 2 : i32
      %dma_start3A_253 = arith.constant 0 : i32
      %dma_start3A_254 = tpu.memref_slice %arg6[%select_n3A_194, %dma_start3A_252, %dma_start3A_253] : memref<2x8x64xi32, #tpu.memory_space<vmem>> -> memref<1x1x64xi32, #tpu.memory_space<vmem>>
      %dma_start3A_255 = tpu.memref_squeeze %dma_start3A_254 : memref<1x1x64xi32, #tpu.memory_space<vmem>> -> memref<64xi32, #tpu.memory_space<vmem>>
      %dma_start3A_256 = arith.constant 0 : i32
      %dma_start3A_257 = arith.constant 0 : i32
      %dma_start3A_258 = tpu.memref_slice %arg2[%dma_start3A_256, %dma_start3A_257] : memref<20480x128xf32, #tpu.memory_space<hbm>> -> memref<20480x128xf32, #tpu.memory_space<hbm>>
      tpu.enqueue_indirect_dma source(%dma_start3A_258 : memref<20480x128xf32, #tpu.memory_space<hbm>>) target(%arg8 : memref<64x128xf32, #tpu.memory_space<vmem>>) offsets(%dma_start3A_255 : memref<64xi32, #tpu.memory_space<vmem>>) semaphore(%arg11 : memref<!tpu.dma_semaphore, #tpu.memory_space<semaphore_mem>>)
      %run_scoped3A_259 = arith.constant 1 : i32
      "tpu.region"() ({
        %run_scoped3A_384 = tpu.sem_alloc : memref<!tpu.dma_semaphore, #tpu.memory_space<semaphore_mem>>
        %dma_start3A_385 = arith.constant 0 : i32
        %dma_start3A_386 = tpu.memref_slice %arg7[%select_n3A_194, %run_scoped3A_259, %dma_start3A_385] : memref<2x8x64xi32, #tpu.memory_space<vmem>> -> memref<1x1x64xi32, #tpu.memory_space<vmem>>
        %dma_start3A_387 = tpu.memref_squeeze %dma_start3A_386 : memref<1x1x64xi32, #tpu.memory_space<vmem>> -> memref<64xi32, #tpu.memory_space<vmem>>
        %dma_start3A_388 = arith.constant 0 : i32
        %dma_start3A_389 = arith.constant 0 : i32
        %dma_start3A_390 = tpu.memref_slice %arg10[%dma_start3A_388, %dma_start3A_389] : memref<10240x128xf32, #tpu.memory_space<vmem_shared>> -> memref<10240x128xf32, #tpu.memory_space<vmem_shared>>
        tpu.enqueue_indirect_dma source(%arg9 : memref<64x128xf32, #tpu.memory_space<vmem>>) target(%dma_start3A_390 : memref<10240x128xf32, #tpu.memory_space<vmem_shared>>) offsets(%dma_start3A_387 : memref<64xi32, #tpu.memory_space<vmem>>) semaphore(%run_scoped3A_384 : memref<!tpu.dma_semaphore, #tpu.memory_space<semaphore_mem>>) {add = true}
        %dma_wait3A_391 = arith.constant 0 : i32
        %dma_wait3A_392 = tpu.memref_slice %arg7[%select_n3A_194, %run_scoped3A_259, %dma_wait3A_391] : memref<2x8x64xi32, #tpu.memory_space<vmem>> -> memref<1x1x64xi32, #tpu.memory_space<vmem>>
        %dma_wait3A_393 = tpu.memref_squeeze %dma_wait3A_392 : memref<1x1x64xi32, #tpu.memory_space<vmem>> -> memref<64xi32, #tpu.memory_space<vmem>>
        %dma_wait3A_394 = arith.constant 0 : i32
        %dma_wait3A_395 = arith.constant 0 : i32
        %dma_wait3A_396 = tpu.memref_slice %arg10[%dma_wait3A_394, %dma_wait3A_395] : memref<10240x128xf32, #tpu.memory_space<vmem_shared>> -> memref<10240x128xf32, #tpu.memory_space<vmem_shared>>
        tpu.wait_indirect_dma semaphore(%run_scoped3A_384 : memref<!tpu.dma_semaphore, #tpu.memory_space<semaphore_mem>>) src(%arg9 : memref<64x128xf32, #tpu.memory_space<vmem>>) dst(%dma_wait3A_396 : memref<10240x128xf32, #tpu.memory_space<vmem_shared>>)
        tpu.yield
      }) : () -> ()
      %dma_wait3A_260 = arith.constant 2 : i32
      %dma_wait3A_261 = arith.constant 0 : i32
      %dma_wait3A_262 = tpu.memref_slice %arg6[%select_n3A_194, %dma_wait3A_260, %dma_wait3A_261] : memref<2x8x64xi32, #tpu.memory_space<vmem>> -> memref<1x1x64xi32, #tpu.memory_space<vmem>>
      %dma_wait3A_263 = tpu.memref_squeeze %dma_wait3A_262 : memref<1x1x64xi32, #tpu.memory_space<vmem>> -> memref<64xi32, #tpu.memory_space<vmem>>
      %dma_wait3A_264 = arith.constant 0 : i32
      %dma_wait3A_265 = arith.constant 0 : i32
      %dma_wait3A_266 = tpu.memref_slice %arg2[%dma_wait3A_264, %dma_wait3A_265] : memref<20480x128xf32, #tpu.memory_space<hbm>> -> memref<20480x128xf32, #tpu.memory_space<hbm>>
      tpu.wait_indirect_dma semaphore(%arg11 : memref<!tpu.dma_semaphore, #tpu.memory_space<semaphore_mem>>) src(%dma_wait3A_266 : memref<20480x128xf32, #tpu.memory_space<hbm>>) dst(%arg8 : memref<64x128xf32, #tpu.memory_space<vmem>>)
      %dma_start3A_267 = arith.constant 3 : i32
      %dma_start3A_268 = arith.constant 0 : i32
      %dma_start3A_269 = tpu.memref_slice %arg6[%select_n3A_194, %dma_start3A_267, %dma_start3A_268] : memref<2x8x64xi32, #tpu.memory_space<vmem>> -> memref<1x1x64xi32, #tpu.memory_space<vmem>>
      %dma_start3A_270 = tpu.memref_squeeze %dma_start3A_269 : memref<1x1x64xi32, #tpu.memory_space<vmem>> -> memref<64xi32, #tpu.memory_space<vmem>>
      %dma_start3A_271 = arith.constant 0 : i32
      %dma_start3A_272 = arith.constant 0 : i32
      %dma_start3A_273 = tpu.memref_slice %arg2[%dma_start3A_271, %dma_start3A_272] : memref<20480x128xf32, #tpu.memory_space<hbm>> -> memref<20480x128xf32, #tpu.memory_space<hbm>>
      tpu.enqueue_indirect_dma source(%dma_start3A_273 : memref<20480x128xf32, #tpu.memory_space<hbm>>) target(%arg9 : memref<64x128xf32, #tpu.memory_space<vmem>>) offsets(%dma_start3A_270 : memref<64xi32, #tpu.memory_space<vmem>>) semaphore(%arg12 : memref<!tpu.dma_semaphore, #tpu.memory_space<semaphore_mem>>)
      %run_scoped3A_274 = arith.constant 2 : i32
      "tpu.region"() ({
        %run_scoped3A_384 = tpu.sem_alloc : memref<!tpu.dma_semaphore, #tpu.memory_space<semaphore_mem>>
        %dma_start3A_385 = arith.constant 0 : i32
        %dma_start3A_386 = tpu.memref_slice %arg7[%select_n3A_194, %run_scoped3A_274, %dma_start3A_385] : memref<2x8x64xi32, #tpu.memory_space<vmem>> -> memref<1x1x64xi32, #tpu.memory_space<vmem>>
        %dma_start3A_387 = tpu.memref_squeeze %dma_start3A_386 : memref<1x1x64xi32, #tpu.memory_space<vmem>> -> memref<64xi32, #tpu.memory_space<vmem>>
        %dma_start3A_388 = arith.constant 0 : i32
        %dma_start3A_389 = arith.constant 0 : i32
        %dma_start3A_390 = tpu.memref_slice %arg10[%dma_start3A_388, %dma_start3A_389] : memref<10240x128xf32, #tpu.memory_space<vmem_shared>> -> memref<10240x128xf32, #tpu.memory_space<vmem_shared>>
        tpu.enqueue_indirect_dma source(%arg8 : memref<64x128xf32, #tpu.memory_space<vmem>>) target(%dma_start3A_390 : memref<10240x128xf32, #tpu.memory_space<vmem_shared>>) offsets(%dma_start3A_387 : memref<64xi32, #tpu.memory_space<vmem>>) semaphore(%run_scoped3A_384 : memref<!tpu.dma_semaphore, #tpu.memory_space<semaphore_mem>>) {add = true}
        %dma_wait3A_391 = arith.constant 0 : i32
        %dma_wait3A_392 = tpu.memref_slice %arg7[%select_n3A_194, %run_scoped3A_274, %dma_wait3A_391] : memref<2x8x64xi32, #tpu.memory_space<vmem>> -> memref<1x1x64xi32, #tpu.memory_space<vmem>>
        %dma_wait3A_393 = tpu.memref_squeeze %dma_wait3A_392 : memref<1x1x64xi32, #tpu.memory_space<vmem>> -> memref<64xi32, #tpu.memory_space<vmem>>
        %dma_wait3A_394 = arith.constant 0 : i32
        %dma_wait3A_395 = arith.constant 0 : i32
        %dma_wait3A_396 = tpu.memref_slice %arg10[%dma_wait3A_394, %dma_wait3A_395] : memref<10240x128xf32, #tpu.memory_space<vmem_shared>> -> memref<10240x128xf32, #tpu.memory_space<vmem_shared>>
        tpu.wait_indirect_dma semaphore(%run_scoped3A_384 : memref<!tpu.dma_semaphore, #tpu.memory_space<semaphore_mem>>) src(%arg8 : memref<64x128xf32, #tpu.memory_space<vmem>>) dst(%dma_wait3A_396 : memref<10240x128xf32, #tpu.memory_space<vmem_shared>>)
        tpu.yield
      }) : () -> ()
      %dma_wait3A_275 = arith.constant 3 : i32
      %dma_wait3A_276 = arith.constant 0 : i32
      %dma_wait3A_277 = tpu.memref_slice %arg6[%select_n3A_194, %dma_wait3A_275, %dma_wait3A_276] : memref<2x8x64xi32, #tpu.memory_space<vmem>> -> memref<1x1x64xi32, #tpu.memory_space<vmem>>
      %dma_wait3A_278 = tpu.memref_squeeze %dma_wait3A_277 : memref<1x1x64xi32, #tpu.memory_space<vmem>> -> memref<64xi32, #tpu.memory_space<vmem>>
      %dma_wait3A_279 = arith.constant 0 : i32
      %dma_wait3A_280 = arith.constant 0 : i32
      %dma_wait3A_281 = tpu.memref_slice %arg2[%dma_wait3A_279, %dma_wait3A_280] : memref<20480x128xf32, #tpu.memory_space<hbm>> -> memref<20480x128xf32, #tpu.memory_space<hbm>>
      tpu.wait_indirect_dma semaphore(%arg12 : memref<!tpu.dma_semaphore, #tpu.memory_space<semaphore_mem>>) src(%dma_wait3A_281 : memref<20480x128xf32, #tpu.memory_space<hbm>>) dst(%arg9 : memref<64x128xf32, #tpu.memory_space<vmem>>)
      %dma_start3A_282 = arith.constant 4 : i32
      %dma_start3A_283 = arith.constant 0 : i32
      %dma_start3A_284 = tpu.memref_slice %arg6[%select_n3A_194, %dma_start3A_282, %dma_start3A_283] : memref<2x8x64xi32, #tpu.memory_space<vmem>> -> memref<1x1x64xi32, #tpu.memory_space<vmem>>
      %dma_start3A_285 = tpu.memref_squeeze %dma_start3A_284 : memref<1x1x64xi32, #tpu.memory_space<vmem>> -> memref<64xi32, #tpu.memory_space<vmem>>
      %dma_start3A_286 = arith.constant 0 : i32
      %dma_start3A_287 = arith.constant 0 : i32
      %dma_start3A_288 = tpu.memref_slice %arg2[%dma_start3A_286, %dma_start3A_287] : memref<20480x128xf32, #tpu.memory_space<hbm>> -> memref<20480x128xf32, #tpu.memory_space<hbm>>
      tpu.enqueue_indirect_dma source(%dma_start3A_288 : memref<20480x128xf32, #tpu.memory_space<hbm>>) target(%arg8 : memref<64x128xf32, #tpu.memory_space<vmem>>) offsets(%dma_start3A_285 : memref<64xi32, #tpu.memory_space<vmem>>) semaphore(%arg11 : memref<!tpu.dma_semaphore, #tpu.memory_space<semaphore_mem>>)
      %run_scoped3A_289 = arith.constant 3 : i32
      "tpu.region"() ({
        %run_scoped3A_384 = tpu.sem_alloc : memref<!tpu.dma_semaphore, #tpu.memory_space<semaphore_mem>>
        %dma_start3A_385 = arith.constant 0 : i32
        %dma_start3A_386 = tpu.memref_slice %arg7[%select_n3A_194, %run_scoped3A_289, %dma_start3A_385] : memref<2x8x64xi32, #tpu.memory_space<vmem>> -> memref<1x1x64xi32, #tpu.memory_space<vmem>>
        %dma_start3A_387 = tpu.memref_squeeze %dma_start3A_386 : memref<1x1x64xi32, #tpu.memory_space<vmem>> -> memref<64xi32, #tpu.memory_space<vmem>>
        %dma_start3A_388 = arith.constant 0 : i32
        %dma_start3A_389 = arith.constant 0 : i32
        %dma_start3A_390 = tpu.memref_slice %arg10[%dma_start3A_388, %dma_start3A_389] : memref<10240x128xf32, #tpu.memory_space<vmem_shared>> -> memref<10240x128xf32, #tpu.memory_space<vmem_shared>>
        tpu.enqueue_indirect_dma source(%arg9 : memref<64x128xf32, #tpu.memory_space<vmem>>) target(%dma_start3A_390 : memref<10240x128xf32, #tpu.memory_space<vmem_shared>>) offsets(%dma_start3A_387 : memref<64xi32, #tpu.memory_space<vmem>>) semaphore(%run_scoped3A_384 : memref<!tpu.dma_semaphore, #tpu.memory_space<semaphore_mem>>) {add = true}
        %dma_wait3A_391 = arith.constant 0 : i32
        %dma_wait3A_392 = tpu.memref_slice %arg7[%select_n3A_194, %run_scoped3A_289, %dma_wait3A_391] : memref<2x8x64xi32, #tpu.memory_space<vmem>> -> memref<1x1x64xi32, #tpu.memory_space<vmem>>
        %dma_wait3A_393 = tpu.memref_squeeze %dma_wait3A_392 : memref<1x1x64xi32, #tpu.memory_space<vmem>> -> memref<64xi32, #tpu.memory_space<vmem>>
        %dma_wait3A_394 = arith.constant 0 : i32
        %dma_wait3A_395 = arith.constant 0 : i32
        %dma_wait3A_396 = tpu.memref_slice %arg10[%dma_wait3A_394, %dma_wait3A_395] : memref<10240x128xf32, #tpu.memory_space<vmem_shared>> -> memref<10240x128xf32, #tpu.memory_space<vmem_shared>>
        tpu.wait_indirect_dma semaphore(%run_scoped3A_384 : memref<!tpu.dma_semaphore, #tpu.memory_space<semaphore_mem>>) src(%arg9 : memref<64x128xf32, #tpu.memory_space<vmem>>) dst(%dma_wait3A_396 : memref<10240x128xf32, #tpu.memory_space<vmem_shared>>)
        tpu.yield
      }) : () -> ()
      %dma_wait3A_290 = arith.constant 4 : i32
      %dma_wait3A_291 = arith.constant 0 : i32
      %dma_wait3A_292 = tpu.memref_slice %arg6[%select_n3A_194, %dma_wait3A_290, %dma_wait3A_291] : memref<2x8x64xi32, #tpu.memory_space<vmem>> -> memref<1x1x64xi32, #tpu.memory_space<vmem>>
      %dma_wait3A_293 = tpu.memref_squeeze %dma_wait3A_292 : memref<1x1x64xi32, #tpu.memory_space<vmem>> -> memref<64xi32, #tpu.memory_space<vmem>>
      %dma_wait3A_294 = arith.constant 0 : i32
      %dma_wait3A_295 = arith.constant 0 : i32
      %dma_wait3A_296 = tpu.memref_slice %arg2[%dma_wait3A_294, %dma_wait3A_295] : memref<20480x128xf32, #tpu.memory_space<hbm>> -> memref<20480x128xf32, #tpu.memory_space<hbm>>
      tpu.wait_indirect_dma semaphore(%arg11 : memref<!tpu.dma_semaphore, #tpu.memory_space<semaphore_mem>>) src(%dma_wait3A_296 : memref<20480x128xf32, #tpu.memory_space<hbm>>) dst(%arg8 : memref<64x128xf32, #tpu.memory_space<vmem>>)
      %dma_start3A_297 = arith.constant 5 : i32
      %dma_start3A_298 = arith.constant 0 : i32
      %dma_start3A_299 = tpu.memref_slice %arg6[%select_n3A_194, %dma_start3A_297, %dma_start3A_298] : memref<2x8x64xi32, #tpu.memory_space<vmem>> -> memref<1x1x64xi32, #tpu.memory_space<vmem>>
      %dma_start3A_300 = tpu.memref_squeeze %dma_start3A_299 : memref<1x1x64xi32, #tpu.memory_space<vmem>> -> memref<64xi32, #tpu.memory_space<vmem>>
      %dma_start3A_301 = arith.constant 0 : i32
      %dma_start3A_302 = arith.constant 0 : i32
      %dma_start3A_303 = tpu.memref_slice %arg2[%dma_start3A_301, %dma_start3A_302] : memref<20480x128xf32, #tpu.memory_space<hbm>> -> memref<20480x128xf32, #tpu.memory_space<hbm>>
      tpu.enqueue_indirect_dma source(%dma_start3A_303 : memref<20480x128xf32, #tpu.memory_space<hbm>>) target(%arg9 : memref<64x128xf32, #tpu.memory_space<vmem>>) offsets(%dma_start3A_300 : memref<64xi32, #tpu.memory_space<vmem>>) semaphore(%arg12 : memref<!tpu.dma_semaphore, #tpu.memory_space<semaphore_mem>>)
      %run_scoped3A_304 = arith.constant 4 : i32
      "tpu.region"() ({
        %run_scoped3A_384 = tpu.sem_alloc : memref<!tpu.dma_semaphore, #tpu.memory_space<semaphore_mem>>
        %dma_start3A_385 = arith.constant 0 : i32
        %dma_start3A_386 = tpu.memref_slice %arg7[%select_n3A_194, %run_scoped3A_304, %dma_start3A_385] : memref<2x8x64xi32, #tpu.memory_space<vmem>> -> memref<1x1x64xi32, #tpu.memory_space<vmem>>
        %dma_start3A_387 = tpu.memref_squeeze %dma_start3A_386 : memref<1x1x64xi32, #tpu.memory_space<vmem>> -> memref<64xi32, #tpu.memory_space<vmem>>
        %dma_start3A_388 = arith.constant 0 : i32
        %dma_start3A_389 = arith.constant 0 : i32
        %dma_start3A_390 = tpu.memref_slice %arg10[%dma_start3A_388, %dma_start3A_389] : memref<10240x128xf32, #tpu.memory_space<vmem_shared>> -> memref<10240x128xf32, #tpu.memory_space<vmem_shared>>
        tpu.enqueue_indirect_dma source(%arg8 : memref<64x128xf32, #tpu.memory_space<vmem>>) target(%dma_start3A_390 : memref<10240x128xf32, #tpu.memory_space<vmem_shared>>) offsets(%dma_start3A_387 : memref<64xi32, #tpu.memory_space<vmem>>) semaphore(%run_scoped3A_384 : memref<!tpu.dma_semaphore, #tpu.memory_space<semaphore_mem>>) {add = true}
        %dma_wait3A_391 = arith.constant 0 : i32
        %dma_wait3A_392 = tpu.memref_slice %arg7[%select_n3A_194, %run_scoped3A_304, %dma_wait3A_391] : memref<2x8x64xi32, #tpu.memory_space<vmem>> -> memref<1x1x64xi32, #tpu.memory_space<vmem>>
        %dma_wait3A_393 = tpu.memref_squeeze %dma_wait3A_392 : memref<1x1x64xi32, #tpu.memory_space<vmem>> -> memref<64xi32, #tpu.memory_space<vmem>>
        %dma_wait3A_394 = arith.constant 0 : i32
        %dma_wait3A_395 = arith.constant 0 : i32
        %dma_wait3A_396 = tpu.memref_slice %arg10[%dma_wait3A_394, %dma_wait3A_395] : memref<10240x128xf32, #tpu.memory_space<vmem_shared>> -> memref<10240x128xf32, #tpu.memory_space<vmem_shared>>
        tpu.wait_indirect_dma semaphore(%run_scoped3A_384 : memref<!tpu.dma_semaphore, #tpu.memory_space<semaphore_mem>>) src(%arg8 : memref<64x128xf32, #tpu.memory_space<vmem>>) dst(%dma_wait3A_396 : memref<10240x128xf32, #tpu.memory_space<vmem_shared>>)
        tpu.yield
      }) : () -> ()
      %dma_wait3A_305 = arith.constant 5 : i32
      %dma_wait3A_306 = arith.constant 0 : i32
      %dma_wait3A_307 = tpu.memref_slice %arg6[%select_n3A_194, %dma_wait3A_305, %dma_wait3A_306] : memref<2x8x64xi32, #tpu.memory_space<vmem>> -> memref<1x1x64xi32, #tpu.memory_space<vmem>>
      %dma_wait3A_308 = tpu.memref_squeeze %dma_wait3A_307 : memref<1x1x64xi32, #tpu.memory_space<vmem>> -> memref<64xi32, #tpu.memory_space<vmem>>
      %dma_wait3A_309 = arith.constant 0 : i32
      %dma_wait3A_310 = arith.constant 0 : i32
      %dma_wait3A_311 = tpu.memref_slice %arg2[%dma_wait3A_309, %dma_wait3A_310] : memref<20480x128xf32, #tpu.memory_space<hbm>> -> memref<20480x128xf32, #tpu.memory_space<hbm>>
      tpu.wait_indirect_dma semaphore(%arg12 : memref<!tpu.dma_semaphore, #tpu.memory_space<semaphore_mem>>) src(%dma_wait3A_311 : memref<20480x128xf32, #tpu.memory_space<hbm>>) dst(%arg9 : memref<64x128xf32, #tpu.memory_space<vmem>>)
      %dma_start3A_312 = arith.constant 6 : i32
      %dma_start3A_313 = arith.constant 0 : i32
      %dma_start3A_314 = tpu.memref_slice %arg6[%select_n3A_194, %dma_start3A_312, %dma_start3A_313] : memref<2x8x64xi32, #tpu.memory_space<vmem>> -> memref<1x1x64xi32, #tpu.memory_space<vmem>>
      %dma_start3A_315 = tpu.memref_squeeze %dma_start3A_314 : memref<1x1x64xi32, #tpu.memory_space<vmem>> -> memref<64xi32, #tpu.memory_space<vmem>>
      %dma_start3A_316 = arith.constant 0 : i32
      %dma_start3A_317 = arith.constant 0 : i32
      %dma_start3A_318 = tpu.memref_slice %arg2[%dma_start3A_316, %dma_start3A_317] : memref<20480x128xf32, #tpu.memory_space<hbm>> -> memref<20480x128xf32, #tpu.memory_space<hbm>>
      tpu.enqueue_indirect_dma source(%dma_start3A_318 : memref<20480x128xf32, #tpu.memory_space<hbm>>) target(%arg8 : memref<64x128xf32, #tpu.memory_space<vmem>>) offsets(%dma_start3A_315 : memref<64xi32, #tpu.memory_space<vmem>>) semaphore(%arg11 : memref<!tpu.dma_semaphore, #tpu.memory_space<semaphore_mem>>)
      %run_scoped3A_319 = arith.constant 5 : i32
      "tpu.region"() ({
        %run_scoped3A_384 = tpu.sem_alloc : memref<!tpu.dma_semaphore, #tpu.memory_space<semaphore_mem>>
        %dma_start3A_385 = arith.constant 0 : i32
        %dma_start3A_386 = tpu.memref_slice %arg7[%select_n3A_194, %run_scoped3A_319, %dma_start3A_385] : memref<2x8x64xi32, #tpu.memory_space<vmem>> -> memref<1x1x64xi32, #tpu.memory_space<vmem>>
        %dma_start3A_387 = tpu.memref_squeeze %dma_start3A_386 : memref<1x1x64xi32, #tpu.memory_space<vmem>> -> memref<64xi32, #tpu.memory_space<vmem>>
        %dma_start3A_388 = arith.constant 0 : i32
        %dma_start3A_389 = arith.constant 0 : i32
        %dma_start3A_390 = tpu.memref_slice %arg10[%dma_start3A_388, %dma_start3A_389] : memref<10240x128xf32, #tpu.memory_space<vmem_shared>> -> memref<10240x128xf32, #tpu.memory_space<vmem_shared>>
        tpu.enqueue_indirect_dma source(%arg9 : memref<64x128xf32, #tpu.memory_space<vmem>>) target(%dma_start3A_390 : memref<10240x128xf32, #tpu.memory_space<vmem_shared>>) offsets(%dma_start3A_387 : memref<64xi32, #tpu.memory_space<vmem>>) semaphore(%run_scoped3A_384 : memref<!tpu.dma_semaphore, #tpu.memory_space<semaphore_mem>>) {add = true}
        %dma_wait3A_391 = arith.constant 0 : i32
        %dma_wait3A_392 = tpu.memref_slice %arg7[%select_n3A_194, %run_scoped3A_319, %dma_wait3A_391] : memref<2x8x64xi32, #tpu.memory_space<vmem>> -> memref<1x1x64xi32, #tpu.memory_space<vmem>>
        %dma_wait3A_393 = tpu.memref_squeeze %dma_wait3A_392 : memref<1x1x64xi32, #tpu.memory_space<vmem>> -> memref<64xi32, #tpu.memory_space<vmem>>
        %dma_wait3A_394 = arith.constant 0 : i32
        %dma_wait3A_395 = arith.constant 0 : i32
        %dma_wait3A_396 = tpu.memref_slice %arg10[%dma_wait3A_394, %dma_wait3A_395] : memref<10240x128xf32, #tpu.memory_space<vmem_shared>> -> memref<10240x128xf32, #tpu.memory_space<vmem_shared>>
        tpu.wait_indirect_dma semaphore(%run_scoped3A_384 : memref<!tpu.dma_semaphore, #tpu.memory_space<semaphore_mem>>) src(%arg9 : memref<64x128xf32, #tpu.memory_space<vmem>>) dst(%dma_wait3A_396 : memref<10240x128xf32, #tpu.memory_space<vmem_shared>>)
        tpu.yield
      }) : () -> ()
      %dma_wait3A_320 = arith.constant 6 : i32
      %dma_wait3A_321 = arith.constant 0 : i32
      %dma_wait3A_322 = tpu.memref_slice %arg6[%select_n3A_194, %dma_wait3A_320, %dma_wait3A_321] : memref<2x8x64xi32, #tpu.memory_space<vmem>> -> memref<1x1x64xi32, #tpu.memory_space<vmem>>
      %dma_wait3A_323 = tpu.memref_squeeze %dma_wait3A_322 : memref<1x1x64xi32, #tpu.memory_space<vmem>> -> memref<64xi32, #tpu.memory_space<vmem>>
      %dma_wait3A_324 = arith.constant 0 : i32
      %dma_wait3A_325 = arith.constant 0 : i32
      %dma_wait3A_326 = tpu.memref_slice %arg2[%dma_wait3A_324, %dma_wait3A_325] : memref<20480x128xf32, #tpu.memory_space<hbm>> -> memref<20480x128xf32, #tpu.memory_space<hbm>>
      tpu.wait_indirect_dma semaphore(%arg11 : memref<!tpu.dma_semaphore, #tpu.memory_space<semaphore_mem>>) src(%dma_wait3A_326 : memref<20480x128xf32, #tpu.memory_space<hbm>>) dst(%arg8 : memref<64x128xf32, #tpu.memory_space<vmem>>)
      %mul3A_327 = arith.constant 8 : i32
      %mul3A_328 = arith.muli %mul3A_327, %scan3A_185 : i32
      %add3A_329 = arith.addi %mul3A_2, %mul3A_328 : i32
      %add3A_330 = arith.constant 8 : i32
      %add3A_331 = arith.addi %add3A_329, %add3A_330 : i32
      %dma_wait3A_332 = arith.constant 0 : i32
      %dma_wait3A_333 = arith.constant 0 : i32
      %dma_wait3A_334 = tpu.memref_slice %arg6[%sub3A_195, %dma_wait3A_332, %dma_wait3A_333] : memref<2x8x64xi32, #tpu.memory_space<vmem>> -> memref<1x8x64xi32, #tpu.memory_space<vmem>>
      %dma_wait3A_335 = tpu.memref_squeeze %dma_wait3A_334 : memref<1x8x64xi32, #tpu.memory_space<vmem>> -> memref<8x64xi32, #tpu.memory_space<vmem>>
      %dma_wait3A_336 = arith.constant 0 : i32
      %dma_wait3A_337 = tpu.memref_slice %arg3[%add3A_331, %dma_wait3A_336] : memref<10240x64xi32, #tpu.memory_space<hbm>> -> memref<8x64xi32, #tpu.memory_space<hbm>>
      %dma_wait3A_338 = arith.constant 0 : i32
      %dma_wait3A_339 = arith.constant 0 : i32
      %dma_wait3A_340 = tpu.memref_slice %arg6[%sub3A_195, %dma_wait3A_338, %dma_wait3A_339] : memref<2x8x64xi32, #tpu.memory_space<vmem>> -> memref<1x8x64xi32, #tpu.memory_space<vmem>>
      %dma_wait3A_341 = tpu.memref_squeeze %dma_wait3A_340 : memref<1x8x64xi32, #tpu.memory_space<vmem>> -> memref<8x64xi32, #tpu.memory_space<vmem>>
      %dma_wait3A_342 = arith.constant 0 : i32
      %dma_wait3A_343 = tpu.memref_slice %arg3[%add3A_331, %dma_wait3A_342] : memref<10240x64xi32, #tpu.memory_space<hbm>> -> memref<8x64xi32, #tpu.memory_space<hbm>>
      tpu.wait_dma2 semaphore(%arg13 : memref<!tpu.dma_semaphore, #tpu.memory_space<semaphore_mem>>) src(%dma_wait3A_343 : memref<8x64xi32, #tpu.memory_space<hbm>>) dst(%dma_wait3A_341 : memref<8x64xi32, #tpu.memory_space<vmem>>)
      %mul3A_344 = arith.constant 8 : i32
      %mul3A_345 = arith.muli %mul3A_344, %scan3A_185 : i32
      %add3A_346 = arith.addi %mul3A_4, %mul3A_345 : i32
      %add3A_347 = arith.constant 8 : i32
      %add3A_348 = arith.addi %add3A_346, %add3A_347 : i32
      %dma_wait3A_349 = arith.constant 0 : i32
      %dma_wait3A_350 = arith.constant 0 : i32
      %dma_wait3A_351 = tpu.memref_slice %arg7[%sub3A_195, %dma_wait3A_349, %dma_wait3A_350] : memref<2x8x64xi32, #tpu.memory_space<vmem>> -> memref<1x8x64xi32, #tpu.memory_space<vmem>>
      %dma_wait3A_352 = tpu.memref_squeeze %dma_wait3A_351 : memref<1x8x64xi32, #tpu.memory_space<vmem>> -> memref<8x64xi32, #tpu.memory_space<vmem>>
      %dma_wait3A_353 = arith.constant 0 : i32
      %dma_wait3A_354 = tpu.memref_slice %arg4[%add3A_348, %dma_wait3A_353] : memref<5120x64xi32, #tpu.memory_space<hbm>> -> memref<8x64xi32, #tpu.memory_space<hbm>>
      %dma_wait3A_355 = arith.constant 0 : i32
      %dma_wait3A_356 = arith.constant 0 : i32
      %dma_wait3A_357 = tpu.memref_slice %arg7[%sub3A_195, %dma_wait3A_355, %dma_wait3A_356] : memref<2x8x64xi32, #tpu.memory_space<vmem>> -> memref<1x8x64xi32, #tpu.memory_space<vmem>>
      %dma_wait3A_358 = tpu.memref_squeeze %dma_wait3A_357 : memref<1x8x64xi32, #tpu.memory_space<vmem>> -> memref<8x64xi32, #tpu.memory_space<vmem>>
      %dma_wait3A_359 = arith.constant 0 : i32
      %dma_wait3A_360 = tpu.memref_slice %arg4[%add3A_348, %dma_wait3A_359] : memref<5120x64xi32, #tpu.memory_space<hbm>> -> memref<8x64xi32, #tpu.memory_space<hbm>>
      tpu.wait_dma2 semaphore(%arg14 : memref<!tpu.dma_semaphore, #tpu.memory_space<semaphore_mem>>) src(%dma_wait3A_360 : memref<8x64xi32, #tpu.memory_space<hbm>>) dst(%dma_wait3A_358 : memref<8x64xi32, #tpu.memory_space<vmem>>)
      %dma_start3A_361 = arith.constant 7 : i32
      %dma_start3A_362 = arith.constant 0 : i32
      %dma_start3A_363 = tpu.memref_slice %arg6[%select_n3A_194, %dma_start3A_361, %dma_start3A_362] : memref<2x8x64xi32, #tpu.memory_space<vmem>> -> memref<1x1x64xi32, #tpu.memory_space<vmem>>
      %dma_start3A_364 = tpu.memref_squeeze %dma_start3A_363 : memref<1x1x64xi32, #tpu.memory_space<vmem>> -> memref<64xi32, #tpu.memory_space<vmem>>
      %dma_start3A_365 = arith.constant 0 : i32
      %dma_start3A_366 = arith.constant 0 : i32
      %dma_start3A_367 = tpu.memref_slice %arg2[%dma_start3A_365, %dma_start3A_366] : memref<20480x128xf32, #tpu.memory_space<hbm>> -> memref<20480x128xf32, #tpu.memory_space<hbm>>
      tpu.enqueue_indirect_dma source(%dma_start3A_367 : memref<20480x128xf32, #tpu.memory_space<hbm>>) target(%arg9 : memref<64x128xf32, #tpu.memory_space<vmem>>) offsets(%dma_start3A_364 : memref<64xi32, #tpu.memory_space<vmem>>) semaphore(%arg12 : memref<!tpu.dma_semaphore, #tpu.memory_space<semaphore_mem>>)
      %run_scoped3A_368 = arith.constant 6 : i32
      "tpu.region"() ({
        %run_scoped3A_384 = tpu.sem_alloc : memref<!tpu.dma_semaphore, #tpu.memory_space<semaphore_mem>>
        %dma_start3A_385 = arith.constant 0 : i32
        %dma_start3A_386 = tpu.memref_slice %arg7[%select_n3A_194, %run_scoped3A_368, %dma_start3A_385] : memref<2x8x64xi32, #tpu.memory_space<vmem>> -> memref<1x1x64xi32, #tpu.memory_space<vmem>>
        %dma_start3A_387 = tpu.memref_squeeze %dma_start3A_386 : memref<1x1x64xi32, #tpu.memory_space<vmem>> -> memref<64xi32, #tpu.memory_space<vmem>>
        %dma_start3A_388 = arith.constant 0 : i32
        %dma_start3A_389 = arith.constant 0 : i32
        %dma_start3A_390 = tpu.memref_slice %arg10[%dma_start3A_388, %dma_start3A_389] : memref<10240x128xf32, #tpu.memory_space<vmem_shared>> -> memref<10240x128xf32, #tpu.memory_space<vmem_shared>>
        tpu.enqueue_indirect_dma source(%arg8 : memref<64x128xf32, #tpu.memory_space<vmem>>) target(%dma_start3A_390 : memref<10240x128xf32, #tpu.memory_space<vmem_shared>>) offsets(%dma_start3A_387 : memref<64xi32, #tpu.memory_space<vmem>>) semaphore(%run_scoped3A_384 : memref<!tpu.dma_semaphore, #tpu.memory_space<semaphore_mem>>) {add = true}
        %dma_wait3A_391 = arith.constant 0 : i32
        %dma_wait3A_392 = tpu.memref_slice %arg7[%select_n3A_194, %run_scoped3A_368, %dma_wait3A_391] : memref<2x8x64xi32, #tpu.memory_space<vmem>> -> memref<1x1x64xi32, #tpu.memory_space<vmem>>
        %dma_wait3A_393 = tpu.memref_squeeze %dma_wait3A_392 : memref<1x1x64xi32, #tpu.memory_space<vmem>> -> memref<64xi32, #tpu.memory_space<vmem>>
        %dma_wait3A_394 = arith.constant 0 : i32
        %dma_wait3A_395 = arith.constant 0 : i32
        %dma_wait3A_396 = tpu.memref_slice %arg10[%dma_wait3A_394, %dma_wait3A_395] : memref<10240x128xf32, #tpu.memory_space<vmem_shared>> -> memref<10240x128xf32, #tpu.memory_space<vmem_shared>>
        tpu.wait_indirect_dma semaphore(%run_scoped3A_384 : memref<!tpu.dma_semaphore, #tpu.memory_space<semaphore_mem>>) src(%arg8 : memref<64x128xf32, #tpu.memory_space<vmem>>) dst(%dma_wait3A_396 : memref<10240x128xf32, #tpu.memory_space<vmem_shared>>)
        tpu.yield
      }) : () -> ()
      %dma_wait3A_369 = arith.constant 7 : i32
      %dma_wait3A_370 = arith.constant 0 : i32
      %dma_wait3A_371 = tpu.memref_slice %arg6[%select_n3A_194, %dma_wait3A_369, %dma_wait3A_370] : memref<2x8x64xi32, #tpu.memory_space<vmem>> -> memref<1x1x64xi32, #tpu.memory_space<vmem>>
      %dma_wait3A_372 = tpu.memref_squeeze %dma_wait3A_371 : memref<1x1x64xi32, #tpu.memory_space<vmem>> -> memref<64xi32, #tpu.memory_space<vmem>>
      %dma_wait3A_373 = arith.constant 0 : i32
      %dma_wait3A_374 = arith.constant 0 : i32
      %dma_wait3A_375 = tpu.memref_slice %arg2[%dma_wait3A_373, %dma_wait3A_374] : memref<20480x128xf32, #tpu.memory_space<hbm>> -> memref<20480x128xf32, #tpu.memory_space<hbm>>
      tpu.wait_indirect_dma semaphore(%arg12 : memref<!tpu.dma_semaphore, #tpu.memory_space<semaphore_mem>>) src(%dma_wait3A_375 : memref<20480x128xf32, #tpu.memory_space<hbm>>) dst(%arg9 : memref<64x128xf32, #tpu.memory_space<vmem>>)
      %dma_start3A_376 = arith.constant 0 : i32
      %dma_start3A_377 = arith.constant 0 : i32
      %dma_start3A_378 = tpu.memref_slice %arg6[%sub3A_195, %dma_start3A_376, %dma_start3A_377] : memref<2x8x64xi32, #tpu.memory_space<vmem>> -> memref<1x1x64xi32, #tpu.memory_space<vmem>>
      %dma_start3A_379 = tpu.memref_squeeze %dma_start3A_378 : memref<1x1x64xi32, #tpu.memory_space<vmem>> -> memref<64xi32, #tpu.memory_space<vmem>>
      %dma_start3A_380 = arith.constant 0 : i32
      %dma_start3A_381 = arith.constant 0 : i32
      %dma_start3A_382 = tpu.memref_slice %arg2[%dma_start3A_380, %dma_start3A_381] : memref<20480x128xf32, #tpu.memory_space<hbm>> -> memref<20480x128xf32, #tpu.memory_space<hbm>>
      tpu.enqueue_indirect_dma source(%dma_start3A_382 : memref<20480x128xf32, #tpu.memory_space<hbm>>) target(%arg8 : memref<64x128xf32, #tpu.memory_space<vmem>>) offsets(%dma_start3A_379 : memref<64xi32, #tpu.memory_space<vmem>>) semaphore(%arg11 : memref<!tpu.dma_semaphore, #tpu.memory_space<semaphore_mem>>)
      %run_scoped3A_383 = arith.constant 7 : i32
      "tpu.region"() ({
        %run_scoped3A_384 = tpu.sem_alloc : memref<!tpu.dma_semaphore, #tpu.memory_space<semaphore_mem>>
        %dma_start3A_385 = arith.constant 0 : i32
        %dma_start3A_386 = tpu.memref_slice %arg7[%select_n3A_194, %run_scoped3A_383, %dma_start3A_385] : memref<2x8x64xi32, #tpu.memory_space<vmem>> -> memref<1x1x64xi32, #tpu.memory_space<vmem>>
        %dma_start3A_387 = tpu.memref_squeeze %dma_start3A_386 : memref<1x1x64xi32, #tpu.memory_space<vmem>> -> memref<64xi32, #tpu.memory_space<vmem>>
        %dma_start3A_388 = arith.constant 0 : i32
        %dma_start3A_389 = arith.constant 0 : i32
        %dma_start3A_390 = tpu.memref_slice %arg10[%dma_start3A_388, %dma_start3A_389] : memref<10240x128xf32, #tpu.memory_space<vmem_shared>> -> memref<10240x128xf32, #tpu.memory_space<vmem_shared>>
        tpu.enqueue_indirect_dma source(%arg9 : memref<64x128xf32, #tpu.memory_space<vmem>>) target(%dma_start3A_390 : memref<10240x128xf32, #tpu.memory_space<vmem_shared>>) offsets(%dma_start3A_387 : memref<64xi32, #tpu.memory_space<vmem>>) semaphore(%run_scoped3A_384 : memref<!tpu.dma_semaphore, #tpu.memory_space<semaphore_mem>>) {add = true}
        %dma_wait3A_391 = arith.constant 0 : i32
        %dma_wait3A_392 = tpu.memref_slice %arg7[%select_n3A_194, %run_scoped3A_383, %dma_wait3A_391] : memref<2x8x64xi32, #tpu.memory_space<vmem>> -> memref<1x1x64xi32, #tpu.memory_space<vmem>>
        %dma_wait3A_393 = tpu.memref_squeeze %dma_wait3A_392 : memref<1x1x64xi32, #tpu.memory_space<vmem>> -> memref<64xi32, #tpu.memory_space<vmem>>
        %dma_wait3A_394 = arith.constant 0 : i32
        %dma_wait3A_395 = arith.constant 0 : i32
        %dma_wait3A_396 = tpu.memref_slice %arg10[%dma_wait3A_394, %dma_wait3A_395] : memref<10240x128xf32, #tpu.memory_space<vmem_shared>> -> memref<10240x128xf32, #tpu.memory_space<vmem_shared>>
        tpu.wait_indirect_dma semaphore(%run_scoped3A_384 : memref<!tpu.dma_semaphore, #tpu.memory_space<semaphore_mem>>) src(%arg9 : memref<64x128xf32, #tpu.memory_space<vmem>>) dst(%dma_wait3A_396 : memref<10240x128xf32, #tpu.memory_space<vmem_shared>>)
        tpu.yield
      }) : () -> ()
    }
    %scan3A_45 = arith.constant 39 : i32
    %dma_wait3A = arith.constant 1 : i32
    %dma_wait3A_46 = arith.constant 0 : i32
    %dma_wait3A_47 = arith.constant 0 : i32
    %dma_wait3A_48 = tpu.memref_slice %arg6[%dma_wait3A, %dma_wait3A_46, %dma_wait3A_47] : memref<2x8x64xi32, #tpu.memory_space<vmem>> -> memref<1x1x64xi32, #tpu.memory_space<vmem>>
    %dma_wait3A_49 = tpu.memref_squeeze %dma_wait3A_48 : memref<1x1x64xi32, #tpu.memory_space<vmem>> -> memref<64xi32, #tpu.memory_space<vmem>>
    %dma_wait3A_50 = arith.constant 0 : i32
    %dma_wait3A_51 = arith.constant 0 : i32
    %dma_wait3A_52 = tpu.memref_slice %arg2[%dma_wait3A_50, %dma_wait3A_51] : memref<20480x128xf32, #tpu.memory_space<hbm>> -> memref<20480x128xf32, #tpu.memory_space<hbm>>
    tpu.wait_indirect_dma semaphore(%arg11 : memref<!tpu.dma_semaphore, #tpu.memory_space<semaphore_mem>>) src(%dma_wait3A_52 : memref<20480x128xf32, #tpu.memory_space<hbm>>) dst(%arg8 : memref<64x128xf32, #tpu.memory_space<vmem>>)
    %dma_start3A_53 = arith.constant 1 : i32
    %dma_start3A_54 = arith.constant 1 : i32
    %dma_start3A_55 = arith.constant 0 : i32
    %dma_start3A_56 = tpu.memref_slice %arg6[%dma_start3A_53, %dma_start3A_54, %dma_start3A_55] : memref<2x8x64xi32, #tpu.memory_space<vmem>> -> memref<1x1x64xi32, #tpu.memory_space<vmem>>
    %dma_start3A_57 = tpu.memref_squeeze %dma_start3A_56 : memref<1x1x64xi32, #tpu.memory_space<vmem>> -> memref<64xi32, #tpu.memory_space<vmem>>
    %dma_start3A_58 = arith.constant 0 : i32
    %dma_start3A_59 = arith.constant 0 : i32
    %dma_start3A_60 = tpu.memref_slice %arg2[%dma_start3A_58, %dma_start3A_59] : memref<20480x128xf32, #tpu.memory_space<hbm>> -> memref<20480x128xf32, #tpu.memory_space<hbm>>
    tpu.enqueue_indirect_dma source(%dma_start3A_60 : memref<20480x128xf32, #tpu.memory_space<hbm>>) target(%arg9 : memref<64x128xf32, #tpu.memory_space<vmem>>) offsets(%dma_start3A_57 : memref<64xi32, #tpu.memory_space<vmem>>) semaphore(%arg12 : memref<!tpu.dma_semaphore, #tpu.memory_space<semaphore_mem>>)
    %run_scoped3A_61 = arith.constant 1 : i32
    %run_scoped3A_62 = arith.constant 0 : i32
    "tpu.region"() ({
      %run_scoped3A_185 = tpu.sem_alloc : memref<!tpu.dma_semaphore, #tpu.memory_space<semaphore_mem>>
      %dma_start3A_186 = arith.constant 0 : i32
      %dma_start3A_187 = tpu.memref_slice %arg7[%run_scoped3A_61, %run_scoped3A_62, %dma_start3A_186] : memref<2x8x64xi32, #tpu.memory_space<vmem>> -> memref<1x1x64xi32, #tpu.memory_space<vmem>>
      %dma_start3A_188 = tpu.memref_squeeze %dma_start3A_187 : memref<1x1x64xi32, #tpu.memory_space<vmem>> -> memref<64xi32, #tpu.memory_space<vmem>>
      %dma_start3A_189 = arith.constant 0 : i32
      %dma_start3A_190 = arith.constant 0 : i32
      %dma_start3A_191 = tpu.memref_slice %arg10[%dma_start3A_189, %dma_start3A_190] : memref<10240x128xf32, #tpu.memory_space<vmem_shared>> -> memref<10240x128xf32, #tpu.memory_space<vmem_shared>>
      tpu.enqueue_indirect_dma source(%arg8 : memref<64x128xf32, #tpu.memory_space<vmem>>) target(%dma_start3A_191 : memref<10240x128xf32, #tpu.memory_space<vmem_shared>>) offsets(%dma_start3A_188 : memref<64xi32, #tpu.memory_space<vmem>>) semaphore(%run_scoped3A_185 : memref<!tpu.dma_semaphore, #tpu.memory_space<semaphore_mem>>) {add = true}
      %dma_wait3A_192 = arith.constant 0 : i32
      %dma_wait3A_193 = tpu.memref_slice %arg7[%run_scoped3A_61, %run_scoped3A_62, %dma_wait3A_192] : memref<2x8x64xi32, #tpu.memory_space<vmem>> -> memref<1x1x64xi32, #tpu.memory_space<vmem>>
      %dma_wait3A_194 = tpu.memref_squeeze %dma_wait3A_193 : memref<1x1x64xi32, #tpu.memory_space<vmem>> -> memref<64xi32, #tpu.memory_space<vmem>>
      %dma_wait3A_195 = arith.constant 0 : i32
      %dma_wait3A_196 = arith.constant 0 : i32
      %dma_wait3A_197 = tpu.memref_slice %arg10[%dma_wait3A_195, %dma_wait3A_196] : memref<10240x128xf32, #tpu.memory_space<vmem_shared>> -> memref<10240x128xf32, #tpu.memory_space<vmem_shared>>
      tpu.wait_indirect_dma semaphore(%run_scoped3A_185 : memref<!tpu.dma_semaphore, #tpu.memory_space<semaphore_mem>>) src(%arg8 : memref<64x128xf32, #tpu.memory_space<vmem>>) dst(%dma_wait3A_197 : memref<10240x128xf32, #tpu.memory_space<vmem_shared>>)
      tpu.yield
    }) : () -> ()
    %dma_wait3A_63 = arith.constant 1 : i32
    %dma_wait3A_64 = arith.constant 1 : i32
    %dma_wait3A_65 = arith.constant 0 : i32
    %dma_wait3A_66 = tpu.memref_slice %arg6[%dma_wait3A_63, %dma_wait3A_64, %dma_wait3A_65] : memref<2x8x64xi32, #tpu.memory_space<vmem>> -> memref<1x1x64xi32, #tpu.memory_space<vmem>>
    %dma_wait3A_67 = tpu.memref_squeeze %dma_wait3A_66 : memref<1x1x64xi32, #tpu.memory_space<vmem>> -> memref<64xi32, #tpu.memory_space<vmem>>
    %dma_wait3A_68 = arith.constant 0 : i32
    %dma_wait3A_69 = arith.constant 0 : i32
    %dma_wait3A_70 = tpu.memref_slice %arg2[%dma_wait3A_68, %dma_wait3A_69] : memref<20480x128xf32, #tpu.memory_space<hbm>> -> memref<20480x128xf32, #tpu.memory_space<hbm>>
    tpu.wait_indirect_dma semaphore(%arg12 : memref<!tpu.dma_semaphore, #tpu.memory_space<semaphore_mem>>) src(%dma_wait3A_70 : memref<20480x128xf32, #tpu.memory_space<hbm>>) dst(%arg9 : memref<64x128xf32, #tpu.memory_space<vmem>>)
    %dma_start3A_71 = arith.constant 1 : i32
    %dma_start3A_72 = arith.constant 2 : i32
    %dma_start3A_73 = arith.constant 0 : i32
    %dma_start3A_74 = tpu.memref_slice %arg6[%dma_start3A_71, %dma_start3A_72, %dma_start3A_73] : memref<2x8x64xi32, #tpu.memory_space<vmem>> -> memref<1x1x64xi32, #tpu.memory_space<vmem>>
    %dma_start3A_75 = tpu.memref_squeeze %dma_start3A_74 : memref<1x1x64xi32, #tpu.memory_space<vmem>> -> memref<64xi32, #tpu.memory_space<vmem>>
    %dma_start3A_76 = arith.constant 0 : i32
    %dma_start3A_77 = arith.constant 0 : i32
    %dma_start3A_78 = tpu.memref_slice %arg2[%dma_start3A_76, %dma_start3A_77] : memref<20480x128xf32, #tpu.memory_space<hbm>> -> memref<20480x128xf32, #tpu.memory_space<hbm>>
    tpu.enqueue_indirect_dma source(%dma_start3A_78 : memref<20480x128xf32, #tpu.memory_space<hbm>>) target(%arg8 : memref<64x128xf32, #tpu.memory_space<vmem>>) offsets(%dma_start3A_75 : memref<64xi32, #tpu.memory_space<vmem>>) semaphore(%arg11 : memref<!tpu.dma_semaphore, #tpu.memory_space<semaphore_mem>>)
    %run_scoped3A_79 = arith.constant 1 : i32
    %run_scoped3A_80 = arith.constant 1 : i32
    "tpu.region"() ({
      %run_scoped3A_185 = tpu.sem_alloc : memref<!tpu.dma_semaphore, #tpu.memory_space<semaphore_mem>>
      %dma_start3A_186 = arith.constant 0 : i32
      %dma_start3A_187 = tpu.memref_slice %arg7[%run_scoped3A_79, %run_scoped3A_80, %dma_start3A_186] : memref<2x8x64xi32, #tpu.memory_space<vmem>> -> memref<1x1x64xi32, #tpu.memory_space<vmem>>
      %dma_start3A_188 = tpu.memref_squeeze %dma_start3A_187 : memref<1x1x64xi32, #tpu.memory_space<vmem>> -> memref<64xi32, #tpu.memory_space<vmem>>
      %dma_start3A_189 = arith.constant 0 : i32
      %dma_start3A_190 = arith.constant 0 : i32
      %dma_start3A_191 = tpu.memref_slice %arg10[%dma_start3A_189, %dma_start3A_190] : memref<10240x128xf32, #tpu.memory_space<vmem_shared>> -> memref<10240x128xf32, #tpu.memory_space<vmem_shared>>
      tpu.enqueue_indirect_dma source(%arg9 : memref<64x128xf32, #tpu.memory_space<vmem>>) target(%dma_start3A_191 : memref<10240x128xf32, #tpu.memory_space<vmem_shared>>) offsets(%dma_start3A_188 : memref<64xi32, #tpu.memory_space<vmem>>) semaphore(%run_scoped3A_185 : memref<!tpu.dma_semaphore, #tpu.memory_space<semaphore_mem>>) {add = true}
      %dma_wait3A_192 = arith.constant 0 : i32
      %dma_wait3A_193 = tpu.memref_slice %arg7[%run_scoped3A_79, %run_scoped3A_80, %dma_wait3A_192] : memref<2x8x64xi32, #tpu.memory_space<vmem>> -> memref<1x1x64xi32, #tpu.memory_space<vmem>>
      %dma_wait3A_194 = tpu.memref_squeeze %dma_wait3A_193 : memref<1x1x64xi32, #tpu.memory_space<vmem>> -> memref<64xi32, #tpu.memory_space<vmem>>
      %dma_wait3A_195 = arith.constant 0 : i32
      %dma_wait3A_196 = arith.constant 0 : i32
      %dma_wait3A_197 = tpu.memref_slice %arg10[%dma_wait3A_195, %dma_wait3A_196] : memref<10240x128xf32, #tpu.memory_space<vmem_shared>> -> memref<10240x128xf32, #tpu.memory_space<vmem_shared>>
      tpu.wait_indirect_dma semaphore(%run_scoped3A_185 : memref<!tpu.dma_semaphore, #tpu.memory_space<semaphore_mem>>) src(%arg9 : memref<64x128xf32, #tpu.memory_space<vmem>>) dst(%dma_wait3A_197 : memref<10240x128xf32, #tpu.memory_space<vmem_shared>>)
      tpu.yield
    }) : () -> ()
    %dma_wait3A_81 = arith.constant 1 : i32
    %dma_wait3A_82 = arith.constant 2 : i32
    %dma_wait3A_83 = arith.constant 0 : i32
    %dma_wait3A_84 = tpu.memref_slice %arg6[%dma_wait3A_81, %dma_wait3A_82, %dma_wait3A_83] : memref<2x8x64xi32, #tpu.memory_space<vmem>> -> memref<1x1x64xi32, #tpu.memory_space<vmem>>
    %dma_wait3A_85 = tpu.memref_squeeze %dma_wait3A_84 : memref<1x1x64xi32, #tpu.memory_space<vmem>> -> memref<64xi32, #tpu.memory_space<vmem>>
    %dma_wait3A_86 = arith.constant 0 : i32
    %dma_wait3A_87 = arith.constant 0 : i32
    %dma_wait3A_88 = tpu.memref_slice %arg2[%dma_wait3A_86, %dma_wait3A_87] : memref<20480x128xf32, #tpu.memory_space<hbm>> -> memref<20480x128xf32, #tpu.memory_space<hbm>>
    tpu.wait_indirect_dma semaphore(%arg11 : memref<!tpu.dma_semaphore, #tpu.memory_space<semaphore_mem>>) src(%dma_wait3A_88 : memref<20480x128xf32, #tpu.memory_space<hbm>>) dst(%arg8 : memref<64x128xf32, #tpu.memory_space<vmem>>)
    %dma_start3A_89 = arith.constant 1 : i32
    %dma_start3A_90 = arith.constant 3 : i32
    %dma_start3A_91 = arith.constant 0 : i32
    %dma_start3A_92 = tpu.memref_slice %arg6[%dma_start3A_89, %dma_start3A_90, %dma_start3A_91] : memref<2x8x64xi32, #tpu.memory_space<vmem>> -> memref<1x1x64xi32, #tpu.memory_space<vmem>>
    %dma_start3A_93 = tpu.memref_squeeze %dma_start3A_92 : memref<1x1x64xi32, #tpu.memory_space<vmem>> -> memref<64xi32, #tpu.memory_space<vmem>>
    %dma_start3A_94 = arith.constant 0 : i32
    %dma_start3A_95 = arith.constant 0 : i32
    %dma_start3A_96 = tpu.memref_slice %arg2[%dma_start3A_94, %dma_start3A_95] : memref<20480x128xf32, #tpu.memory_space<hbm>> -> memref<20480x128xf32, #tpu.memory_space<hbm>>
    tpu.enqueue_indirect_dma source(%dma_start3A_96 : memref<20480x128xf32, #tpu.memory_space<hbm>>) target(%arg9 : memref<64x128xf32, #tpu.memory_space<vmem>>) offsets(%dma_start3A_93 : memref<64xi32, #tpu.memory_space<vmem>>) semaphore(%arg12 : memref<!tpu.dma_semaphore, #tpu.memory_space<semaphore_mem>>)
    %run_scoped3A_97 = arith.constant 1 : i32
    %run_scoped3A_98 = arith.constant 2 : i32
    "tpu.region"() ({
      %run_scoped3A_185 = tpu.sem_alloc : memref<!tpu.dma_semaphore, #tpu.memory_space<semaphore_mem>>
      %dma_start3A_186 = arith.constant 0 : i32
      %dma_start3A_187 = tpu.memref_slice %arg7[%run_scoped3A_97, %run_scoped3A_98, %dma_start3A_186] : memref<2x8x64xi32, #tpu.memory_space<vmem>> -> memref<1x1x64xi32, #tpu.memory_space<vmem>>
      %dma_start3A_188 = tpu.memref_squeeze %dma_start3A_187 : memref<1x1x64xi32, #tpu.memory_space<vmem>> -> memref<64xi32, #tpu.memory_space<vmem>>
      %dma_start3A_189 = arith.constant 0 : i32
      %dma_start3A_190 = arith.constant 0 : i32
      %dma_start3A_191 = tpu.memref_slice %arg10[%dma_start3A_189, %dma_start3A_190] : memref<10240x128xf32, #tpu.memory_space<vmem_shared>> -> memref<10240x128xf32, #tpu.memory_space<vmem_shared>>
      tpu.enqueue_indirect_dma source(%arg8 : memref<64x128xf32, #tpu.memory_space<vmem>>) target(%dma_start3A_191 : memref<10240x128xf32, #tpu.memory_space<vmem_shared>>) offsets(%dma_start3A_188 : memref<64xi32, #tpu.memory_space<vmem>>) semaphore(%run_scoped3A_185 : memref<!tpu.dma_semaphore, #tpu.memory_space<semaphore_mem>>) {add = true}
      %dma_wait3A_192 = arith.constant 0 : i32
      %dma_wait3A_193 = tpu.memref_slice %arg7[%run_scoped3A_97, %run_scoped3A_98, %dma_wait3A_192] : memref<2x8x64xi32, #tpu.memory_space<vmem>> -> memref<1x1x64xi32, #tpu.memory_space<vmem>>
      %dma_wait3A_194 = tpu.memref_squeeze %dma_wait3A_193 : memref<1x1x64xi32, #tpu.memory_space<vmem>> -> memref<64xi32, #tpu.memory_space<vmem>>
      %dma_wait3A_195 = arith.constant 0 : i32
      %dma_wait3A_196 = arith.constant 0 : i32
      %dma_wait3A_197 = tpu.memref_slice %arg10[%dma_wait3A_195, %dma_wait3A_196] : memref<10240x128xf32, #tpu.memory_space<vmem_shared>> -> memref<10240x128xf32, #tpu.memory_space<vmem_shared>>
      tpu.wait_indirect_dma semaphore(%run_scoped3A_185 : memref<!tpu.dma_semaphore, #tpu.memory_space<semaphore_mem>>) src(%arg8 : memref<64x128xf32, #tpu.memory_space<vmem>>) dst(%dma_wait3A_197 : memref<10240x128xf32, #tpu.memory_space<vmem_shared>>)
      tpu.yield
    }) : () -> ()
    %dma_wait3A_99 = arith.constant 1 : i32
    %dma_wait3A_100 = arith.constant 3 : i32
    %dma_wait3A_101 = arith.constant 0 : i32
    %dma_wait3A_102 = tpu.memref_slice %arg6[%dma_wait3A_99, %dma_wait3A_100, %dma_wait3A_101] : memref<2x8x64xi32, #tpu.memory_space<vmem>> -> memref<1x1x64xi32, #tpu.memory_space<vmem>>
    %dma_wait3A_103 = tpu.memref_squeeze %dma_wait3A_102 : memref<1x1x64xi32, #tpu.memory_space<vmem>> -> memref<64xi32, #tpu.memory_space<vmem>>
    %dma_wait3A_104 = arith.constant 0 : i32
    %dma_wait3A_105 = arith.constant 0 : i32
    %dma_wait3A_106 = tpu.memref_slice %arg2[%dma_wait3A_104, %dma_wait3A_105] : memref<20480x128xf32, #tpu.memory_space<hbm>> -> memref<20480x128xf32, #tpu.memory_space<hbm>>
    tpu.wait_indirect_dma semaphore(%arg12 : memref<!tpu.dma_semaphore, #tpu.memory_space<semaphore_mem>>) src(%dma_wait3A_106 : memref<20480x128xf32, #tpu.memory_space<hbm>>) dst(%arg9 : memref<64x128xf32, #tpu.memory_space<vmem>>)
    %dma_start3A_107 = arith.constant 1 : i32
    %dma_start3A_108 = arith.constant 4 : i32
    %dma_start3A_109 = arith.constant 0 : i32
    %dma_start3A_110 = tpu.memref_slice %arg6[%dma_start3A_107, %dma_start3A_108, %dma_start3A_109] : memref<2x8x64xi32, #tpu.memory_space<vmem>> -> memref<1x1x64xi32, #tpu.memory_space<vmem>>
    %dma_start3A_111 = tpu.memref_squeeze %dma_start3A_110 : memref<1x1x64xi32, #tpu.memory_space<vmem>> -> memref<64xi32, #tpu.memory_space<vmem>>
    %dma_start3A_112 = arith.constant 0 : i32
    %dma_start3A_113 = arith.constant 0 : i32
    %dma_start3A_114 = tpu.memref_slice %arg2[%dma_start3A_112, %dma_start3A_113] : memref<20480x128xf32, #tpu.memory_space<hbm>> -> memref<20480x128xf32, #tpu.memory_space<hbm>>
    tpu.enqueue_indirect_dma source(%dma_start3A_114 : memref<20480x128xf32, #tpu.memory_space<hbm>>) target(%arg8 : memref<64x128xf32, #tpu.memory_space<vmem>>) offsets(%dma_start3A_111 : memref<64xi32, #tpu.memory_space<vmem>>) semaphore(%arg11 : memref<!tpu.dma_semaphore, #tpu.memory_space<semaphore_mem>>)
    %run_scoped3A_115 = arith.constant 1 : i32
    %run_scoped3A_116 = arith.constant 3 : i32
    "tpu.region"() ({
      %run_scoped3A_185 = tpu.sem_alloc : memref<!tpu.dma_semaphore, #tpu.memory_space<semaphore_mem>>
      %dma_start3A_186 = arith.constant 0 : i32
      %dma_start3A_187 = tpu.memref_slice %arg7[%run_scoped3A_115, %run_scoped3A_116, %dma_start3A_186] : memref<2x8x64xi32, #tpu.memory_space<vmem>> -> memref<1x1x64xi32, #tpu.memory_space<vmem>>
      %dma_start3A_188 = tpu.memref_squeeze %dma_start3A_187 : memref<1x1x64xi32, #tpu.memory_space<vmem>> -> memref<64xi32, #tpu.memory_space<vmem>>
      %dma_start3A_189 = arith.constant 0 : i32
      %dma_start3A_190 = arith.constant 0 : i32
      %dma_start3A_191 = tpu.memref_slice %arg10[%dma_start3A_189, %dma_start3A_190] : memref<10240x128xf32, #tpu.memory_space<vmem_shared>> -> memref<10240x128xf32, #tpu.memory_space<vmem_shared>>
      tpu.enqueue_indirect_dma source(%arg9 : memref<64x128xf32, #tpu.memory_space<vmem>>) target(%dma_start3A_191 : memref<10240x128xf32, #tpu.memory_space<vmem_shared>>) offsets(%dma_start3A_188 : memref<64xi32, #tpu.memory_space<vmem>>) semaphore(%run_scoped3A_185 : memref<!tpu.dma_semaphore, #tpu.memory_space<semaphore_mem>>) {add = true}
      %dma_wait3A_192 = arith.constant 0 : i32
      %dma_wait3A_193 = tpu.memref_slice %arg7[%run_scoped3A_115, %run_scoped3A_116, %dma_wait3A_192] : memref<2x8x64xi32, #tpu.memory_space<vmem>> -> memref<1x1x64xi32, #tpu.memory_space<vmem>>
      %dma_wait3A_194 = tpu.memref_squeeze %dma_wait3A_193 : memref<1x1x64xi32, #tpu.memory_space<vmem>> -> memref<64xi32, #tpu.memory_space<vmem>>
      %dma_wait3A_195 = arith.constant 0 : i32
      %dma_wait3A_196 = arith.constant 0 : i32
      %dma_wait3A_197 = tpu.memref_slice %arg10[%dma_wait3A_195, %dma_wait3A_196] : memref<10240x128xf32, #tpu.memory_space<vmem_shared>> -> memref<10240x128xf32, #tpu.memory_space<vmem_shared>>
      tpu.wait_indirect_dma semaphore(%run_scoped3A_185 : memref<!tpu.dma_semaphore, #tpu.memory_space<semaphore_mem>>) src(%arg9 : memref<64x128xf32, #tpu.memory_space<vmem>>) dst(%dma_wait3A_197 : memref<10240x128xf32, #tpu.memory_space<vmem_shared>>)
      tpu.yield
    }) : () -> ()
    %dma_wait3A_117 = arith.constant 1 : i32
    %dma_wait3A_118 = arith.constant 4 : i32
    %dma_wait3A_119 = arith.constant 0 : i32
    %dma_wait3A_120 = tpu.memref_slice %arg6[%dma_wait3A_117, %dma_wait3A_118, %dma_wait3A_119] : memref<2x8x64xi32, #tpu.memory_space<vmem>> -> memref<1x1x64xi32, #tpu.memory_space<vmem>>
    %dma_wait3A_121 = tpu.memref_squeeze %dma_wait3A_120 : memref<1x1x64xi32, #tpu.memory_space<vmem>> -> memref<64xi32, #tpu.memory_space<vmem>>
    %dma_wait3A_122 = arith.constant 0 : i32
    %dma_wait3A_123 = arith.constant 0 : i32
    %dma_wait3A_124 = tpu.memref_slice %arg2[%dma_wait3A_122, %dma_wait3A_123] : memref<20480x128xf32, #tpu.memory_space<hbm>> -> memref<20480x128xf32, #tpu.memory_space<hbm>>
    tpu.wait_indirect_dma semaphore(%arg11 : memref<!tpu.dma_semaphore, #tpu.memory_space<semaphore_mem>>) src(%dma_wait3A_124 : memref<20480x128xf32, #tpu.memory_space<hbm>>) dst(%arg8 : memref<64x128xf32, #tpu.memory_space<vmem>>)
    %dma_start3A_125 = arith.constant 1 : i32
    %dma_start3A_126 = arith.constant 5 : i32
    %dma_start3A_127 = arith.constant 0 : i32
    %dma_start3A_128 = tpu.memref_slice %arg6[%dma_start3A_125, %dma_start3A_126, %dma_start3A_127] : memref<2x8x64xi32, #tpu.memory_space<vmem>> -> memref<1x1x64xi32, #tpu.memory_space<vmem>>
    %dma_start3A_129 = tpu.memref_squeeze %dma_start3A_128 : memref<1x1x64xi32, #tpu.memory_space<vmem>> -> memref<64xi32, #tpu.memory_space<vmem>>
    %dma_start3A_130 = arith.constant 0 : i32
    %dma_start3A_131 = arith.constant 0 : i32
    %dma_start3A_132 = tpu.memref_slice %arg2[%dma_start3A_130, %dma_start3A_131] : memref<20480x128xf32, #tpu.memory_space<hbm>> -> memref<20480x128xf32, #tpu.memory_space<hbm>>
    tpu.enqueue_indirect_dma source(%dma_start3A_132 : memref<20480x128xf32, #tpu.memory_space<hbm>>) target(%arg9 : memref<64x128xf32, #tpu.memory_space<vmem>>) offsets(%dma_start3A_129 : memref<64xi32, #tpu.memory_space<vmem>>) semaphore(%arg12 : memref<!tpu.dma_semaphore, #tpu.memory_space<semaphore_mem>>)
    %run_scoped3A_133 = arith.constant 1 : i32
    %run_scoped3A_134 = arith.constant 4 : i32
    "tpu.region"() ({
      %run_scoped3A_185 = tpu.sem_alloc : memref<!tpu.dma_semaphore, #tpu.memory_space<semaphore_mem>>
      %dma_start3A_186 = arith.constant 0 : i32
      %dma_start3A_187 = tpu.memref_slice %arg7[%run_scoped3A_133, %run_scoped3A_134, %dma_start3A_186] : memref<2x8x64xi32, #tpu.memory_space<vmem>> -> memref<1x1x64xi32, #tpu.memory_space<vmem>>
      %dma_start3A_188 = tpu.memref_squeeze %dma_start3A_187 : memref<1x1x64xi32, #tpu.memory_space<vmem>> -> memref<64xi32, #tpu.memory_space<vmem>>
      %dma_start3A_189 = arith.constant 0 : i32
      %dma_start3A_190 = arith.constant 0 : i32
      %dma_start3A_191 = tpu.memref_slice %arg10[%dma_start3A_189, %dma_start3A_190] : memref<10240x128xf32, #tpu.memory_space<vmem_shared>> -> memref<10240x128xf32, #tpu.memory_space<vmem_shared>>
      tpu.enqueue_indirect_dma source(%arg8 : memref<64x128xf32, #tpu.memory_space<vmem>>) target(%dma_start3A_191 : memref<10240x128xf32, #tpu.memory_space<vmem_shared>>) offsets(%dma_start3A_188 : memref<64xi32, #tpu.memory_space<vmem>>) semaphore(%run_scoped3A_185 : memref<!tpu.dma_semaphore, #tpu.memory_space<semaphore_mem>>) {add = true}
      %dma_wait3A_192 = arith.constant 0 : i32
      %dma_wait3A_193 = tpu.memref_slice %arg7[%run_scoped3A_133, %run_scoped3A_134, %dma_wait3A_192] : memref<2x8x64xi32, #tpu.memory_space<vmem>> -> memref<1x1x64xi32, #tpu.memory_space<vmem>>
      %dma_wait3A_194 = tpu.memref_squeeze %dma_wait3A_193 : memref<1x1x64xi32, #tpu.memory_space<vmem>> -> memref<64xi32, #tpu.memory_space<vmem>>
      %dma_wait3A_195 = arith.constant 0 : i32
      %dma_wait3A_196 = arith.constant 0 : i32
      %dma_wait3A_197 = tpu.memref_slice %arg10[%dma_wait3A_195, %dma_wait3A_196] : memref<10240x128xf32, #tpu.memory_space<vmem_shared>> -> memref<10240x128xf32, #tpu.memory_space<vmem_shared>>
      tpu.wait_indirect_dma semaphore(%run_scoped3A_185 : memref<!tpu.dma_semaphore, #tpu.memory_space<semaphore_mem>>) src(%arg8 : memref<64x128xf32, #tpu.memory_space<vmem>>) dst(%dma_wait3A_197 : memref<10240x128xf32, #tpu.memory_space<vmem_shared>>)
      tpu.yield
    }) : () -> ()
    %dma_wait3A_135 = arith.constant 1 : i32
    %dma_wait3A_136 = arith.constant 5 : i32
    %dma_wait3A_137 = arith.constant 0 : i32
    %dma_wait3A_138 = tpu.memref_slice %arg6[%dma_wait3A_135, %dma_wait3A_136, %dma_wait3A_137] : memref<2x8x64xi32, #tpu.memory_space<vmem>> -> memref<1x1x64xi32, #tpu.memory_space<vmem>>
    %dma_wait3A_139 = tpu.memref_squeeze %dma_wait3A_138 : memref<1x1x64xi32, #tpu.memory_space<vmem>> -> memref<64xi32, #tpu.memory_space<vmem>>
    %dma_wait3A_140 = arith.constant 0 : i32
    %dma_wait3A_141 = arith.constant 0 : i32
    %dma_wait3A_142 = tpu.memref_slice %arg2[%dma_wait3A_140, %dma_wait3A_141] : memref<20480x128xf32, #tpu.memory_space<hbm>> -> memref<20480x128xf32, #tpu.memory_space<hbm>>
    tpu.wait_indirect_dma semaphore(%arg12 : memref<!tpu.dma_semaphore, #tpu.memory_space<semaphore_mem>>) src(%dma_wait3A_142 : memref<20480x128xf32, #tpu.memory_space<hbm>>) dst(%arg9 : memref<64x128xf32, #tpu.memory_space<vmem>>)
    %dma_start3A_143 = arith.constant 1 : i32
    %dma_start3A_144 = arith.constant 6 : i32
    %dma_start3A_145 = arith.constant 0 : i32
    %dma_start3A_146 = tpu.memref_slice %arg6[%dma_start3A_143, %dma_start3A_144, %dma_start3A_145] : memref<2x8x64xi32, #tpu.memory_space<vmem>> -> memref<1x1x64xi32, #tpu.memory_space<vmem>>
    %dma_start3A_147 = tpu.memref_squeeze %dma_start3A_146 : memref<1x1x64xi32, #tpu.memory_space<vmem>> -> memref<64xi32, #tpu.memory_space<vmem>>
    %dma_start3A_148 = arith.constant 0 : i32
    %dma_start3A_149 = arith.constant 0 : i32
    %dma_start3A_150 = tpu.memref_slice %arg2[%dma_start3A_148, %dma_start3A_149] : memref<20480x128xf32, #tpu.memory_space<hbm>> -> memref<20480x128xf32, #tpu.memory_space<hbm>>
    tpu.enqueue_indirect_dma source(%dma_start3A_150 : memref<20480x128xf32, #tpu.memory_space<hbm>>) target(%arg8 : memref<64x128xf32, #tpu.memory_space<vmem>>) offsets(%dma_start3A_147 : memref<64xi32, #tpu.memory_space<vmem>>) semaphore(%arg11 : memref<!tpu.dma_semaphore, #tpu.memory_space<semaphore_mem>>)
    %run_scoped3A_151 = arith.constant 1 : i32
    %run_scoped3A_152 = arith.constant 5 : i32
    "tpu.region"() ({
      %run_scoped3A_185 = tpu.sem_alloc : memref<!tpu.dma_semaphore, #tpu.memory_space<semaphore_mem>>
      %dma_start3A_186 = arith.constant 0 : i32
      %dma_start3A_187 = tpu.memref_slice %arg7[%run_scoped3A_151, %run_scoped3A_152, %dma_start3A_186] : memref<2x8x64xi32, #tpu.memory_space<vmem>> -> memref<1x1x64xi32, #tpu.memory_space<vmem>>
      %dma_start3A_188 = tpu.memref_squeeze %dma_start3A_187 : memref<1x1x64xi32, #tpu.memory_space<vmem>> -> memref<64xi32, #tpu.memory_space<vmem>>
      %dma_start3A_189 = arith.constant 0 : i32
      %dma_start3A_190 = arith.constant 0 : i32
      %dma_start3A_191 = tpu.memref_slice %arg10[%dma_start3A_189, %dma_start3A_190] : memref<10240x128xf32, #tpu.memory_space<vmem_shared>> -> memref<10240x128xf32, #tpu.memory_space<vmem_shared>>
      tpu.enqueue_indirect_dma source(%arg9 : memref<64x128xf32, #tpu.memory_space<vmem>>) target(%dma_start3A_191 : memref<10240x128xf32, #tpu.memory_space<vmem_shared>>) offsets(%dma_start3A_188 : memref<64xi32, #tpu.memory_space<vmem>>) semaphore(%run_scoped3A_185 : memref<!tpu.dma_semaphore, #tpu.memory_space<semaphore_mem>>) {add = true}
      %dma_wait3A_192 = arith.constant 0 : i32
      %dma_wait3A_193 = tpu.memref_slice %arg7[%run_scoped3A_151, %run_scoped3A_152, %dma_wait3A_192] : memref<2x8x64xi32, #tpu.memory_space<vmem>> -> memref<1x1x64xi32, #tpu.memory_space<vmem>>
      %dma_wait3A_194 = tpu.memref_squeeze %dma_wait3A_193 : memref<1x1x64xi32, #tpu.memory_space<vmem>> -> memref<64xi32, #tpu.memory_space<vmem>>
      %dma_wait3A_195 = arith.constant 0 : i32
      %dma_wait3A_196 = arith.constant 0 : i32
      %dma_wait3A_197 = tpu.memref_slice %arg10[%dma_wait3A_195, %dma_wait3A_196] : memref<10240x128xf32, #tpu.memory_space<vmem_shared>> -> memref<10240x128xf32, #tpu.memory_space<vmem_shared>>
      tpu.wait_indirect_dma semaphore(%run_scoped3A_185 : memref<!tpu.dma_semaphore, #tpu.memory_space<semaphore_mem>>) src(%arg9 : memref<64x128xf32, #tpu.memory_space<vmem>>) dst(%dma_wait3A_197 : memref<10240x128xf32, #tpu.memory_space<vmem_shared>>)
      tpu.yield
    }) : () -> ()
    %dma_wait3A_153 = arith.constant 1 : i32
    %dma_wait3A_154 = arith.constant 6 : i32
    %dma_wait3A_155 = arith.constant 0 : i32
    %dma_wait3A_156 = tpu.memref_slice %arg6[%dma_wait3A_153, %dma_wait3A_154, %dma_wait3A_155] : memref<2x8x64xi32, #tpu.memory_space<vmem>> -> memref<1x1x64xi32, #tpu.memory_space<vmem>>
    %dma_wait3A_157 = tpu.memref_squeeze %dma_wait3A_156 : memref<1x1x64xi32, #tpu.memory_space<vmem>> -> memref<64xi32, #tpu.memory_space<vmem>>
    %dma_wait3A_158 = arith.constant 0 : i32
    %dma_wait3A_159 = arith.constant 0 : i32
    %dma_wait3A_160 = tpu.memref_slice %arg2[%dma_wait3A_158, %dma_wait3A_159] : memref<20480x128xf32, #tpu.memory_space<hbm>> -> memref<20480x128xf32, #tpu.memory_space<hbm>>
    tpu.wait_indirect_dma semaphore(%arg11 : memref<!tpu.dma_semaphore, #tpu.memory_space<semaphore_mem>>) src(%dma_wait3A_160 : memref<20480x128xf32, #tpu.memory_space<hbm>>) dst(%arg8 : memref<64x128xf32, #tpu.memory_space<vmem>>)
    %dma_start3A_161 = arith.constant 1 : i32
    %dma_start3A_162 = arith.constant 7 : i32
    %dma_start3A_163 = arith.constant 0 : i32
    %dma_start3A_164 = tpu.memref_slice %arg6[%dma_start3A_161, %dma_start3A_162, %dma_start3A_163] : memref<2x8x64xi32, #tpu.memory_space<vmem>> -> memref<1x1x64xi32, #tpu.memory_space<vmem>>
    %dma_start3A_165 = tpu.memref_squeeze %dma_start3A_164 : memref<1x1x64xi32, #tpu.memory_space<vmem>> -> memref<64xi32, #tpu.memory_space<vmem>>
    %dma_start3A_166 = arith.constant 0 : i32
    %dma_start3A_167 = arith.constant 0 : i32
    %dma_start3A_168 = tpu.memref_slice %arg2[%dma_start3A_166, %dma_start3A_167] : memref<20480x128xf32, #tpu.memory_space<hbm>> -> memref<20480x128xf32, #tpu.memory_space<hbm>>
    tpu.enqueue_indirect_dma source(%dma_start3A_168 : memref<20480x128xf32, #tpu.memory_space<hbm>>) target(%arg9 : memref<64x128xf32, #tpu.memory_space<vmem>>) offsets(%dma_start3A_165 : memref<64xi32, #tpu.memory_space<vmem>>) semaphore(%arg12 : memref<!tpu.dma_semaphore, #tpu.memory_space<semaphore_mem>>)
    %run_scoped3A_169 = arith.constant 1 : i32
    %run_scoped3A_170 = arith.constant 6 : i32
    "tpu.region"() ({
      %run_scoped3A_185 = tpu.sem_alloc : memref<!tpu.dma_semaphore, #tpu.memory_space<semaphore_mem>>
      %dma_start3A_186 = arith.constant 0 : i32
      %dma_start3A_187 = tpu.memref_slice %arg7[%run_scoped3A_169, %run_scoped3A_170, %dma_start3A_186] : memref<2x8x64xi32, #tpu.memory_space<vmem>> -> memref<1x1x64xi32, #tpu.memory_space<vmem>>
      %dma_start3A_188 = tpu.memref_squeeze %dma_start3A_187 : memref<1x1x64xi32, #tpu.memory_space<vmem>> -> memref<64xi32, #tpu.memory_space<vmem>>
      %dma_start3A_189 = arith.constant 0 : i32
      %dma_start3A_190 = arith.constant 0 : i32
      %dma_start3A_191 = tpu.memref_slice %arg10[%dma_start3A_189, %dma_start3A_190] : memref<10240x128xf32, #tpu.memory_space<vmem_shared>> -> memref<10240x128xf32, #tpu.memory_space<vmem_shared>>
      tpu.enqueue_indirect_dma source(%arg8 : memref<64x128xf32, #tpu.memory_space<vmem>>) target(%dma_start3A_191 : memref<10240x128xf32, #tpu.memory_space<vmem_shared>>) offsets(%dma_start3A_188 : memref<64xi32, #tpu.memory_space<vmem>>) semaphore(%run_scoped3A_185 : memref<!tpu.dma_semaphore, #tpu.memory_space<semaphore_mem>>) {add = true}
      %dma_wait3A_192 = arith.constant 0 : i32
      %dma_wait3A_193 = tpu.memref_slice %arg7[%run_scoped3A_169, %run_scoped3A_170, %dma_wait3A_192] : memref<2x8x64xi32, #tpu.memory_space<vmem>> -> memref<1x1x64xi32, #tpu.memory_space<vmem>>
      %dma_wait3A_194 = tpu.memref_squeeze %dma_wait3A_193 : memref<1x1x64xi32, #tpu.memory_space<vmem>> -> memref<64xi32, #tpu.memory_space<vmem>>
      %dma_wait3A_195 = arith.constant 0 : i32
      %dma_wait3A_196 = arith.constant 0 : i32
      %dma_wait3A_197 = tpu.memref_slice %arg10[%dma_wait3A_195, %dma_wait3A_196] : memref<10240x128xf32, #tpu.memory_space<vmem_shared>> -> memref<10240x128xf32, #tpu.memory_space<vmem_shared>>
      tpu.wait_indirect_dma semaphore(%run_scoped3A_185 : memref<!tpu.dma_semaphore, #tpu.memory_space<semaphore_mem>>) src(%arg8 : memref<64x128xf32, #tpu.memory_space<vmem>>) dst(%dma_wait3A_197 : memref<10240x128xf32, #tpu.memory_space<vmem_shared>>)
      tpu.yield
    }) : () -> ()
    %dma_wait3A_171 = arith.constant 1 : i32
    %dma_wait3A_172 = arith.constant 7 : i32
    %dma_wait3A_173 = arith.constant 0 : i32
    %dma_wait3A_174 = tpu.memref_slice %arg6[%dma_wait3A_171, %dma_wait3A_172, %dma_wait3A_173] : memref<2x8x64xi32, #tpu.memory_space<vmem>> -> memref<1x1x64xi32, #tpu.memory_space<vmem>>
    %dma_wait3A_175 = tpu.memref_squeeze %dma_wait3A_174 : memref<1x1x64xi32, #tpu.memory_space<vmem>> -> memref<64xi32, #tpu.memory_space<vmem>>
    %dma_wait3A_176 = arith.constant 0 : i32
    %dma_wait3A_177 = arith.constant 0 : i32
    %dma_wait3A_178 = tpu.memref_slice %arg2[%dma_wait3A_176, %dma_wait3A_177] : memref<20480x128xf32, #tpu.memory_space<hbm>> -> memref<20480x128xf32, #tpu.memory_space<hbm>>
    tpu.wait_indirect_dma semaphore(%arg12 : memref<!tpu.dma_semaphore, #tpu.memory_space<semaphore_mem>>) src(%dma_wait3A_178 : memref<20480x128xf32, #tpu.memory_space<hbm>>) dst(%arg9 : memref<64x128xf32, #tpu.memory_space<vmem>>)
    %run_scoped3A_179 = arith.constant 1 : i32
    %run_scoped3A_180 = arith.constant 7 : i32
    "tpu.region"() ({
      %run_scoped3A_185 = tpu.sem_alloc : memref<!tpu.dma_semaphore, #tpu.memory_space<semaphore_mem>>
      %dma_start3A_186 = arith.constant 0 : i32
      %dma_start3A_187 = tpu.memref_slice %arg7[%run_scoped3A_179, %run_scoped3A_180, %dma_start3A_186] : memref<2x8x64xi32, #tpu.memory_space<vmem>> -> memref<1x1x64xi32, #tpu.memory_space<vmem>>
      %dma_start3A_188 = tpu.memref_squeeze %dma_start3A_187 : memref<1x1x64xi32, #tpu.memory_space<vmem>> -> memref<64xi32, #tpu.memory_space<vmem>>
      %dma_start3A_189 = arith.constant 0 : i32
      %dma_start3A_190 = arith.constant 0 : i32
      %dma_start3A_191 = tpu.memref_slice %arg10[%dma_start3A_189, %dma_start3A_190] : memref<10240x128xf32, #tpu.memory_space<vmem_shared>> -> memref<10240x128xf32, #tpu.memory_space<vmem_shared>>
      tpu.enqueue_indirect_dma source(%arg9 : memref<64x128xf32, #tpu.memory_space<vmem>>) target(%dma_start3A_191 : memref<10240x128xf32, #tpu.memory_space<vmem_shared>>) offsets(%dma_start3A_188 : memref<64xi32, #tpu.memory_space<vmem>>) semaphore(%run_scoped3A_185 : memref<!tpu.dma_semaphore, #tpu.memory_space<semaphore_mem>>) {add = true}
      %dma_wait3A_192 = arith.constant 0 : i32
      %dma_wait3A_193 = tpu.memref_slice %arg7[%run_scoped3A_179, %run_scoped3A_180, %dma_wait3A_192] : memref<2x8x64xi32, #tpu.memory_space<vmem>> -> memref<1x1x64xi32, #tpu.memory_space<vmem>>
      %dma_wait3A_194 = tpu.memref_squeeze %dma_wait3A_193 : memref<1x1x64xi32, #tpu.memory_space<vmem>> -> memref<64xi32, #tpu.memory_space<vmem>>
      %dma_wait3A_195 = arith.constant 0 : i32
      %dma_wait3A_196 = arith.constant 0 : i32
      %dma_wait3A_197 = tpu.memref_slice %arg10[%dma_wait3A_195, %dma_wait3A_196] : memref<10240x128xf32, #tpu.memory_space<vmem_shared>> -> memref<10240x128xf32, #tpu.memory_space<vmem_shared>>
      tpu.wait_indirect_dma semaphore(%run_scoped3A_185 : memref<!tpu.dma_semaphore, #tpu.memory_space<semaphore_mem>>) src(%arg9 : memref<64x128xf32, #tpu.memory_space<vmem>>) dst(%dma_wait3A_197 : memref<10240x128xf32, #tpu.memory_space<vmem_shared>>)
      tpu.yield
    }) : () -> ()
    %barrier3A_181 = arith.constant 0 : index
    tpu.barrier barrier_id(%barrier3A_181)
    %mul3A_182 = arith.constant 10240 : i32
    %mul3A_183 = arith.muli %arg0, %mul3A_182 : i32
    %add3A_184 = arith.addi %mul3A_183, %mul3A_6 : i32
    "tpu.region"() ({
      %run_scoped3A_185 = tpu.sem_alloc : memref<!tpu.dma_semaphore, #tpu.memory_space<semaphore_mem>>
      %dma_start3A_186 = arith.constant 0 : i32
      %dma_start3A_187 = tpu.memref_slice %arg5[%add3A_184, %dma_start3A_186] : memref<20480x128xf32, #tpu.memory_space<hbm>> -> memref<640x128xf32, #tpu.memory_space<hbm>>
      %dma_start3A_188 = arith.constant 0 : i32
      %dma_start3A_189 = tpu.memref_slice %arg10[%mul3A_6, %dma_start3A_188] : memref<10240x128xf32, #tpu.memory_space<vmem_shared>> -> memref<640x128xf32, #tpu.memory_space<vmem_shared>>
      tpu.enqueue_dma source(%dma_start3A_189 : memref<640x128xf32, #tpu.memory_space<vmem_shared>>) target(%dma_start3A_187 : memref<640x128xf32, #tpu.memory_space<hbm>>) target_semaphore(%run_scoped3A_185 : memref<!tpu.dma_semaphore, #tpu.memory_space<semaphore_mem>>)
      %dma_wait3A_190 = arith.constant 0 : i32
      %dma_wait3A_191 = tpu.memref_slice %arg5[%add3A_184, %dma_wait3A_190] : memref<20480x128xf32, #tpu.memory_space<hbm>> -> memref<640x128xf32, #tpu.memory_space<hbm>>
      %dma_wait3A_192 = arith.constant 0 : i32
      %dma_wait3A_193 = tpu.memref_slice %arg10[%mul3A_6, %dma_wait3A_192] : memref<10240x128xf32, #tpu.memory_space<vmem_shared>> -> memref<640x128xf32, #tpu.memory_space<vmem_shared>>
      tpu.wait_dma2 semaphore(%run_scoped3A_185 : memref<!tpu.dma_semaphore, #tpu.memory_space<semaphore_mem>>) src(%dma_wait3A_193 : memref<640x128xf32, #tpu.memory_space<vmem_shared>>) dst(%dma_wait3A_191 : memref<640x128xf32, #tpu.memory_space<hbm>>)
      tpu.yield
    }) : () -> ()
    return
  }
}

#map = affine_map<(d0, d1) -> (0, 0)>
module attributes {stable_mosaic.version = 14 : i64} {
  func.func @_spmm_kernel(%arg0: i32, %arg1: i32, %arg2: memref<20480x128xf32, #tpu.memory_space<hbm>>, %arg3: memref<10240x64xi32, #tpu.memory_space<hbm>>, %arg4: memref<5120x64xi32, #tpu.memory_space<hbm>>, %arg5: memref<20480x128xf32, #tpu.memory_space<hbm>>, %arg6: memref<2x8x64xi32, #tpu.memory_space<vmem>>, %arg7: memref<2x8x64xi32, #tpu.memory_space<vmem>>, %arg8: memref<64x128xf32, #tpu.memory_space<vmem>>, %arg9: memref<64x128xf32, #tpu.memory_space<vmem>>, %arg10: memref<10240x128xf32, #tpu.memory_space<vmem_shared>>, %arg11: memref<!tpu.dma_semaphore, #tpu.memory_space<semaphore_mem>>, %arg12: memref<!tpu.dma_semaphore, #tpu.memory_space<semaphore_mem>>, %arg13: memref<!tpu.dma_semaphore, #tpu.memory_space<semaphore_mem>>, %arg14: memref<!tpu.dma_semaphore, #tpu.memory_space<semaphore_mem>>) attributes {dimension_semantics = [#tpu.dimension_semantics<core_parallel>, #tpu.dimension_semantics<subcore_parallel>], iteration_bounds = array<i64: 2, 16>, scalar_prefetch = 0 : i64, scratch_operands = 9 : i64, tpu.core_type = #tpu.core_type<sc_vector_subcore>, window_params = [{transform_indices = #map}, {transform_indices = #map}, {transform_indices = #map}, {transform_indices = #map}]} {
    %mul3A = arith.constant 16 : i32
    %mul3A_0 = arith.muli %arg0, %mul3A : i32
    %add3A = arith.addi %mul3A_0, %arg1 : i32
    %mul3A_1 = arith.constant 320 : i32
    %mul3A_2 = arith.muli %add3A, %mul3A_1 : i32
    %mul3A_3 = arith.constant 320 : i32
    %mul3A_4 = arith.muli %arg1, %mul3A_3 : i32
    %mul3A_5 = arith.constant 640 : i32
    %mul3A_6 = arith.muli %arg1, %mul3A_5 : i32
    %scan3A = arith.constant 0 : i32
    %scan3A_7 = arith.constant 0 : i32
    %scan3A_8 = arith.constant 64 : i32
    %scan3A_9 = arith.addi %scan3A_7, %scan3A_8 : i32
    %scan3A_10 = arith.constant 1 : i32
    scf.for %scan3A_185 = %scan3A_7 to %scan3A_9 step %scan3A_10  : i32 {
      %broadcast_in_dim3A = arith.constant 0.000000e+00 : f32
      %broadcast_in_dim3A_186 = vector.broadcast %broadcast_in_dim3A : f32 to vector<16xf32>
      %swap3A = arith.index_cast %scan3A_185 : i32 to index
      %swap3A_187 = arith.constant 0 : index
      %swap3A_188 = tpu.vector_load %arg8[%swap3A, %swap3A_187] {strides = array<i32>} : memref<64x128xf32, #tpu.memory_space<vmem>>, vector<1x16xf32>,
      %swap3A_189 = vector.shape_cast %swap3A_188 : vector<1x16xf32> to vector<16xf32>
      %swap3A_190 = vector.shape_cast %broadcast_in_dim3A_186 : vector<16xf32> to vector<1x16xf32>
      tpu.vector_store %arg8[%swap3A, %swap3A_187], %swap3A_190 {strides = array<i32>} : memref<64x128xf32, #tpu.memory_space<vmem>>, vector<1x16xf32>,
      %broadcast_in_dim3A_191 = arith.constant 0.000000e+00 : f32
      %broadcast_in_dim3A_192 = vector.broadcast %broadcast_in_dim3A_191 : f32 to vector<16xf32>
      %swap3A_193 = arith.index_cast %scan3A_185 : i32 to index
      %swap3A_194 = arith.constant 16 : index
      %swap3A_195 = tpu.vector_load %arg8[%swap3A_193, %swap3A_194] {strides = array<i32>} : memref<64x128xf32, #tpu.memory_space<vmem>>, vector<1x16xf32>,
      %swap3A_196 = vector.shape_cast %swap3A_195 : vector<1x16xf32> to vector<16xf32>
      %swap3A_197 = vector.shape_cast %broadcast_in_dim3A_192 : vector<16xf32> to vector<1x16xf32>
      tpu.vector_store %arg8[%swap3A_193, %swap3A_194], %swap3A_197 {strides = array<i32>} : memref<64x128xf32, #tpu.memory_space<vmem>>, vector<1x16xf32>,
      %broadcast_in_dim3A_198 = arith.constant 0.000000e+00 : f32
      %broadcast_in_dim3A_199 = vector.broadcast %broadcast_in_dim3A_198 : f32 to vector<16xf32>
      %swap3A_200 = arith.index_cast %scan3A_185 : i32 to index
      %swap3A_201 = arith.constant 32 : index
      %swap3A_202 = tpu.vector_load %arg8[%swap3A_200, %swap3A_201] {strides = array<i32>} : memref<64x128xf32, #tpu.memory_space<vmem>>, vector<1x16xf32>,
      %swap3A_203 = vector.shape_cast %swap3A_202 : vector<1x16xf32> to vector<16xf32>
      %swap3A_204 = vector.shape_cast %broadcast_in_dim3A_199 : vector<16xf32> to vector<1x16xf32>
      tpu.vector_store %arg8[%swap3A_200, %swap3A_201], %swap3A_204 {strides = array<i32>} : memref<64x128xf32, #tpu.memory_space<vmem>>, vector<1x16xf32>,
      %broadcast_in_dim3A_205 = arith.constant 0.000000e+00 : f32
      %broadcast_in_dim3A_206 = vector.broadcast %broadcast_in_dim3A_205 : f32 to vector<16xf32>
      %swap3A_207 = arith.index_cast %scan3A_185 : i32 to index
      %swap3A_208 = arith.constant 48 : index
      %swap3A_209 = tpu.vector_load %arg8[%swap3A_207, %swap3A_208] {strides = array<i32>} : memref<64x128xf32, #tpu.memory_space<vmem>>, vector<1x16xf32>,
      %swap3A_210 = vector.shape_cast %swap3A_209 : vector<1x16xf32> to vector<16xf32>
      %swap3A_211 = vector.shape_cast %broadcast_in_dim3A_206 : vector<16xf32> to vector<1x16xf32>
      tpu.vector_store %arg8[%swap3A_207, %swap3A_208], %swap3A_211 {strides = array<i32>} : memref<64x128xf32, #tpu.memory_space<vmem>>, vector<1x16xf32>,
      %broadcast_in_dim3A_212 = arith.constant 0.000000e+00 : f32
      %broadcast_in_dim3A_213 = vector.broadcast %broadcast_in_dim3A_212 : f32 to vector<16xf32>
      %swap3A_214 = arith.index_cast %scan3A_185 : i32 to index
      %swap3A_215 = arith.constant 64 : index
      %swap3A_216 = tpu.vector_load %arg8[%swap3A_214, %swap3A_215] {strides = array<i32>} : memref<64x128xf32, #tpu.memory_space<vmem>>, vector<1x16xf32>,
      %swap3A_217 = vector.shape_cast %swap3A_216 : vector<1x16xf32> to vector<16xf32>
      %swap3A_218 = vector.shape_cast %broadcast_in_dim3A_213 : vector<16xf32> to vector<1x16xf32>
      tpu.vector_store %arg8[%swap3A_214, %swap3A_215], %swap3A_218 {strides = array<i32>} : memref<64x128xf32, #tpu.memory_space<vmem>>, vector<1x16xf32>,
      %broadcast_in_dim3A_219 = arith.constant 0.000000e+00 : f32
      %broadcast_in_dim3A_220 = vector.broadcast %broadcast_in_dim3A_219 : f32 to vector<16xf32>
      %swap3A_221 = arith.index_cast %scan3A_185 : i32 to index
      %swap3A_222 = arith.constant 80 : index
      %swap3A_223 = tpu.vector_load %arg8[%swap3A_221, %swap3A_222] {strides = array<i32>} : memref<64x128xf32, #tpu.memory_space<vmem>>, vector<1x16xf32>,
      %swap3A_224 = vector.shape_cast %swap3A_223 : vector<1x16xf32> to vector<16xf32>
      %swap3A_225 = vector.shape_cast %broadcast_in_dim3A_220 : vector<16xf32> to vector<1x16xf32>
      tpu.vector_store %arg8[%swap3A_221, %swap3A_222], %swap3A_225 {strides = array<i32>} : memref<64x128xf32, #tpu.memory_space<vmem>>, vector<1x16xf32>,
      %broadcast_in_dim3A_226 = arith.constant 0.000000e+00 : f32
      %broadcast_in_dim3A_227 = vector.broadcast %broadcast_in_dim3A_226 : f32 to vector<16xf32>
      %swap3A_228 = arith.index_cast %scan3A_185 : i32 to index
      %swap3A_229 = arith.constant 96 : index
      %swap3A_230 = tpu.vector_load %arg8[%swap3A_228, %swap3A_229] {strides = array<i32>} : memref<64x128xf32, #tpu.memory_space<vmem>>, vector<1x16xf32>,
      %swap3A_231 = vector.shape_cast %swap3A_230 : vector<1x16xf32> to vector<16xf32>
      %swap3A_232 = vector.shape_cast %broadcast_in_dim3A_227 : vector<16xf32> to vector<1x16xf32>
      tpu.vector_store %arg8[%swap3A_228, %swap3A_229], %swap3A_232 {strides = array<i32>} : memref<64x128xf32, #tpu.memory_space<vmem>>, vector<1x16xf32>,
      %broadcast_in_dim3A_233 = arith.constant 0.000000e+00 : f32
      %broadcast_in_dim3A_234 = vector.broadcast %broadcast_in_dim3A_233 : f32 to vector<16xf32>
      %swap3A_235 = arith.index_cast %scan3A_185 : i32 to index
      %swap3A_236 = arith.constant 112 : index
      %swap3A_237 = tpu.vector_load %arg8[%swap3A_235, %swap3A_236] {strides = array<i32>} : memref<64x128xf32, #tpu.memory_space<vmem>>, vector<1x16xf32>,
      %swap3A_238 = vector.shape_cast %swap3A_237 : vector<1x16xf32> to vector<16xf32>
      %swap3A_239 = vector.shape_cast %broadcast_in_dim3A_234 : vector<16xf32> to vector<1x16xf32>
      tpu.vector_store %arg8[%swap3A_235, %swap3A_236], %swap3A_239 {strides = array<i32>} : memref<64x128xf32, #tpu.memory_space<vmem>>, vector<1x16xf32>,
    }
    %scan3A_11 = arith.constant 64 : i32
    %add3A_12 = arith.constant 0 : i32
    %add3A_13 = arith.addi %mul3A_6, %add3A_12 : i32
    "tpu.region"() ({
      %run_scoped3A_185 = tpu.sem_alloc : memref<!tpu.dma_semaphore, #tpu.memory_space<semaphore_mem>>
      %dma_start3A_186 = arith.constant 0 : i32
      %dma_start3A_187 = tpu.memref_slice %arg10[%add3A_13, %dma_start3A_186] : memref<10240x128xf32, #tpu.memory_space<vmem_shared>> -> memref<64x128xf32, #tpu.memory_space<vmem_shared>>
      %dma_start3A_188 = arith.constant 0 : i32
      %dma_start3A_189 = tpu.memref_slice %arg10[%add3A_13, %dma_start3A_188] : memref<10240x128xf32, #tpu.memory_space<vmem_shared>> -> memref<64x128xf32, #tpu.memory_space<vmem_shared>>
      tpu.enqueue_dma source(%arg8 : memref<64x128xf32, #tpu.memory_space<vmem>>) target(%dma_start3A_189 : memref<64x128xf32, #tpu.memory_space<vmem_shared>>) target_semaphore(%run_scoped3A_185 : memref<!tpu.dma_semaphore, #tpu.memory_space<semaphore_mem>>)
      %dma_wait3A_190 = arith.constant 0 : i32
      %dma_wait3A_191 = tpu.memref_slice %arg10[%add3A_13, %dma_wait3A_190] : memref<10240x128xf32, #tpu.memory_space<vmem_shared>> -> memref<64x128xf32, #tpu.memory_space<vmem_shared>>
      %dma_wait3A_192 = arith.constant 0 : i32
      %dma_wait3A_193 = tpu.memref_slice %arg10[%add3A_13, %dma_wait3A_192] : memref<10240x128xf32, #tpu.memory_space<vmem_shared>> -> memref<64x128xf32, #tpu.memory_space<vmem_shared>>
      tpu.wait_dma2 semaphore(%run_scoped3A_185 : memref<!tpu.dma_semaphore, #tpu.memory_space<semaphore_mem>>) src(%arg8 : memref<64x128xf32, #tpu.memory_space<vmem>>) dst(%dma_wait3A_193 : memref<64x128xf32, #tpu.memory_space<vmem_shared>>)
      tpu.yield
    }) : () -> ()
    %add3A_14 = arith.constant 64 : i32
    %add3A_15 = arith.addi %mul3A_6, %add3A_14 : i32
    "tpu.region"() ({
      %run_scoped3A_185 = tpu.sem_alloc : memref<!tpu.dma_semaphore, #tpu.memory_space<semaphore_mem>>
      %dma_start3A_186 = arith.constant 0 : i32
      %dma_start3A_187 = tpu.memref_slice %arg10[%add3A_15, %dma_start3A_186] : memref<10240x128xf32, #tpu.memory_space<vmem_shared>> -> memref<64x128xf32, #tpu.memory_space<vmem_shared>>
      %dma_start3A_188 = arith.constant 0 : i32
      %dma_start3A_189 = tpu.memref_slice %arg10[%add3A_15, %dma_start3A_188] : memref<10240x128xf32, #tpu.memory_space<vmem_shared>> -> memref<64x128xf32, #tpu.memory_space<vmem_shared>>
      tpu.enqueue_dma source(%arg8 : memref<64x128xf32, #tpu.memory_space<vmem>>) target(%dma_start3A_189 : memref<64x128xf32, #tpu.memory_space<vmem_shared>>) target_semaphore(%run_scoped3A_185 : memref<!tpu.dma_semaphore, #tpu.memory_space<semaphore_mem>>)
      %dma_wait3A_190 = arith.constant 0 : i32
      %dma_wait3A_191 = tpu.memref_slice %arg10[%add3A_15, %dma_wait3A_190] : memref<10240x128xf32, #tpu.memory_space<vmem_shared>> -> memref<64x128xf32, #tpu.memory_space<vmem_shared>>
      %dma_wait3A_192 = arith.constant 0 : i32
      %dma_wait3A_193 = tpu.memref_slice %arg10[%add3A_15, %dma_wait3A_192] : memref<10240x128xf32, #tpu.memory_space<vmem_shared>> -> memref<64x128xf32, #tpu.memory_space<vmem_shared>>
      tpu.wait_dma2 semaphore(%run_scoped3A_185 : memref<!tpu.dma_semaphore, #tpu.memory_space<semaphore_mem>>) src(%arg8 : memref<64x128xf32, #tpu.memory_space<vmem>>) dst(%dma_wait3A_193 : memref<64x128xf32, #tpu.memory_space<vmem_shared>>)
      tpu.yield
    }) : () -> ()
    %add3A_16 = arith.constant 128 : i32
    %add3A_17 = arith.addi %mul3A_6, %add3A_16 : i32
    "tpu.region"() ({
      %run_scoped3A_185 = tpu.sem_alloc : memref<!tpu.dma_semaphore, #tpu.memory_space<semaphore_mem>>
      %dma_start3A_186 = arith.constant 0 : i32
      %dma_start3A_187 = tpu.memref_slice %arg10[%add3A_17, %dma_start3A_186] : memref<10240x128xf32, #tpu.memory_space<vmem_shared>> -> memref<64x128xf32, #tpu.memory_space<vmem_shared>>
      %dma_start3A_188 = arith.constant 0 : i32
      %dma_start3A_189 = tpu.memref_slice %arg10[%add3A_17, %dma_start3A_188] : memref<10240x128xf32, #tpu.memory_space<vmem_shared>> -> memref<64x128xf32, #tpu.memory_space<vmem_shared>>
      tpu.enqueue_dma source(%arg8 : memref<64x128xf32, #tpu.memory_space<vmem>>) target(%dma_start3A_189 : memref<64x128xf32, #tpu.memory_space<vmem_shared>>) target_semaphore(%run_scoped3A_185 : memref<!tpu.dma_semaphore, #tpu.memory_space<semaphore_mem>>)
      %dma_wait3A_190 = arith.constant 0 : i32
      %dma_wait3A_191 = tpu.memref_slice %arg10[%add3A_17, %dma_wait3A_190] : memref<10240x128xf32, #tpu.memory_space<vmem_shared>> -> memref<64x128xf32, #tpu.memory_space<vmem_shared>>
      %dma_wait3A_192 = arith.constant 0 : i32
      %dma_wait3A_193 = tpu.memref_slice %arg10[%add3A_17, %dma_wait3A_192] : memref<10240x128xf32, #tpu.memory_space<vmem_shared>> -> memref<64x128xf32, #tpu.memory_space<vmem_shared>>
      tpu.wait_dma2 semaphore(%run_scoped3A_185 : memref<!tpu.dma_semaphore, #tpu.memory_space<semaphore_mem>>) src(%arg8 : memref<64x128xf32, #tpu.memory_space<vmem>>) dst(%dma_wait3A_193 : memref<64x128xf32, #tpu.memory_space<vmem_shared>>)
      tpu.yield
    }) : () -> ()
    %add3A_18 = arith.constant 192 : i32
    %add3A_19 = arith.addi %mul3A_6, %add3A_18 : i32
    "tpu.region"() ({
      %run_scoped3A_185 = tpu.sem_alloc : memref<!tpu.dma_semaphore, #tpu.memory_space<semaphore_mem>>
      %dma_start3A_186 = arith.constant 0 : i32
      %dma_start3A_187 = tpu.memref_slice %arg10[%add3A_19, %dma_start3A_186] : memref<10240x128xf32, #tpu.memory_space<vmem_shared>> -> memref<64x128xf32, #tpu.memory_space<vmem_shared>>
      %dma_start3A_188 = arith.constant 0 : i32
      %dma_start3A_189 = tpu.memref_slice %arg10[%add3A_19, %dma_start3A_188] : memref<10240x128xf32, #tpu.memory_space<vmem_shared>> -> memref<64x128xf32, #tpu.memory_space<vmem_shared>>
      tpu.enqueue_dma source(%arg8 : memref<64x128xf32, #tpu.memory_space<vmem>>) target(%dma_start3A_189 : memref<64x128xf32, #tpu.memory_space<vmem_shared>>) target_semaphore(%run_scoped3A_185 : memref<!tpu.dma_semaphore, #tpu.memory_space<semaphore_mem>>)
      %dma_wait3A_190 = arith.constant 0 : i32
      %dma_wait3A_191 = tpu.memref_slice %arg10[%add3A_19, %dma_wait3A_190] : memref<10240x128xf32, #tpu.memory_space<vmem_shared>> -> memref<64x128xf32, #tpu.memory_space<vmem_shared>>
      %dma_wait3A_192 = arith.constant 0 : i32
      %dma_wait3A_193 = tpu.memref_slice %arg10[%add3A_19, %dma_wait3A_192] : memref<10240x128xf32, #tpu.memory_space<vmem_shared>> -> memref<64x128xf32, #tpu.memory_space<vmem_shared>>
      tpu.wait_dma2 semaphore(%run_scoped3A_185 : memref<!tpu.dma_semaphore, #tpu.memory_space<semaphore_mem>>) src(%arg8 : memref<64x128xf32, #tpu.memory_space<vmem>>) dst(%dma_wait3A_193 : memref<64x128xf32, #tpu.memory_space<vmem_shared>>)
      tpu.yield
    }) : () -> ()
    %add3A_20 = arith.constant 256 : i32
    %add3A_21 = arith.addi %mul3A_6, %add3A_20 : i32
    "tpu.region"() ({
      %run_scoped3A_185 = tpu.sem_alloc : memref<!tpu.dma_semaphore, #tpu.memory_space<semaphore_mem>>
      %dma_start3A_186 = arith.constant 0 : i32
      %dma_start3A_187 = tpu.memref_slice %arg10[%add3A_21, %dma_start3A_186] : memref<10240x128xf32, #tpu.memory_space<vmem_shared>> -> memref<64x128xf32, #tpu.memory_space<vmem_shared>>
      %dma_start3A_188 = arith.constant 0 : i32
      %dma_start3A_189 = tpu.memref_slice %arg10[%add3A_21, %dma_start3A_188] : memref<10240x128xf32, #tpu.memory_space<vmem_shared>> -> memref<64x128xf32, #tpu.memory_space<vmem_shared>>
      tpu.enqueue_dma source(%arg8 : memref<64x128xf32, #tpu.memory_space<vmem>>) target(%dma_start3A_189 : memref<64x128xf32, #tpu.memory_space<vmem_shared>>) target_semaphore(%run_scoped3A_185 : memref<!tpu.dma_semaphore, #tpu.memory_space<semaphore_mem>>)
      %dma_wait3A_190 = arith.constant 0 : i32
      %dma_wait3A_191 = tpu.memref_slice %arg10[%add3A_21, %dma_wait3A_190] : memref<10240x128xf32, #tpu.memory_space<vmem_shared>> -> memref<64x128xf32, #tpu.memory_space<vmem_shared>>
      %dma_wait3A_192 = arith.constant 0 : i32
      %dma_wait3A_193 = tpu.memref_slice %arg10[%add3A_21, %dma_wait3A_192] : memref<10240x128xf32, #tpu.memory_space<vmem_shared>> -> memref<64x128xf32, #tpu.memory_space<vmem_shared>>
      tpu.wait_dma2 semaphore(%run_scoped3A_185 : memref<!tpu.dma_semaphore, #tpu.memory_space<semaphore_mem>>) src(%arg8 : memref<64x128xf32, #tpu.memory_space<vmem>>) dst(%dma_wait3A_193 : memref<64x128xf32, #tpu.memory_space<vmem_shared>>)
      tpu.yield
    }) : () -> ()
    %add3A_22 = arith.constant 320 : i32
    %add3A_23 = arith.addi %mul3A_6, %add3A_22 : i32
    "tpu.region"() ({
      %run_scoped3A_185 = tpu.sem_alloc : memref<!tpu.dma_semaphore, #tpu.memory_space<semaphore_mem>>
      %dma_start3A_186 = arith.constant 0 : i32
      %dma_start3A_187 = tpu.memref_slice %arg10[%add3A_23, %dma_start3A_186] : memref<10240x128xf32, #tpu.memory_space<vmem_shared>> -> memref<64x128xf32, #tpu.memory_space<vmem_shared>>
      %dma_start3A_188 = arith.constant 0 : i32
      %dma_start3A_189 = tpu.memref_slice %arg10[%add3A_23, %dma_start3A_188] : memref<10240x128xf32, #tpu.memory_space<vmem_shared>> -> memref<64x128xf32, #tpu.memory_space<vmem_shared>>
      tpu.enqueue_dma source(%arg8 : memref<64x128xf32, #tpu.memory_space<vmem>>) target(%dma_start3A_189 : memref<64x128xf32, #tpu.memory_space<vmem_shared>>) target_semaphore(%run_scoped3A_185 : memref<!tpu.dma_semaphore, #tpu.memory_space<semaphore_mem>>)
      %dma_wait3A_190 = arith.constant 0 : i32
      %dma_wait3A_191 = tpu.memref_slice %arg10[%add3A_23, %dma_wait3A_190] : memref<10240x128xf32, #tpu.memory_space<vmem_shared>> -> memref<64x128xf32, #tpu.memory_space<vmem_shared>>
      %dma_wait3A_192 = arith.constant 0 : i32
      %dma_wait3A_193 = tpu.memref_slice %arg10[%add3A_23, %dma_wait3A_192] : memref<10240x128xf32, #tpu.memory_space<vmem_shared>> -> memref<64x128xf32, #tpu.memory_space<vmem_shared>>
      tpu.wait_dma2 semaphore(%run_scoped3A_185 : memref<!tpu.dma_semaphore, #tpu.memory_space<semaphore_mem>>) src(%arg8 : memref<64x128xf32, #tpu.memory_space<vmem>>) dst(%dma_wait3A_193 : memref<64x128xf32, #tpu.memory_space<vmem_shared>>)
      tpu.yield
    }) : () -> ()
    %add3A_24 = arith.constant 384 : i32
    %add3A_25 = arith.addi %mul3A_6, %add3A_24 : i32
    "tpu.region"() ({
      %run_scoped3A_185 = tpu.sem_alloc : memref<!tpu.dma_semaphore, #tpu.memory_space<semaphore_mem>>
      %dma_start3A_186 = arith.constant 0 : i32
      %dma_start3A_187 = tpu.memref_slice %arg10[%add3A_25, %dma_start3A_186] : memref<10240x128xf32, #tpu.memory_space<vmem_shared>> -> memref<64x128xf32, #tpu.memory_space<vmem_shared>>
      %dma_start3A_188 = arith.constant 0 : i32
      %dma_start3A_189 = tpu.memref_slice %arg10[%add3A_25, %dma_start3A_188] : memref<10240x128xf32, #tpu.memory_space<vmem_shared>> -> memref<64x128xf32, #tpu.memory_space<vmem_shared>>
      tpu.enqueue_dma source(%arg8 : memref<64x128xf32, #tpu.memory_space<vmem>>) target(%dma_start3A_189 : memref<64x128xf32, #tpu.memory_space<vmem_shared>>) target_semaphore(%run_scoped3A_185 : memref<!tpu.dma_semaphore, #tpu.memory_space<semaphore_mem>>)
      %dma_wait3A_190 = arith.constant 0 : i32
      %dma_wait3A_191 = tpu.memref_slice %arg10[%add3A_25, %dma_wait3A_190] : memref<10240x128xf32, #tpu.memory_space<vmem_shared>> -> memref<64x128xf32, #tpu.memory_space<vmem_shared>>
      %dma_wait3A_192 = arith.constant 0 : i32
      %dma_wait3A_193 = tpu.memref_slice %arg10[%add3A_25, %dma_wait3A_192] : memref<10240x128xf32, #tpu.memory_space<vmem_shared>> -> memref<64x128xf32, #tpu.memory_space<vmem_shared>>
      tpu.wait_dma2 semaphore(%run_scoped3A_185 : memref<!tpu.dma_semaphore, #tpu.memory_space<semaphore_mem>>) src(%arg8 : memref<64x128xf32, #tpu.memory_space<vmem>>) dst(%dma_wait3A_193 : memref<64x128xf32, #tpu.memory_space<vmem_shared>>)
      tpu.yield
    }) : () -> ()
    %add3A_26 = arith.constant 448 : i32
    %add3A_27 = arith.addi %mul3A_6, %add3A_26 : i32
    "tpu.region"() ({
      %run_scoped3A_185 = tpu.sem_alloc : memref<!tpu.dma_semaphore, #tpu.memory_space<semaphore_mem>>
      %dma_start3A_186 = arith.constant 0 : i32
      %dma_start3A_187 = tpu.memref_slice %arg10[%add3A_27, %dma_start3A_186] : memref<10240x128xf32, #tpu.memory_space<vmem_shared>> -> memref<64x128xf32, #tpu.memory_space<vmem_shared>>
      %dma_start3A_188 = arith.constant 0 : i32
      %dma_start3A_189 = tpu.memref_slice %arg10[%add3A_27, %dma_start3A_188] : memref<10240x128xf32, #tpu.memory_space<vmem_shared>> -> memref<64x128xf32, #tpu.memory_space<vmem_shared>>
      tpu.enqueue_dma source(%arg8 : memref<64x128xf32, #tpu.memory_space<vmem>>) target(%dma_start3A_189 : memref<64x128xf32, #tpu.memory_space<vmem_shared>>) target_semaphore(%run_scoped3A_185 : memref<!tpu.dma_semaphore, #tpu.memory_space<semaphore_mem>>)
      %dma_wait3A_190 = arith.constant 0 : i32
      %dma_wait3A_191 = tpu.memref_slice %arg10[%add3A_27, %dma_wait3A_190] : memref<10240x128xf32, #tpu.memory_space<vmem_shared>> -> memref<64x128xf32, #tpu.memory_space<vmem_shared>>
      %dma_wait3A_192 = arith.constant 0 : i32
      %dma_wait3A_193 = tpu.memref_slice %arg10[%add3A_27, %dma_wait3A_192] : memref<10240x128xf32, #tpu.memory_space<vmem_shared>> -> memref<64x128xf32, #tpu.memory_space<vmem_shared>>
      tpu.wait_dma2 semaphore(%run_scoped3A_185 : memref<!tpu.dma_semaphore, #tpu.memory_space<semaphore_mem>>) src(%arg8 : memref<64x128xf32, #tpu.memory_space<vmem>>) dst(%dma_wait3A_193 : memref<64x128xf32, #tpu.memory_space<vmem_shared>>)
      tpu.yield
    }) : () -> ()
    %add3A_28 = arith.constant 512 : i32
    %add3A_29 = arith.addi %mul3A_6, %add3A_28 : i32
    "tpu.region"() ({
      %run_scoped3A_185 = tpu.sem_alloc : memref<!tpu.dma_semaphore, #tpu.memory_space<semaphore_mem>>
      %dma_start3A_186 = arith.constant 0 : i32
      %dma_start3A_187 = tpu.memref_slice %arg10[%add3A_29, %dma_start3A_186] : memref<10240x128xf32, #tpu.memory_space<vmem_shared>> -> memref<64x128xf32, #tpu.memory_space<vmem_shared>>
      %dma_start3A_188 = arith.constant 0 : i32
      %dma_start3A_189 = tpu.memref_slice %arg10[%add3A_29, %dma_start3A_188] : memref<10240x128xf32, #tpu.memory_space<vmem_shared>> -> memref<64x128xf32, #tpu.memory_space<vmem_shared>>
      tpu.enqueue_dma source(%arg8 : memref<64x128xf32, #tpu.memory_space<vmem>>) target(%dma_start3A_189 : memref<64x128xf32, #tpu.memory_space<vmem_shared>>) target_semaphore(%run_scoped3A_185 : memref<!tpu.dma_semaphore, #tpu.memory_space<semaphore_mem>>)
      %dma_wait3A_190 = arith.constant 0 : i32
      %dma_wait3A_191 = tpu.memref_slice %arg10[%add3A_29, %dma_wait3A_190] : memref<10240x128xf32, #tpu.memory_space<vmem_shared>> -> memref<64x128xf32, #tpu.memory_space<vmem_shared>>
      %dma_wait3A_192 = arith.constant 0 : i32
      %dma_wait3A_193 = tpu.memref_slice %arg10[%add3A_29, %dma_wait3A_192] : memref<10240x128xf32, #tpu.memory_space<vmem_shared>> -> memref<64x128xf32, #tpu.memory_space<vmem_shared>>
      tpu.wait_dma2 semaphore(%run_scoped3A_185 : memref<!tpu.dma_semaphore, #tpu.memory_space<semaphore_mem>>) src(%arg8 : memref<64x128xf32, #tpu.memory_space<vmem>>) dst(%dma_wait3A_193 : memref<64x128xf32, #tpu.memory_space<vmem_shared>>)
      tpu.yield
    }) : () -> ()
    %add3A_30 = arith.constant 576 : i32
    %add3A_31 = arith.addi %mul3A_6, %add3A_30 : i32
    "tpu.region"() ({
      %run_scoped3A_185 = tpu.sem_alloc : memref<!tpu.dma_semaphore, #tpu.memory_space<semaphore_mem>>
      %dma_start3A_186 = arith.constant 0 : i32
      %dma_start3A_187 = tpu.memref_slice %arg10[%add3A_31, %dma_start3A_186] : memref<10240x128xf32, #tpu.memory_space<vmem_shared>> -> memref<64x128xf32, #tpu.memory_space<vmem_shared>>
      %dma_start3A_188 = arith.constant 0 : i32
      %dma_start3A_189 = tpu.memref_slice %arg10[%add3A_31, %dma_start3A_188] : memref<10240x128xf32, #tpu.memory_space<vmem_shared>> -> memref<64x128xf32, #tpu.memory_space<vmem_shared>>
      tpu.enqueue_dma source(%arg8 : memref<64x128xf32, #tpu.memory_space<vmem>>) target(%dma_start3A_189 : memref<64x128xf32, #tpu.memory_space<vmem_shared>>) target_semaphore(%run_scoped3A_185 : memref<!tpu.dma_semaphore, #tpu.memory_space<semaphore_mem>>)
      %dma_wait3A_190 = arith.constant 0 : i32
      %dma_wait3A_191 = tpu.memref_slice %arg10[%add3A_31, %dma_wait3A_190] : memref<10240x128xf32, #tpu.memory_space<vmem_shared>> -> memref<64x128xf32, #tpu.memory_space<vmem_shared>>
      %dma_wait3A_192 = arith.constant 0 : i32
      %dma_wait3A_193 = tpu.memref_slice %arg10[%add3A_31, %dma_wait3A_192] : memref<10240x128xf32, #tpu.memory_space<vmem_shared>> -> memref<64x128xf32, #tpu.memory_space<vmem_shared>>
      tpu.wait_dma2 semaphore(%run_scoped3A_185 : memref<!tpu.dma_semaphore, #tpu.memory_space<semaphore_mem>>) src(%arg8 : memref<64x128xf32, #tpu.memory_space<vmem>>) dst(%dma_wait3A_193 : memref<64x128xf32, #tpu.memory_space<vmem_shared>>)
      tpu.yield
    }) : () -> ()
    %barrier3A = arith.constant 0 : index
    tpu.barrier barrier_id(%barrier3A)
    %run_scoped3A = arith.constant 0 : i32
    "tpu.region"() ({
      %run_scoped3A_185 = tpu.sem_alloc : memref<!tpu.dma_semaphore, #tpu.memory_space<semaphore_mem>>
      %dma_start3A_186 = arith.constant 0 : i32
      %dma_start3A_187 = arith.constant 0 : i32
      %dma_start3A_188 = tpu.memref_slice %arg6[%run_scoped3A, %dma_start3A_186, %dma_start3A_187] : memref<2x8x64xi32, #tpu.memory_space<vmem>> -> memref<1x8x64xi32, #tpu.memory_space<vmem>>
      %dma_start3A_189 = tpu.memref_squeeze %dma_start3A_188 : memref<1x8x64xi32, #tpu.memory_space<vmem>> -> memref<8x64xi32, #tpu.memory_space<vmem>>
      %dma_start3A_190 = arith.constant 0 : i32
      %dma_start3A_191 = tpu.memref_slice %arg3[%mul3A_2, %dma_start3A_190] : memref<10240x64xi32, #tpu.memory_space<hbm>> -> memref<8x64xi32, #tpu.memory_space<hbm>>
      %dma_start3A_192 = arith.constant 0 : i32
      %dma_start3A_193 = arith.constant 0 : i32
      %dma_start3A_194 = tpu.memref_slice %arg6[%run_scoped3A, %dma_start3A_192, %dma_start3A_193] : memref<2x8x64xi32, #tpu.memory_space<vmem>> -> memref<1x8x64xi32, #tpu.memory_space<vmem>>
      %dma_start3A_195 = tpu.memref_squeeze %dma_start3A_194 : memref<1x8x64xi32, #tpu.memory_space<vmem>> -> memref<8x64xi32, #tpu.memory_space<vmem>>
      %dma_start3A_196 = arith.constant 0 : i32
      %dma_start3A_197 = tpu.memref_slice %arg3[%mul3A_2, %dma_start3A_196] : memref<10240x64xi32, #tpu.memory_space<hbm>> -> memref<8x64xi32, #tpu.memory_space<hbm>>
      tpu.enqueue_dma source(%dma_start3A_197 : memref<8x64xi32, #tpu.memory_space<hbm>>) target(%dma_start3A_195 : memref<8x64xi32, #tpu.memory_space<vmem>>) target_semaphore(%run_scoped3A_185 : memref<!tpu.dma_semaphore, #tpu.memory_space<semaphore_mem>>)
      %dma_wait3A_198 = arith.constant 0 : i32
      %dma_wait3A_199 = arith.constant 0 : i32
      %dma_wait3A_200 = tpu.memref_slice %arg6[%run_scoped3A, %dma_wait3A_198, %dma_wait3A_199] : memref<2x8x64xi32, #tpu.memory_space<vmem>> -> memref<1x8x64xi32, #tpu.memory_space<vmem>>
      %dma_wait3A_201 = tpu.memref_squeeze %dma_wait3A_200 : memref<1x8x64xi32, #tpu.memory_space<vmem>> -> memref<8x64xi32, #tpu.memory_space<vmem>>
      %dma_wait3A_202 = arith.constant 0 : i32
      %dma_wait3A_203 = tpu.memref_slice %arg3[%mul3A_2, %dma_wait3A_202] : memref<10240x64xi32, #tpu.memory_space<hbm>> -> memref<8x64xi32, #tpu.memory_space<hbm>>
      %dma_wait3A_204 = arith.constant 0 : i32
      %dma_wait3A_205 = arith.constant 0 : i32
      %dma_wait3A_206 = tpu.memref_slice %arg6[%run_scoped3A, %dma_wait3A_204, %dma_wait3A_205] : memref<2x8x64xi32, #tpu.memory_space<vmem>> -> memref<1x8x64xi32, #tpu.memory_space<vmem>>
      %dma_wait3A_207 = tpu.memref_squeeze %dma_wait3A_206 : memref<1x8x64xi32, #tpu.memory_space<vmem>> -> memref<8x64xi32, #tpu.memory_space<vmem>>
      %dma_wait3A_208 = arith.constant 0 : i32
      %dma_wait3A_209 = tpu.memref_slice %arg3[%mul3A_2, %dma_wait3A_208] : memref<10240x64xi32, #tpu.memory_space<hbm>> -> memref<8x64xi32, #tpu.memory_space<hbm>>
      tpu.wait_dma2 semaphore(%run_scoped3A_185 : memref<!tpu.dma_semaphore, #tpu.memory_space<semaphore_mem>>) src(%dma_wait3A_209 : memref<8x64xi32, #tpu.memory_space<hbm>>) dst(%dma_wait3A_207 : memref<8x64xi32, #tpu.memory_space<vmem>>)
      tpu.yield
    }) : () -> ()
    %run_scoped3A_32 = arith.constant 0 : i32
    "tpu.region"() ({
      %run_scoped3A_185 = tpu.sem_alloc : memref<!tpu.dma_semaphore, #tpu.memory_space<semaphore_mem>>
      %dma_start3A_186 = arith.constant 0 : i32
      %dma_start3A_187 = arith.constant 0 : i32
      %dma_start3A_188 = tpu.memref_slice %arg7[%run_scoped3A_32, %dma_start3A_186, %dma_start3A_187] : memref<2x8x64xi32, #tpu.memory_space<vmem>> -> memref<1x8x64xi32, #tpu.memory_space<vmem>>
      %dma_start3A_189 = tpu.memref_squeeze %dma_start3A_188 : memref<1x8x64xi32, #tpu.memory_space<vmem>> -> memref<8x64xi32, #tpu.memory_space<vmem>>
      %dma_start3A_190 = arith.constant 0 : i32
      %dma_start3A_191 = tpu.memref_slice %arg4[%mul3A_4, %dma_start3A_190] : memref<5120x64xi32, #tpu.memory_space<hbm>> -> memref<8x64xi32, #tpu.memory_space<hbm>>
      %dma_start3A_192 = arith.constant 0 : i32
      %dma_start3A_193 = arith.constant 0 : i32
      %dma_start3A_194 = tpu.memref_slice %arg7[%run_scoped3A_32, %dma_start3A_192, %dma_start3A_193] : memref<2x8x64xi32, #tpu.memory_space<vmem>> -> memref<1x8x64xi32, #tpu.memory_space<vmem>>
      %dma_start3A_195 = tpu.memref_squeeze %dma_start3A_194 : memref<1x8x64xi32, #tpu.memory_space<vmem>> -> memref<8x64xi32, #tpu.memory_space<vmem>>
      %dma_start3A_196 = arith.constant 0 : i32
      %dma_start3A_197 = tpu.memref_slice %arg4[%mul3A_4, %dma_start3A_196] : memref<5120x64xi32, #tpu.memory_space<hbm>> -> memref<8x64xi32, #tpu.memory_space<hbm>>
      tpu.enqueue_dma source(%dma_start3A_197 : memref<8x64xi32, #tpu.memory_space<hbm>>) target(%dma_start3A_195 : memref<8x64xi32, #tpu.memory_space<vmem>>) target_semaphore(%run_scoped3A_185 : memref<!tpu.dma_semaphore, #tpu.memory_space<semaphore_mem>>)
      %dma_wait3A_198 = arith.constant 0 : i32
      %dma_wait3A_199 = arith.constant 0 : i32
      %dma_wait3A_200 = tpu.memref_slice %arg7[%run_scoped3A_32, %dma_wait3A_198, %dma_wait3A_199] : memref<2x8x64xi32, #tpu.memory_space<vmem>> -> memref<1x8x64xi32, #tpu.memory_space<vmem>>
      %dma_wait3A_201 = tpu.memref_squeeze %dma_wait3A_200 : memref<1x8x64xi32, #tpu.memory_space<vmem>> -> memref<8x64xi32, #tpu.memory_space<vmem>>
      %dma_wait3A_202 = arith.constant 0 : i32
      %dma_wait3A_203 = tpu.memref_slice %arg4[%mul3A_4, %dma_wait3A_202] : memref<5120x64xi32, #tpu.memory_space<hbm>> -> memref<8x64xi32, #tpu.memory_space<hbm>>
      %dma_wait3A_204 = arith.constant 0 : i32
      %dma_wait3A_205 = arith.constant 0 : i32
      %dma_wait3A_206 = tpu.memref_slice %arg7[%run_scoped3A_32, %dma_wait3A_204, %dma_wait3A_205] : memref<2x8x64xi32, #tpu.memory_space<vmem>> -> memref<1x8x64xi32, #tpu.memory_space<vmem>>
      %dma_wait3A_207 = tpu.memref_squeeze %dma_wait3A_206 : memref<1x8x64xi32, #tpu.memory_space<vmem>> -> memref<8x64xi32, #tpu.memory_space<vmem>>
      %dma_wait3A_208 = arith.constant 0 : i32
      %dma_wait3A_209 = tpu.memref_slice %arg4[%mul3A_4, %dma_wait3A_208] : memref<5120x64xi32, #tpu.memory_space<hbm>> -> memref<8x64xi32, #tpu.memory_space<hbm>>
      tpu.wait_dma2 semaphore(%run_scoped3A_185 : memref<!tpu.dma_semaphore, #tpu.memory_space<semaphore_mem>>) src(%dma_wait3A_209 : memref<8x64xi32, #tpu.memory_space<hbm>>) dst(%dma_wait3A_207 : memref<8x64xi32, #tpu.memory_space<vmem>>)
      tpu.yield
    }) : () -> ()
    %dma_start3A = arith.constant 0 : i32
    %dma_start3A_33 = arith.constant 0 : i32
    %dma_start3A_34 = arith.constant 0 : i32
    %dma_start3A_35 = tpu.memref_slice %arg6[%dma_start3A, %dma_start3A_33, %dma_start3A_34] : memref<2x8x64xi32, #tpu.memory_space<vmem>> -> memref<1x1x64xi32, #tpu.memory_space<vmem>>
    %dma_start3A_36 = tpu.memref_squeeze %dma_start3A_35 : memref<1x1x64xi32, #tpu.memory_space<vmem>> -> memref<64xi32, #tpu.memory_space<vmem>>
    %dma_start3A_37 = arith.constant 0 : i32
    %dma_start3A_38 = arith.constant 0 : i32
    %dma_start3A_39 = tpu.memref_slice %arg2[%dma_start3A_37, %dma_start3A_38] : memref<20480x128xf32, #tpu.memory_space<hbm>> -> memref<20480x128xf32, #tpu.memory_space<hbm>>
    tpu.enqueue_indirect_dma source(%dma_start3A_39 : memref<20480x128xf32, #tpu.memory_space<hbm>>) target(%arg8 : memref<64x128xf32, #tpu.memory_space<vmem>>) offsets(%dma_start3A_36 : memref<64xi32, #tpu.memory_space<vmem>>) semaphore(%arg11 : memref<!tpu.dma_semaphore, #tpu.memory_space<semaphore_mem>>)
    %scan3A_40 = arith.constant 0 : i32
    %scan3A_41 = arith.constant 0 : i32
    %scan3A_42 = arith.constant 39 : i32
    %scan3A_43 = arith.addi %scan3A_41, %scan3A_42 : i32
    %scan3A_44 = arith.constant 1 : i32
    scf.for %scan3A_185 = %scan3A_41 to %scan3A_43 step %scan3A_44  : i32 {
      %jit3A = arith.constant 2 : i32
      %eq3A = arith.constant 0 : i32
      %eq3A_186 = arith.cmpi eq, %jit3A, %eq3A : i32
      %jit3A_187 = arith.constant 1 : i32
      %select_n3A = arith.select %eq3A_186, %jit3A_187, %jit3A : i32
      %rem3A = arith.remsi %scan3A_185, %select_n3A : i32
      %ne3A = arith.constant 0 : i32
      %ne3A_188 = arith.cmpi ne, %rem3A, %ne3A : i32
      %lt3A = arith.constant 0 : i32
      %lt3A_189 = arith.cmpi slt, %rem3A, %lt3A : i32
      %lt3A_190 = arith.constant 0 : i32
      %lt3A_191 = arith.cmpi slt, %select_n3A, %lt3A_190 : i32
      %ne3A_192 = arith.xori %lt3A_189, %lt3A_191 : i1
      %and3A = arith.andi %ne3A_192, %ne3A_188 : i1
      %add3A_193 = arith.addi %rem3A, %select_n3A : i32
      %select_n3A_194 = arith.select %and3A, %add3A_193, %rem3A : i32
      %sub3A = arith.constant 1 : i32
      %sub3A_195 = arith.subi %sub3A, %select_n3A_194 : i32
      %mul3A_196 = arith.constant 8 : i32
      %mul3A_197 = arith.muli %mul3A_196, %scan3A_185 : i32
      %add3A_198 = arith.addi %mul3A_2, %mul3A_197 : i32
      %add3A_199 = arith.constant 8 : i32
      %add3A_200 = arith.addi %add3A_198, %add3A_199 : i32
      %dma_start3A_201 = arith.constant 0 : i32
      %dma_start3A_202 = arith.constant 0 : i32
      %dma_start3A_203 = tpu.memref_slice %arg6[%sub3A_195, %dma_start3A_201, %dma_start3A_202] : memref<2x8x64xi32, #tpu.memory_space<vmem>> -> memref<1x8x64xi32, #tpu.memory_space<vmem>>
      %dma_start3A_204 = tpu.memref_squeeze %dma_start3A_203 : memref<1x8x64xi32, #tpu.memory_space<vmem>> -> memref<8x64xi32, #tpu.memory_space<vmem>>
      %dma_start3A_205 = arith.constant 0 : i32
      %dma_start3A_206 = tpu.memref_slice %arg3[%add3A_200, %dma_start3A_205] : memref<10240x64xi32, #tpu.memory_space<hbm>> -> memref<8x64xi32, #tpu.memory_space<hbm>>
      %dma_start3A_207 = arith.constant 0 : i32
      %dma_start3A_208 = arith.constant 0 : i32
      %dma_start3A_209 = tpu.memref_slice %arg6[%sub3A_195, %dma_start3A_207, %dma_start3A_208] : memref<2x8x64xi32, #tpu.memory_space<vmem>> -> memref<1x8x64xi32, #tpu.memory_space<vmem>>
      %dma_start3A_210 = tpu.memref_squeeze %dma_start3A_209 : memref<1x8x64xi32, #tpu.memory_space<vmem>> -> memref<8x64xi32, #tpu.memory_space<vmem>>
      %dma_start3A_211 = arith.constant 0 : i32
      %dma_start3A_212 = tpu.memref_slice %arg3[%add3A_200, %dma_start3A_211] : memref<10240x64xi32, #tpu.memory_space<hbm>> -> memref<8x64xi32, #tpu.memory_space<hbm>>
      tpu.enqueue_dma source(%dma_start3A_212 : memref<8x64xi32, #tpu.memory_space<hbm>>) target(%dma_start3A_210 : memref<8x64xi32, #tpu.memory_space<vmem>>) target_semaphore(%arg13 : memref<!tpu.dma_semaphore, #tpu.memory_space<semaphore_mem>>)
      %mul3A_213 = arith.constant 8 : i32
      %mul3A_214 = arith.muli %mul3A_213, %scan3A_185 : i32
      %add3A_215 = arith.addi %mul3A_4, %mul3A_214 : i32
      %add3A_216 = arith.constant 8 : i32
      %add3A_217 = arith.addi %add3A_215, %add3A_216 : i32
      %dma_start3A_218 = arith.constant 0 : i32
      %dma_start3A_219 = arith.constant 0 : i32
      %dma_start3A_220 = tpu.memref_slice %arg7[%sub3A_195, %dma_start3A_218, %dma_start3A_219] : memref<2x8x64xi32, #tpu.memory_space<vmem>> -> memref<1x8x64xi32, #tpu.memory_space<vmem>>
      %dma_start3A_221 = tpu.memref_squeeze %dma_start3A_220 : memref<1x8x64xi32, #tpu.memory_space<vmem>> -> memref<8x64xi32, #tpu.memory_space<vmem>>
      %dma_start3A_222 = arith.constant 0 : i32
      %dma_start3A_223 = tpu.memref_slice %arg4[%add3A_217, %dma_start3A_222] : memref<5120x64xi32, #tpu.memory_space<hbm>> -> memref<8x64xi32, #tpu.memory_space<hbm>>
      %dma_start3A_224 = arith.constant 0 : i32
      %dma_start3A_225 = arith.constant 0 : i32
      %dma_start3A_226 = tpu.memref_slice %arg7[%sub3A_195, %dma_start3A_224, %dma_start3A_225] : memref<2x8x64xi32, #tpu.memory_space<vmem>> -> memref<1x8x64xi32, #tpu.memory_space<vmem>>
      %dma_start3A_227 = tpu.memref_squeeze %dma_start3A_226 : memref<1x8x64xi32, #tpu.memory_space<vmem>> -> memref<8x64xi32, #tpu.memory_space<vmem>>
      %dma_start3A_228 = arith.constant 0 : i32
      %dma_start3A_229 = tpu.memref_slice %arg4[%add3A_217, %dma_start3A_228] : memref<5120x64xi32, #tpu.memory_space<hbm>> -> memref<8x64xi32, #tpu.memory_space<hbm>>
      tpu.enqueue_dma source(%dma_start3A_229 : memref<8x64xi32, #tpu.memory_space<hbm>>) target(%dma_start3A_227 : memref<8x64xi32, #tpu.memory_space<vmem>>) target_semaphore(%arg14 : memref<!tpu.dma_semaphore, #tpu.memory_space<semaphore_mem>>)
      %dma_wait3A_230 = arith.constant 0 : i32
      %dma_wait3A_231 = arith.constant 0 : i32
      %dma_wait3A_232 = tpu.memref_slice %arg6[%select_n3A_194, %dma_wait3A_230, %dma_wait3A_231] : memref<2x8x64xi32, #tpu.memory_space<vmem>> -> memref<1x1x64xi32, #tpu.memory_space<vmem>>
      %dma_wait3A_233 = tpu.memref_squeeze %dma_wait3A_232 : memref<1x1x64xi32, #tpu.memory_space<vmem>> -> memref<64xi32, #tpu.memory_space<vmem>>
      %dma_wait3A_234 = arith.constant 0 : i32
      %dma_wait3A_235 = arith.constant 0 : i32
      %dma_wait3A_236 = tpu.memref_slice %arg2[%dma_wait3A_234, %dma_wait3A_235] : memref<20480x128xf32, #tpu.memory_space<hbm>> -> memref<20480x128xf32, #tpu.memory_space<hbm>>
      tpu.wait_indirect_dma semaphore(%arg11 : memref<!tpu.dma_semaphore, #tpu.memory_space<semaphore_mem>>) src(%dma_wait3A_236 : memref<20480x128xf32, #tpu.memory_space<hbm>>) dst(%arg8 : memref<64x128xf32, #tpu.memory_space<vmem>>)
      %dma_start3A_237 = arith.constant 1 : i32
      %dma_start3A_238 = arith.constant 0 : i32
      %dma_start3A_239 = tpu.memref_slice %arg6[%select_n3A_194, %dma_start3A_237, %dma_start3A_238] : memref<2x8x64xi32, #tpu.memory_space<vmem>> -> memref<1x1x64xi32, #tpu.memory_space<vmem>>
      %dma_start3A_240 = tpu.memref_squeeze %dma_start3A_239 : memref<1x1x64xi32, #tpu.memory_space<vmem>> -> memref<64xi32, #tpu.memory_space<vmem>>
      %dma_start3A_241 = arith.constant 0 : i32
      %dma_start3A_242 = arith.constant 0 : i32
      %dma_start3A_243 = tpu.memref_slice %arg2[%dma_start3A_241, %dma_start3A_242] : memref<20480x128xf32, #tpu.memory_space<hbm>> -> memref<20480x128xf32, #tpu.memory_space<hbm>>
      tpu.enqueue_indirect_dma source(%dma_start3A_243 : memref<20480x128xf32, #tpu.memory_space<hbm>>) target(%arg9 : memref<64x128xf32, #tpu.memory_space<vmem>>) offsets(%dma_start3A_240 : memref<64xi32, #tpu.memory_space<vmem>>) semaphore(%arg12 : memref<!tpu.dma_semaphore, #tpu.memory_space<semaphore_mem>>)
      %run_scoped3A_244 = arith.constant 0 : i32
      "tpu.region"() ({
        %run_scoped3A_384 = tpu.sem_alloc : memref<!tpu.dma_semaphore, #tpu.memory_space<semaphore_mem>>
        %dma_start3A_385 = arith.constant 0 : i32
        %dma_start3A_386 = tpu.memref_slice %arg7[%select_n3A_194, %run_scoped3A_244, %dma_start3A_385] : memref<2x8x64xi32, #tpu.memory_space<vmem>> -> memref<1x1x64xi32, #tpu.memory_space<vmem>>
        %dma_start3A_387 = tpu.memref_squeeze %dma_start3A_386 : memref<1x1x64xi32, #tpu.memory_space<vmem>> -> memref<64xi32, #tpu.memory_space<vmem>>
        %dma_start3A_388 = arith.constant 0 : i32
        %dma_start3A_389 = arith.constant 0 : i32
        %dma_start3A_390 = tpu.memref_slice %arg10[%dma_start3A_388, %dma_start3A_389] : memref<10240x128xf32, #tpu.memory_space<vmem_shared>> -> memref<10240x128xf32, #tpu.memory_space<vmem_shared>>
        tpu.enqueue_indirect_dma source(%arg8 : memref<64x128xf32, #tpu.memory_space<vmem>>) target(%dma_start3A_390 : memref<10240x128xf32, #tpu.memory_space<vmem_shared>>) offsets(%dma_start3A_387 : memref<64xi32, #tpu.memory_space<vmem>>) semaphore(%run_scoped3A_384 : memref<!tpu.dma_semaphore, #tpu.memory_space<semaphore_mem>>) {add = true}
        %dma_wait3A_391 = arith.constant 0 : i32
        %dma_wait3A_392 = tpu.memref_slice %arg7[%select_n3A_194, %run_scoped3A_244, %dma_wait3A_391] : memref<2x8x64xi32, #tpu.memory_space<vmem>> -> memref<1x1x64xi32, #tpu.memory_space<vmem>>
        %dma_wait3A_393 = tpu.memref_squeeze %dma_wait3A_392 : memref<1x1x64xi32, #tpu.memory_space<vmem>> -> memref<64xi32, #tpu.memory_space<vmem>>
        %dma_wait3A_394 = arith.constant 0 : i32
        %dma_wait3A_395 = arith.constant 0 : i32
        %dma_wait3A_396 = tpu.memref_slice %arg10[%dma_wait3A_394, %dma_wait3A_395] : memref<10240x128xf32, #tpu.memory_space<vmem_shared>> -> memref<10240x128xf32, #tpu.memory_space<vmem_shared>>
        tpu.wait_indirect_dma semaphore(%run_scoped3A_384 : memref<!tpu.dma_semaphore, #tpu.memory_space<semaphore_mem>>) src(%arg8 : memref<64x128xf32, #tpu.memory_space<vmem>>) dst(%dma_wait3A_396 : memref<10240x128xf32, #tpu.memory_space<vmem_shared>>)
        tpu.yield
      }) : () -> ()
      %dma_wait3A_245 = arith.constant 1 : i32
      %dma_wait3A_246 = arith.constant 0 : i32
      %dma_wait3A_247 = tpu.memref_slice %arg6[%select_n3A_194, %dma_wait3A_245, %dma_wait3A_246] : memref<2x8x64xi32, #tpu.memory_space<vmem>> -> memref<1x1x64xi32, #tpu.memory_space<vmem>>
      %dma_wait3A_248 = tpu.memref_squeeze %dma_wait3A_247 : memref<1x1x64xi32, #tpu.memory_space<vmem>> -> memref<64xi32, #tpu.memory_space<vmem>>
      %dma_wait3A_249 = arith.constant 0 : i32
      %dma_wait3A_250 = arith.constant 0 : i32
      %dma_wait3A_251 = tpu.memref_slice %arg2[%dma_wait3A_249, %dma_wait3A_250] : memref<20480x128xf32, #tpu.memory_space<hbm>> -> memref<20480x128xf32, #tpu.memory_space<hbm>>
      tpu.wait_indirect_dma semaphore(%arg12 : memref<!tpu.dma_semaphore, #tpu.memory_space<semaphore_mem>>) src(%dma_wait3A_251 : memref<20480x128xf32, #tpu.memory_space<hbm>>) dst(%arg9 : memref<64x128xf32, #tpu.memory_space<vmem>>)
      %dma_start3A_252 = arith.constant 2 : i32
      %dma_start3A_253 = arith.constant 0 : i32
      %dma_start3A_254 = tpu.memref_slice %arg6[%select_n3A_194, %dma_start3A_252, %dma_start3A_253] : memref<2x8x64xi32, #tpu.memory_space<vmem>> -> memref<1x1x64xi32, #tpu.memory_space<vmem>>
      %dma_start3A_255 = tpu.memref_squeeze %dma_start3A_254 : memref<1x1x64xi32, #tpu.memory_space<vmem>> -> memref<64xi32, #tpu.memory_space<vmem>>
      %dma_start3A_256 = arith.constant 0 : i32
      %dma_start3A_257 = arith.constant 0 : i32
      %dma_start3A_258 = tpu.memref_slice %arg2[%dma_start3A_256, %dma_start3A_257] : memref<20480x128xf32, #tpu.memory_space<hbm>> -> memref<20480x128xf32, #tpu.memory_space<hbm>>
      tpu.enqueue_indirect_dma source(%dma_start3A_258 : memref<20480x128xf32, #tpu.memory_space<hbm>>) target(%arg8 : memref<64x128xf32, #tpu.memory_space<vmem>>) offsets(%dma_start3A_255 : memref<64xi32, #tpu.memory_space<vmem>>) semaphore(%arg11 : memref<!tpu.dma_semaphore, #tpu.memory_space<semaphore_mem>>)
      %run_scoped3A_259 = arith.constant 1 : i32
      "tpu.region"() ({
        %run_scoped3A_384 = tpu.sem_alloc : memref<!tpu.dma_semaphore, #tpu.memory_space<semaphore_mem>>
        %dma_start3A_385 = arith.constant 0 : i32
        %dma_start3A_386 = tpu.memref_slice %arg7[%select_n3A_194, %run_scoped3A_259, %dma_start3A_385] : memref<2x8x64xi32, #tpu.memory_space<vmem>> -> memref<1x1x64xi32, #tpu.memory_space<vmem>>
        %dma_start3A_387 = tpu.memref_squeeze %dma_start3A_386 : memref<1x1x64xi32, #tpu.memory_space<vmem>> -> memref<64xi32, #tpu.memory_space<vmem>>
        %dma_start3A_388 = arith.constant 0 : i32
        %dma_start3A_389 = arith.constant 0 : i32
        %dma_start3A_390 = tpu.memref_slice %arg10[%dma_start3A_388, %dma_start3A_389] : memref<10240x128xf32, #tpu.memory_space<vmem_shared>> -> memref<10240x128xf32, #tpu.memory_space<vmem_shared>>
        tpu.enqueue_indirect_dma source(%arg9 : memref<64x128xf32, #tpu.memory_space<vmem>>) target(%dma_start3A_390 : memref<10240x128xf32, #tpu.memory_space<vmem_shared>>) offsets(%dma_start3A_387 : memref<64xi32, #tpu.memory_space<vmem>>) semaphore(%run_scoped3A_384 : memref<!tpu.dma_semaphore, #tpu.memory_space<semaphore_mem>>) {add = true}
        %dma_wait3A_391 = arith.constant 0 : i32
        %dma_wait3A_392 = tpu.memref_slice %arg7[%select_n3A_194, %run_scoped3A_259, %dma_wait3A_391] : memref<2x8x64xi32, #tpu.memory_space<vmem>> -> memref<1x1x64xi32, #tpu.memory_space<vmem>>
        %dma_wait3A_393 = tpu.memref_squeeze %dma_wait3A_392 : memref<1x1x64xi32, #tpu.memory_space<vmem>> -> memref<64xi32, #tpu.memory_space<vmem>>
        %dma_wait3A_394 = arith.constant 0 : i32
        %dma_wait3A_395 = arith.constant 0 : i32
        %dma_wait3A_396 = tpu.memref_slice %arg10[%dma_wait3A_394, %dma_wait3A_395] : memref<10240x128xf32, #tpu.memory_space<vmem_shared>> -> memref<10240x128xf32, #tpu.memory_space<vmem_shared>>
        tpu.wait_indirect_dma semaphore(%run_scoped3A_384 : memref<!tpu.dma_semaphore, #tpu.memory_space<semaphore_mem>>) src(%arg9 : memref<64x128xf32, #tpu.memory_space<vmem>>) dst(%dma_wait3A_396 : memref<10240x128xf32, #tpu.memory_space<vmem_shared>>)
        tpu.yield
      }) : () -> ()
      %dma_wait3A_260 = arith.constant 2 : i32
      %dma_wait3A_261 = arith.constant 0 : i32
      %dma_wait3A_262 = tpu.memref_slice %arg6[%select_n3A_194, %dma_wait3A_260, %dma_wait3A_261] : memref<2x8x64xi32, #tpu.memory_space<vmem>> -> memref<1x1x64xi32, #tpu.memory_space<vmem>>
      %dma_wait3A_263 = tpu.memref_squeeze %dma_wait3A_262 : memref<1x1x64xi32, #tpu.memory_space<vmem>> -> memref<64xi32, #tpu.memory_space<vmem>>
      %dma_wait3A_264 = arith.constant 0 : i32
      %dma_wait3A_265 = arith.constant 0 : i32
      %dma_wait3A_266 = tpu.memref_slice %arg2[%dma_wait3A_264, %dma_wait3A_265] : memref<20480x128xf32, #tpu.memory_space<hbm>> -> memref<20480x128xf32, #tpu.memory_space<hbm>>
      tpu.wait_indirect_dma semaphore(%arg11 : memref<!tpu.dma_semaphore, #tpu.memory_space<semaphore_mem>>) src(%dma_wait3A_266 : memref<20480x128xf32, #tpu.memory_space<hbm>>) dst(%arg8 : memref<64x128xf32, #tpu.memory_space<vmem>>)
      %dma_start3A_267 = arith.constant 3 : i32
      %dma_start3A_268 = arith.constant 0 : i32
      %dma_start3A_269 = tpu.memref_slice %arg6[%select_n3A_194, %dma_start3A_267, %dma_start3A_268] : memref<2x8x64xi32, #tpu.memory_space<vmem>> -> memref<1x1x64xi32, #tpu.memory_space<vmem>>
      %dma_start3A_270 = tpu.memref_squeeze %dma_start3A_269 : memref<1x1x64xi32, #tpu.memory_space<vmem>> -> memref<64xi32, #tpu.memory_space<vmem>>
      %dma_start3A_271 = arith.constant 0 : i32
      %dma_start3A_272 = arith.constant 0 : i32
      %dma_start3A_273 = tpu.memref_slice %arg2[%dma_start3A_271, %dma_start3A_272] : memref<20480x128xf32, #tpu.memory_space<hbm>> -> memref<20480x128xf32, #tpu.memory_space<hbm>>
      tpu.enqueue_indirect_dma source(%dma_start3A_273 : memref<20480x128xf32, #tpu.memory_space<hbm>>) target(%arg9 : memref<64x128xf32, #tpu.memory_space<vmem>>) offsets(%dma_start3A_270 : memref<64xi32, #tpu.memory_space<vmem>>) semaphore(%arg12 : memref<!tpu.dma_semaphore, #tpu.memory_space<semaphore_mem>>)
      %run_scoped3A_274 = arith.constant 2 : i32
      "tpu.region"() ({
        %run_scoped3A_384 = tpu.sem_alloc : memref<!tpu.dma_semaphore, #tpu.memory_space<semaphore_mem>>
        %dma_start3A_385 = arith.constant 0 : i32
        %dma_start3A_386 = tpu.memref_slice %arg7[%select_n3A_194, %run_scoped3A_274, %dma_start3A_385] : memref<2x8x64xi32, #tpu.memory_space<vmem>> -> memref<1x1x64xi32, #tpu.memory_space<vmem>>
        %dma_start3A_387 = tpu.memref_squeeze %dma_start3A_386 : memref<1x1x64xi32, #tpu.memory_space<vmem>> -> memref<64xi32, #tpu.memory_space<vmem>>
        %dma_start3A_388 = arith.constant 0 : i32
        %dma_start3A_389 = arith.constant 0 : i32
        %dma_start3A_390 = tpu.memref_slice %arg10[%dma_start3A_388, %dma_start3A_389] : memref<10240x128xf32, #tpu.memory_space<vmem_shared>> -> memref<10240x128xf32, #tpu.memory_space<vmem_shared>>
        tpu.enqueue_indirect_dma source(%arg8 : memref<64x128xf32, #tpu.memory_space<vmem>>) target(%dma_start3A_390 : memref<10240x128xf32, #tpu.memory_space<vmem_shared>>) offsets(%dma_start3A_387 : memref<64xi32, #tpu.memory_space<vmem>>) semaphore(%run_scoped3A_384 : memref<!tpu.dma_semaphore, #tpu.memory_space<semaphore_mem>>) {add = true}
        %dma_wait3A_391 = arith.constant 0 : i32
        %dma_wait3A_392 = tpu.memref_slice %arg7[%select_n3A_194, %run_scoped3A_274, %dma_wait3A_391] : memref<2x8x64xi32, #tpu.memory_space<vmem>> -> memref<1x1x64xi32, #tpu.memory_space<vmem>>
        %dma_wait3A_393 = tpu.memref_squeeze %dma_wait3A_392 : memref<1x1x64xi32, #tpu.memory_space<vmem>> -> memref<64xi32, #tpu.memory_space<vmem>>
        %dma_wait3A_394 = arith.constant 0 : i32
        %dma_wait3A_395 = arith.constant 0 : i32
        %dma_wait3A_396 = tpu.memref_slice %arg10[%dma_wait3A_394, %dma_wait3A_395] : memref<10240x128xf32, #tpu.memory_space<vmem_shared>> -> memref<10240x128xf32, #tpu.memory_space<vmem_shared>>
        tpu.wait_indirect_dma semaphore(%run_scoped3A_384 : memref<!tpu.dma_semaphore, #tpu.memory_space<semaphore_mem>>) src(%arg8 : memref<64x128xf32, #tpu.memory_space<vmem>>) dst(%dma_wait3A_396 : memref<10240x128xf32, #tpu.memory_space<vmem_shared>>)
        tpu.yield
      }) : () -> ()
      %dma_wait3A_275 = arith.constant 3 : i32
      %dma_wait3A_276 = arith.constant 0 : i32
      %dma_wait3A_277 = tpu.memref_slice %arg6[%select_n3A_194, %dma_wait3A_275, %dma_wait3A_276] : memref<2x8x64xi32, #tpu.memory_space<vmem>> -> memref<1x1x64xi32, #tpu.memory_space<vmem>>
      %dma_wait3A_278 = tpu.memref_squeeze %dma_wait3A_277 : memref<1x1x64xi32, #tpu.memory_space<vmem>> -> memref<64xi32, #tpu.memory_space<vmem>>
      %dma_wait3A_279 = arith.constant 0 : i32
      %dma_wait3A_280 = arith.constant 0 : i32
      %dma_wait3A_281 = tpu.memref_slice %arg2[%dma_wait3A_279, %dma_wait3A_280] : memref<20480x128xf32, #tpu.memory_space<hbm>> -> memref<20480x128xf32, #tpu.memory_space<hbm>>
      tpu.wait_indirect_dma semaphore(%arg12 : memref<!tpu.dma_semaphore, #tpu.memory_space<semaphore_mem>>) src(%dma_wait3A_281 : memref<20480x128xf32, #tpu.memory_space<hbm>>) dst(%arg9 : memref<64x128xf32, #tpu.memory_space<vmem>>)
      %dma_start3A_282 = arith.constant 4 : i32
      %dma_start3A_283 = arith.constant 0 : i32
      %dma_start3A_284 = tpu.memref_slice %arg6[%select_n3A_194, %dma_start3A_282, %dma_start3A_283] : memref<2x8x64xi32, #tpu.memory_space<vmem>> -> memref<1x1x64xi32, #tpu.memory_space<vmem>>
      %dma_start3A_285 = tpu.memref_squeeze %dma_start3A_284 : memref<1x1x64xi32, #tpu.memory_space<vmem>> -> memref<64xi32, #tpu.memory_space<vmem>>
      %dma_start3A_286 = arith.constant 0 : i32
      %dma_start3A_287 = arith.constant 0 : i32
      %dma_start3A_288 = tpu.memref_slice %arg2[%dma_start3A_286, %dma_start3A_287] : memref<20480x128xf32, #tpu.memory_space<hbm>> -> memref<20480x128xf32, #tpu.memory_space<hbm>>
      tpu.enqueue_indirect_dma source(%dma_start3A_288 : memref<20480x128xf32, #tpu.memory_space<hbm>>) target(%arg8 : memref<64x128xf32, #tpu.memory_space<vmem>>) offsets(%dma_start3A_285 : memref<64xi32, #tpu.memory_space<vmem>>) semaphore(%arg11 : memref<!tpu.dma_semaphore, #tpu.memory_space<semaphore_mem>>)
      %run_scoped3A_289 = arith.constant 3 : i32
      "tpu.region"() ({
        %run_scoped3A_384 = tpu.sem_alloc : memref<!tpu.dma_semaphore, #tpu.memory_space<semaphore_mem>>
        %dma_start3A_385 = arith.constant 0 : i32
        %dma_start3A_386 = tpu.memref_slice %arg7[%select_n3A_194, %run_scoped3A_289, %dma_start3A_385] : memref<2x8x64xi32, #tpu.memory_space<vmem>> -> memref<1x1x64xi32, #tpu.memory_space<vmem>>
        %dma_start3A_387 = tpu.memref_squeeze %dma_start3A_386 : memref<1x1x64xi32, #tpu.memory_space<vmem>> -> memref<64xi32, #tpu.memory_space<vmem>>
        %dma_start3A_388 = arith.constant 0 : i32
        %dma_start3A_389 = arith.constant 0 : i32
        %dma_start3A_390 = tpu.memref_slice %arg10[%dma_start3A_388, %dma_start3A_389] : memref<10240x128xf32, #tpu.memory_space<vmem_shared>> -> memref<10240x128xf32, #tpu.memory_space<vmem_shared>>
        tpu.enqueue_indirect_dma source(%arg9 : memref<64x128xf32, #tpu.memory_space<vmem>>) target(%dma_start3A_390 : memref<10240x128xf32, #tpu.memory_space<vmem_shared>>) offsets(%dma_start3A_387 : memref<64xi32, #tpu.memory_space<vmem>>) semaphore(%run_scoped3A_384 : memref<!tpu.dma_semaphore, #tpu.memory_space<semaphore_mem>>) {add = true}
        %dma_wait3A_391 = arith.constant 0 : i32
        %dma_wait3A_392 = tpu.memref_slice %arg7[%select_n3A_194, %run_scoped3A_289, %dma_wait3A_391] : memref<2x8x64xi32, #tpu.memory_space<vmem>> -> memref<1x1x64xi32, #tpu.memory_space<vmem>>
        %dma_wait3A_393 = tpu.memref_squeeze %dma_wait3A_392 : memref<1x1x64xi32, #tpu.memory_space<vmem>> -> memref<64xi32, #tpu.memory_space<vmem>>
        %dma_wait3A_394 = arith.constant 0 : i32
        %dma_wait3A_395 = arith.constant 0 : i32
        %dma_wait3A_396 = tpu.memref_slice %arg10[%dma_wait3A_394, %dma_wait3A_395] : memref<10240x128xf32, #tpu.memory_space<vmem_shared>> -> memref<10240x128xf32, #tpu.memory_space<vmem_shared>>
        tpu.wait_indirect_dma semaphore(%run_scoped3A_384 : memref<!tpu.dma_semaphore, #tpu.memory_space<semaphore_mem>>) src(%arg9 : memref<64x128xf32, #tpu.memory_space<vmem>>) dst(%dma_wait3A_396 : memref<10240x128xf32, #tpu.memory_space<vmem_shared>>)
        tpu.yield
      }) : () -> ()
      %dma_wait3A_290 = arith.constant 4 : i32
      %dma_wait3A_291 = arith.constant 0 : i32
      %dma_wait3A_292 = tpu.memref_slice %arg6[%select_n3A_194, %dma_wait3A_290, %dma_wait3A_291] : memref<2x8x64xi32, #tpu.memory_space<vmem>> -> memref<1x1x64xi32, #tpu.memory_space<vmem>>
      %dma_wait3A_293 = tpu.memref_squeeze %dma_wait3A_292 : memref<1x1x64xi32, #tpu.memory_space<vmem>> -> memref<64xi32, #tpu.memory_space<vmem>>
      %dma_wait3A_294 = arith.constant 0 : i32
      %dma_wait3A_295 = arith.constant 0 : i32
      %dma_wait3A_296 = tpu.memref_slice %arg2[%dma_wait3A_294, %dma_wait3A_295] : memref<20480x128xf32, #tpu.memory_space<hbm>> -> memref<20480x128xf32, #tpu.memory_space<hbm>>
      tpu.wait_indirect_dma semaphore(%arg11 : memref<!tpu.dma_semaphore, #tpu.memory_space<semaphore_mem>>) src(%dma_wait3A_296 : memref<20480x128xf32, #tpu.memory_space<hbm>>) dst(%arg8 : memref<64x128xf32, #tpu.memory_space<vmem>>)
      %dma_start3A_297 = arith.constant 5 : i32
      %dma_start3A_298 = arith.constant 0 : i32
      %dma_start3A_299 = tpu.memref_slice %arg6[%select_n3A_194, %dma_start3A_297, %dma_start3A_298] : memref<2x8x64xi32, #tpu.memory_space<vmem>> -> memref<1x1x64xi32, #tpu.memory_space<vmem>>
      %dma_start3A_300 = tpu.memref_squeeze %dma_start3A_299 : memref<1x1x64xi32, #tpu.memory_space<vmem>> -> memref<64xi32, #tpu.memory_space<vmem>>
      %dma_start3A_301 = arith.constant 0 : i32
      %dma_start3A_302 = arith.constant 0 : i32
      %dma_start3A_303 = tpu.memref_slice %arg2[%dma_start3A_301, %dma_start3A_302] : memref<20480x128xf32, #tpu.memory_space<hbm>> -> memref<20480x128xf32, #tpu.memory_space<hbm>>
      tpu.enqueue_indirect_dma source(%dma_start3A_303 : memref<20480x128xf32, #tpu.memory_space<hbm>>) target(%arg9 : memref<64x128xf32, #tpu.memory_space<vmem>>) offsets(%dma_start3A_300 : memref<64xi32, #tpu.memory_space<vmem>>) semaphore(%arg12 : memref<!tpu.dma_semaphore, #tpu.memory_space<semaphore_mem>>)
      %run_scoped3A_304 = arith.constant 4 : i32
      "tpu.region"() ({
        %run_scoped3A_384 = tpu.sem_alloc : memref<!tpu.dma_semaphore, #tpu.memory_space<semaphore_mem>>
        %dma_start3A_385 = arith.constant 0 : i32
        %dma_start3A_386 = tpu.memref_slice %arg7[%select_n3A_194, %run_scoped3A_304, %dma_start3A_385] : memref<2x8x64xi32, #tpu.memory_space<vmem>> -> memref<1x1x64xi32, #tpu.memory_space<vmem>>
        %dma_start3A_387 = tpu.memref_squeeze %dma_start3A_386 : memref<1x1x64xi32, #tpu.memory_space<vmem>> -> memref<64xi32, #tpu.memory_space<vmem>>
        %dma_start3A_388 = arith.constant 0 : i32
        %dma_start3A_389 = arith.constant 0 : i32
        %dma_start3A_390 = tpu.memref_slice %arg10[%dma_start3A_388, %dma_start3A_389] : memref<10240x128xf32, #tpu.memory_space<vmem_shared>> -> memref<10240x128xf32, #tpu.memory_space<vmem_shared>>
        tpu.enqueue_indirect_dma source(%arg8 : memref<64x128xf32, #tpu.memory_space<vmem>>) target(%dma_start3A_390 : memref<10240x128xf32, #tpu.memory_space<vmem_shared>>) offsets(%dma_start3A_387 : memref<64xi32, #tpu.memory_space<vmem>>) semaphore(%run_scoped3A_384 : memref<!tpu.dma_semaphore, #tpu.memory_space<semaphore_mem>>) {add = true}
        %dma_wait3A_391 = arith.constant 0 : i32
        %dma_wait3A_392 = tpu.memref_slice %arg7[%select_n3A_194, %run_scoped3A_304, %dma_wait3A_391] : memref<2x8x64xi32, #tpu.memory_space<vmem>> -> memref<1x1x64xi32, #tpu.memory_space<vmem>>
        %dma_wait3A_393 = tpu.memref_squeeze %dma_wait3A_392 : memref<1x1x64xi32, #tpu.memory_space<vmem>> -> memref<64xi32, #tpu.memory_space<vmem>>
        %dma_wait3A_394 = arith.constant 0 : i32
        %dma_wait3A_395 = arith.constant 0 : i32
        %dma_wait3A_396 = tpu.memref_slice %arg10[%dma_wait3A_394, %dma_wait3A_395] : memref<10240x128xf32, #tpu.memory_space<vmem_shared>> -> memref<10240x128xf32, #tpu.memory_space<vmem_shared>>
        tpu.wait_indirect_dma semaphore(%run_scoped3A_384 : memref<!tpu.dma_semaphore, #tpu.memory_space<semaphore_mem>>) src(%arg8 : memref<64x128xf32, #tpu.memory_space<vmem>>) dst(%dma_wait3A_396 : memref<10240x128xf32, #tpu.memory_space<vmem_shared>>)
        tpu.yield
      }) : () -> ()
      %dma_wait3A_305 = arith.constant 5 : i32
      %dma_wait3A_306 = arith.constant 0 : i32
      %dma_wait3A_307 = tpu.memref_slice %arg6[%select_n3A_194, %dma_wait3A_305, %dma_wait3A_306] : memref<2x8x64xi32, #tpu.memory_space<vmem>> -> memref<1x1x64xi32, #tpu.memory_space<vmem>>
      %dma_wait3A_308 = tpu.memref_squeeze %dma_wait3A_307 : memref<1x1x64xi32, #tpu.memory_space<vmem>> -> memref<64xi32, #tpu.memory_space<vmem>>
      %dma_wait3A_309 = arith.constant 0 : i32
      %dma_wait3A_310 = arith.constant 0 : i32
      %dma_wait3A_311 = tpu.memref_slice %arg2[%dma_wait3A_309, %dma_wait3A_310] : memref<20480x128xf32, #tpu.memory_space<hbm>> -> memref<20480x128xf32, #tpu.memory_space<hbm>>
      tpu.wait_indirect_dma semaphore(%arg12 : memref<!tpu.dma_semaphore, #tpu.memory_space<semaphore_mem>>) src(%dma_wait3A_311 : memref<20480x128xf32, #tpu.memory_space<hbm>>) dst(%arg9 : memref<64x128xf32, #tpu.memory_space<vmem>>)
      %dma_start3A_312 = arith.constant 6 : i32
      %dma_start3A_313 = arith.constant 0 : i32
      %dma_start3A_314 = tpu.memref_slice %arg6[%select_n3A_194, %dma_start3A_312, %dma_start3A_313] : memref<2x8x64xi32, #tpu.memory_space<vmem>> -> memref<1x1x64xi32, #tpu.memory_space<vmem>>
      %dma_start3A_315 = tpu.memref_squeeze %dma_start3A_314 : memref<1x1x64xi32, #tpu.memory_space<vmem>> -> memref<64xi32, #tpu.memory_space<vmem>>
      %dma_start3A_316 = arith.constant 0 : i32
      %dma_start3A_317 = arith.constant 0 : i32
      %dma_start3A_318 = tpu.memref_slice %arg2[%dma_start3A_316, %dma_start3A_317] : memref<20480x128xf32, #tpu.memory_space<hbm>> -> memref<20480x128xf32, #tpu.memory_space<hbm>>
      tpu.enqueue_indirect_dma source(%dma_start3A_318 : memref<20480x128xf32, #tpu.memory_space<hbm>>) target(%arg8 : memref<64x128xf32, #tpu.memory_space<vmem>>) offsets(%dma_start3A_315 : memref<64xi32, #tpu.memory_space<vmem>>) semaphore(%arg11 : memref<!tpu.dma_semaphore, #tpu.memory_space<semaphore_mem>>)
      %run_scoped3A_319 = arith.constant 5 : i32
      "tpu.region"() ({
        %run_scoped3A_384 = tpu.sem_alloc : memref<!tpu.dma_semaphore, #tpu.memory_space<semaphore_mem>>
        %dma_start3A_385 = arith.constant 0 : i32
        %dma_start3A_386 = tpu.memref_slice %arg7[%select_n3A_194, %run_scoped3A_319, %dma_start3A_385] : memref<2x8x64xi32, #tpu.memory_space<vmem>> -> memref<1x1x64xi32, #tpu.memory_space<vmem>>
        %dma_start3A_387 = tpu.memref_squeeze %dma_start3A_386 : memref<1x1x64xi32, #tpu.memory_space<vmem>> -> memref<64xi32, #tpu.memory_space<vmem>>
        %dma_start3A_388 = arith.constant 0 : i32
        %dma_start3A_389 = arith.constant 0 : i32
        %dma_start3A_390 = tpu.memref_slice %arg10[%dma_start3A_388, %dma_start3A_389] : memref<10240x128xf32, #tpu.memory_space<vmem_shared>> -> memref<10240x128xf32, #tpu.memory_space<vmem_shared>>
        tpu.enqueue_indirect_dma source(%arg9 : memref<64x128xf32, #tpu.memory_space<vmem>>) target(%dma_start3A_390 : memref<10240x128xf32, #tpu.memory_space<vmem_shared>>) offsets(%dma_start3A_387 : memref<64xi32, #tpu.memory_space<vmem>>) semaphore(%run_scoped3A_384 : memref<!tpu.dma_semaphore, #tpu.memory_space<semaphore_mem>>) {add = true}
        %dma_wait3A_391 = arith.constant 0 : i32
        %dma_wait3A_392 = tpu.memref_slice %arg7[%select_n3A_194, %run_scoped3A_319, %dma_wait3A_391] : memref<2x8x64xi32, #tpu.memory_space<vmem>> -> memref<1x1x64xi32, #tpu.memory_space<vmem>>
        %dma_wait3A_393 = tpu.memref_squeeze %dma_wait3A_392 : memref<1x1x64xi32, #tpu.memory_space<vmem>> -> memref<64xi32, #tpu.memory_space<vmem>>
        %dma_wait3A_394 = arith.constant 0 : i32
        %dma_wait3A_395 = arith.constant 0 : i32
        %dma_wait3A_396 = tpu.memref_slice %arg10[%dma_wait3A_394, %dma_wait3A_395] : memref<10240x128xf32, #tpu.memory_space<vmem_shared>> -> memref<10240x128xf32, #tpu.memory_space<vmem_shared>>
        tpu.wait_indirect_dma semaphore(%run_scoped3A_384 : memref<!tpu.dma_semaphore, #tpu.memory_space<semaphore_mem>>) src(%arg9 : memref<64x128xf32, #tpu.memory_space<vmem>>) dst(%dma_wait3A_396 : memref<10240x128xf32, #tpu.memory_space<vmem_shared>>)
        tpu.yield
      }) : () -> ()
      %dma_wait3A_320 = arith.constant 6 : i32
      %dma_wait3A_321 = arith.constant 0 : i32
      %dma_wait3A_322 = tpu.memref_slice %arg6[%select_n3A_194, %dma_wait3A_320, %dma_wait3A_321] : memref<2x8x64xi32, #tpu.memory_space<vmem>> -> memref<1x1x64xi32, #tpu.memory_space<vmem>>
      %dma_wait3A_323 = tpu.memref_squeeze %dma_wait3A_322 : memref<1x1x64xi32, #tpu.memory_space<vmem>> -> memref<64xi32, #tpu.memory_space<vmem>>
      %dma_wait3A_324 = arith.constant 0 : i32
      %dma_wait3A_325 = arith.constant 0 : i32
      %dma_wait3A_326 = tpu.memref_slice %arg2[%dma_wait3A_324, %dma_wait3A_325] : memref<20480x128xf32, #tpu.memory_space<hbm>> -> memref<20480x128xf32, #tpu.memory_space<hbm>>
      tpu.wait_indirect_dma semaphore(%arg11 : memref<!tpu.dma_semaphore, #tpu.memory_space<semaphore_mem>>) src(%dma_wait3A_326 : memref<20480x128xf32, #tpu.memory_space<hbm>>) dst(%arg8 : memref<64x128xf32, #tpu.memory_space<vmem>>)
      %mul3A_327 = arith.constant 8 : i32
      %mul3A_328 = arith.muli %mul3A_327, %scan3A_185 : i32
      %add3A_329 = arith.addi %mul3A_2, %mul3A_328 : i32
      %add3A_330 = arith.constant 8 : i32
      %add3A_331 = arith.addi %add3A_329, %add3A_330 : i32
      %dma_wait3A_332 = arith.constant 0 : i32
      %dma_wait3A_333 = arith.constant 0 : i32
      %dma_wait3A_334 = tpu.memref_slice %arg6[%sub3A_195, %dma_wait3A_332, %dma_wait3A_333] : memref<2x8x64xi32, #tpu.memory_space<vmem>> -> memref<1x8x64xi32, #tpu.memory_space<vmem>>
      %dma_wait3A_335 = tpu.memref_squeeze %dma_wait3A_334 : memref<1x8x64xi32, #tpu.memory_space<vmem>> -> memref<8x64xi32, #tpu.memory_space<vmem>>
      %dma_wait3A_336 = arith.constant 0 : i32
      %dma_wait3A_337 = tpu.memref_slice %arg3[%add3A_331, %dma_wait3A_336] : memref<10240x64xi32, #tpu.memory_space<hbm>> -> memref<8x64xi32, #tpu.memory_space<hbm>>
      %dma_wait3A_338 = arith.constant 0 : i32
      %dma_wait3A_339 = arith.constant 0 : i32
      %dma_wait3A_340 = tpu.memref_slice %arg6[%sub3A_195, %dma_wait3A_338, %dma_wait3A_339] : memref<2x8x64xi32, #tpu.memory_space<vmem>> -> memref<1x8x64xi32, #tpu.memory_space<vmem>>
      %dma_wait3A_341 = tpu.memref_squeeze %dma_wait3A_340 : memref<1x8x64xi32, #tpu.memory_space<vmem>> -> memref<8x64xi32, #tpu.memory_space<vmem>>
      %dma_wait3A_342 = arith.constant 0 : i32
      %dma_wait3A_343 = tpu.memref_slice %arg3[%add3A_331, %dma_wait3A_342] : memref<10240x64xi32, #tpu.memory_space<hbm>> -> memref<8x64xi32, #tpu.memory_space<hbm>>
      tpu.wait_dma2 semaphore(%arg13 : memref<!tpu.dma_semaphore, #tpu.memory_space<semaphore_mem>>) src(%dma_wait3A_343 : memref<8x64xi32, #tpu.memory_space<hbm>>) dst(%dma_wait3A_341 : memref<8x64xi32, #tpu.memory_space<vmem>>)
      %mul3A_344 = arith.constant 8 : i32
      %mul3A_345 = arith.muli %mul3A_344, %scan3A_185 : i32
      %add3A_346 = arith.addi %mul3A_4, %mul3A_345 : i32
      %add3A_347 = arith.constant 8 : i32
      %add3A_348 = arith.addi %add3A_346, %add3A_347 : i32
      %dma_wait3A_349 = arith.constant 0 : i32
      %dma_wait3A_350 = arith.constant 0 : i32
      %dma_wait3A_351 = tpu.memref_slice %arg7[%sub3A_195, %dma_wait3A_349, %dma_wait3A_350] : memref<2x8x64xi32, #tpu.memory_space<vmem>> -> memref<1x8x64xi32, #tpu.memory_space<vmem>>
      %dma_wait3A_352 = tpu.memref_squeeze %dma_wait3A_351 : memref<1x8x64xi32, #tpu.memory_space<vmem>> -> memref<8x64xi32, #tpu.memory_space<vmem>>
      %dma_wait3A_353 = arith.constant 0 : i32
      %dma_wait3A_354 = tpu.memref_slice %arg4[%add3A_348, %dma_wait3A_353] : memref<5120x64xi32, #tpu.memory_space<hbm>> -> memref<8x64xi32, #tpu.memory_space<hbm>>
      %dma_wait3A_355 = arith.constant 0 : i32
      %dma_wait3A_356 = arith.constant 0 : i32
      %dma_wait3A_357 = tpu.memref_slice %arg7[%sub3A_195, %dma_wait3A_355, %dma_wait3A_356] : memref<2x8x64xi32, #tpu.memory_space<vmem>> -> memref<1x8x64xi32, #tpu.memory_space<vmem>>
      %dma_wait3A_358 = tpu.memref_squeeze %dma_wait3A_357 : memref<1x8x64xi32, #tpu.memory_space<vmem>> -> memref<8x64xi32, #tpu.memory_space<vmem>>
      %dma_wait3A_359 = arith.constant 0 : i32
      %dma_wait3A_360 = tpu.memref_slice %arg4[%add3A_348, %dma_wait3A_359] : memref<5120x64xi32, #tpu.memory_space<hbm>> -> memref<8x64xi32, #tpu.memory_space<hbm>>
      tpu.wait_dma2 semaphore(%arg14 : memref<!tpu.dma_semaphore, #tpu.memory_space<semaphore_mem>>) src(%dma_wait3A_360 : memref<8x64xi32, #tpu.memory_space<hbm>>) dst(%dma_wait3A_358 : memref<8x64xi32, #tpu.memory_space<vmem>>)
      %dma_start3A_361 = arith.constant 7 : i32
      %dma_start3A_362 = arith.constant 0 : i32
      %dma_start3A_363 = tpu.memref_slice %arg6[%select_n3A_194, %dma_start3A_361, %dma_start3A_362] : memref<2x8x64xi32, #tpu.memory_space<vmem>> -> memref<1x1x64xi32, #tpu.memory_space<vmem>>
      %dma_start3A_364 = tpu.memref_squeeze %dma_start3A_363 : memref<1x1x64xi32, #tpu.memory_space<vmem>> -> memref<64xi32, #tpu.memory_space<vmem>>
      %dma_start3A_365 = arith.constant 0 : i32
      %dma_start3A_366 = arith.constant 0 : i32
      %dma_start3A_367 = tpu.memref_slice %arg2[%dma_start3A_365, %dma_start3A_366] : memref<20480x128xf32, #tpu.memory_space<hbm>> -> memref<20480x128xf32, #tpu.memory_space<hbm>>
      tpu.enqueue_indirect_dma source(%dma_start3A_367 : memref<20480x128xf32, #tpu.memory_space<hbm>>) target(%arg9 : memref<64x128xf32, #tpu.memory_space<vmem>>) offsets(%dma_start3A_364 : memref<64xi32, #tpu.memory_space<vmem>>) semaphore(%arg12 : memref<!tpu.dma_semaphore, #tpu.memory_space<semaphore_mem>>)
      %run_scoped3A_368 = arith.constant 6 : i32
      "tpu.region"() ({
        %run_scoped3A_384 = tpu.sem_alloc : memref<!tpu.dma_semaphore, #tpu.memory_space<semaphore_mem>>
        %dma_start3A_385 = arith.constant 0 : i32
        %dma_start3A_386 = tpu.memref_slice %arg7[%select_n3A_194, %run_scoped3A_368, %dma_start3A_385] : memref<2x8x64xi32, #tpu.memory_space<vmem>> -> memref<1x1x64xi32, #tpu.memory_space<vmem>>
        %dma_start3A_387 = tpu.memref_squeeze %dma_start3A_386 : memref<1x1x64xi32, #tpu.memory_space<vmem>> -> memref<64xi32, #tpu.memory_space<vmem>>
        %dma_start3A_388 = arith.constant 0 : i32
        %dma_start3A_389 = arith.constant 0 : i32
        %dma_start3A_390 = tpu.memref_slice %arg10[%dma_start3A_388, %dma_start3A_389] : memref<10240x128xf32, #tpu.memory_space<vmem_shared>> -> memref<10240x128xf32, #tpu.memory_space<vmem_shared>>
        tpu.enqueue_indirect_dma source(%arg8 : memref<64x128xf32, #tpu.memory_space<vmem>>) target(%dma_start3A_390 : memref<10240x128xf32, #tpu.memory_space<vmem_shared>>) offsets(%dma_start3A_387 : memref<64xi32, #tpu.memory_space<vmem>>) semaphore(%run_scoped3A_384 : memref<!tpu.dma_semaphore, #tpu.memory_space<semaphore_mem>>) {add = true}
        %dma_wait3A_391 = arith.constant 0 : i32
        %dma_wait3A_392 = tpu.memref_slice %arg7[%select_n3A_194, %run_scoped3A_368, %dma_wait3A_391] : memref<2x8x64xi32, #tpu.memory_space<vmem>> -> memref<1x1x64xi32, #tpu.memory_space<vmem>>
        %dma_wait3A_393 = tpu.memref_squeeze %dma_wait3A_392 : memref<1x1x64xi32, #tpu.memory_space<vmem>> -> memref<64xi32, #tpu.memory_space<vmem>>
        %dma_wait3A_394 = arith.constant 0 : i32
        %dma_wait3A_395 = arith.constant 0 : i32
        %dma_wait3A_396 = tpu.memref_slice %arg10[%dma_wait3A_394, %dma_wait3A_395] : memref<10240x128xf32, #tpu.memory_space<vmem_shared>> -> memref<10240x128xf32, #tpu.memory_space<vmem_shared>>
        tpu.wait_indirect_dma semaphore(%run_scoped3A_384 : memref<!tpu.dma_semaphore, #tpu.memory_space<semaphore_mem>>) src(%arg8 : memref<64x128xf32, #tpu.memory_space<vmem>>) dst(%dma_wait3A_396 : memref<10240x128xf32, #tpu.memory_space<vmem_shared>>)
        tpu.yield
      }) : () -> ()
      %dma_wait3A_369 = arith.constant 7 : i32
      %dma_wait3A_370 = arith.constant 0 : i32
      %dma_wait3A_371 = tpu.memref_slice %arg6[%select_n3A_194, %dma_wait3A_369, %dma_wait3A_370] : memref<2x8x64xi32, #tpu.memory_space<vmem>> -> memref<1x1x64xi32, #tpu.memory_space<vmem>>
      %dma_wait3A_372 = tpu.memref_squeeze %dma_wait3A_371 : memref<1x1x64xi32, #tpu.memory_space<vmem>> -> memref<64xi32, #tpu.memory_space<vmem>>
      %dma_wait3A_373 = arith.constant 0 : i32
      %dma_wait3A_374 = arith.constant 0 : i32
      %dma_wait3A_375 = tpu.memref_slice %arg2[%dma_wait3A_373, %dma_wait3A_374] : memref<20480x128xf32, #tpu.memory_space<hbm>> -> memref<20480x128xf32, #tpu.memory_space<hbm>>
      tpu.wait_indirect_dma semaphore(%arg12 : memref<!tpu.dma_semaphore, #tpu.memory_space<semaphore_mem>>) src(%dma_wait3A_375 : memref<20480x128xf32, #tpu.memory_space<hbm>>) dst(%arg9 : memref<64x128xf32, #tpu.memory_space<vmem>>)
      %dma_start3A_376 = arith.constant 0 : i32
      %dma_start3A_377 = arith.constant 0 : i32
      %dma_start3A_378 = tpu.memref_slice %arg6[%sub3A_195, %dma_start3A_376, %dma_start3A_377] : memref<2x8x64xi32, #tpu.memory_space<vmem>> -> memref<1x1x64xi32, #tpu.memory_space<vmem>>
      %dma_start3A_379 = tpu.memref_squeeze %dma_start3A_378 : memref<1x1x64xi32, #tpu.memory_space<vmem>> -> memref<64xi32, #tpu.memory_space<vmem>>
      %dma_start3A_380 = arith.constant 0 : i32
      %dma_start3A_381 = arith.constant 0 : i32
      %dma_start3A_382 = tpu.memref_slice %arg2[%dma_start3A_380, %dma_start3A_381] : memref<20480x128xf32, #tpu.memory_space<hbm>> -> memref<20480x128xf32, #tpu.memory_space<hbm>>
      tpu.enqueue_indirect_dma source(%dma_start3A_382 : memref<20480x128xf32, #tpu.memory_space<hbm>>) target(%arg8 : memref<64x128xf32, #tpu.memory_space<vmem>>) offsets(%dma_start3A_379 : memref<64xi32, #tpu.memory_space<vmem>>) semaphore(%arg11 : memref<!tpu.dma_semaphore, #tpu.memory_space<semaphore_mem>>)
      %run_scoped3A_383 = arith.constant 7 : i32
      "tpu.region"() ({
        %run_scoped3A_384 = tpu.sem_alloc : memref<!tpu.dma_semaphore, #tpu.memory_space<semaphore_mem>>
        %dma_start3A_385 = arith.constant 0 : i32
        %dma_start3A_386 = tpu.memref_slice %arg7[%select_n3A_194, %run_scoped3A_383, %dma_start3A_385] : memref<2x8x64xi32, #tpu.memory_space<vmem>> -> memref<1x1x64xi32, #tpu.memory_space<vmem>>
        %dma_start3A_387 = tpu.memref_squeeze %dma_start3A_386 : memref<1x1x64xi32, #tpu.memory_space<vmem>> -> memref<64xi32, #tpu.memory_space<vmem>>
        %dma_start3A_388 = arith.constant 0 : i32
        %dma_start3A_389 = arith.constant 0 : i32
        %dma_start3A_390 = tpu.memref_slice %arg10[%dma_start3A_388, %dma_start3A_389] : memref<10240x128xf32, #tpu.memory_space<vmem_shared>> -> memref<10240x128xf32, #tpu.memory_space<vmem_shared>>
        tpu.enqueue_indirect_dma source(%arg9 : memref<64x128xf32, #tpu.memory_space<vmem>>) target(%dma_start3A_390 : memref<10240x128xf32, #tpu.memory_space<vmem_shared>>) offsets(%dma_start3A_387 : memref<64xi32, #tpu.memory_space<vmem>>) semaphore(%run_scoped3A_384 : memref<!tpu.dma_semaphore, #tpu.memory_space<semaphore_mem>>) {add = true}
        %dma_wait3A_391 = arith.constant 0 : i32
        %dma_wait3A_392 = tpu.memref_slice %arg7[%select_n3A_194, %run_scoped3A_383, %dma_wait3A_391] : memref<2x8x64xi32, #tpu.memory_space<vmem>> -> memref<1x1x64xi32, #tpu.memory_space<vmem>>
        %dma_wait3A_393 = tpu.memref_squeeze %dma_wait3A_392 : memref<1x1x64xi32, #tpu.memory_space<vmem>> -> memref<64xi32, #tpu.memory_space<vmem>>
        %dma_wait3A_394 = arith.constant 0 : i32
        %dma_wait3A_395 = arith.constant 0 : i32
        %dma_wait3A_396 = tpu.memref_slice %arg10[%dma_wait3A_394, %dma_wait3A_395] : memref<10240x128xf32, #tpu.memory_space<vmem_shared>> -> memref<10240x128xf32, #tpu.memory_space<vmem_shared>>
        tpu.wait_indirect_dma semaphore(%run_scoped3A_384 : memref<!tpu.dma_semaphore, #tpu.memory_space<semaphore_mem>>) src(%arg9 : memref<64x128xf32, #tpu.memory_space<vmem>>) dst(%dma_wait3A_396 : memref<10240x128xf32, #tpu.memory_space<vmem_shared>>)
        tpu.yield
      }) : () -> ()
    }
    %scan3A_45 = arith.constant 39 : i32
    %dma_wait3A = arith.constant 1 : i32
    %dma_wait3A_46 = arith.constant 0 : i32
    %dma_wait3A_47 = arith.constant 0 : i32
    %dma_wait3A_48 = tpu.memref_slice %arg6[%dma_wait3A, %dma_wait3A_46, %dma_wait3A_47] : memref<2x8x64xi32, #tpu.memory_space<vmem>> -> memref<1x1x64xi32, #tpu.memory_space<vmem>>
    %dma_wait3A_49 = tpu.memref_squeeze %dma_wait3A_48 : memref<1x1x64xi32, #tpu.memory_space<vmem>> -> memref<64xi32, #tpu.memory_space<vmem>>
    %dma_wait3A_50 = arith.constant 0 : i32
    %dma_wait3A_51 = arith.constant 0 : i32
    %dma_wait3A_52 = tpu.memref_slice %arg2[%dma_wait3A_50, %dma_wait3A_51] : memref<20480x128xf32, #tpu.memory_space<hbm>> -> memref<20480x128xf32, #tpu.memory_space<hbm>>
    tpu.wait_indirect_dma semaphore(%arg11 : memref<!tpu.dma_semaphore, #tpu.memory_space<semaphore_mem>>) src(%dma_wait3A_52 : memref<20480x128xf32, #tpu.memory_space<hbm>>) dst(%arg8 : memref<64x128xf32, #tpu.memory_space<vmem>>)
    %dma_start3A_53 = arith.constant 1 : i32
    %dma_start3A_54 = arith.constant 1 : i32
    %dma_start3A_55 = arith.constant 0 : i32
    %dma_start3A_56 = tpu.memref_slice %arg6[%dma_start3A_53, %dma_start3A_54, %dma_start3A_55] : memref<2x8x64xi32, #tpu.memory_space<vmem>> -> memref<1x1x64xi32, #tpu.memory_space<vmem>>
    %dma_start3A_57 = tpu.memref_squeeze %dma_start3A_56 : memref<1x1x64xi32, #tpu.memory_space<vmem>> -> memref<64xi32, #tpu.memory_space<vmem>>
    %dma_start3A_58 = arith.constant 0 : i32
    %dma_start3A_59 = arith.constant 0 : i32
    %dma_start3A_60 = tpu.memref_slice %arg2[%dma_start3A_58, %dma_start3A_59] : memref<20480x128xf32, #tpu.memory_space<hbm>> -> memref<20480x128xf32, #tpu.memory_space<hbm>>
    tpu.enqueue_indirect_dma source(%dma_start3A_60 : memref<20480x128xf32, #tpu.memory_space<hbm>>) target(%arg9 : memref<64x128xf32, #tpu.memory_space<vmem>>) offsets(%dma_start3A_57 : memref<64xi32, #tpu.memory_space<vmem>>) semaphore(%arg12 : memref<!tpu.dma_semaphore, #tpu.memory_space<semaphore_mem>>)
    %run_scoped3A_61 = arith.constant 1 : i32
    %run_scoped3A_62 = arith.constant 0 : i32
    "tpu.region"() ({
      %run_scoped3A_185 = tpu.sem_alloc : memref<!tpu.dma_semaphore, #tpu.memory_space<semaphore_mem>>
      %dma_start3A_186 = arith.constant 0 : i32
      %dma_start3A_187 = tpu.memref_slice %arg7[%run_scoped3A_61, %run_scoped3A_62, %dma_start3A_186] : memref<2x8x64xi32, #tpu.memory_space<vmem>> -> memref<1x1x64xi32, #tpu.memory_space<vmem>>
      %dma_start3A_188 = tpu.memref_squeeze %dma_start3A_187 : memref<1x1x64xi32, #tpu.memory_space<vmem>> -> memref<64xi32, #tpu.memory_space<vmem>>
      %dma_start3A_189 = arith.constant 0 : i32
      %dma_start3A_190 = arith.constant 0 : i32
      %dma_start3A_191 = tpu.memref_slice %arg10[%dma_start3A_189, %dma_start3A_190] : memref<10240x128xf32, #tpu.memory_space<vmem_shared>> -> memref<10240x128xf32, #tpu.memory_space<vmem_shared>>
      tpu.enqueue_indirect_dma source(%arg8 : memref<64x128xf32, #tpu.memory_space<vmem>>) target(%dma_start3A_191 : memref<10240x128xf32, #tpu.memory_space<vmem_shared>>) offsets(%dma_start3A_188 : memref<64xi32, #tpu.memory_space<vmem>>) semaphore(%run_scoped3A_185 : memref<!tpu.dma_semaphore, #tpu.memory_space<semaphore_mem>>) {add = true}
      %dma_wait3A_192 = arith.constant 0 : i32
      %dma_wait3A_193 = tpu.memref_slice %arg7[%run_scoped3A_61, %run_scoped3A_62, %dma_wait3A_192] : memref<2x8x64xi32, #tpu.memory_space<vmem>> -> memref<1x1x64xi32, #tpu.memory_space<vmem>>
      %dma_wait3A_194 = tpu.memref_squeeze %dma_wait3A_193 : memref<1x1x64xi32, #tpu.memory_space<vmem>> -> memref<64xi32, #tpu.memory_space<vmem>>
      %dma_wait3A_195 = arith.constant 0 : i32
      %dma_wait3A_196 = arith.constant 0 : i32
      %dma_wait3A_197 = tpu.memref_slice %arg10[%dma_wait3A_195, %dma_wait3A_196] : memref<10240x128xf32, #tpu.memory_space<vmem_shared>> -> memref<10240x128xf32, #tpu.memory_space<vmem_shared>>
      tpu.wait_indirect_dma semaphore(%run_scoped3A_185 : memref<!tpu.dma_semaphore, #tpu.memory_space<semaphore_mem>>) src(%arg8 : memref<64x128xf32, #tpu.memory_space<vmem>>) dst(%dma_wait3A_197 : memref<10240x128xf32, #tpu.memory_space<vmem_shared>>)
      tpu.yield
    }) : () -> ()
    %dma_wait3A_63 = arith.constant 1 : i32
    %dma_wait3A_64 = arith.constant 1 : i32
    %dma_wait3A_65 = arith.constant 0 : i32
    %dma_wait3A_66 = tpu.memref_slice %arg6[%dma_wait3A_63, %dma_wait3A_64, %dma_wait3A_65] : memref<2x8x64xi32, #tpu.memory_space<vmem>> -> memref<1x1x64xi32, #tpu.memory_space<vmem>>
    %dma_wait3A_67 = tpu.memref_squeeze %dma_wait3A_66 : memref<1x1x64xi32, #tpu.memory_space<vmem>> -> memref<64xi32, #tpu.memory_space<vmem>>
    %dma_wait3A_68 = arith.constant 0 : i32
    %dma_wait3A_69 = arith.constant 0 : i32
    %dma_wait3A_70 = tpu.memref_slice %arg2[%dma_wait3A_68, %dma_wait3A_69] : memref<20480x128xf32, #tpu.memory_space<hbm>> -> memref<20480x128xf32, #tpu.memory_space<hbm>>
    tpu.wait_indirect_dma semaphore(%arg12 : memref<!tpu.dma_semaphore, #tpu.memory_space<semaphore_mem>>) src(%dma_wait3A_70 : memref<20480x128xf32, #tpu.memory_space<hbm>>) dst(%arg9 : memref<64x128xf32, #tpu.memory_space<vmem>>)
    %dma_start3A_71 = arith.constant 1 : i32
    %dma_start3A_72 = arith.constant 2 : i32
    %dma_start3A_73 = arith.constant 0 : i32
    %dma_start3A_74 = tpu.memref_slice %arg6[%dma_start3A_71, %dma_start3A_72, %dma_start3A_73] : memref<2x8x64xi32, #tpu.memory_space<vmem>> -> memref<1x1x64xi32, #tpu.memory_space<vmem>>
    %dma_start3A_75 = tpu.memref_squeeze %dma_start3A_74 : memref<1x1x64xi32, #tpu.memory_space<vmem>> -> memref<64xi32, #tpu.memory_space<vmem>>
    %dma_start3A_76 = arith.constant 0 : i32
    %dma_start3A_77 = arith.constant 0 : i32
    %dma_start3A_78 = tpu.memref_slice %arg2[%dma_start3A_76, %dma_start3A_77] : memref<20480x128xf32, #tpu.memory_space<hbm>> -> memref<20480x128xf32, #tpu.memory_space<hbm>>
    tpu.enqueue_indirect_dma source(%dma_start3A_78 : memref<20480x128xf32, #tpu.memory_space<hbm>>) target(%arg8 : memref<64x128xf32, #tpu.memory_space<vmem>>) offsets(%dma_start3A_75 : memref<64xi32, #tpu.memory_space<vmem>>) semaphore(%arg11 : memref<!tpu.dma_semaphore, #tpu.memory_space<semaphore_mem>>)
    %run_scoped3A_79 = arith.constant 1 : i32
    %run_scoped3A_80 = arith.constant 1 : i32
    "tpu.region"() ({
      %run_scoped3A_185 = tpu.sem_alloc : memref<!tpu.dma_semaphore, #tpu.memory_space<semaphore_mem>>
      %dma_start3A_186 = arith.constant 0 : i32
      %dma_start3A_187 = tpu.memref_slice %arg7[%run_scoped3A_79, %run_scoped3A_80, %dma_start3A_186] : memref<2x8x64xi32, #tpu.memory_space<vmem>> -> memref<1x1x64xi32, #tpu.memory_space<vmem>>
      %dma_start3A_188 = tpu.memref_squeeze %dma_start3A_187 : memref<1x1x64xi32, #tpu.memory_space<vmem>> -> memref<64xi32, #tpu.memory_space<vmem>>
      %dma_start3A_189 = arith.constant 0 : i32
      %dma_start3A_190 = arith.constant 0 : i32
      %dma_start3A_191 = tpu.memref_slice %arg10[%dma_start3A_189, %dma_start3A_190] : memref<10240x128xf32, #tpu.memory_space<vmem_shared>> -> memref<10240x128xf32, #tpu.memory_space<vmem_shared>>
      tpu.enqueue_indirect_dma source(%arg9 : memref<64x128xf32, #tpu.memory_space<vmem>>) target(%dma_start3A_191 : memref<10240x128xf32, #tpu.memory_space<vmem_shared>>) offsets(%dma_start3A_188 : memref<64xi32, #tpu.memory_space<vmem>>) semaphore(%run_scoped3A_185 : memref<!tpu.dma_semaphore, #tpu.memory_space<semaphore_mem>>) {add = true}
      %dma_wait3A_192 = arith.constant 0 : i32
      %dma_wait3A_193 = tpu.memref_slice %arg7[%run_scoped3A_79, %run_scoped3A_80, %dma_wait3A_192] : memref<2x8x64xi32, #tpu.memory_space<vmem>> -> memref<1x1x64xi32, #tpu.memory_space<vmem>>
      %dma_wait3A_194 = tpu.memref_squeeze %dma_wait3A_193 : memref<1x1x64xi32, #tpu.memory_space<vmem>> -> memref<64xi32, #tpu.memory_space<vmem>>
      %dma_wait3A_195 = arith.constant 0 : i32
      %dma_wait3A_196 = arith.constant 0 : i32
      %dma_wait3A_197 = tpu.memref_slice %arg10[%dma_wait3A_195, %dma_wait3A_196] : memref<10240x128xf32, #tpu.memory_space<vmem_shared>> -> memref<10240x128xf32, #tpu.memory_space<vmem_shared>>
      tpu.wait_indirect_dma semaphore(%run_scoped3A_185 : memref<!tpu.dma_semaphore, #tpu.memory_space<semaphore_mem>>) src(%arg9 : memref<64x128xf32, #tpu.memory_space<vmem>>) dst(%dma_wait3A_197 : memref<10240x128xf32, #tpu.memory_space<vmem_shared>>)
      tpu.yield
    }) : () -> ()
    %dma_wait3A_81 = arith.constant 1 : i32
    %dma_wait3A_82 = arith.constant 2 : i32
    %dma_wait3A_83 = arith.constant 0 : i32
    %dma_wait3A_84 = tpu.memref_slice %arg6[%dma_wait3A_81, %dma_wait3A_82, %dma_wait3A_83] : memref<2x8x64xi32, #tpu.memory_space<vmem>> -> memref<1x1x64xi32, #tpu.memory_space<vmem>>
    %dma_wait3A_85 = tpu.memref_squeeze %dma_wait3A_84 : memref<1x1x64xi32, #tpu.memory_space<vmem>> -> memref<64xi32, #tpu.memory_space<vmem>>
    %dma_wait3A_86 = arith.constant 0 : i32
    %dma_wait3A_87 = arith.constant 0 : i32
    %dma_wait3A_88 = tpu.memref_slice %arg2[%dma_wait3A_86, %dma_wait3A_87] : memref<20480x128xf32, #tpu.memory_space<hbm>> -> memref<20480x128xf32, #tpu.memory_space<hbm>>
    tpu.wait_indirect_dma semaphore(%arg11 : memref<!tpu.dma_semaphore, #tpu.memory_space<semaphore_mem>>) src(%dma_wait3A_88 : memref<20480x128xf32, #tpu.memory_space<hbm>>) dst(%arg8 : memref<64x128xf32, #tpu.memory_space<vmem>>)
    %dma_start3A_89 = arith.constant 1 : i32
    %dma_start3A_90 = arith.constant 3 : i32
    %dma_start3A_91 = arith.constant 0 : i32
    %dma_start3A_92 = tpu.memref_slice %arg6[%dma_start3A_89, %dma_start3A_90, %dma_start3A_91] : memref<2x8x64xi32, #tpu.memory_space<vmem>> -> memref<1x1x64xi32, #tpu.memory_space<vmem>>
    %dma_start3A_93 = tpu.memref_squeeze %dma_start3A_92 : memref<1x1x64xi32, #tpu.memory_space<vmem>> -> memref<64xi32, #tpu.memory_space<vmem>>
    %dma_start3A_94 = arith.constant 0 : i32
    %dma_start3A_95 = arith.constant 0 : i32
    %dma_start3A_96 = tpu.memref_slice %arg2[%dma_start3A_94, %dma_start3A_95] : memref<20480x128xf32, #tpu.memory_space<hbm>> -> memref<20480x128xf32, #tpu.memory_space<hbm>>
    tpu.enqueue_indirect_dma source(%dma_start3A_96 : memref<20480x128xf32, #tpu.memory_space<hbm>>) target(%arg9 : memref<64x128xf32, #tpu.memory_space<vmem>>) offsets(%dma_start3A_93 : memref<64xi32, #tpu.memory_space<vmem>>) semaphore(%arg12 : memref<!tpu.dma_semaphore, #tpu.memory_space<semaphore_mem>>)
    %run_scoped3A_97 = arith.constant 1 : i32
    %run_scoped3A_98 = arith.constant 2 : i32
    "tpu.region"() ({
      %run_scoped3A_185 = tpu.sem_alloc : memref<!tpu.dma_semaphore, #tpu.memory_space<semaphore_mem>>
      %dma_start3A_186 = arith.constant 0 : i32
      %dma_start3A_187 = tpu.memref_slice %arg7[%run_scoped3A_97, %run_scoped3A_98, %dma_start3A_186] : memref<2x8x64xi32, #tpu.memory_space<vmem>> -> memref<1x1x64xi32, #tpu.memory_space<vmem>>
      %dma_start3A_188 = tpu.memref_squeeze %dma_start3A_187 : memref<1x1x64xi32, #tpu.memory_space<vmem>> -> memref<64xi32, #tpu.memory_space<vmem>>
      %dma_start3A_189 = arith.constant 0 : i32
      %dma_start3A_190 = arith.constant 0 : i32
      %dma_start3A_191 = tpu.memref_slice %arg10[%dma_start3A_189, %dma_start3A_190] : memref<10240x128xf32, #tpu.memory_space<vmem_shared>> -> memref<10240x128xf32, #tpu.memory_space<vmem_shared>>
      tpu.enqueue_indirect_dma source(%arg8 : memref<64x128xf32, #tpu.memory_space<vmem>>) target(%dma_start3A_191 : memref<10240x128xf32, #tpu.memory_space<vmem_shared>>) offsets(%dma_start3A_188 : memref<64xi32, #tpu.memory_space<vmem>>) semaphore(%run_scoped3A_185 : memref<!tpu.dma_semaphore, #tpu.memory_space<semaphore_mem>>) {add = true}
      %dma_wait3A_192 = arith.constant 0 : i32
      %dma_wait3A_193 = tpu.memref_slice %arg7[%run_scoped3A_97, %run_scoped3A_98, %dma_wait3A_192] : memref<2x8x64xi32, #tpu.memory_space<vmem>> -> memref<1x1x64xi32, #tpu.memory_space<vmem>>
      %dma_wait3A_194 = tpu.memref_squeeze %dma_wait3A_193 : memref<1x1x64xi32, #tpu.memory_space<vmem>> -> memref<64xi32, #tpu.memory_space<vmem>>
      %dma_wait3A_195 = arith.constant 0 : i32
      %dma_wait3A_196 = arith.constant 0 : i32
      %dma_wait3A_197 = tpu.memref_slice %arg10[%dma_wait3A_195, %dma_wait3A_196] : memref<10240x128xf32, #tpu.memory_space<vmem_shared>> -> memref<10240x128xf32, #tpu.memory_space<vmem_shared>>
      tpu.wait_indirect_dma semaphore(%run_scoped3A_185 : memref<!tpu.dma_semaphore, #tpu.memory_space<semaphore_mem>>) src(%arg8 : memref<64x128xf32, #tpu.memory_space<vmem>>) dst(%dma_wait3A_197 : memref<10240x128xf32, #tpu.memory_space<vmem_shared>>)
      tpu.yield
    }) : () -> ()
    %dma_wait3A_99 = arith.constant 1 : i32
    %dma_wait3A_100 = arith.constant 3 : i32
    %dma_wait3A_101 = arith.constant 0 : i32
    %dma_wait3A_102 = tpu.memref_slice %arg6[%dma_wait3A_99, %dma_wait3A_100, %dma_wait3A_101] : memref<2x8x64xi32, #tpu.memory_space<vmem>> -> memref<1x1x64xi32, #tpu.memory_space<vmem>>
    %dma_wait3A_103 = tpu.memref_squeeze %dma_wait3A_102 : memref<1x1x64xi32, #tpu.memory_space<vmem>> -> memref<64xi32, #tpu.memory_space<vmem>>
    %dma_wait3A_104 = arith.constant 0 : i32
    %dma_wait3A_105 = arith.constant 0 : i32
    %dma_wait3A_106 = tpu.memref_slice %arg2[%dma_wait3A_104, %dma_wait3A_105] : memref<20480x128xf32, #tpu.memory_space<hbm>> -> memref<20480x128xf32, #tpu.memory_space<hbm>>
    tpu.wait_indirect_dma semaphore(%arg12 : memref<!tpu.dma_semaphore, #tpu.memory_space<semaphore_mem>>) src(%dma_wait3A_106 : memref<20480x128xf32, #tpu.memory_space<hbm>>) dst(%arg9 : memref<64x128xf32, #tpu.memory_space<vmem>>)
    %dma_start3A_107 = arith.constant 1 : i32
    %dma_start3A_108 = arith.constant 4 : i32
    %dma_start3A_109 = arith.constant 0 : i32
    %dma_start3A_110 = tpu.memref_slice %arg6[%dma_start3A_107, %dma_start3A_108, %dma_start3A_109] : memref<2x8x64xi32, #tpu.memory_space<vmem>> -> memref<1x1x64xi32, #tpu.memory_space<vmem>>
    %dma_start3A_111 = tpu.memref_squeeze %dma_start3A_110 : memref<1x1x64xi32, #tpu.memory_space<vmem>> -> memref<64xi32, #tpu.memory_space<vmem>>
    %dma_start3A_112 = arith.constant 0 : i32
    %dma_start3A_113 = arith.constant 0 : i32
    %dma_start3A_114 = tpu.memref_slice %arg2[%dma_start3A_112, %dma_start3A_113] : memref<20480x128xf32, #tpu.memory_space<hbm>> -> memref<20480x128xf32, #tpu.memory_space<hbm>>
    tpu.enqueue_indirect_dma source(%dma_start3A_114 : memref<20480x128xf32, #tpu.memory_space<hbm>>) target(%arg8 : memref<64x128xf32, #tpu.memory_space<vmem>>) offsets(%dma_start3A_111 : memref<64xi32, #tpu.memory_space<vmem>>) semaphore(%arg11 : memref<!tpu.dma_semaphore, #tpu.memory_space<semaphore_mem>>)
    %run_scoped3A_115 = arith.constant 1 : i32
    %run_scoped3A_116 = arith.constant 3 : i32
    "tpu.region"() ({
      %run_scoped3A_185 = tpu.sem_alloc : memref<!tpu.dma_semaphore, #tpu.memory_space<semaphore_mem>>
      %dma_start3A_186 = arith.constant 0 : i32
      %dma_start3A_187 = tpu.memref_slice %arg7[%run_scoped3A_115, %run_scoped3A_116, %dma_start3A_186] : memref<2x8x64xi32, #tpu.memory_space<vmem>> -> memref<1x1x64xi32, #tpu.memory_space<vmem>>
      %dma_start3A_188 = tpu.memref_squeeze %dma_start3A_187 : memref<1x1x64xi32, #tpu.memory_space<vmem>> -> memref<64xi32, #tpu.memory_space<vmem>>
      %dma_start3A_189 = arith.constant 0 : i32
      %dma_start3A_190 = arith.constant 0 : i32
      %dma_start3A_191 = tpu.memref_slice %arg10[%dma_start3A_189, %dma_start3A_190] : memref<10240x128xf32, #tpu.memory_space<vmem_shared>> -> memref<10240x128xf32, #tpu.memory_space<vmem_shared>>
      tpu.enqueue_indirect_dma source(%arg9 : memref<64x128xf32, #tpu.memory_space<vmem>>) target(%dma_start3A_191 : memref<10240x128xf32, #tpu.memory_space<vmem_shared>>) offsets(%dma_start3A_188 : memref<64xi32, #tpu.memory_space<vmem>>) semaphore(%run_scoped3A_185 : memref<!tpu.dma_semaphore, #tpu.memory_space<semaphore_mem>>) {add = true}
      %dma_wait3A_192 = arith.constant 0 : i32
      %dma_wait3A_193 = tpu.memref_slice %arg7[%run_scoped3A_115, %run_scoped3A_116, %dma_wait3A_192] : memref<2x8x64xi32, #tpu.memory_space<vmem>> -> memref<1x1x64xi32, #tpu.memory_space<vmem>>
      %dma_wait3A_194 = tpu.memref_squeeze %dma_wait3A_193 : memref<1x1x64xi32, #tpu.memory_space<vmem>> -> memref<64xi32, #tpu.memory_space<vmem>>
      %dma_wait3A_195 = arith.constant 0 : i32
      %dma_wait3A_196 = arith.constant 0 : i32
      %dma_wait3A_197 = tpu.memref_slice %arg10[%dma_wait3A_195, %dma_wait3A_196] : memref<10240x128xf32, #tpu.memory_space<vmem_shared>> -> memref<10240x128xf32, #tpu.memory_space<vmem_shared>>
      tpu.wait_indirect_dma semaphore(%run_scoped3A_185 : memref<!tpu.dma_semaphore, #tpu.memory_space<semaphore_mem>>) src(%arg9 : memref<64x128xf32, #tpu.memory_space<vmem>>) dst(%dma_wait3A_197 : memref<10240x128xf32, #tpu.memory_space<vmem_shared>>)
      tpu.yield
    }) : () -> ()
    %dma_wait3A_117 = arith.constant 1 : i32
    %dma_wait3A_118 = arith.constant 4 : i32
    %dma_wait3A_119 = arith.constant 0 : i32
    %dma_wait3A_120 = tpu.memref_slice %arg6[%dma_wait3A_117, %dma_wait3A_118, %dma_wait3A_119] : memref<2x8x64xi32, #tpu.memory_space<vmem>> -> memref<1x1x64xi32, #tpu.memory_space<vmem>>
    %dma_wait3A_121 = tpu.memref_squeeze %dma_wait3A_120 : memref<1x1x64xi32, #tpu.memory_space<vmem>> -> memref<64xi32, #tpu.memory_space<vmem>>
    %dma_wait3A_122 = arith.constant 0 : i32
    %dma_wait3A_123 = arith.constant 0 : i32
    %dma_wait3A_124 = tpu.memref_slice %arg2[%dma_wait3A_122, %dma_wait3A_123] : memref<20480x128xf32, #tpu.memory_space<hbm>> -> memref<20480x128xf32, #tpu.memory_space<hbm>>
    tpu.wait_indirect_dma semaphore(%arg11 : memref<!tpu.dma_semaphore, #tpu.memory_space<semaphore_mem>>) src(%dma_wait3A_124 : memref<20480x128xf32, #tpu.memory_space<hbm>>) dst(%arg8 : memref<64x128xf32, #tpu.memory_space<vmem>>)
    %dma_start3A_125 = arith.constant 1 : i32
    %dma_start3A_126 = arith.constant 5 : i32
    %dma_start3A_127 = arith.constant 0 : i32
    %dma_start3A_128 = tpu.memref_slice %arg6[%dma_start3A_125, %dma_start3A_126, %dma_start3A_127] : memref<2x8x64xi32, #tpu.memory_space<vmem>> -> memref<1x1x64xi32, #tpu.memory_space<vmem>>
    %dma_start3A_129 = tpu.memref_squeeze %dma_start3A_128 : memref<1x1x64xi32, #tpu.memory_space<vmem>> -> memref<64xi32, #tpu.memory_space<vmem>>
    %dma_start3A_130 = arith.constant 0 : i32
    %dma_start3A_131 = arith.constant 0 : i32
    %dma_start3A_132 = tpu.memref_slice %arg2[%dma_start3A_130, %dma_start3A_131] : memref<20480x128xf32, #tpu.memory_space<hbm>> -> memref<20480x128xf32, #tpu.memory_space<hbm>>
    tpu.enqueue_indirect_dma source(%dma_start3A_132 : memref<20480x128xf32, #tpu.memory_space<hbm>>) target(%arg9 : memref<64x128xf32, #tpu.memory_space<vmem>>) offsets(%dma_start3A_129 : memref<64xi32, #tpu.memory_space<vmem>>) semaphore(%arg12 : memref<!tpu.dma_semaphore, #tpu.memory_space<semaphore_mem>>)
    %run_scoped3A_133 = arith.constant 1 : i32
    %run_scoped3A_134 = arith.constant 4 : i32
    "tpu.region"() ({
      %run_scoped3A_185 = tpu.sem_alloc : memref<!tpu.dma_semaphore, #tpu.memory_space<semaphore_mem>>
      %dma_start3A_186 = arith.constant 0 : i32
      %dma_start3A_187 = tpu.memref_slice %arg7[%run_scoped3A_133, %run_scoped3A_134, %dma_start3A_186] : memref<2x8x64xi32, #tpu.memory_space<vmem>> -> memref<1x1x64xi32, #tpu.memory_space<vmem>>
      %dma_start3A_188 = tpu.memref_squeeze %dma_start3A_187 : memref<1x1x64xi32, #tpu.memory_space<vmem>> -> memref<64xi32, #tpu.memory_space<vmem>>
      %dma_start3A_189 = arith.constant 0 : i32
      %dma_start3A_190 = arith.constant 0 : i32
      %dma_start3A_191 = tpu.memref_slice %arg10[%dma_start3A_189, %dma_start3A_190] : memref<10240x128xf32, #tpu.memory_space<vmem_shared>> -> memref<10240x128xf32, #tpu.memory_space<vmem_shared>>
      tpu.enqueue_indirect_dma source(%arg8 : memref<64x128xf32, #tpu.memory_space<vmem>>) target(%dma_start3A_191 : memref<10240x128xf32, #tpu.memory_space<vmem_shared>>) offsets(%dma_start3A_188 : memref<64xi32, #tpu.memory_space<vmem>>) semaphore(%run_scoped3A_185 : memref<!tpu.dma_semaphore, #tpu.memory_space<semaphore_mem>>) {add = true}
      %dma_wait3A_192 = arith.constant 0 : i32
      %dma_wait3A_193 = tpu.memref_slice %arg7[%run_scoped3A_133, %run_scoped3A_134, %dma_wait3A_192] : memref<2x8x64xi32, #tpu.memory_space<vmem>> -> memref<1x1x64xi32, #tpu.memory_space<vmem>>
      %dma_wait3A_194 = tpu.memref_squeeze %dma_wait3A_193 : memref<1x1x64xi32, #tpu.memory_space<vmem>> -> memref<64xi32, #tpu.memory_space<vmem>>
      %dma_wait3A_195 = arith.constant 0 : i32
      %dma_wait3A_196 = arith.constant 0 : i32
      %dma_wait3A_197 = tpu.memref_slice %arg10[%dma_wait3A_195, %dma_wait3A_196] : memref<10240x128xf32, #tpu.memory_space<vmem_shared>> -> memref<10240x128xf32, #tpu.memory_space<vmem_shared>>
      tpu.wait_indirect_dma semaphore(%run_scoped3A_185 : memref<!tpu.dma_semaphore, #tpu.memory_space<semaphore_mem>>) src(%arg8 : memref<64x128xf32, #tpu.memory_space<vmem>>) dst(%dma_wait3A_197 : memref<10240x128xf32, #tpu.memory_space<vmem_shared>>)
      tpu.yield
    }) : () -> ()
    %dma_wait3A_135 = arith.constant 1 : i32
    %dma_wait3A_136 = arith.constant 5 : i32
    %dma_wait3A_137 = arith.constant 0 : i32
    %dma_wait3A_138 = tpu.memref_slice %arg6[%dma_wait3A_135, %dma_wait3A_136, %dma_wait3A_137] : memref<2x8x64xi32, #tpu.memory_space<vmem>> -> memref<1x1x64xi32, #tpu.memory_space<vmem>>
    %dma_wait3A_139 = tpu.memref_squeeze %dma_wait3A_138 : memref<1x1x64xi32, #tpu.memory_space<vmem>> -> memref<64xi32, #tpu.memory_space<vmem>>
    %dma_wait3A_140 = arith.constant 0 : i32
    %dma_wait3A_141 = arith.constant 0 : i32
    %dma_wait3A_142 = tpu.memref_slice %arg2[%dma_wait3A_140, %dma_wait3A_141] : memref<20480x128xf32, #tpu.memory_space<hbm>> -> memref<20480x128xf32, #tpu.memory_space<hbm>>
    tpu.wait_indirect_dma semaphore(%arg12 : memref<!tpu.dma_semaphore, #tpu.memory_space<semaphore_mem>>) src(%dma_wait3A_142 : memref<20480x128xf32, #tpu.memory_space<hbm>>) dst(%arg9 : memref<64x128xf32, #tpu.memory_space<vmem>>)
    %dma_start3A_143 = arith.constant 1 : i32
    %dma_start3A_144 = arith.constant 6 : i32
    %dma_start3A_145 = arith.constant 0 : i32
    %dma_start3A_146 = tpu.memref_slice %arg6[%dma_start3A_143, %dma_start3A_144, %dma_start3A_145] : memref<2x8x64xi32, #tpu.memory_space<vmem>> -> memref<1x1x64xi32, #tpu.memory_space<vmem>>
    %dma_start3A_147 = tpu.memref_squeeze %dma_start3A_146 : memref<1x1x64xi32, #tpu.memory_space<vmem>> -> memref<64xi32, #tpu.memory_space<vmem>>
    %dma_start3A_148 = arith.constant 0 : i32
    %dma_start3A_149 = arith.constant 0 : i32
    %dma_start3A_150 = tpu.memref_slice %arg2[%dma_start3A_148, %dma_start3A_149] : memref<20480x128xf32, #tpu.memory_space<hbm>> -> memref<20480x128xf32, #tpu.memory_space<hbm>>
    tpu.enqueue_indirect_dma source(%dma_start3A_150 : memref<20480x128xf32, #tpu.memory_space<hbm>>) target(%arg8 : memref<64x128xf32, #tpu.memory_space<vmem>>) offsets(%dma_start3A_147 : memref<64xi32, #tpu.memory_space<vmem>>) semaphore(%arg11 : memref<!tpu.dma_semaphore, #tpu.memory_space<semaphore_mem>>)
    %run_scoped3A_151 = arith.constant 1 : i32
    %run_scoped3A_152 = arith.constant 5 : i32
    "tpu.region"() ({
      %run_scoped3A_185 = tpu.sem_alloc : memref<!tpu.dma_semaphore, #tpu.memory_space<semaphore_mem>>
      %dma_start3A_186 = arith.constant 0 : i32
      %dma_start3A_187 = tpu.memref_slice %arg7[%run_scoped3A_151, %run_scoped3A_152, %dma_start3A_186] : memref<2x8x64xi32, #tpu.memory_space<vmem>> -> memref<1x1x64xi32, #tpu.memory_space<vmem>>
      %dma_start3A_188 = tpu.memref_squeeze %dma_start3A_187 : memref<1x1x64xi32, #tpu.memory_space<vmem>> -> memref<64xi32, #tpu.memory_space<vmem>>
      %dma_start3A_189 = arith.constant 0 : i32
      %dma_start3A_190 = arith.constant 0 : i32
      %dma_start3A_191 = tpu.memref_slice %arg10[%dma_start3A_189, %dma_start3A_190] : memref<10240x128xf32, #tpu.memory_space<vmem_shared>> -> memref<10240x128xf32, #tpu.memory_space<vmem_shared>>
      tpu.enqueue_indirect_dma source(%arg9 : memref<64x128xf32, #tpu.memory_space<vmem>>) target(%dma_start3A_191 : memref<10240x128xf32, #tpu.memory_space<vmem_shared>>) offsets(%dma_start3A_188 : memref<64xi32, #tpu.memory_space<vmem>>) semaphore(%run_scoped3A_185 : memref<!tpu.dma_semaphore, #tpu.memory_space<semaphore_mem>>) {add = true}
      %dma_wait3A_192 = arith.constant 0 : i32
      %dma_wait3A_193 = tpu.memref_slice %arg7[%run_scoped3A_151, %run_scoped3A_152, %dma_wait3A_192] : memref<2x8x64xi32, #tpu.memory_space<vmem>> -> memref<1x1x64xi32, #tpu.memory_space<vmem>>
      %dma_wait3A_194 = tpu.memref_squeeze %dma_wait3A_193 : memref<1x1x64xi32, #tpu.memory_space<vmem>> -> memref<64xi32, #tpu.memory_space<vmem>>
      %dma_wait3A_195 = arith.constant 0 : i32
      %dma_wait3A_196 = arith.constant 0 : i32
      %dma_wait3A_197 = tpu.memref_slice %arg10[%dma_wait3A_195, %dma_wait3A_196] : memref<10240x128xf32, #tpu.memory_space<vmem_shared>> -> memref<10240x128xf32, #tpu.memory_space<vmem_shared>>
      tpu.wait_indirect_dma semaphore(%run_scoped3A_185 : memref<!tpu.dma_semaphore, #tpu.memory_space<semaphore_mem>>) src(%arg9 : memref<64x128xf32, #tpu.memory_space<vmem>>) dst(%dma_wait3A_197 : memref<10240x128xf32, #tpu.memory_space<vmem_shared>>)
      tpu.yield
    }) : () -> ()
    %dma_wait3A_153 = arith.constant 1 : i32
    %dma_wait3A_154 = arith.constant 6 : i32
    %dma_wait3A_155 = arith.constant 0 : i32
    %dma_wait3A_156 = tpu.memref_slice %arg6[%dma_wait3A_153, %dma_wait3A_154, %dma_wait3A_155] : memref<2x8x64xi32, #tpu.memory_space<vmem>> -> memref<1x1x64xi32, #tpu.memory_space<vmem>>
    %dma_wait3A_157 = tpu.memref_squeeze %dma_wait3A_156 : memref<1x1x64xi32, #tpu.memory_space<vmem>> -> memref<64xi32, #tpu.memory_space<vmem>>
    %dma_wait3A_158 = arith.constant 0 : i32
    %dma_wait3A_159 = arith.constant 0 : i32
    %dma_wait3A_160 = tpu.memref_slice %arg2[%dma_wait3A_158, %dma_wait3A_159] : memref<20480x128xf32, #tpu.memory_space<hbm>> -> memref<20480x128xf32, #tpu.memory_space<hbm>>
    tpu.wait_indirect_dma semaphore(%arg11 : memref<!tpu.dma_semaphore, #tpu.memory_space<semaphore_mem>>) src(%dma_wait3A_160 : memref<20480x128xf32, #tpu.memory_space<hbm>>) dst(%arg8 : memref<64x128xf32, #tpu.memory_space<vmem>>)
    %dma_start3A_161 = arith.constant 1 : i32
    %dma_start3A_162 = arith.constant 7 : i32
    %dma_start3A_163 = arith.constant 0 : i32
    %dma_start3A_164 = tpu.memref_slice %arg6[%dma_start3A_161, %dma_start3A_162, %dma_start3A_163] : memref<2x8x64xi32, #tpu.memory_space<vmem>> -> memref<1x1x64xi32, #tpu.memory_space<vmem>>
    %dma_start3A_165 = tpu.memref_squeeze %dma_start3A_164 : memref<1x1x64xi32, #tpu.memory_space<vmem>> -> memref<64xi32, #tpu.memory_space<vmem>>
    %dma_start3A_166 = arith.constant 0 : i32
    %dma_start3A_167 = arith.constant 0 : i32
    %dma_start3A_168 = tpu.memref_slice %arg2[%dma_start3A_166, %dma_start3A_167] : memref<20480x128xf32, #tpu.memory_space<hbm>> -> memref<20480x128xf32, #tpu.memory_space<hbm>>
    tpu.enqueue_indirect_dma source(%dma_start3A_168 : memref<20480x128xf32, #tpu.memory_space<hbm>>) target(%arg9 : memref<64x128xf32, #tpu.memory_space<vmem>>) offsets(%dma_start3A_165 : memref<64xi32, #tpu.memory_space<vmem>>) semaphore(%arg12 : memref<!tpu.dma_semaphore, #tpu.memory_space<semaphore_mem>>)
    %run_scoped3A_169 = arith.constant 1 : i32
    %run_scoped3A_170 = arith.constant 6 : i32
    "tpu.region"() ({
      %run_scoped3A_185 = tpu.sem_alloc : memref<!tpu.dma_semaphore, #tpu.memory_space<semaphore_mem>>
      %dma_start3A_186 = arith.constant 0 : i32
      %dma_start3A_187 = tpu.memref_slice %arg7[%run_scoped3A_169, %run_scoped3A_170, %dma_start3A_186] : memref<2x8x64xi32, #tpu.memory_space<vmem>> -> memref<1x1x64xi32, #tpu.memory_space<vmem>>
      %dma_start3A_188 = tpu.memref_squeeze %dma_start3A_187 : memref<1x1x64xi32, #tpu.memory_space<vmem>> -> memref<64xi32, #tpu.memory_space<vmem>>
      %dma_start3A_189 = arith.constant 0 : i32
      %dma_start3A_190 = arith.constant 0 : i32
      %dma_start3A_191 = tpu.memref_slice %arg10[%dma_start3A_189, %dma_start3A_190] : memref<10240x128xf32, #tpu.memory_space<vmem_shared>> -> memref<10240x128xf32, #tpu.memory_space<vmem_shared>>
      tpu.enqueue_indirect_dma source(%arg8 : memref<64x128xf32, #tpu.memory_space<vmem>>) target(%dma_start3A_191 : memref<10240x128xf32, #tpu.memory_space<vmem_shared>>) offsets(%dma_start3A_188 : memref<64xi32, #tpu.memory_space<vmem>>) semaphore(%run_scoped3A_185 : memref<!tpu.dma_semaphore, #tpu.memory_space<semaphore_mem>>) {add = true}
      %dma_wait3A_192 = arith.constant 0 : i32
      %dma_wait3A_193 = tpu.memref_slice %arg7[%run_scoped3A_169, %run_scoped3A_170, %dma_wait3A_192] : memref<2x8x64xi32, #tpu.memory_space<vmem>> -> memref<1x1x64xi32, #tpu.memory_space<vmem>>
      %dma_wait3A_194 = tpu.memref_squeeze %dma_wait3A_193 : memref<1x1x64xi32, #tpu.memory_space<vmem>> -> memref<64xi32, #tpu.memory_space<vmem>>
      %dma_wait3A_195 = arith.constant 0 : i32
      %dma_wait3A_196 = arith.constant 0 : i32
      %dma_wait3A_197 = tpu.memref_slice %arg10[%dma_wait3A_195, %dma_wait3A_196] : memref<10240x128xf32, #tpu.memory_space<vmem_shared>> -> memref<10240x128xf32, #tpu.memory_space<vmem_shared>>
      tpu.wait_indirect_dma semaphore(%run_scoped3A_185 : memref<!tpu.dma_semaphore, #tpu.memory_space<semaphore_mem>>) src(%arg8 : memref<64x128xf32, #tpu.memory_space<vmem>>) dst(%dma_wait3A_197 : memref<10240x128xf32, #tpu.memory_space<vmem_shared>>)
      tpu.yield
    }) : () -> ()
    %dma_wait3A_171 = arith.constant 1 : i32
    %dma_wait3A_172 = arith.constant 7 : i32
    %dma_wait3A_173 = arith.constant 0 : i32
    %dma_wait3A_174 = tpu.memref_slice %arg6[%dma_wait3A_171, %dma_wait3A_172, %dma_wait3A_173] : memref<2x8x64xi32, #tpu.memory_space<vmem>> -> memref<1x1x64xi32, #tpu.memory_space<vmem>>
    %dma_wait3A_175 = tpu.memref_squeeze %dma_wait3A_174 : memref<1x1x64xi32, #tpu.memory_space<vmem>> -> memref<64xi32, #tpu.memory_space<vmem>>
    %dma_wait3A_176 = arith.constant 0 : i32
    %dma_wait3A_177 = arith.constant 0 : i32
    %dma_wait3A_178 = tpu.memref_slice %arg2[%dma_wait3A_176, %dma_wait3A_177] : memref<20480x128xf32, #tpu.memory_space<hbm>> -> memref<20480x128xf32, #tpu.memory_space<hbm>>
    tpu.wait_indirect_dma semaphore(%arg12 : memref<!tpu.dma_semaphore, #tpu.memory_space<semaphore_mem>>) src(%dma_wait3A_178 : memref<20480x128xf32, #tpu.memory_space<hbm>>) dst(%arg9 : memref<64x128xf32, #tpu.memory_space<vmem>>)
    %run_scoped3A_179 = arith.constant 1 : i32
    %run_scoped3A_180 = arith.constant 7 : i32
    "tpu.region"() ({
      %run_scoped3A_185 = tpu.sem_alloc : memref<!tpu.dma_semaphore, #tpu.memory_space<semaphore_mem>>
      %dma_start3A_186 = arith.constant 0 : i32
      %dma_start3A_187 = tpu.memref_slice %arg7[%run_scoped3A_179, %run_scoped3A_180, %dma_start3A_186] : memref<2x8x64xi32, #tpu.memory_space<vmem>> -> memref<1x1x64xi32, #tpu.memory_space<vmem>>
      %dma_start3A_188 = tpu.memref_squeeze %dma_start3A_187 : memref<1x1x64xi32, #tpu.memory_space<vmem>> -> memref<64xi32, #tpu.memory_space<vmem>>
      %dma_start3A_189 = arith.constant 0 : i32
      %dma_start3A_190 = arith.constant 0 : i32
      %dma_start3A_191 = tpu.memref_slice %arg10[%dma_start3A_189, %dma_start3A_190] : memref<10240x128xf32, #tpu.memory_space<vmem_shared>> -> memref<10240x128xf32, #tpu.memory_space<vmem_shared>>
      tpu.enqueue_indirect_dma source(%arg9 : memref<64x128xf32, #tpu.memory_space<vmem>>) target(%dma_start3A_191 : memref<10240x128xf32, #tpu.memory_space<vmem_shared>>) offsets(%dma_start3A_188 : memref<64xi32, #tpu.memory_space<vmem>>) semaphore(%run_scoped3A_185 : memref<!tpu.dma_semaphore, #tpu.memory_space<semaphore_mem>>) {add = true}
      %dma_wait3A_192 = arith.constant 0 : i32
      %dma_wait3A_193 = tpu.memref_slice %arg7[%run_scoped3A_179, %run_scoped3A_180, %dma_wait3A_192] : memref<2x8x64xi32, #tpu.memory_space<vmem>> -> memref<1x1x64xi32, #tpu.memory_space<vmem>>
      %dma_wait3A_194 = tpu.memref_squeeze %dma_wait3A_193 : memref<1x1x64xi32, #tpu.memory_space<vmem>> -> memref<64xi32, #tpu.memory_space<vmem>>
      %dma_wait3A_195 = arith.constant 0 : i32
      %dma_wait3A_196 = arith.constant 0 : i32
      %dma_wait3A_197 = tpu.memref_slice %arg10[%dma_wait3A_195, %dma_wait3A_196] : memref<10240x128xf32, #tpu.memory_space<vmem_shared>> -> memref<10240x128xf32, #tpu.memory_space<vmem_shared>>
      tpu.wait_indirect_dma semaphore(%run_scoped3A_185 : memref<!tpu.dma_semaphore, #tpu.memory_space<semaphore_mem>>) src(%arg9 : memref<64x128xf32, #tpu.memory_space<vmem>>) dst(%dma_wait3A_197 : memref<10240x128xf32, #tpu.memory_space<vmem_shared>>)
      tpu.yield
    }) : () -> ()
    %barrier3A_181 = arith.constant 0 : index
    tpu.barrier barrier_id(%barrier3A_181)
    %mul3A_182 = arith.constant 10240 : i32
    %mul3A_183 = arith.muli %arg0, %mul3A_182 : i32
    %add3A_184 = arith.addi %mul3A_183, %mul3A_6 : i32
    "tpu.region"() ({
      %run_scoped3A_185 = tpu.sem_alloc : memref<!tpu.dma_semaphore, #tpu.memory_space<semaphore_mem>>
      %dma_start3A_186 = arith.constant 0 : i32
      %dma_start3A_187 = tpu.memref_slice %arg5[%add3A_184, %dma_start3A_186] : memref<20480x128xf32, #tpu.memory_space<hbm>> -> memref<640x128xf32, #tpu.memory_space<hbm>>
      %dma_start3A_188 = arith.constant 0 : i32
      %dma_start3A_189 = tpu.memref_slice %arg10[%mul3A_6, %dma_start3A_188] : memref<10240x128xf32, #tpu.memory_space<vmem_shared>> -> memref<640x128xf32, #tpu.memory_space<vmem_shared>>
      tpu.enqueue_dma source(%dma_start3A_189 : memref<640x128xf32, #tpu.memory_space<vmem_shared>>) target(%dma_start3A_187 : memref<640x128xf32, #tpu.memory_space<hbm>>) target_semaphore(%run_scoped3A_185 : memref<!tpu.dma_semaphore, #tpu.memory_space<semaphore_mem>>)
      %dma_wait3A_190 = arith.constant 0 : i32
      %dma_wait3A_191 = tpu.memref_slice %arg5[%add3A_184, %dma_wait3A_190] : memref<20480x128xf32, #tpu.memory_space<hbm>> -> memref<640x128xf32, #tpu.memory_space<hbm>>
      %dma_wait3A_192 = arith.constant 0 : i32
      %dma_wait3A_193 = tpu.memref_slice %arg10[%mul3A_6, %dma_wait3A_192] : memref<10240x128xf32, #tpu.memory_space<vmem_shared>> -> memref<640x128xf32, #tpu.memory_space<vmem_shared>>
      tpu.wait_dma2 semaphore(%run_scoped3A_185 : memref<!tpu.dma_semaphore, #tpu.memory_space<semaphore_mem>>) src(%dma_wait3A_193 : memref<640x128xf32, #tpu.memory_space<vmem_shared>>) dst(%dma_wait3A_191 : memref<640x128xf32, #tpu.memory_space<hbm>>)
      tpu.yield
    }) : () -> ()
    return
  }
}

#map = affine_map<(d0, d1) -> (0, 0)>
module attributes {stable_mosaic.version = 14 : i64} {
  func.func @_spmm_kernel(%arg0: i32, %arg1: i32, %arg2: memref<20480x128xf32, #tpu.memory_space<hbm>>, %arg3: memref<10240x64xi32, #tpu.memory_space<hbm>>, %arg4: memref<5120x64xi32, #tpu.memory_space<hbm>>, %arg5: memref<20480x128xf32, #tpu.memory_space<hbm>>, %arg6: memref<2x8x64xi32, #tpu.memory_space<vmem>>, %arg7: memref<2x8x64xi32, #tpu.memory_space<vmem>>, %arg8: memref<64x128xf32, #tpu.memory_space<vmem>>, %arg9: memref<64x128xf32, #tpu.memory_space<vmem>>, %arg10: memref<10240x128xf32, #tpu.memory_space<vmem_shared>>, %arg11: memref<!tpu.dma_semaphore, #tpu.memory_space<semaphore_mem>>, %arg12: memref<!tpu.dma_semaphore, #tpu.memory_space<semaphore_mem>>, %arg13: memref<!tpu.dma_semaphore, #tpu.memory_space<semaphore_mem>>, %arg14: memref<!tpu.dma_semaphore, #tpu.memory_space<semaphore_mem>>) attributes {dimension_semantics = [#tpu.dimension_semantics<core_parallel>, #tpu.dimension_semantics<subcore_parallel>], iteration_bounds = array<i64: 2, 16>, scalar_prefetch = 0 : i64, scratch_operands = 9 : i64, tpu.core_type = #tpu.core_type<sc_vector_subcore>, window_params = [{transform_indices = #map}, {transform_indices = #map}, {transform_indices = #map}, {transform_indices = #map}]} {
    %mul3A = arith.constant 16 : i32
    %mul3A_0 = arith.muli %arg0, %mul3A : i32
    %add3A = arith.addi %mul3A_0, %arg1 : i32
    %mul3A_1 = arith.constant 320 : i32
    %mul3A_2 = arith.muli %add3A, %mul3A_1 : i32
    %mul3A_3 = arith.constant 320 : i32
    %mul3A_4 = arith.muli %arg1, %mul3A_3 : i32
    %mul3A_5 = arith.constant 640 : i32
    %mul3A_6 = arith.muli %arg1, %mul3A_5 : i32
    %scan3A = arith.constant 0 : i32
    %scan3A_7 = arith.constant 0 : i32
    %scan3A_8 = arith.constant 64 : i32
    %scan3A_9 = arith.addi %scan3A_7, %scan3A_8 : i32
    %scan3A_10 = arith.constant 1 : i32
    scf.for %scan3A_185 = %scan3A_7 to %scan3A_9 step %scan3A_10  : i32 {
      %broadcast_in_dim3A = arith.constant 0.000000e+00 : f32
      %broadcast_in_dim3A_186 = vector.broadcast %broadcast_in_dim3A : f32 to vector<16xf32>
      %swap3A = arith.index_cast %scan3A_185 : i32 to index
      %swap3A_187 = arith.constant 0 : index
      %swap3A_188 = tpu.vector_load %arg8[%swap3A, %swap3A_187] {strides = array<i32>} : memref<64x128xf32, #tpu.memory_space<vmem>>, vector<1x16xf32>,
      %swap3A_189 = vector.shape_cast %swap3A_188 : vector<1x16xf32> to vector<16xf32>
      %swap3A_190 = vector.shape_cast %broadcast_in_dim3A_186 : vector<16xf32> to vector<1x16xf32>
      tpu.vector_store %arg8[%swap3A, %swap3A_187], %swap3A_190 {strides = array<i32>} : memref<64x128xf32, #tpu.memory_space<vmem>>, vector<1x16xf32>,
      %broadcast_in_dim3A_191 = arith.constant 0.000000e+00 : f32
      %broadcast_in_dim3A_192 = vector.broadcast %broadcast_in_dim3A_191 : f32 to vector<16xf32>
      %swap3A_193 = arith.index_cast %scan3A_185 : i32 to index
      %swap3A_194 = arith.constant 16 : index
      %swap3A_195 = tpu.vector_load %arg8[%swap3A_193, %swap3A_194] {strides = array<i32>} : memref<64x128xf32, #tpu.memory_space<vmem>>, vector<1x16xf32>,
      %swap3A_196 = vector.shape_cast %swap3A_195 : vector<1x16xf32> to vector<16xf32>
      %swap3A_197 = vector.shape_cast %broadcast_in_dim3A_192 : vector<16xf32> to vector<1x16xf32>
      tpu.vector_store %arg8[%swap3A_193, %swap3A_194], %swap3A_197 {strides = array<i32>} : memref<64x128xf32, #tpu.memory_space<vmem>>, vector<1x16xf32>,
      %broadcast_in_dim3A_198 = arith.constant 0.000000e+00 : f32
      %broadcast_in_dim3A_199 = vector.broadcast %broadcast_in_dim3A_198 : f32 to vector<16xf32>
      %swap3A_200 = arith.index_cast %scan3A_185 : i32 to index
      %swap3A_201 = arith.constant 32 : index
      %swap3A_202 = tpu.vector_load %arg8[%swap3A_200, %swap3A_201] {strides = array<i32>} : memref<64x128xf32, #tpu.memory_space<vmem>>, vector<1x16xf32>,
      %swap3A_203 = vector.shape_cast %swap3A_202 : vector<1x16xf32> to vector<16xf32>
      %swap3A_204 = vector.shape_cast %broadcast_in_dim3A_199 : vector<16xf32> to vector<1x16xf32>
      tpu.vector_store %arg8[%swap3A_200, %swap3A_201], %swap3A_204 {strides = array<i32>} : memref<64x128xf32, #tpu.memory_space<vmem>>, vector<1x16xf32>,
      %broadcast_in_dim3A_205 = arith.constant 0.000000e+00 : f32
      %broadcast_in_dim3A_206 = vector.broadcast %broadcast_in_dim3A_205 : f32 to vector<16xf32>
      %swap3A_207 = arith.index_cast %scan3A_185 : i32 to index
      %swap3A_208 = arith.constant 48 : index
      %swap3A_209 = tpu.vector_load %arg8[%swap3A_207, %swap3A_208] {strides = array<i32>} : memref<64x128xf32, #tpu.memory_space<vmem>>, vector<1x16xf32>,
      %swap3A_210 = vector.shape_cast %swap3A_209 : vector<1x16xf32> to vector<16xf32>
      %swap3A_211 = vector.shape_cast %broadcast_in_dim3A_206 : vector<16xf32> to vector<1x16xf32>
      tpu.vector_store %arg8[%swap3A_207, %swap3A_208], %swap3A_211 {strides = array<i32>} : memref<64x128xf32, #tpu.memory_space<vmem>>, vector<1x16xf32>,
      %broadcast_in_dim3A_212 = arith.constant 0.000000e+00 : f32
      %broadcast_in_dim3A_213 = vector.broadcast %broadcast_in_dim3A_212 : f32 to vector<16xf32>
      %swap3A_214 = arith.index_cast %scan3A_185 : i32 to index
      %swap3A_215 = arith.constant 64 : index
      %swap3A_216 = tpu.vector_load %arg8[%swap3A_214, %swap3A_215] {strides = array<i32>} : memref<64x128xf32, #tpu.memory_space<vmem>>, vector<1x16xf32>,
      %swap3A_217 = vector.shape_cast %swap3A_216 : vector<1x16xf32> to vector<16xf32>
      %swap3A_218 = vector.shape_cast %broadcast_in_dim3A_213 : vector<16xf32> to vector<1x16xf32>
      tpu.vector_store %arg8[%swap3A_214, %swap3A_215], %swap3A_218 {strides = array<i32>} : memref<64x128xf32, #tpu.memory_space<vmem>>, vector<1x16xf32>,
      %broadcast_in_dim3A_219 = arith.constant 0.000000e+00 : f32
      %broadcast_in_dim3A_220 = vector.broadcast %broadcast_in_dim3A_219 : f32 to vector<16xf32>
      %swap3A_221 = arith.index_cast %scan3A_185 : i32 to index
      %swap3A_222 = arith.constant 80 : index
      %swap3A_223 = tpu.vector_load %arg8[%swap3A_221, %swap3A_222] {strides = array<i32>} : memref<64x128xf32, #tpu.memory_space<vmem>>, vector<1x16xf32>,
      %swap3A_224 = vector.shape_cast %swap3A_223 : vector<1x16xf32> to vector<16xf32>
      %swap3A_225 = vector.shape_cast %broadcast_in_dim3A_220 : vector<16xf32> to vector<1x16xf32>
      tpu.vector_store %arg8[%swap3A_221, %swap3A_222], %swap3A_225 {strides = array<i32>} : memref<64x128xf32, #tpu.memory_space<vmem>>, vector<1x16xf32>,
      %broadcast_in_dim3A_226 = arith.constant 0.000000e+00 : f32
      %broadcast_in_dim3A_227 = vector.broadcast %broadcast_in_dim3A_226 : f32 to vector<16xf32>
      %swap3A_228 = arith.index_cast %scan3A_185 : i32 to index
      %swap3A_229 = arith.constant 96 : index
      %swap3A_230 = tpu.vector_load %arg8[%swap3A_228, %swap3A_229] {strides = array<i32>} : memref<64x128xf32, #tpu.memory_space<vmem>>, vector<1x16xf32>,
      %swap3A_231 = vector.shape_cast %swap3A_230 : vector<1x16xf32> to vector<16xf32>
      %swap3A_232 = vector.shape_cast %broadcast_in_dim3A_227 : vector<16xf32> to vector<1x16xf32>
      tpu.vector_store %arg8[%swap3A_228, %swap3A_229], %swap3A_232 {strides = array<i32>} : memref<64x128xf32, #tpu.memory_space<vmem>>, vector<1x16xf32>,
      %broadcast_in_dim3A_233 = arith.constant 0.000000e+00 : f32
      %broadcast_in_dim3A_234 = vector.broadcast %broadcast_in_dim3A_233 : f32 to vector<16xf32>
      %swap3A_235 = arith.index_cast %scan3A_185 : i32 to index
      %swap3A_236 = arith.constant 112 : index
      %swap3A_237 = tpu.vector_load %arg8[%swap3A_235, %swap3A_236] {strides = array<i32>} : memref<64x128xf32, #tpu.memory_space<vmem>>, vector<1x16xf32>,
      %swap3A_238 = vector.shape_cast %swap3A_237 : vector<1x16xf32> to vector<16xf32>
      %swap3A_239 = vector.shape_cast %broadcast_in_dim3A_234 : vector<16xf32> to vector<1x16xf32>
      tpu.vector_store %arg8[%swap3A_235, %swap3A_236], %swap3A_239 {strides = array<i32>} : memref<64x128xf32, #tpu.memory_space<vmem>>, vector<1x16xf32>,
    }
    %scan3A_11 = arith.constant 64 : i32
    %add3A_12 = arith.constant 0 : i32
    %add3A_13 = arith.addi %mul3A_6, %add3A_12 : i32
    "tpu.region"() ({
      %run_scoped3A_185 = tpu.sem_alloc : memref<!tpu.dma_semaphore, #tpu.memory_space<semaphore_mem>>
      %dma_start3A_186 = arith.constant 0 : i32
      %dma_start3A_187 = tpu.memref_slice %arg10[%add3A_13, %dma_start3A_186] : memref<10240x128xf32, #tpu.memory_space<vmem_shared>> -> memref<64x128xf32, #tpu.memory_space<vmem_shared>>
      %dma_start3A_188 = arith.constant 0 : i32
      %dma_start3A_189 = tpu.memref_slice %arg10[%add3A_13, %dma_start3A_188] : memref<10240x128xf32, #tpu.memory_space<vmem_shared>> -> memref<64x128xf32, #tpu.memory_space<vmem_shared>>
      tpu.enqueue_dma source(%arg8 : memref<64x128xf32, #tpu.memory_space<vmem>>) target(%dma_start3A_189 : memref<64x128xf32, #tpu.memory_space<vmem_shared>>) target_semaphore(%run_scoped3A_185 : memref<!tpu.dma_semaphore, #tpu.memory_space<semaphore_mem>>)
      %dma_wait3A_190 = arith.constant 0 : i32
      %dma_wait3A_191 = tpu.memref_slice %arg10[%add3A_13, %dma_wait3A_190] : memref<10240x128xf32, #tpu.memory_space<vmem_shared>> -> memref<64x128xf32, #tpu.memory_space<vmem_shared>>
      %dma_wait3A_192 = arith.constant 0 : i32
      %dma_wait3A_193 = tpu.memref_slice %arg10[%add3A_13, %dma_wait3A_192] : memref<10240x128xf32, #tpu.memory_space<vmem_shared>> -> memref<64x128xf32, #tpu.memory_space<vmem_shared>>
      tpu.wait_dma2 semaphore(%run_scoped3A_185 : memref<!tpu.dma_semaphore, #tpu.memory_space<semaphore_mem>>) src(%arg8 : memref<64x128xf32, #tpu.memory_space<vmem>>) dst(%dma_wait3A_193 : memref<64x128xf32, #tpu.memory_space<vmem_shared>>)
      tpu.yield
    }) : () -> ()
    %add3A_14 = arith.constant 64 : i32
    %add3A_15 = arith.addi %mul3A_6, %add3A_14 : i32
    "tpu.region"() ({
      %run_scoped3A_185 = tpu.sem_alloc : memref<!tpu.dma_semaphore, #tpu.memory_space<semaphore_mem>>
      %dma_start3A_186 = arith.constant 0 : i32
      %dma_start3A_187 = tpu.memref_slice %arg10[%add3A_15, %dma_start3A_186] : memref<10240x128xf32, #tpu.memory_space<vmem_shared>> -> memref<64x128xf32, #tpu.memory_space<vmem_shared>>
      %dma_start3A_188 = arith.constant 0 : i32
      %dma_start3A_189 = tpu.memref_slice %arg10[%add3A_15, %dma_start3A_188] : memref<10240x128xf32, #tpu.memory_space<vmem_shared>> -> memref<64x128xf32, #tpu.memory_space<vmem_shared>>
      tpu.enqueue_dma source(%arg8 : memref<64x128xf32, #tpu.memory_space<vmem>>) target(%dma_start3A_189 : memref<64x128xf32, #tpu.memory_space<vmem_shared>>) target_semaphore(%run_scoped3A_185 : memref<!tpu.dma_semaphore, #tpu.memory_space<semaphore_mem>>)
      %dma_wait3A_190 = arith.constant 0 : i32
      %dma_wait3A_191 = tpu.memref_slice %arg10[%add3A_15, %dma_wait3A_190] : memref<10240x128xf32, #tpu.memory_space<vmem_shared>> -> memref<64x128xf32, #tpu.memory_space<vmem_shared>>
      %dma_wait3A_192 = arith.constant 0 : i32
      %dma_wait3A_193 = tpu.memref_slice %arg10[%add3A_15, %dma_wait3A_192] : memref<10240x128xf32, #tpu.memory_space<vmem_shared>> -> memref<64x128xf32, #tpu.memory_space<vmem_shared>>
      tpu.wait_dma2 semaphore(%run_scoped3A_185 : memref<!tpu.dma_semaphore, #tpu.memory_space<semaphore_mem>>) src(%arg8 : memref<64x128xf32, #tpu.memory_space<vmem>>) dst(%dma_wait3A_193 : memref<64x128xf32, #tpu.memory_space<vmem_shared>>)
      tpu.yield
    }) : () -> ()
    %add3A_16 = arith.constant 128 : i32
    %add3A_17 = arith.addi %mul3A_6, %add3A_16 : i32
    "tpu.region"() ({
      %run_scoped3A_185 = tpu.sem_alloc : memref<!tpu.dma_semaphore, #tpu.memory_space<semaphore_mem>>
      %dma_start3A_186 = arith.constant 0 : i32
      %dma_start3A_187 = tpu.memref_slice %arg10[%add3A_17, %dma_start3A_186] : memref<10240x128xf32, #tpu.memory_space<vmem_shared>> -> memref<64x128xf32, #tpu.memory_space<vmem_shared>>
      %dma_start3A_188 = arith.constant 0 : i32
      %dma_start3A_189 = tpu.memref_slice %arg10[%add3A_17, %dma_start3A_188] : memref<10240x128xf32, #tpu.memory_space<vmem_shared>> -> memref<64x128xf32, #tpu.memory_space<vmem_shared>>
      tpu.enqueue_dma source(%arg8 : memref<64x128xf32, #tpu.memory_space<vmem>>) target(%dma_start3A_189 : memref<64x128xf32, #tpu.memory_space<vmem_shared>>) target_semaphore(%run_scoped3A_185 : memref<!tpu.dma_semaphore, #tpu.memory_space<semaphore_mem>>)
      %dma_wait3A_190 = arith.constant 0 : i32
      %dma_wait3A_191 = tpu.memref_slice %arg10[%add3A_17, %dma_wait3A_190] : memref<10240x128xf32, #tpu.memory_space<vmem_shared>> -> memref<64x128xf32, #tpu.memory_space<vmem_shared>>
      %dma_wait3A_192 = arith.constant 0 : i32
      %dma_wait3A_193 = tpu.memref_slice %arg10[%add3A_17, %dma_wait3A_192] : memref<10240x128xf32, #tpu.memory_space<vmem_shared>> -> memref<64x128xf32, #tpu.memory_space<vmem_shared>>
      tpu.wait_dma2 semaphore(%run_scoped3A_185 : memref<!tpu.dma_semaphore, #tpu.memory_space<semaphore_mem>>) src(%arg8 : memref<64x128xf32, #tpu.memory_space<vmem>>) dst(%dma_wait3A_193 : memref<64x128xf32, #tpu.memory_space<vmem_shared>>)
      tpu.yield
    }) : () -> ()
    %add3A_18 = arith.constant 192 : i32
    %add3A_19 = arith.addi %mul3A_6, %add3A_18 : i32
    "tpu.region"() ({
      %run_scoped3A_185 = tpu.sem_alloc : memref<!tpu.dma_semaphore, #tpu.memory_space<semaphore_mem>>
      %dma_start3A_186 = arith.constant 0 : i32
      %dma_start3A_187 = tpu.memref_slice %arg10[%add3A_19, %dma_start3A_186] : memref<10240x128xf32, #tpu.memory_space<vmem_shared>> -> memref<64x128xf32, #tpu.memory_space<vmem_shared>>
      %dma_start3A_188 = arith.constant 0 : i32
      %dma_start3A_189 = tpu.memref_slice %arg10[%add3A_19, %dma_start3A_188] : memref<10240x128xf32, #tpu.memory_space<vmem_shared>> -> memref<64x128xf32, #tpu.memory_space<vmem_shared>>
      tpu.enqueue_dma source(%arg8 : memref<64x128xf32, #tpu.memory_space<vmem>>) target(%dma_start3A_189 : memref<64x128xf32, #tpu.memory_space<vmem_shared>>) target_semaphore(%run_scoped3A_185 : memref<!tpu.dma_semaphore, #tpu.memory_space<semaphore_mem>>)
      %dma_wait3A_190 = arith.constant 0 : i32
      %dma_wait3A_191 = tpu.memref_slice %arg10[%add3A_19, %dma_wait3A_190] : memref<10240x128xf32, #tpu.memory_space<vmem_shared>> -> memref<64x128xf32, #tpu.memory_space<vmem_shared>>
      %dma_wait3A_192 = arith.constant 0 : i32
      %dma_wait3A_193 = tpu.memref_slice %arg10[%add3A_19, %dma_wait3A_192] : memref<10240x128xf32, #tpu.memory_space<vmem_shared>> -> memref<64x128xf32, #tpu.memory_space<vmem_shared>>
      tpu.wait_dma2 semaphore(%run_scoped3A_185 : memref<!tpu.dma_semaphore, #tpu.memory_space<semaphore_mem>>) src(%arg8 : memref<64x128xf32, #tpu.memory_space<vmem>>) dst(%dma_wait3A_193 : memref<64x128xf32, #tpu.memory_space<vmem_shared>>)
      tpu.yield
    }) : () -> ()
    %add3A_20 = arith.constant 256 : i32
    %add3A_21 = arith.addi %mul3A_6, %add3A_20 : i32
    "tpu.region"() ({
      %run_scoped3A_185 = tpu.sem_alloc : memref<!tpu.dma_semaphore, #tpu.memory_space<semaphore_mem>>
      %dma_start3A_186 = arith.constant 0 : i32
      %dma_start3A_187 = tpu.memref_slice %arg10[%add3A_21, %dma_start3A_186] : memref<10240x128xf32, #tpu.memory_space<vmem_shared>> -> memref<64x128xf32, #tpu.memory_space<vmem_shared>>
      %dma_start3A_188 = arith.constant 0 : i32
      %dma_start3A_189 = tpu.memref_slice %arg10[%add3A_21, %dma_start3A_188] : memref<10240x128xf32, #tpu.memory_space<vmem_shared>> -> memref<64x128xf32, #tpu.memory_space<vmem_shared>>
      tpu.enqueue_dma source(%arg8 : memref<64x128xf32, #tpu.memory_space<vmem>>) target(%dma_start3A_189 : memref<64x128xf32, #tpu.memory_space<vmem_shared>>) target_semaphore(%run_scoped3A_185 : memref<!tpu.dma_semaphore, #tpu.memory_space<semaphore_mem>>)
      %dma_wait3A_190 = arith.constant 0 : i32
      %dma_wait3A_191 = tpu.memref_slice %arg10[%add3A_21, %dma_wait3A_190] : memref<10240x128xf32, #tpu.memory_space<vmem_shared>> -> memref<64x128xf32, #tpu.memory_space<vmem_shared>>
      %dma_wait3A_192 = arith.constant 0 : i32
      %dma_wait3A_193 = tpu.memref_slice %arg10[%add3A_21, %dma_wait3A_192] : memref<10240x128xf32, #tpu.memory_space<vmem_shared>> -> memref<64x128xf32, #tpu.memory_space<vmem_shared>>
      tpu.wait_dma2 semaphore(%run_scoped3A_185 : memref<!tpu.dma_semaphore, #tpu.memory_space<semaphore_mem>>) src(%arg8 : memref<64x128xf32, #tpu.memory_space<vmem>>) dst(%dma_wait3A_193 : memref<64x128xf32, #tpu.memory_space<vmem_shared>>)
      tpu.yield
    }) : () -> ()
    %add3A_22 = arith.constant 320 : i32
    %add3A_23 = arith.addi %mul3A_6, %add3A_22 : i32
    "tpu.region"() ({
      %run_scoped3A_185 = tpu.sem_alloc : memref<!tpu.dma_semaphore, #tpu.memory_space<semaphore_mem>>
      %dma_start3A_186 = arith.constant 0 : i32
      %dma_start3A_187 = tpu.memref_slice %arg10[%add3A_23, %dma_start3A_186] : memref<10240x128xf32, #tpu.memory_space<vmem_shared>> -> memref<64x128xf32, #tpu.memory_space<vmem_shared>>
      %dma_start3A_188 = arith.constant 0 : i32
      %dma_start3A_189 = tpu.memref_slice %arg10[%add3A_23, %dma_start3A_188] : memref<10240x128xf32, #tpu.memory_space<vmem_shared>> -> memref<64x128xf32, #tpu.memory_space<vmem_shared>>
      tpu.enqueue_dma source(%arg8 : memref<64x128xf32, #tpu.memory_space<vmem>>) target(%dma_start3A_189 : memref<64x128xf32, #tpu.memory_space<vmem_shared>>) target_semaphore(%run_scoped3A_185 : memref<!tpu.dma_semaphore, #tpu.memory_space<semaphore_mem>>)
      %dma_wait3A_190 = arith.constant 0 : i32
      %dma_wait3A_191 = tpu.memref_slice %arg10[%add3A_23, %dma_wait3A_190] : memref<10240x128xf32, #tpu.memory_space<vmem_shared>> -> memref<64x128xf32, #tpu.memory_space<vmem_shared>>
      %dma_wait3A_192 = arith.constant 0 : i32
      %dma_wait3A_193 = tpu.memref_slice %arg10[%add3A_23, %dma_wait3A_192] : memref<10240x128xf32, #tpu.memory_space<vmem_shared>> -> memref<64x128xf32, #tpu.memory_space<vmem_shared>>
      tpu.wait_dma2 semaphore(%run_scoped3A_185 : memref<!tpu.dma_semaphore, #tpu.memory_space<semaphore_mem>>) src(%arg8 : memref<64x128xf32, #tpu.memory_space<vmem>>) dst(%dma_wait3A_193 : memref<64x128xf32, #tpu.memory_space<vmem_shared>>)
      tpu.yield
    }) : () -> ()
    %add3A_24 = arith.constant 384 : i32
    %add3A_25 = arith.addi %mul3A_6, %add3A_24 : i32
    "tpu.region"() ({
      %run_scoped3A_185 = tpu.sem_alloc : memref<!tpu.dma_semaphore, #tpu.memory_space<semaphore_mem>>
      %dma_start3A_186 = arith.constant 0 : i32
      %dma_start3A_187 = tpu.memref_slice %arg10[%add3A_25, %dma_start3A_186] : memref<10240x128xf32, #tpu.memory_space<vmem_shared>> -> memref<64x128xf32, #tpu.memory_space<vmem_shared>>
      %dma_start3A_188 = arith.constant 0 : i32
      %dma_start3A_189 = tpu.memref_slice %arg10[%add3A_25, %dma_start3A_188] : memref<10240x128xf32, #tpu.memory_space<vmem_shared>> -> memref<64x128xf32, #tpu.memory_space<vmem_shared>>
      tpu.enqueue_dma source(%arg8 : memref<64x128xf32, #tpu.memory_space<vmem>>) target(%dma_start3A_189 : memref<64x128xf32, #tpu.memory_space<vmem_shared>>) target_semaphore(%run_scoped3A_185 : memref<!tpu.dma_semaphore, #tpu.memory_space<semaphore_mem>>)
      %dma_wait3A_190 = arith.constant 0 : i32
      %dma_wait3A_191 = tpu.memref_slice %arg10[%add3A_25, %dma_wait3A_190] : memref<10240x128xf32, #tpu.memory_space<vmem_shared>> -> memref<64x128xf32, #tpu.memory_space<vmem_shared>>
      %dma_wait3A_192 = arith.constant 0 : i32
      %dma_wait3A_193 = tpu.memref_slice %arg10[%add3A_25, %dma_wait3A_192] : memref<10240x128xf32, #tpu.memory_space<vmem_shared>> -> memref<64x128xf32, #tpu.memory_space<vmem_shared>>
      tpu.wait_dma2 semaphore(%run_scoped3A_185 : memref<!tpu.dma_semaphore, #tpu.memory_space<semaphore_mem>>) src(%arg8 : memref<64x128xf32, #tpu.memory_space<vmem>>) dst(%dma_wait3A_193 : memref<64x128xf32, #tpu.memory_space<vmem_shared>>)
      tpu.yield
    }) : () -> ()
    %add3A_26 = arith.constant 448 : i32
    %add3A_27 = arith.addi %mul3A_6, %add3A_26 : i32
    "tpu.region"() ({
      %run_scoped3A_185 = tpu.sem_alloc : memref<!tpu.dma_semaphore, #tpu.memory_space<semaphore_mem>>
      %dma_start3A_186 = arith.constant 0 : i32
      %dma_start3A_187 = tpu.memref_slice %arg10[%add3A_27, %dma_start3A_186] : memref<10240x128xf32, #tpu.memory_space<vmem_shared>> -> memref<64x128xf32, #tpu.memory_space<vmem_shared>>
      %dma_start3A_188 = arith.constant 0 : i32
      %dma_start3A_189 = tpu.memref_slice %arg10[%add3A_27, %dma_start3A_188] : memref<10240x128xf32, #tpu.memory_space<vmem_shared>> -> memref<64x128xf32, #tpu.memory_space<vmem_shared>>
      tpu.enqueue_dma source(%arg8 : memref<64x128xf32, #tpu.memory_space<vmem>>) target(%dma_start3A_189 : memref<64x128xf32, #tpu.memory_space<vmem_shared>>) target_semaphore(%run_scoped3A_185 : memref<!tpu.dma_semaphore, #tpu.memory_space<semaphore_mem>>)
      %dma_wait3A_190 = arith.constant 0 : i32
      %dma_wait3A_191 = tpu.memref_slice %arg10[%add3A_27, %dma_wait3A_190] : memref<10240x128xf32, #tpu.memory_space<vmem_shared>> -> memref<64x128xf32, #tpu.memory_space<vmem_shared>>
      %dma_wait3A_192 = arith.constant 0 : i32
      %dma_wait3A_193 = tpu.memref_slice %arg10[%add3A_27, %dma_wait3A_192] : memref<10240x128xf32, #tpu.memory_space<vmem_shared>> -> memref<64x128xf32, #tpu.memory_space<vmem_shared>>
      tpu.wait_dma2 semaphore(%run_scoped3A_185 : memref<!tpu.dma_semaphore, #tpu.memory_space<semaphore_mem>>) src(%arg8 : memref<64x128xf32, #tpu.memory_space<vmem>>) dst(%dma_wait3A_193 : memref<64x128xf32, #tpu.memory_space<vmem_shared>>)
      tpu.yield
    }) : () -> ()
    %add3A_28 = arith.constant 512 : i32
    %add3A_29 = arith.addi %mul3A_6, %add3A_28 : i32
    "tpu.region"() ({
      %run_scoped3A_185 = tpu.sem_alloc : memref<!tpu.dma_semaphore, #tpu.memory_space<semaphore_mem>>
      %dma_start3A_186 = arith.constant 0 : i32
      %dma_start3A_187 = tpu.memref_slice %arg10[%add3A_29, %dma_start3A_186] : memref<10240x128xf32, #tpu.memory_space<vmem_shared>> -> memref<64x128xf32, #tpu.memory_space<vmem_shared>>
      %dma_start3A_188 = arith.constant 0 : i32
      %dma_start3A_189 = tpu.memref_slice %arg10[%add3A_29, %dma_start3A_188] : memref<10240x128xf32, #tpu.memory_space<vmem_shared>> -> memref<64x128xf32, #tpu.memory_space<vmem_shared>>
      tpu.enqueue_dma source(%arg8 : memref<64x128xf32, #tpu.memory_space<vmem>>) target(%dma_start3A_189 : memref<64x128xf32, #tpu.memory_space<vmem_shared>>) target_semaphore(%run_scoped3A_185 : memref<!tpu.dma_semaphore, #tpu.memory_space<semaphore_mem>>)
      %dma_wait3A_190 = arith.constant 0 : i32
      %dma_wait3A_191 = tpu.memref_slice %arg10[%add3A_29, %dma_wait3A_190] : memref<10240x128xf32, #tpu.memory_space<vmem_shared>> -> memref<64x128xf32, #tpu.memory_space<vmem_shared>>
      %dma_wait3A_192 = arith.constant 0 : i32
      %dma_wait3A_193 = tpu.memref_slice %arg10[%add3A_29, %dma_wait3A_192] : memref<10240x128xf32, #tpu.memory_space<vmem_shared>> -> memref<64x128xf32, #tpu.memory_space<vmem_shared>>
      tpu.wait_dma2 semaphore(%run_scoped3A_185 : memref<!tpu.dma_semaphore, #tpu.memory_space<semaphore_mem>>) src(%arg8 : memref<64x128xf32, #tpu.memory_space<vmem>>) dst(%dma_wait3A_193 : memref<64x128xf32, #tpu.memory_space<vmem_shared>>)
      tpu.yield
    }) : () -> ()
    %add3A_30 = arith.constant 576 : i32
    %add3A_31 = arith.addi %mul3A_6, %add3A_30 : i32
    "tpu.region"() ({
      %run_scoped3A_185 = tpu.sem_alloc : memref<!tpu.dma_semaphore, #tpu.memory_space<semaphore_mem>>
      %dma_start3A_186 = arith.constant 0 : i32
      %dma_start3A_187 = tpu.memref_slice %arg10[%add3A_31, %dma_start3A_186] : memref<10240x128xf32, #tpu.memory_space<vmem_shared>> -> memref<64x128xf32, #tpu.memory_space<vmem_shared>>
      %dma_start3A_188 = arith.constant 0 : i32
      %dma_start3A_189 = tpu.memref_slice %arg10[%add3A_31, %dma_start3A_188] : memref<10240x128xf32, #tpu.memory_space<vmem_shared>> -> memref<64x128xf32, #tpu.memory_space<vmem_shared>>
      tpu.enqueue_dma source(%arg8 : memref<64x128xf32, #tpu.memory_space<vmem>>) target(%dma_start3A_189 : memref<64x128xf32, #tpu.memory_space<vmem_shared>>) target_semaphore(%run_scoped3A_185 : memref<!tpu.dma_semaphore, #tpu.memory_space<semaphore_mem>>)
      %dma_wait3A_190 = arith.constant 0 : i32
      %dma_wait3A_191 = tpu.memref_slice %arg10[%add3A_31, %dma_wait3A_190] : memref<10240x128xf32, #tpu.memory_space<vmem_shared>> -> memref<64x128xf32, #tpu.memory_space<vmem_shared>>
      %dma_wait3A_192 = arith.constant 0 : i32
      %dma_wait3A_193 = tpu.memref_slice %arg10[%add3A_31, %dma_wait3A_192] : memref<10240x128xf32, #tpu.memory_space<vmem_shared>> -> memref<64x128xf32, #tpu.memory_space<vmem_shared>>
      tpu.wait_dma2 semaphore(%run_scoped3A_185 : memref<!tpu.dma_semaphore, #tpu.memory_space<semaphore_mem>>) src(%arg8 : memref<64x128xf32, #tpu.memory_space<vmem>>) dst(%dma_wait3A_193 : memref<64x128xf32, #tpu.memory_space<vmem_shared>>)
      tpu.yield
    }) : () -> ()
    %barrier3A = arith.constant 0 : index
    tpu.barrier barrier_id(%barrier3A)
    %run_scoped3A = arith.constant 0 : i32
    "tpu.region"() ({
      %run_scoped3A_185 = tpu.sem_alloc : memref<!tpu.dma_semaphore, #tpu.memory_space<semaphore_mem>>
      %dma_start3A_186 = arith.constant 0 : i32
      %dma_start3A_187 = arith.constant 0 : i32
      %dma_start3A_188 = tpu.memref_slice %arg6[%run_scoped3A, %dma_start3A_186, %dma_start3A_187] : memref<2x8x64xi32, #tpu.memory_space<vmem>> -> memref<1x8x64xi32, #tpu.memory_space<vmem>>
      %dma_start3A_189 = tpu.memref_squeeze %dma_start3A_188 : memref<1x8x64xi32, #tpu.memory_space<vmem>> -> memref<8x64xi32, #tpu.memory_space<vmem>>
      %dma_start3A_190 = arith.constant 0 : i32
      %dma_start3A_191 = tpu.memref_slice %arg3[%mul3A_2, %dma_start3A_190] : memref<10240x64xi32, #tpu.memory_space<hbm>> -> memref<8x64xi32, #tpu.memory_space<hbm>>
      %dma_start3A_192 = arith.constant 0 : i32
      %dma_start3A_193 = arith.constant 0 : i32
      %dma_start3A_194 = tpu.memref_slice %arg6[%run_scoped3A, %dma_start3A_192, %dma_start3A_193] : memref<2x8x64xi32, #tpu.memory_space<vmem>> -> memref<1x8x64xi32, #tpu.memory_space<vmem>>
      %dma_start3A_195 = tpu.memref_squeeze %dma_start3A_194 : memref<1x8x64xi32, #tpu.memory_space<vmem>> -> memref<8x64xi32, #tpu.memory_space<vmem>>
      %dma_start3A_196 = arith.constant 0 : i32
      %dma_start3A_197 = tpu.memref_slice %arg3[%mul3A_2, %dma_start3A_196] : memref<10240x64xi32, #tpu.memory_space<hbm>> -> memref<8x64xi32, #tpu.memory_space<hbm>>
      tpu.enqueue_dma source(%dma_start3A_197 : memref<8x64xi32, #tpu.memory_space<hbm>>) target(%dma_start3A_195 : memref<8x64xi32, #tpu.memory_space<vmem>>) target_semaphore(%run_scoped3A_185 : memref<!tpu.dma_semaphore, #tpu.memory_space<semaphore_mem>>)
      %dma_wait3A_198 = arith.constant 0 : i32
      %dma_wait3A_199 = arith.constant 0 : i32
      %dma_wait3A_200 = tpu.memref_slice %arg6[%run_scoped3A, %dma_wait3A_198, %dma_wait3A_199] : memref<2x8x64xi32, #tpu.memory_space<vmem>> -> memref<1x8x64xi32, #tpu.memory_space<vmem>>
      %dma_wait3A_201 = tpu.memref_squeeze %dma_wait3A_200 : memref<1x8x64xi32, #tpu.memory_space<vmem>> -> memref<8x64xi32, #tpu.memory_space<vmem>>
      %dma_wait3A_202 = arith.constant 0 : i32
      %dma_wait3A_203 = tpu.memref_slice %arg3[%mul3A_2, %dma_wait3A_202] : memref<10240x64xi32, #tpu.memory_space<hbm>> -> memref<8x64xi32, #tpu.memory_space<hbm>>
      %dma_wait3A_204 = arith.constant 0 : i32
      %dma_wait3A_205 = arith.constant 0 : i32
      %dma_wait3A_206 = tpu.memref_slice %arg6[%run_scoped3A, %dma_wait3A_204, %dma_wait3A_205] : memref<2x8x64xi32, #tpu.memory_space<vmem>> -> memref<1x8x64xi32, #tpu.memory_space<vmem>>
      %dma_wait3A_207 = tpu.memref_squeeze %dma_wait3A_206 : memref<1x8x64xi32, #tpu.memory_space<vmem>> -> memref<8x64xi32, #tpu.memory_space<vmem>>
      %dma_wait3A_208 = arith.constant 0 : i32
      %dma_wait3A_209 = tpu.memref_slice %arg3[%mul3A_2, %dma_wait3A_208] : memref<10240x64xi32, #tpu.memory_space<hbm>> -> memref<8x64xi32, #tpu.memory_space<hbm>>
      tpu.wait_dma2 semaphore(%run_scoped3A_185 : memref<!tpu.dma_semaphore, #tpu.memory_space<semaphore_mem>>) src(%dma_wait3A_209 : memref<8x64xi32, #tpu.memory_space<hbm>>) dst(%dma_wait3A_207 : memref<8x64xi32, #tpu.memory_space<vmem>>)
      tpu.yield
    }) : () -> ()
    %run_scoped3A_32 = arith.constant 0 : i32
    "tpu.region"() ({
      %run_scoped3A_185 = tpu.sem_alloc : memref<!tpu.dma_semaphore, #tpu.memory_space<semaphore_mem>>
      %dma_start3A_186 = arith.constant 0 : i32
      %dma_start3A_187 = arith.constant 0 : i32
      %dma_start3A_188 = tpu.memref_slice %arg7[%run_scoped3A_32, %dma_start3A_186, %dma_start3A_187] : memref<2x8x64xi32, #tpu.memory_space<vmem>> -> memref<1x8x64xi32, #tpu.memory_space<vmem>>
      %dma_start3A_189 = tpu.memref_squeeze %dma_start3A_188 : memref<1x8x64xi32, #tpu.memory_space<vmem>> -> memref<8x64xi32, #tpu.memory_space<vmem>>
      %dma_start3A_190 = arith.constant 0 : i32
      %dma_start3A_191 = tpu.memref_slice %arg4[%mul3A_4, %dma_start3A_190] : memref<5120x64xi32, #tpu.memory_space<hbm>> -> memref<8x64xi32, #tpu.memory_space<hbm>>
      %dma_start3A_192 = arith.constant 0 : i32
      %dma_start3A_193 = arith.constant 0 : i32
      %dma_start3A_194 = tpu.memref_slice %arg7[%run_scoped3A_32, %dma_start3A_192, %dma_start3A_193] : memref<2x8x64xi32, #tpu.memory_space<vmem>> -> memref<1x8x64xi32, #tpu.memory_space<vmem>>
      %dma_start3A_195 = tpu.memref_squeeze %dma_start3A_194 : memref<1x8x64xi32, #tpu.memory_space<vmem>> -> memref<8x64xi32, #tpu.memory_space<vmem>>
      %dma_start3A_196 = arith.constant 0 : i32
      %dma_start3A_197 = tpu.memref_slice %arg4[%mul3A_4, %dma_start3A_196] : memref<5120x64xi32, #tpu.memory_space<hbm>> -> memref<8x64xi32, #tpu.memory_space<hbm>>
      tpu.enqueue_dma source(%dma_start3A_197 : memref<8x64xi32, #tpu.memory_space<hbm>>) target(%dma_start3A_195 : memref<8x64xi32, #tpu.memory_space<vmem>>) target_semaphore(%run_scoped3A_185 : memref<!tpu.dma_semaphore, #tpu.memory_space<semaphore_mem>>)
      %dma_wait3A_198 = arith.constant 0 : i32
      %dma_wait3A_199 = arith.constant 0 : i32
      %dma_wait3A_200 = tpu.memref_slice %arg7[%run_scoped3A_32, %dma_wait3A_198, %dma_wait3A_199] : memref<2x8x64xi32, #tpu.memory_space<vmem>> -> memref<1x8x64xi32, #tpu.memory_space<vmem>>
      %dma_wait3A_201 = tpu.memref_squeeze %dma_wait3A_200 : memref<1x8x64xi32, #tpu.memory_space<vmem>> -> memref<8x64xi32, #tpu.memory_space<vmem>>
      %dma_wait3A_202 = arith.constant 0 : i32
      %dma_wait3A_203 = tpu.memref_slice %arg4[%mul3A_4, %dma_wait3A_202] : memref<5120x64xi32, #tpu.memory_space<hbm>> -> memref<8x64xi32, #tpu.memory_space<hbm>>
      %dma_wait3A_204 = arith.constant 0 : i32
      %dma_wait3A_205 = arith.constant 0 : i32
      %dma_wait3A_206 = tpu.memref_slice %arg7[%run_scoped3A_32, %dma_wait3A_204, %dma_wait3A_205] : memref<2x8x64xi32, #tpu.memory_space<vmem>> -> memref<1x8x64xi32, #tpu.memory_space<vmem>>
      %dma_wait3A_207 = tpu.memref_squeeze %dma_wait3A_206 : memref<1x8x64xi32, #tpu.memory_space<vmem>> -> memref<8x64xi32, #tpu.memory_space<vmem>>
      %dma_wait3A_208 = arith.constant 0 : i32
      %dma_wait3A_209 = tpu.memref_slice %arg4[%mul3A_4, %dma_wait3A_208] : memref<5120x64xi32, #tpu.memory_space<hbm>> -> memref<8x64xi32, #tpu.memory_space<hbm>>
      tpu.wait_dma2 semaphore(%run_scoped3A_185 : memref<!tpu.dma_semaphore, #tpu.memory_space<semaphore_mem>>) src(%dma_wait3A_209 : memref<8x64xi32, #tpu.memory_space<hbm>>) dst(%dma_wait3A_207 : memref<8x64xi32, #tpu.memory_space<vmem>>)
      tpu.yield
    }) : () -> ()
    %dma_start3A = arith.constant 0 : i32
    %dma_start3A_33 = arith.constant 0 : i32
    %dma_start3A_34 = arith.constant 0 : i32
    %dma_start3A_35 = tpu.memref_slice %arg6[%dma_start3A, %dma_start3A_33, %dma_start3A_34] : memref<2x8x64xi32, #tpu.memory_space<vmem>> -> memref<1x1x64xi32, #tpu.memory_space<vmem>>
    %dma_start3A_36 = tpu.memref_squeeze %dma_start3A_35 : memref<1x1x64xi32, #tpu.memory_space<vmem>> -> memref<64xi32, #tpu.memory_space<vmem>>
    %dma_start3A_37 = arith.constant 0 : i32
    %dma_start3A_38 = arith.constant 0 : i32
    %dma_start3A_39 = tpu.memref_slice %arg2[%dma_start3A_37, %dma_start3A_38] : memref<20480x128xf32, #tpu.memory_space<hbm>> -> memref<20480x128xf32, #tpu.memory_space<hbm>>
    tpu.enqueue_indirect_dma source(%dma_start3A_39 : memref<20480x128xf32, #tpu.memory_space<hbm>>) target(%arg8 : memref<64x128xf32, #tpu.memory_space<vmem>>) offsets(%dma_start3A_36 : memref<64xi32, #tpu.memory_space<vmem>>) semaphore(%arg11 : memref<!tpu.dma_semaphore, #tpu.memory_space<semaphore_mem>>)
    %scan3A_40 = arith.constant 0 : i32
    %scan3A_41 = arith.constant 0 : i32
    %scan3A_42 = arith.constant 39 : i32
    %scan3A_43 = arith.addi %scan3A_41, %scan3A_42 : i32
    %scan3A_44 = arith.constant 1 : i32
    scf.for %scan3A_185 = %scan3A_41 to %scan3A_43 step %scan3A_44  : i32 {
      %jit3A = arith.constant 2 : i32
      %eq3A = arith.constant 0 : i32
      %eq3A_186 = arith.cmpi eq, %jit3A, %eq3A : i32
      %jit3A_187 = arith.constant 1 : i32
      %select_n3A = arith.select %eq3A_186, %jit3A_187, %jit3A : i32
      %rem3A = arith.remsi %scan3A_185, %select_n3A : i32
      %ne3A = arith.constant 0 : i32
      %ne3A_188 = arith.cmpi ne, %rem3A, %ne3A : i32
      %lt3A = arith.constant 0 : i32
      %lt3A_189 = arith.cmpi slt, %rem3A, %lt3A : i32
      %lt3A_190 = arith.constant 0 : i32
      %lt3A_191 = arith.cmpi slt, %select_n3A, %lt3A_190 : i32
      %ne3A_192 = arith.xori %lt3A_189, %lt3A_191 : i1
      %and3A = arith.andi %ne3A_192, %ne3A_188 : i1
      %add3A_193 = arith.addi %rem3A, %select_n3A : i32
      %select_n3A_194 = arith.select %and3A, %add3A_193, %rem3A : i32
      %sub3A = arith.constant 1 : i32
      %sub3A_195 = arith.subi %sub3A, %select_n3A_194 : i32
      %mul3A_196 = arith.constant 8 : i32
      %mul3A_197 = arith.muli %mul3A_196, %scan3A_185 : i32
      %add3A_198 = arith.addi %mul3A_2, %mul3A_197 : i32
      %add3A_199 = arith.constant 8 : i32
      %add3A_200 = arith.addi %add3A_198, %add3A_199 : i32
      %dma_start3A_201 = arith.constant 0 : i32
      %dma_start3A_202 = arith.constant 0 : i32
      %dma_start3A_203 = tpu.memref_slice %arg6[%sub3A_195, %dma_start3A_201, %dma_start3A_202] : memref<2x8x64xi32, #tpu.memory_space<vmem>> -> memref<1x8x64xi32, #tpu.memory_space<vmem>>
      %dma_start3A_204 = tpu.memref_squeeze %dma_start3A_203 : memref<1x8x64xi32, #tpu.memory_space<vmem>> -> memref<8x64xi32, #tpu.memory_space<vmem>>
      %dma_start3A_205 = arith.constant 0 : i32
      %dma_start3A_206 = tpu.memref_slice %arg3[%add3A_200, %dma_start3A_205] : memref<10240x64xi32, #tpu.memory_space<hbm>> -> memref<8x64xi32, #tpu.memory_space<hbm>>
      %dma_start3A_207 = arith.constant 0 : i32
      %dma_start3A_208 = arith.constant 0 : i32
      %dma_start3A_209 = tpu.memref_slice %arg6[%sub3A_195, %dma_start3A_207, %dma_start3A_208] : memref<2x8x64xi32, #tpu.memory_space<vmem>> -> memref<1x8x64xi32, #tpu.memory_space<vmem>>
      %dma_start3A_210 = tpu.memref_squeeze %dma_start3A_209 : memref<1x8x64xi32, #tpu.memory_space<vmem>> -> memref<8x64xi32, #tpu.memory_space<vmem>>
      %dma_start3A_211 = arith.constant 0 : i32
      %dma_start3A_212 = tpu.memref_slice %arg3[%add3A_200, %dma_start3A_211] : memref<10240x64xi32, #tpu.memory_space<hbm>> -> memref<8x64xi32, #tpu.memory_space<hbm>>
      tpu.enqueue_dma source(%dma_start3A_212 : memref<8x64xi32, #tpu.memory_space<hbm>>) target(%dma_start3A_210 : memref<8x64xi32, #tpu.memory_space<vmem>>) target_semaphore(%arg13 : memref<!tpu.dma_semaphore, #tpu.memory_space<semaphore_mem>>)
      %mul3A_213 = arith.constant 8 : i32
      %mul3A_214 = arith.muli %mul3A_213, %scan3A_185 : i32
      %add3A_215 = arith.addi %mul3A_4, %mul3A_214 : i32
      %add3A_216 = arith.constant 8 : i32
      %add3A_217 = arith.addi %add3A_215, %add3A_216 : i32
      %dma_start3A_218 = arith.constant 0 : i32
      %dma_start3A_219 = arith.constant 0 : i32
      %dma_start3A_220 = tpu.memref_slice %arg7[%sub3A_195, %dma_start3A_218, %dma_start3A_219] : memref<2x8x64xi32, #tpu.memory_space<vmem>> -> memref<1x8x64xi32, #tpu.memory_space<vmem>>
      %dma_start3A_221 = tpu.memref_squeeze %dma_start3A_220 : memref<1x8x64xi32, #tpu.memory_space<vmem>> -> memref<8x64xi32, #tpu.memory_space<vmem>>
      %dma_start3A_222 = arith.constant 0 : i32
      %dma_start3A_223 = tpu.memref_slice %arg4[%add3A_217, %dma_start3A_222] : memref<5120x64xi32, #tpu.memory_space<hbm>> -> memref<8x64xi32, #tpu.memory_space<hbm>>
      %dma_start3A_224 = arith.constant 0 : i32
      %dma_start3A_225 = arith.constant 0 : i32
      %dma_start3A_226 = tpu.memref_slice %arg7[%sub3A_195, %dma_start3A_224, %dma_start3A_225] : memref<2x8x64xi32, #tpu.memory_space<vmem>> -> memref<1x8x64xi32, #tpu.memory_space<vmem>>
      %dma_start3A_227 = tpu.memref_squeeze %dma_start3A_226 : memref<1x8x64xi32, #tpu.memory_space<vmem>> -> memref<8x64xi32, #tpu.memory_space<vmem>>
      %dma_start3A_228 = arith.constant 0 : i32
      %dma_start3A_229 = tpu.memref_slice %arg4[%add3A_217, %dma_start3A_228] : memref<5120x64xi32, #tpu.memory_space<hbm>> -> memref<8x64xi32, #tpu.memory_space<hbm>>
      tpu.enqueue_dma source(%dma_start3A_229 : memref<8x64xi32, #tpu.memory_space<hbm>>) target(%dma_start3A_227 : memref<8x64xi32, #tpu.memory_space<vmem>>) target_semaphore(%arg14 : memref<!tpu.dma_semaphore, #tpu.memory_space<semaphore_mem>>)
      %dma_wait3A_230 = arith.constant 0 : i32
      %dma_wait3A_231 = arith.constant 0 : i32
      %dma_wait3A_232 = tpu.memref_slice %arg6[%select_n3A_194, %dma_wait3A_230, %dma_wait3A_231] : memref<2x8x64xi32, #tpu.memory_space<vmem>> -> memref<1x1x64xi32, #tpu.memory_space<vmem>>
      %dma_wait3A_233 = tpu.memref_squeeze %dma_wait3A_232 : memref<1x1x64xi32, #tpu.memory_space<vmem>> -> memref<64xi32, #tpu.memory_space<vmem>>
      %dma_wait3A_234 = arith.constant 0 : i32
      %dma_wait3A_235 = arith.constant 0 : i32
      %dma_wait3A_236 = tpu.memref_slice %arg2[%dma_wait3A_234, %dma_wait3A_235] : memref<20480x128xf32, #tpu.memory_space<hbm>> -> memref<20480x128xf32, #tpu.memory_space<hbm>>
      tpu.wait_indirect_dma semaphore(%arg11 : memref<!tpu.dma_semaphore, #tpu.memory_space<semaphore_mem>>) src(%dma_wait3A_236 : memref<20480x128xf32, #tpu.memory_space<hbm>>) dst(%arg8 : memref<64x128xf32, #tpu.memory_space<vmem>>)
      %dma_start3A_237 = arith.constant 1 : i32
      %dma_start3A_238 = arith.constant 0 : i32
      %dma_start3A_239 = tpu.memref_slice %arg6[%select_n3A_194, %dma_start3A_237, %dma_start3A_238] : memref<2x8x64xi32, #tpu.memory_space<vmem>> -> memref<1x1x64xi32, #tpu.memory_space<vmem>>
      %dma_start3A_240 = tpu.memref_squeeze %dma_start3A_239 : memref<1x1x64xi32, #tpu.memory_space<vmem>> -> memref<64xi32, #tpu.memory_space<vmem>>
      %dma_start3A_241 = arith.constant 0 : i32
      %dma_start3A_242 = arith.constant 0 : i32
      %dma_start3A_243 = tpu.memref_slice %arg2[%dma_start3A_241, %dma_start3A_242] : memref<20480x128xf32, #tpu.memory_space<hbm>> -> memref<20480x128xf32, #tpu.memory_space<hbm>>
      tpu.enqueue_indirect_dma source(%dma_start3A_243 : memref<20480x128xf32, #tpu.memory_space<hbm>>) target(%arg9 : memref<64x128xf32, #tpu.memory_space<vmem>>) offsets(%dma_start3A_240 : memref<64xi32, #tpu.memory_space<vmem>>) semaphore(%arg12 : memref<!tpu.dma_semaphore, #tpu.memory_space<semaphore_mem>>)
      %run_scoped3A_244 = arith.constant 0 : i32
      "tpu.region"() ({
        %run_scoped3A_384 = tpu.sem_alloc : memref<!tpu.dma_semaphore, #tpu.memory_space<semaphore_mem>>
        %dma_start3A_385 = arith.constant 0 : i32
        %dma_start3A_386 = tpu.memref_slice %arg7[%select_n3A_194, %run_scoped3A_244, %dma_start3A_385] : memref<2x8x64xi32, #tpu.memory_space<vmem>> -> memref<1x1x64xi32, #tpu.memory_space<vmem>>
        %dma_start3A_387 = tpu.memref_squeeze %dma_start3A_386 : memref<1x1x64xi32, #tpu.memory_space<vmem>> -> memref<64xi32, #tpu.memory_space<vmem>>
        %dma_start3A_388 = arith.constant 0 : i32
        %dma_start3A_389 = arith.constant 0 : i32
        %dma_start3A_390 = tpu.memref_slice %arg10[%dma_start3A_388, %dma_start3A_389] : memref<10240x128xf32, #tpu.memory_space<vmem_shared>> -> memref<10240x128xf32, #tpu.memory_space<vmem_shared>>
        tpu.enqueue_indirect_dma source(%arg8 : memref<64x128xf32, #tpu.memory_space<vmem>>) target(%dma_start3A_390 : memref<10240x128xf32, #tpu.memory_space<vmem_shared>>) offsets(%dma_start3A_387 : memref<64xi32, #tpu.memory_space<vmem>>) semaphore(%run_scoped3A_384 : memref<!tpu.dma_semaphore, #tpu.memory_space<semaphore_mem>>) {add = true}
        %dma_wait3A_391 = arith.constant 0 : i32
        %dma_wait3A_392 = tpu.memref_slice %arg7[%select_n3A_194, %run_scoped3A_244, %dma_wait3A_391] : memref<2x8x64xi32, #tpu.memory_space<vmem>> -> memref<1x1x64xi32, #tpu.memory_space<vmem>>
        %dma_wait3A_393 = tpu.memref_squeeze %dma_wait3A_392 : memref<1x1x64xi32, #tpu.memory_space<vmem>> -> memref<64xi32, #tpu.memory_space<vmem>>
        %dma_wait3A_394 = arith.constant 0 : i32
        %dma_wait3A_395 = arith.constant 0 : i32
        %dma_wait3A_396 = tpu.memref_slice %arg10[%dma_wait3A_394, %dma_wait3A_395] : memref<10240x128xf32, #tpu.memory_space<vmem_shared>> -> memref<10240x128xf32, #tpu.memory_space<vmem_shared>>
        tpu.wait_indirect_dma semaphore(%run_scoped3A_384 : memref<!tpu.dma_semaphore, #tpu.memory_space<semaphore_mem>>) src(%arg8 : memref<64x128xf32, #tpu.memory_space<vmem>>) dst(%dma_wait3A_396 : memref<10240x128xf32, #tpu.memory_space<vmem_shared>>)
        tpu.yield
      }) : () -> ()
      %dma_wait3A_245 = arith.constant 1 : i32
      %dma_wait3A_246 = arith.constant 0 : i32
      %dma_wait3A_247 = tpu.memref_slice %arg6[%select_n3A_194, %dma_wait3A_245, %dma_wait3A_246] : memref<2x8x64xi32, #tpu.memory_space<vmem>> -> memref<1x1x64xi32, #tpu.memory_space<vmem>>
      %dma_wait3A_248 = tpu.memref_squeeze %dma_wait3A_247 : memref<1x1x64xi32, #tpu.memory_space<vmem>> -> memref<64xi32, #tpu.memory_space<vmem>>
      %dma_wait3A_249 = arith.constant 0 : i32
      %dma_wait3A_250 = arith.constant 0 : i32
      %dma_wait3A_251 = tpu.memref_slice %arg2[%dma_wait3A_249, %dma_wait3A_250] : memref<20480x128xf32, #tpu.memory_space<hbm>> -> memref<20480x128xf32, #tpu.memory_space<hbm>>
      tpu.wait_indirect_dma semaphore(%arg12 : memref<!tpu.dma_semaphore, #tpu.memory_space<semaphore_mem>>) src(%dma_wait3A_251 : memref<20480x128xf32, #tpu.memory_space<hbm>>) dst(%arg9 : memref<64x128xf32, #tpu.memory_space<vmem>>)
      %dma_start3A_252 = arith.constant 2 : i32
      %dma_start3A_253 = arith.constant 0 : i32
      %dma_start3A_254 = tpu.memref_slice %arg6[%select_n3A_194, %dma_start3A_252, %dma_start3A_253] : memref<2x8x64xi32, #tpu.memory_space<vmem>> -> memref<1x1x64xi32, #tpu.memory_space<vmem>>
      %dma_start3A_255 = tpu.memref_squeeze %dma_start3A_254 : memref<1x1x64xi32, #tpu.memory_space<vmem>> -> memref<64xi32, #tpu.memory_space<vmem>>
      %dma_start3A_256 = arith.constant 0 : i32
      %dma_start3A_257 = arith.constant 0 : i32
      %dma_start3A_258 = tpu.memref_slice %arg2[%dma_start3A_256, %dma_start3A_257] : memref<20480x128xf32, #tpu.memory_space<hbm>> -> memref<20480x128xf32, #tpu.memory_space<hbm>>
      tpu.enqueue_indirect_dma source(%dma_start3A_258 : memref<20480x128xf32, #tpu.memory_space<hbm>>) target(%arg8 : memref<64x128xf32, #tpu.memory_space<vmem>>) offsets(%dma_start3A_255 : memref<64xi32, #tpu.memory_space<vmem>>) semaphore(%arg11 : memref<!tpu.dma_semaphore, #tpu.memory_space<semaphore_mem>>)
      %run_scoped3A_259 = arith.constant 1 : i32
      "tpu.region"() ({
        %run_scoped3A_384 = tpu.sem_alloc : memref<!tpu.dma_semaphore, #tpu.memory_space<semaphore_mem>>
        %dma_start3A_385 = arith.constant 0 : i32
        %dma_start3A_386 = tpu.memref_slice %arg7[%select_n3A_194, %run_scoped3A_259, %dma_start3A_385] : memref<2x8x64xi32, #tpu.memory_space<vmem>> -> memref<1x1x64xi32, #tpu.memory_space<vmem>>
        %dma_start3A_387 = tpu.memref_squeeze %dma_start3A_386 : memref<1x1x64xi32, #tpu.memory_space<vmem>> -> memref<64xi32, #tpu.memory_space<vmem>>
        %dma_start3A_388 = arith.constant 0 : i32
        %dma_start3A_389 = arith.constant 0 : i32
        %dma_start3A_390 = tpu.memref_slice %arg10[%dma_start3A_388, %dma_start3A_389] : memref<10240x128xf32, #tpu.memory_space<vmem_shared>> -> memref<10240x128xf32, #tpu.memory_space<vmem_shared>>
        tpu.enqueue_indirect_dma source(%arg9 : memref<64x128xf32, #tpu.memory_space<vmem>>) target(%dma_start3A_390 : memref<10240x128xf32, #tpu.memory_space<vmem_shared>>) offsets(%dma_start3A_387 : memref<64xi32, #tpu.memory_space<vmem>>) semaphore(%run_scoped3A_384 : memref<!tpu.dma_semaphore, #tpu.memory_space<semaphore_mem>>) {add = true}
        %dma_wait3A_391 = arith.constant 0 : i32
        %dma_wait3A_392 = tpu.memref_slice %arg7[%select_n3A_194, %run_scoped3A_259, %dma_wait3A_391] : memref<2x8x64xi32, #tpu.memory_space<vmem>> -> memref<1x1x64xi32, #tpu.memory_space<vmem>>
        %dma_wait3A_393 = tpu.memref_squeeze %dma_wait3A_392 : memref<1x1x64xi32, #tpu.memory_space<vmem>> -> memref<64xi32, #tpu.memory_space<vmem>>
        %dma_wait3A_394 = arith.constant 0 : i32
        %dma_wait3A_395 = arith.constant 0 : i32
        %dma_wait3A_396 = tpu.memref_slice %arg10[%dma_wait3A_394, %dma_wait3A_395] : memref<10240x128xf32, #tpu.memory_space<vmem_shared>> -> memref<10240x128xf32, #tpu.memory_space<vmem_shared>>
        tpu.wait_indirect_dma semaphore(%run_scoped3A_384 : memref<!tpu.dma_semaphore, #tpu.memory_space<semaphore_mem>>) src(%arg9 : memref<64x128xf32, #tpu.memory_space<vmem>>) dst(%dma_wait3A_396 : memref<10240x128xf32, #tpu.memory_space<vmem_shared>>)
        tpu.yield
      }) : () -> ()
      %dma_wait3A_260 = arith.constant 2 : i32
      %dma_wait3A_261 = arith.constant 0 : i32
      %dma_wait3A_262 = tpu.memref_slice %arg6[%select_n3A_194, %dma_wait3A_260, %dma_wait3A_261] : memref<2x8x64xi32, #tpu.memory_space<vmem>> -> memref<1x1x64xi32, #tpu.memory_space<vmem>>
      %dma_wait3A_263 = tpu.memref_squeeze %dma_wait3A_262 : memref<1x1x64xi32, #tpu.memory_space<vmem>> -> memref<64xi32, #tpu.memory_space<vmem>>
      %dma_wait3A_264 = arith.constant 0 : i32
      %dma_wait3A_265 = arith.constant 0 : i32
      %dma_wait3A_266 = tpu.memref_slice %arg2[%dma_wait3A_264, %dma_wait3A_265] : memref<20480x128xf32, #tpu.memory_space<hbm>> -> memref<20480x128xf32, #tpu.memory_space<hbm>>
      tpu.wait_indirect_dma semaphore(%arg11 : memref<!tpu.dma_semaphore, #tpu.memory_space<semaphore_mem>>) src(%dma_wait3A_266 : memref<20480x128xf32, #tpu.memory_space<hbm>>) dst(%arg8 : memref<64x128xf32, #tpu.memory_space<vmem>>)
      %dma_start3A_267 = arith.constant 3 : i32
      %dma_start3A_268 = arith.constant 0 : i32
      %dma_start3A_269 = tpu.memref_slice %arg6[%select_n3A_194, %dma_start3A_267, %dma_start3A_268] : memref<2x8x64xi32, #tpu.memory_space<vmem>> -> memref<1x1x64xi32, #tpu.memory_space<vmem>>
      %dma_start3A_270 = tpu.memref_squeeze %dma_start3A_269 : memref<1x1x64xi32, #tpu.memory_space<vmem>> -> memref<64xi32, #tpu.memory_space<vmem>>
      %dma_start3A_271 = arith.constant 0 : i32
      %dma_start3A_272 = arith.constant 0 : i32
      %dma_start3A_273 = tpu.memref_slice %arg2[%dma_start3A_271, %dma_start3A_272] : memref<20480x128xf32, #tpu.memory_space<hbm>> -> memref<20480x128xf32, #tpu.memory_space<hbm>>
      tpu.enqueue_indirect_dma source(%dma_start3A_273 : memref<20480x128xf32, #tpu.memory_space<hbm>>) target(%arg9 : memref<64x128xf32, #tpu.memory_space<vmem>>) offsets(%dma_start3A_270 : memref<64xi32, #tpu.memory_space<vmem>>) semaphore(%arg12 : memref<!tpu.dma_semaphore, #tpu.memory_space<semaphore_mem>>)
      %run_scoped3A_274 = arith.constant 2 : i32
      "tpu.region"() ({
        %run_scoped3A_384 = tpu.sem_alloc : memref<!tpu.dma_semaphore, #tpu.memory_space<semaphore_mem>>
        %dma_start3A_385 = arith.constant 0 : i32
        %dma_start3A_386 = tpu.memref_slice %arg7[%select_n3A_194, %run_scoped3A_274, %dma_start3A_385] : memref<2x8x64xi32, #tpu.memory_space<vmem>> -> memref<1x1x64xi32, #tpu.memory_space<vmem>>
        %dma_start3A_387 = tpu.memref_squeeze %dma_start3A_386 : memref<1x1x64xi32, #tpu.memory_space<vmem>> -> memref<64xi32, #tpu.memory_space<vmem>>
        %dma_start3A_388 = arith.constant 0 : i32
        %dma_start3A_389 = arith.constant 0 : i32
        %dma_start3A_390 = tpu.memref_slice %arg10[%dma_start3A_388, %dma_start3A_389] : memref<10240x128xf32, #tpu.memory_space<vmem_shared>> -> memref<10240x128xf32, #tpu.memory_space<vmem_shared>>
        tpu.enqueue_indirect_dma source(%arg8 : memref<64x128xf32, #tpu.memory_space<vmem>>) target(%dma_start3A_390 : memref<10240x128xf32, #tpu.memory_space<vmem_shared>>) offsets(%dma_start3A_387 : memref<64xi32, #tpu.memory_space<vmem>>) semaphore(%run_scoped3A_384 : memref<!tpu.dma_semaphore, #tpu.memory_space<semaphore_mem>>) {add = true}
        %dma_wait3A_391 = arith.constant 0 : i32
        %dma_wait3A_392 = tpu.memref_slice %arg7[%select_n3A_194, %run_scoped3A_274, %dma_wait3A_391] : memref<2x8x64xi32, #tpu.memory_space<vmem>> -> memref<1x1x64xi32, #tpu.memory_space<vmem>>
        %dma_wait3A_393 = tpu.memref_squeeze %dma_wait3A_392 : memref<1x1x64xi32, #tpu.memory_space<vmem>> -> memref<64xi32, #tpu.memory_space<vmem>>
        %dma_wait3A_394 = arith.constant 0 : i32
        %dma_wait3A_395 = arith.constant 0 : i32
        %dma_wait3A_396 = tpu.memref_slice %arg10[%dma_wait3A_394, %dma_wait3A_395] : memref<10240x128xf32, #tpu.memory_space<vmem_shared>> -> memref<10240x128xf32, #tpu.memory_space<vmem_shared>>
        tpu.wait_indirect_dma semaphore(%run_scoped3A_384 : memref<!tpu.dma_semaphore, #tpu.memory_space<semaphore_mem>>) src(%arg8 : memref<64x128xf32, #tpu.memory_space<vmem>>) dst(%dma_wait3A_396 : memref<10240x128xf32, #tpu.memory_space<vmem_shared>>)
        tpu.yield
      }) : () -> ()
      %dma_wait3A_275 = arith.constant 3 : i32
      %dma_wait3A_276 = arith.constant 0 : i32
      %dma_wait3A_277 = tpu.memref_slice %arg6[%select_n3A_194, %dma_wait3A_275, %dma_wait3A_276] : memref<2x8x64xi32, #tpu.memory_space<vmem>> -> memref<1x1x64xi32, #tpu.memory_space<vmem>>
      %dma_wait3A_278 = tpu.memref_squeeze %dma_wait3A_277 : memref<1x1x64xi32, #tpu.memory_space<vmem>> -> memref<64xi32, #tpu.memory_space<vmem>>
      %dma_wait3A_279 = arith.constant 0 : i32
      %dma_wait3A_280 = arith.constant 0 : i32
      %dma_wait3A_281 = tpu.memref_slice %arg2[%dma_wait3A_279, %dma_wait3A_280] : memref<20480x128xf32, #tpu.memory_space<hbm>> -> memref<20480x128xf32, #tpu.memory_space<hbm>>
      tpu.wait_indirect_dma semaphore(%arg12 : memref<!tpu.dma_semaphore, #tpu.memory_space<semaphore_mem>>) src(%dma_wait3A_281 : memref<20480x128xf32, #tpu.memory_space<hbm>>) dst(%arg9 : memref<64x128xf32, #tpu.memory_space<vmem>>)
      %dma_start3A_282 = arith.constant 4 : i32
      %dma_start3A_283 = arith.constant 0 : i32
      %dma_start3A_284 = tpu.memref_slice %arg6[%select_n3A_194, %dma_start3A_282, %dma_start3A_283] : memref<2x8x64xi32, #tpu.memory_space<vmem>> -> memref<1x1x64xi32, #tpu.memory_space<vmem>>
      %dma_start3A_285 = tpu.memref_squeeze %dma_start3A_284 : memref<1x1x64xi32, #tpu.memory_space<vmem>> -> memref<64xi32, #tpu.memory_space<vmem>>
      %dma_start3A_286 = arith.constant 0 : i32
      %dma_start3A_287 = arith.constant 0 : i32
      %dma_start3A_288 = tpu.memref_slice %arg2[%dma_start3A_286, %dma_start3A_287] : memref<20480x128xf32, #tpu.memory_space<hbm>> -> memref<20480x128xf32, #tpu.memory_space<hbm>>
      tpu.enqueue_indirect_dma source(%dma_start3A_288 : memref<20480x128xf32, #tpu.memory_space<hbm>>) target(%arg8 : memref<64x128xf32, #tpu.memory_space<vmem>>) offsets(%dma_start3A_285 : memref<64xi32, #tpu.memory_space<vmem>>) semaphore(%arg11 : memref<!tpu.dma_semaphore, #tpu.memory_space<semaphore_mem>>)
      %run_scoped3A_289 = arith.constant 3 : i32
      "tpu.region"() ({
        %run_scoped3A_384 = tpu.sem_alloc : memref<!tpu.dma_semaphore, #tpu.memory_space<semaphore_mem>>
        %dma_start3A_385 = arith.constant 0 : i32
        %dma_start3A_386 = tpu.memref_slice %arg7[%select_n3A_194, %run_scoped3A_289, %dma_start3A_385] : memref<2x8x64xi32, #tpu.memory_space<vmem>> -> memref<1x1x64xi32, #tpu.memory_space<vmem>>
        %dma_start3A_387 = tpu.memref_squeeze %dma_start3A_386 : memref<1x1x64xi32, #tpu.memory_space<vmem>> -> memref<64xi32, #tpu.memory_space<vmem>>
        %dma_start3A_388 = arith.constant 0 : i32
        %dma_start3A_389 = arith.constant 0 : i32
        %dma_start3A_390 = tpu.memref_slice %arg10[%dma_start3A_388, %dma_start3A_389] : memref<10240x128xf32, #tpu.memory_space<vmem_shared>> -> memref<10240x128xf32, #tpu.memory_space<vmem_shared>>
        tpu.enqueue_indirect_dma source(%arg9 : memref<64x128xf32, #tpu.memory_space<vmem>>) target(%dma_start3A_390 : memref<10240x128xf32, #tpu.memory_space<vmem_shared>>) offsets(%dma_start3A_387 : memref<64xi32, #tpu.memory_space<vmem>>) semaphore(%run_scoped3A_384 : memref<!tpu.dma_semaphore, #tpu.memory_space<semaphore_mem>>) {add = true}
        %dma_wait3A_391 = arith.constant 0 : i32
        %dma_wait3A_392 = tpu.memref_slice %arg7[%select_n3A_194, %run_scoped3A_289, %dma_wait3A_391] : memref<2x8x64xi32, #tpu.memory_space<vmem>> -> memref<1x1x64xi32, #tpu.memory_space<vmem>>
        %dma_wait3A_393 = tpu.memref_squeeze %dma_wait3A_392 : memref<1x1x64xi32, #tpu.memory_space<vmem>> -> memref<64xi32, #tpu.memory_space<vmem>>
        %dma_wait3A_394 = arith.constant 0 : i32
        %dma_wait3A_395 = arith.constant 0 : i32
        %dma_wait3A_396 = tpu.memref_slice %arg10[%dma_wait3A_394, %dma_wait3A_395] : memref<10240x128xf32, #tpu.memory_space<vmem_shared>> -> memref<10240x128xf32, #tpu.memory_space<vmem_shared>>
        tpu.wait_indirect_dma semaphore(%run_scoped3A_384 : memref<!tpu.dma_semaphore, #tpu.memory_space<semaphore_mem>>) src(%arg9 : memref<64x128xf32, #tpu.memory_space<vmem>>) dst(%dma_wait3A_396 : memref<10240x128xf32, #tpu.memory_space<vmem_shared>>)
        tpu.yield
      }) : () -> ()
      %dma_wait3A_290 = arith.constant 4 : i32
      %dma_wait3A_291 = arith.constant 0 : i32
      %dma_wait3A_292 = tpu.memref_slice %arg6[%select_n3A_194, %dma_wait3A_290, %dma_wait3A_291] : memref<2x8x64xi32, #tpu.memory_space<vmem>> -> memref<1x1x64xi32, #tpu.memory_space<vmem>>
      %dma_wait3A_293 = tpu.memref_squeeze %dma_wait3A_292 : memref<1x1x64xi32, #tpu.memory_space<vmem>> -> memref<64xi32, #tpu.memory_space<vmem>>
      %dma_wait3A_294 = arith.constant 0 : i32
      %dma_wait3A_295 = arith.constant 0 : i32
      %dma_wait3A_296 = tpu.memref_slice %arg2[%dma_wait3A_294, %dma_wait3A_295] : memref<20480x128xf32, #tpu.memory_space<hbm>> -> memref<20480x128xf32, #tpu.memory_space<hbm>>
      tpu.wait_indirect_dma semaphore(%arg11 : memref<!tpu.dma_semaphore, #tpu.memory_space<semaphore_mem>>) src(%dma_wait3A_296 : memref<20480x128xf32, #tpu.memory_space<hbm>>) dst(%arg8 : memref<64x128xf32, #tpu.memory_space<vmem>>)
      %dma_start3A_297 = arith.constant 5 : i32
      %dma_start3A_298 = arith.constant 0 : i32
      %dma_start3A_299 = tpu.memref_slice %arg6[%select_n3A_194, %dma_start3A_297, %dma_start3A_298] : memref<2x8x64xi32, #tpu.memory_space<vmem>> -> memref<1x1x64xi32, #tpu.memory_space<vmem>>
      %dma_start3A_300 = tpu.memref_squeeze %dma_start3A_299 : memref<1x1x64xi32, #tpu.memory_space<vmem>> -> memref<64xi32, #tpu.memory_space<vmem>>
      %dma_start3A_301 = arith.constant 0 : i32
      %dma_start3A_302 = arith.constant 0 : i32
      %dma_start3A_303 = tpu.memref_slice %arg2[%dma_start3A_301, %dma_start3A_302] : memref<20480x128xf32, #tpu.memory_space<hbm>> -> memref<20480x128xf32, #tpu.memory_space<hbm>>
      tpu.enqueue_indirect_dma source(%dma_start3A_303 : memref<20480x128xf32, #tpu.memory_space<hbm>>) target(%arg9 : memref<64x128xf32, #tpu.memory_space<vmem>>) offsets(%dma_start3A_300 : memref<64xi32, #tpu.memory_space<vmem>>) semaphore(%arg12 : memref<!tpu.dma_semaphore, #tpu.memory_space<semaphore_mem>>)
      %run_scoped3A_304 = arith.constant 4 : i32
      "tpu.region"() ({
        %run_scoped3A_384 = tpu.sem_alloc : memref<!tpu.dma_semaphore, #tpu.memory_space<semaphore_mem>>
        %dma_start3A_385 = arith.constant 0 : i32
        %dma_start3A_386 = tpu.memref_slice %arg7[%select_n3A_194, %run_scoped3A_304, %dma_start3A_385] : memref<2x8x64xi32, #tpu.memory_space<vmem>> -> memref<1x1x64xi32, #tpu.memory_space<vmem>>
        %dma_start3A_387 = tpu.memref_squeeze %dma_start3A_386 : memref<1x1x64xi32, #tpu.memory_space<vmem>> -> memref<64xi32, #tpu.memory_space<vmem>>
        %dma_start3A_388 = arith.constant 0 : i32
        %dma_start3A_389 = arith.constant 0 : i32
        %dma_start3A_390 = tpu.memref_slice %arg10[%dma_start3A_388, %dma_start3A_389] : memref<10240x128xf32, #tpu.memory_space<vmem_shared>> -> memref<10240x128xf32, #tpu.memory_space<vmem_shared>>
        tpu.enqueue_indirect_dma source(%arg8 : memref<64x128xf32, #tpu.memory_space<vmem>>) target(%dma_start3A_390 : memref<10240x128xf32, #tpu.memory_space<vmem_shared>>) offsets(%dma_start3A_387 : memref<64xi32, #tpu.memory_space<vmem>>) semaphore(%run_scoped3A_384 : memref<!tpu.dma_semaphore, #tpu.memory_space<semaphore_mem>>) {add = true}
        %dma_wait3A_391 = arith.constant 0 : i32
        %dma_wait3A_392 = tpu.memref_slice %arg7[%select_n3A_194, %run_scoped3A_304, %dma_wait3A_391] : memref<2x8x64xi32, #tpu.memory_space<vmem>> -> memref<1x1x64xi32, #tpu.memory_space<vmem>>
        %dma_wait3A_393 = tpu.memref_squeeze %dma_wait3A_392 : memref<1x1x64xi32, #tpu.memory_space<vmem>> -> memref<64xi32, #tpu.memory_space<vmem>>
        %dma_wait3A_394 = arith.constant 0 : i32
        %dma_wait3A_395 = arith.constant 0 : i32
        %dma_wait3A_396 = tpu.memref_slice %arg10[%dma_wait3A_394, %dma_wait3A_395] : memref<10240x128xf32, #tpu.memory_space<vmem_shared>> -> memref<10240x128xf32, #tpu.memory_space<vmem_shared>>
        tpu.wait_indirect_dma semaphore(%run_scoped3A_384 : memref<!tpu.dma_semaphore, #tpu.memory_space<semaphore_mem>>) src(%arg8 : memref<64x128xf32, #tpu.memory_space<vmem>>) dst(%dma_wait3A_396 : memref<10240x128xf32, #tpu.memory_space<vmem_shared>>)
        tpu.yield
      }) : () -> ()
      %dma_wait3A_305 = arith.constant 5 : i32
      %dma_wait3A_306 = arith.constant 0 : i32
      %dma_wait3A_307 = tpu.memref_slice %arg6[%select_n3A_194, %dma_wait3A_305, %dma_wait3A_306] : memref<2x8x64xi32, #tpu.memory_space<vmem>> -> memref<1x1x64xi32, #tpu.memory_space<vmem>>
      %dma_wait3A_308 = tpu.memref_squeeze %dma_wait3A_307 : memref<1x1x64xi32, #tpu.memory_space<vmem>> -> memref<64xi32, #tpu.memory_space<vmem>>
      %dma_wait3A_309 = arith.constant 0 : i32
      %dma_wait3A_310 = arith.constant 0 : i32
      %dma_wait3A_311 = tpu.memref_slice %arg2[%dma_wait3A_309, %dma_wait3A_310] : memref<20480x128xf32, #tpu.memory_space<hbm>> -> memref<20480x128xf32, #tpu.memory_space<hbm>>
      tpu.wait_indirect_dma semaphore(%arg12 : memref<!tpu.dma_semaphore, #tpu.memory_space<semaphore_mem>>) src(%dma_wait3A_311 : memref<20480x128xf32, #tpu.memory_space<hbm>>) dst(%arg9 : memref<64x128xf32, #tpu.memory_space<vmem>>)
      %dma_start3A_312 = arith.constant 6 : i32
      %dma_start3A_313 = arith.constant 0 : i32
      %dma_start3A_314 = tpu.memref_slice %arg6[%select_n3A_194, %dma_start3A_312, %dma_start3A_313] : memref<2x8x64xi32, #tpu.memory_space<vmem>> -> memref<1x1x64xi32, #tpu.memory_space<vmem>>
      %dma_start3A_315 = tpu.memref_squeeze %dma_start3A_314 : memref<1x1x64xi32, #tpu.memory_space<vmem>> -> memref<64xi32, #tpu.memory_space<vmem>>
      %dma_start3A_316 = arith.constant 0 : i32
      %dma_start3A_317 = arith.constant 0 : i32
      %dma_start3A_318 = tpu.memref_slice %arg2[%dma_start3A_316, %dma_start3A_317] : memref<20480x128xf32, #tpu.memory_space<hbm>> -> memref<20480x128xf32, #tpu.memory_space<hbm>>
      tpu.enqueue_indirect_dma source(%dma_start3A_318 : memref<20480x128xf32, #tpu.memory_space<hbm>>) target(%arg8 : memref<64x128xf32, #tpu.memory_space<vmem>>) offsets(%dma_start3A_315 : memref<64xi32, #tpu.memory_space<vmem>>) semaphore(%arg11 : memref<!tpu.dma_semaphore, #tpu.memory_space<semaphore_mem>>)
      %run_scoped3A_319 = arith.constant 5 : i32
      "tpu.region"() ({
        %run_scoped3A_384 = tpu.sem_alloc : memref<!tpu.dma_semaphore, #tpu.memory_space<semaphore_mem>>
        %dma_start3A_385 = arith.constant 0 : i32
        %dma_start3A_386 = tpu.memref_slice %arg7[%select_n3A_194, %run_scoped3A_319, %dma_start3A_385] : memref<2x8x64xi32, #tpu.memory_space<vmem>> -> memref<1x1x64xi32, #tpu.memory_space<vmem>>
        %dma_start3A_387 = tpu.memref_squeeze %dma_start3A_386 : memref<1x1x64xi32, #tpu.memory_space<vmem>> -> memref<64xi32, #tpu.memory_space<vmem>>
        %dma_start3A_388 = arith.constant 0 : i32
        %dma_start3A_389 = arith.constant 0 : i32
        %dma_start3A_390 = tpu.memref_slice %arg10[%dma_start3A_388, %dma_start3A_389] : memref<10240x128xf32, #tpu.memory_space<vmem_shared>> -> memref<10240x128xf32, #tpu.memory_space<vmem_shared>>
        tpu.enqueue_indirect_dma source(%arg9 : memref<64x128xf32, #tpu.memory_space<vmem>>) target(%dma_start3A_390 : memref<10240x128xf32, #tpu.memory_space<vmem_shared>>) offsets(%dma_start3A_387 : memref<64xi32, #tpu.memory_space<vmem>>) semaphore(%run_scoped3A_384 : memref<!tpu.dma_semaphore, #tpu.memory_space<semaphore_mem>>) {add = true}
        %dma_wait3A_391 = arith.constant 0 : i32
        %dma_wait3A_392 = tpu.memref_slice %arg7[%select_n3A_194, %run_scoped3A_319, %dma_wait3A_391] : memref<2x8x64xi32, #tpu.memory_space<vmem>> -> memref<1x1x64xi32, #tpu.memory_space<vmem>>
        %dma_wait3A_393 = tpu.memref_squeeze %dma_wait3A_392 : memref<1x1x64xi32, #tpu.memory_space<vmem>> -> memref<64xi32, #tpu.memory_space<vmem>>
        %dma_wait3A_394 = arith.constant 0 : i32
        %dma_wait3A_395 = arith.constant 0 : i32
        %dma_wait3A_396 = tpu.memref_slice %arg10[%dma_wait3A_394, %dma_wait3A_395] : memref<10240x128xf32, #tpu.memory_space<vmem_shared>> -> memref<10240x128xf32, #tpu.memory_space<vmem_shared>>
        tpu.wait_indirect_dma semaphore(%run_scoped3A_384 : memref<!tpu.dma_semaphore, #tpu.memory_space<semaphore_mem>>) src(%arg9 : memref<64x128xf32, #tpu.memory_space<vmem>>) dst(%dma_wait3A_396 : memref<10240x128xf32, #tpu.memory_space<vmem_shared>>)
        tpu.yield
      }) : () -> ()
      %dma_wait3A_320 = arith.constant 6 : i32
      %dma_wait3A_321 = arith.constant 0 : i32
      %dma_wait3A_322 = tpu.memref_slice %arg6[%select_n3A_194, %dma_wait3A_320, %dma_wait3A_321] : memref<2x8x64xi32, #tpu.memory_space<vmem>> -> memref<1x1x64xi32, #tpu.memory_space<vmem>>
      %dma_wait3A_323 = tpu.memref_squeeze %dma_wait3A_322 : memref<1x1x64xi32, #tpu.memory_space<vmem>> -> memref<64xi32, #tpu.memory_space<vmem>>
      %dma_wait3A_324 = arith.constant 0 : i32
      %dma_wait3A_325 = arith.constant 0 : i32
      %dma_wait3A_326 = tpu.memref_slice %arg2[%dma_wait3A_324, %dma_wait3A_325] : memref<20480x128xf32, #tpu.memory_space<hbm>> -> memref<20480x128xf32, #tpu.memory_space<hbm>>
      tpu.wait_indirect_dma semaphore(%arg11 : memref<!tpu.dma_semaphore, #tpu.memory_space<semaphore_mem>>) src(%dma_wait3A_326 : memref<20480x128xf32, #tpu.memory_space<hbm>>) dst(%arg8 : memref<64x128xf32, #tpu.memory_space<vmem>>)
      %mul3A_327 = arith.constant 8 : i32
      %mul3A_328 = arith.muli %mul3A_327, %scan3A_185 : i32
      %add3A_329 = arith.addi %mul3A_2, %mul3A_328 : i32
      %add3A_330 = arith.constant 8 : i32
      %add3A_331 = arith.addi %add3A_329, %add3A_330 : i32
      %dma_wait3A_332 = arith.constant 0 : i32
      %dma_wait3A_333 = arith.constant 0 : i32
      %dma_wait3A_334 = tpu.memref_slice %arg6[%sub3A_195, %dma_wait3A_332, %dma_wait3A_333] : memref<2x8x64xi32, #tpu.memory_space<vmem>> -> memref<1x8x64xi32, #tpu.memory_space<vmem>>
      %dma_wait3A_335 = tpu.memref_squeeze %dma_wait3A_334 : memref<1x8x64xi32, #tpu.memory_space<vmem>> -> memref<8x64xi32, #tpu.memory_space<vmem>>
      %dma_wait3A_336 = arith.constant 0 : i32
      %dma_wait3A_337 = tpu.memref_slice %arg3[%add3A_331, %dma_wait3A_336] : memref<10240x64xi32, #tpu.memory_space<hbm>> -> memref<8x64xi32, #tpu.memory_space<hbm>>
      %dma_wait3A_338 = arith.constant 0 : i32
      %dma_wait3A_339 = arith.constant 0 : i32
      %dma_wait3A_340 = tpu.memref_slice %arg6[%sub3A_195, %dma_wait3A_338, %dma_wait3A_339] : memref<2x8x64xi32, #tpu.memory_space<vmem>> -> memref<1x8x64xi32, #tpu.memory_space<vmem>>
      %dma_wait3A_341 = tpu.memref_squeeze %dma_wait3A_340 : memref<1x8x64xi32, #tpu.memory_space<vmem>> -> memref<8x64xi32, #tpu.memory_space<vmem>>
      %dma_wait3A_342 = arith.constant 0 : i32
      %dma_wait3A_343 = tpu.memref_slice %arg3[%add3A_331, %dma_wait3A_342] : memref<10240x64xi32, #tpu.memory_space<hbm>> -> memref<8x64xi32, #tpu.memory_space<hbm>>
      tpu.wait_dma2 semaphore(%arg13 : memref<!tpu.dma_semaphore, #tpu.memory_space<semaphore_mem>>) src(%dma_wait3A_343 : memref<8x64xi32, #tpu.memory_space<hbm>>) dst(%dma_wait3A_341 : memref<8x64xi32, #tpu.memory_space<vmem>>)
      %mul3A_344 = arith.constant 8 : i32
      %mul3A_345 = arith.muli %mul3A_344, %scan3A_185 : i32
      %add3A_346 = arith.addi %mul3A_4, %mul3A_345 : i32
      %add3A_347 = arith.constant 8 : i32
      %add3A_348 = arith.addi %add3A_346, %add3A_347 : i32
      %dma_wait3A_349 = arith.constant 0 : i32
      %dma_wait3A_350 = arith.constant 0 : i32
      %dma_wait3A_351 = tpu.memref_slice %arg7[%sub3A_195, %dma_wait3A_349, %dma_wait3A_350] : memref<2x8x64xi32, #tpu.memory_space<vmem>> -> memref<1x8x64xi32, #tpu.memory_space<vmem>>
      %dma_wait3A_352 = tpu.memref_squeeze %dma_wait3A_351 : memref<1x8x64xi32, #tpu.memory_space<vmem>> -> memref<8x64xi32, #tpu.memory_space<vmem>>
      %dma_wait3A_353 = arith.constant 0 : i32
      %dma_wait3A_354 = tpu.memref_slice %arg4[%add3A_348, %dma_wait3A_353] : memref<5120x64xi32, #tpu.memory_space<hbm>> -> memref<8x64xi32, #tpu.memory_space<hbm>>
      %dma_wait3A_355 = arith.constant 0 : i32
      %dma_wait3A_356 = arith.constant 0 : i32
      %dma_wait3A_357 = tpu.memref_slice %arg7[%sub3A_195, %dma_wait3A_355, %dma_wait3A_356] : memref<2x8x64xi32, #tpu.memory_space<vmem>> -> memref<1x8x64xi32, #tpu.memory_space<vmem>>
      %dma_wait3A_358 = tpu.memref_squeeze %dma_wait3A_357 : memref<1x8x64xi32, #tpu.memory_space<vmem>> -> memref<8x64xi32, #tpu.memory_space<vmem>>
      %dma_wait3A_359 = arith.constant 0 : i32
      %dma_wait3A_360 = tpu.memref_slice %arg4[%add3A_348, %dma_wait3A_359] : memref<5120x64xi32, #tpu.memory_space<hbm>> -> memref<8x64xi32, #tpu.memory_space<hbm>>
      tpu.wait_dma2 semaphore(%arg14 : memref<!tpu.dma_semaphore, #tpu.memory_space<semaphore_mem>>) src(%dma_wait3A_360 : memref<8x64xi32, #tpu.memory_space<hbm>>) dst(%dma_wait3A_358 : memref<8x64xi32, #tpu.memory_space<vmem>>)
      %dma_start3A_361 = arith.constant 7 : i32
      %dma_start3A_362 = arith.constant 0 : i32
      %dma_start3A_363 = tpu.memref_slice %arg6[%select_n3A_194, %dma_start3A_361, %dma_start3A_362] : memref<2x8x64xi32, #tpu.memory_space<vmem>> -> memref<1x1x64xi32, #tpu.memory_space<vmem>>
      %dma_start3A_364 = tpu.memref_squeeze %dma_start3A_363 : memref<1x1x64xi32, #tpu.memory_space<vmem>> -> memref<64xi32, #tpu.memory_space<vmem>>
      %dma_start3A_365 = arith.constant 0 : i32
      %dma_start3A_366 = arith.constant 0 : i32
      %dma_start3A_367 = tpu.memref_slice %arg2[%dma_start3A_365, %dma_start3A_366] : memref<20480x128xf32, #tpu.memory_space<hbm>> -> memref<20480x128xf32, #tpu.memory_space<hbm>>
      tpu.enqueue_indirect_dma source(%dma_start3A_367 : memref<20480x128xf32, #tpu.memory_space<hbm>>) target(%arg9 : memref<64x128xf32, #tpu.memory_space<vmem>>) offsets(%dma_start3A_364 : memref<64xi32, #tpu.memory_space<vmem>>) semaphore(%arg12 : memref<!tpu.dma_semaphore, #tpu.memory_space<semaphore_mem>>)
      %run_scoped3A_368 = arith.constant 6 : i32
      "tpu.region"() ({
        %run_scoped3A_384 = tpu.sem_alloc : memref<!tpu.dma_semaphore, #tpu.memory_space<semaphore_mem>>
        %dma_start3A_385 = arith.constant 0 : i32
        %dma_start3A_386 = tpu.memref_slice %arg7[%select_n3A_194, %run_scoped3A_368, %dma_start3A_385] : memref<2x8x64xi32, #tpu.memory_space<vmem>> -> memref<1x1x64xi32, #tpu.memory_space<vmem>>
        %dma_start3A_387 = tpu.memref_squeeze %dma_start3A_386 : memref<1x1x64xi32, #tpu.memory_space<vmem>> -> memref<64xi32, #tpu.memory_space<vmem>>
        %dma_start3A_388 = arith.constant 0 : i32
        %dma_start3A_389 = arith.constant 0 : i32
        %dma_start3A_390 = tpu.memref_slice %arg10[%dma_start3A_388, %dma_start3A_389] : memref<10240x128xf32, #tpu.memory_space<vmem_shared>> -> memref<10240x128xf32, #tpu.memory_space<vmem_shared>>
        tpu.enqueue_indirect_dma source(%arg8 : memref<64x128xf32, #tpu.memory_space<vmem>>) target(%dma_start3A_390 : memref<10240x128xf32, #tpu.memory_space<vmem_shared>>) offsets(%dma_start3A_387 : memref<64xi32, #tpu.memory_space<vmem>>) semaphore(%run_scoped3A_384 : memref<!tpu.dma_semaphore, #tpu.memory_space<semaphore_mem>>) {add = true}
        %dma_wait3A_391 = arith.constant 0 : i32
        %dma_wait3A_392 = tpu.memref_slice %arg7[%select_n3A_194, %run_scoped3A_368, %dma_wait3A_391] : memref<2x8x64xi32, #tpu.memory_space<vmem>> -> memref<1x1x64xi32, #tpu.memory_space<vmem>>
        %dma_wait3A_393 = tpu.memref_squeeze %dma_wait3A_392 : memref<1x1x64xi32, #tpu.memory_space<vmem>> -> memref<64xi32, #tpu.memory_space<vmem>>
        %dma_wait3A_394 = arith.constant 0 : i32
        %dma_wait3A_395 = arith.constant 0 : i32
        %dma_wait3A_396 = tpu.memref_slice %arg10[%dma_wait3A_394, %dma_wait3A_395] : memref<10240x128xf32, #tpu.memory_space<vmem_shared>> -> memref<10240x128xf32, #tpu.memory_space<vmem_shared>>
        tpu.wait_indirect_dma semaphore(%run_scoped3A_384 : memref<!tpu.dma_semaphore, #tpu.memory_space<semaphore_mem>>) src(%arg8 : memref<64x128xf32, #tpu.memory_space<vmem>>) dst(%dma_wait3A_396 : memref<10240x128xf32, #tpu.memory_space<vmem_shared>>)
        tpu.yield
      }) : () -> ()
      %dma_wait3A_369 = arith.constant 7 : i32
      %dma_wait3A_370 = arith.constant 0 : i32
      %dma_wait3A_371 = tpu.memref_slice %arg6[%select_n3A_194, %dma_wait3A_369, %dma_wait3A_370] : memref<2x8x64xi32, #tpu.memory_space<vmem>> -> memref<1x1x64xi32, #tpu.memory_space<vmem>>
      %dma_wait3A_372 = tpu.memref_squeeze %dma_wait3A_371 : memref<1x1x64xi32, #tpu.memory_space<vmem>> -> memref<64xi32, #tpu.memory_space<vmem>>
      %dma_wait3A_373 = arith.constant 0 : i32
      %dma_wait3A_374 = arith.constant 0 : i32
      %dma_wait3A_375 = tpu.memref_slice %arg2[%dma_wait3A_373, %dma_wait3A_374] : memref<20480x128xf32, #tpu.memory_space<hbm>> -> memref<20480x128xf32, #tpu.memory_space<hbm>>
      tpu.wait_indirect_dma semaphore(%arg12 : memref<!tpu.dma_semaphore, #tpu.memory_space<semaphore_mem>>) src(%dma_wait3A_375 : memref<20480x128xf32, #tpu.memory_space<hbm>>) dst(%arg9 : memref<64x128xf32, #tpu.memory_space<vmem>>)
      %dma_start3A_376 = arith.constant 0 : i32
      %dma_start3A_377 = arith.constant 0 : i32
      %dma_start3A_378 = tpu.memref_slice %arg6[%sub3A_195, %dma_start3A_376, %dma_start3A_377] : memref<2x8x64xi32, #tpu.memory_space<vmem>> -> memref<1x1x64xi32, #tpu.memory_space<vmem>>
      %dma_start3A_379 = tpu.memref_squeeze %dma_start3A_378 : memref<1x1x64xi32, #tpu.memory_space<vmem>> -> memref<64xi32, #tpu.memory_space<vmem>>
      %dma_start3A_380 = arith.constant 0 : i32
      %dma_start3A_381 = arith.constant 0 : i32
      %dma_start3A_382 = tpu.memref_slice %arg2[%dma_start3A_380, %dma_start3A_381] : memref<20480x128xf32, #tpu.memory_space<hbm>> -> memref<20480x128xf32, #tpu.memory_space<hbm>>
      tpu.enqueue_indirect_dma source(%dma_start3A_382 : memref<20480x128xf32, #tpu.memory_space<hbm>>) target(%arg8 : memref<64x128xf32, #tpu.memory_space<vmem>>) offsets(%dma_start3A_379 : memref<64xi32, #tpu.memory_space<vmem>>) semaphore(%arg11 : memref<!tpu.dma_semaphore, #tpu.memory_space<semaphore_mem>>)
      %run_scoped3A_383 = arith.constant 7 : i32
      "tpu.region"() ({
        %run_scoped3A_384 = tpu.sem_alloc : memref<!tpu.dma_semaphore, #tpu.memory_space<semaphore_mem>>
        %dma_start3A_385 = arith.constant 0 : i32
        %dma_start3A_386 = tpu.memref_slice %arg7[%select_n3A_194, %run_scoped3A_383, %dma_start3A_385] : memref<2x8x64xi32, #tpu.memory_space<vmem>> -> memref<1x1x64xi32, #tpu.memory_space<vmem>>
        %dma_start3A_387 = tpu.memref_squeeze %dma_start3A_386 : memref<1x1x64xi32, #tpu.memory_space<vmem>> -> memref<64xi32, #tpu.memory_space<vmem>>
        %dma_start3A_388 = arith.constant 0 : i32
        %dma_start3A_389 = arith.constant 0 : i32
        %dma_start3A_390 = tpu.memref_slice %arg10[%dma_start3A_388, %dma_start3A_389] : memref<10240x128xf32, #tpu.memory_space<vmem_shared>> -> memref<10240x128xf32, #tpu.memory_space<vmem_shared>>
        tpu.enqueue_indirect_dma source(%arg9 : memref<64x128xf32, #tpu.memory_space<vmem>>) target(%dma_start3A_390 : memref<10240x128xf32, #tpu.memory_space<vmem_shared>>) offsets(%dma_start3A_387 : memref<64xi32, #tpu.memory_space<vmem>>) semaphore(%run_scoped3A_384 : memref<!tpu.dma_semaphore, #tpu.memory_space<semaphore_mem>>) {add = true}
        %dma_wait3A_391 = arith.constant 0 : i32
        %dma_wait3A_392 = tpu.memref_slice %arg7[%select_n3A_194, %run_scoped3A_383, %dma_wait3A_391] : memref<2x8x64xi32, #tpu.memory_space<vmem>> -> memref<1x1x64xi32, #tpu.memory_space<vmem>>
        %dma_wait3A_393 = tpu.memref_squeeze %dma_wait3A_392 : memref<1x1x64xi32, #tpu.memory_space<vmem>> -> memref<64xi32, #tpu.memory_space<vmem>>
        %dma_wait3A_394 = arith.constant 0 : i32
        %dma_wait3A_395 = arith.constant 0 : i32
        %dma_wait3A_396 = tpu.memref_slice %arg10[%dma_wait3A_394, %dma_wait3A_395] : memref<10240x128xf32, #tpu.memory_space<vmem_shared>> -> memref<10240x128xf32, #tpu.memory_space<vmem_shared>>
        tpu.wait_indirect_dma semaphore(%run_scoped3A_384 : memref<!tpu.dma_semaphore, #tpu.memory_space<semaphore_mem>>) src(%arg9 : memref<64x128xf32, #tpu.memory_space<vmem>>) dst(%dma_wait3A_396 : memref<10240x128xf32, #tpu.memory_space<vmem_shared>>)
        tpu.yield
      }) : () -> ()
    }
    %scan3A_45 = arith.constant 39 : i32
    %dma_wait3A = arith.constant 1 : i32
    %dma_wait3A_46 = arith.constant 0 : i32
    %dma_wait3A_47 = arith.constant 0 : i32
    %dma_wait3A_48 = tpu.memref_slice %arg6[%dma_wait3A, %dma_wait3A_46, %dma_wait3A_47] : memref<2x8x64xi32, #tpu.memory_space<vmem>> -> memref<1x1x64xi32, #tpu.memory_space<vmem>>
    %dma_wait3A_49 = tpu.memref_squeeze %dma_wait3A_48 : memref<1x1x64xi32, #tpu.memory_space<vmem>> -> memref<64xi32, #tpu.memory_space<vmem>>
    %dma_wait3A_50 = arith.constant 0 : i32
    %dma_wait3A_51 = arith.constant 0 : i32
    %dma_wait3A_52 = tpu.memref_slice %arg2[%dma_wait3A_50, %dma_wait3A_51] : memref<20480x128xf32, #tpu.memory_space<hbm>> -> memref<20480x128xf32, #tpu.memory_space<hbm>>
    tpu.wait_indirect_dma semaphore(%arg11 : memref<!tpu.dma_semaphore, #tpu.memory_space<semaphore_mem>>) src(%dma_wait3A_52 : memref<20480x128xf32, #tpu.memory_space<hbm>>) dst(%arg8 : memref<64x128xf32, #tpu.memory_space<vmem>>)
    %dma_start3A_53 = arith.constant 1 : i32
    %dma_start3A_54 = arith.constant 1 : i32
    %dma_start3A_55 = arith.constant 0 : i32
    %dma_start3A_56 = tpu.memref_slice %arg6[%dma_start3A_53, %dma_start3A_54, %dma_start3A_55] : memref<2x8x64xi32, #tpu.memory_space<vmem>> -> memref<1x1x64xi32, #tpu.memory_space<vmem>>
    %dma_start3A_57 = tpu.memref_squeeze %dma_start3A_56 : memref<1x1x64xi32, #tpu.memory_space<vmem>> -> memref<64xi32, #tpu.memory_space<vmem>>
    %dma_start3A_58 = arith.constant 0 : i32
    %dma_start3A_59 = arith.constant 0 : i32
    %dma_start3A_60 = tpu.memref_slice %arg2[%dma_start3A_58, %dma_start3A_59] : memref<20480x128xf32, #tpu.memory_space<hbm>> -> memref<20480x128xf32, #tpu.memory_space<hbm>>
    tpu.enqueue_indirect_dma source(%dma_start3A_60 : memref<20480x128xf32, #tpu.memory_space<hbm>>) target(%arg9 : memref<64x128xf32, #tpu.memory_space<vmem>>) offsets(%dma_start3A_57 : memref<64xi32, #tpu.memory_space<vmem>>) semaphore(%arg12 : memref<!tpu.dma_semaphore, #tpu.memory_space<semaphore_mem>>)
    %run_scoped3A_61 = arith.constant 1 : i32
    %run_scoped3A_62 = arith.constant 0 : i32
    "tpu.region"() ({
      %run_scoped3A_185 = tpu.sem_alloc : memref<!tpu.dma_semaphore, #tpu.memory_space<semaphore_mem>>
      %dma_start3A_186 = arith.constant 0 : i32
      %dma_start3A_187 = tpu.memref_slice %arg7[%run_scoped3A_61, %run_scoped3A_62, %dma_start3A_186] : memref<2x8x64xi32, #tpu.memory_space<vmem>> -> memref<1x1x64xi32, #tpu.memory_space<vmem>>
      %dma_start3A_188 = tpu.memref_squeeze %dma_start3A_187 : memref<1x1x64xi32, #tpu.memory_space<vmem>> -> memref<64xi32, #tpu.memory_space<vmem>>
      %dma_start3A_189 = arith.constant 0 : i32
      %dma_start3A_190 = arith.constant 0 : i32
      %dma_start3A_191 = tpu.memref_slice %arg10[%dma_start3A_189, %dma_start3A_190] : memref<10240x128xf32, #tpu.memory_space<vmem_shared>> -> memref<10240x128xf32, #tpu.memory_space<vmem_shared>>
      tpu.enqueue_indirect_dma source(%arg8 : memref<64x128xf32, #tpu.memory_space<vmem>>) target(%dma_start3A_191 : memref<10240x128xf32, #tpu.memory_space<vmem_shared>>) offsets(%dma_start3A_188 : memref<64xi32, #tpu.memory_space<vmem>>) semaphore(%run_scoped3A_185 : memref<!tpu.dma_semaphore, #tpu.memory_space<semaphore_mem>>) {add = true}
      %dma_wait3A_192 = arith.constant 0 : i32
      %dma_wait3A_193 = tpu.memref_slice %arg7[%run_scoped3A_61, %run_scoped3A_62, %dma_wait3A_192] : memref<2x8x64xi32, #tpu.memory_space<vmem>> -> memref<1x1x64xi32, #tpu.memory_space<vmem>>
      %dma_wait3A_194 = tpu.memref_squeeze %dma_wait3A_193 : memref<1x1x64xi32, #tpu.memory_space<vmem>> -> memref<64xi32, #tpu.memory_space<vmem>>
      %dma_wait3A_195 = arith.constant 0 : i32
      %dma_wait3A_196 = arith.constant 0 : i32
      %dma_wait3A_197 = tpu.memref_slice %arg10[%dma_wait3A_195, %dma_wait3A_196] : memref<10240x128xf32, #tpu.memory_space<vmem_shared>> -> memref<10240x128xf32, #tpu.memory_space<vmem_shared>>
      tpu.wait_indirect_dma semaphore(%run_scoped3A_185 : memref<!tpu.dma_semaphore, #tpu.memory_space<semaphore_mem>>) src(%arg8 : memref<64x128xf32, #tpu.memory_space<vmem>>) dst(%dma_wait3A_197 : memref<10240x128xf32, #tpu.memory_space<vmem_shared>>)
      tpu.yield
    }) : () -> ()
    %dma_wait3A_63 = arith.constant 1 : i32
    %dma_wait3A_64 = arith.constant 1 : i32
    %dma_wait3A_65 = arith.constant 0 : i32
    %dma_wait3A_66 = tpu.memref_slice %arg6[%dma_wait3A_63, %dma_wait3A_64, %dma_wait3A_65] : memref<2x8x64xi32, #tpu.memory_space<vmem>> -> memref<1x1x64xi32, #tpu.memory_space<vmem>>
    %dma_wait3A_67 = tpu.memref_squeeze %dma_wait3A_66 : memref<1x1x64xi32, #tpu.memory_space<vmem>> -> memref<64xi32, #tpu.memory_space<vmem>>
    %dma_wait3A_68 = arith.constant 0 : i32
    %dma_wait3A_69 = arith.constant 0 : i32
    %dma_wait3A_70 = tpu.memref_slice %arg2[%dma_wait3A_68, %dma_wait3A_69] : memref<20480x128xf32, #tpu.memory_space<hbm>> -> memref<20480x128xf32, #tpu.memory_space<hbm>>
    tpu.wait_indirect_dma semaphore(%arg12 : memref<!tpu.dma_semaphore, #tpu.memory_space<semaphore_mem>>) src(%dma_wait3A_70 : memref<20480x128xf32, #tpu.memory_space<hbm>>) dst(%arg9 : memref<64x128xf32, #tpu.memory_space<vmem>>)
    %dma_start3A_71 = arith.constant 1 : i32
    %dma_start3A_72 = arith.constant 2 : i32
    %dma_start3A_73 = arith.constant 0 : i32
    %dma_start3A_74 = tpu.memref_slice %arg6[%dma_start3A_71, %dma_start3A_72, %dma_start3A_73] : memref<2x8x64xi32, #tpu.memory_space<vmem>> -> memref<1x1x64xi32, #tpu.memory_space<vmem>>
    %dma_start3A_75 = tpu.memref_squeeze %dma_start3A_74 : memref<1x1x64xi32, #tpu.memory_space<vmem>> -> memref<64xi32, #tpu.memory_space<vmem>>
    %dma_start3A_76 = arith.constant 0 : i32
    %dma_start3A_77 = arith.constant 0 : i32
    %dma_start3A_78 = tpu.memref_slice %arg2[%dma_start3A_76, %dma_start3A_77] : memref<20480x128xf32, #tpu.memory_space<hbm>> -> memref<20480x128xf32, #tpu.memory_space<hbm>>
    tpu.enqueue_indirect_dma source(%dma_start3A_78 : memref<20480x128xf32, #tpu.memory_space<hbm>>) target(%arg8 : memref<64x128xf32, #tpu.memory_space<vmem>>) offsets(%dma_start3A_75 : memref<64xi32, #tpu.memory_space<vmem>>) semaphore(%arg11 : memref<!tpu.dma_semaphore, #tpu.memory_space<semaphore_mem>>)
    %run_scoped3A_79 = arith.constant 1 : i32
    %run_scoped3A_80 = arith.constant 1 : i32
    "tpu.region"() ({
      %run_scoped3A_185 = tpu.sem_alloc : memref<!tpu.dma_semaphore, #tpu.memory_space<semaphore_mem>>
      %dma_start3A_186 = arith.constant 0 : i32
      %dma_start3A_187 = tpu.memref_slice %arg7[%run_scoped3A_79, %run_scoped3A_80, %dma_start3A_186] : memref<2x8x64xi32, #tpu.memory_space<vmem>> -> memref<1x1x64xi32, #tpu.memory_space<vmem>>
      %dma_start3A_188 = tpu.memref_squeeze %dma_start3A_187 : memref<1x1x64xi32, #tpu.memory_space<vmem>> -> memref<64xi32, #tpu.memory_space<vmem>>
      %dma_start3A_189 = arith.constant 0 : i32
      %dma_start3A_190 = arith.constant 0 : i32
      %dma_start3A_191 = tpu.memref_slice %arg10[%dma_start3A_189, %dma_start3A_190] : memref<10240x128xf32, #tpu.memory_space<vmem_shared>> -> memref<10240x128xf32, #tpu.memory_space<vmem_shared>>
      tpu.enqueue_indirect_dma source(%arg9 : memref<64x128xf32, #tpu.memory_space<vmem>>) target(%dma_start3A_191 : memref<10240x128xf32, #tpu.memory_space<vmem_shared>>) offsets(%dma_start3A_188 : memref<64xi32, #tpu.memory_space<vmem>>) semaphore(%run_scoped3A_185 : memref<!tpu.dma_semaphore, #tpu.memory_space<semaphore_mem>>) {add = true}
      %dma_wait3A_192 = arith.constant 0 : i32
      %dma_wait3A_193 = tpu.memref_slice %arg7[%run_scoped3A_79, %run_scoped3A_80, %dma_wait3A_192] : memref<2x8x64xi32, #tpu.memory_space<vmem>> -> memref<1x1x64xi32, #tpu.memory_space<vmem>>
      %dma_wait3A_194 = tpu.memref_squeeze %dma_wait3A_193 : memref<1x1x64xi32, #tpu.memory_space<vmem>> -> memref<64xi32, #tpu.memory_space<vmem>>
      %dma_wait3A_195 = arith.constant 0 : i32
      %dma_wait3A_196 = arith.constant 0 : i32
      %dma_wait3A_197 = tpu.memref_slice %arg10[%dma_wait3A_195, %dma_wait3A_196] : memref<10240x128xf32, #tpu.memory_space<vmem_shared>> -> memref<10240x128xf32, #tpu.memory_space<vmem_shared>>
      tpu.wait_indirect_dma semaphore(%run_scoped3A_185 : memref<!tpu.dma_semaphore, #tpu.memory_space<semaphore_mem>>) src(%arg9 : memref<64x128xf32, #tpu.memory_space<vmem>>) dst(%dma_wait3A_197 : memref<10240x128xf32, #tpu.memory_space<vmem_shared>>)
      tpu.yield
    }) : () -> ()
    %dma_wait3A_81 = arith.constant 1 : i32
    %dma_wait3A_82 = arith.constant 2 : i32
    %dma_wait3A_83 = arith.constant 0 : i32
    %dma_wait3A_84 = tpu.memref_slice %arg6[%dma_wait3A_81, %dma_wait3A_82, %dma_wait3A_83] : memref<2x8x64xi32, #tpu.memory_space<vmem>> -> memref<1x1x64xi32, #tpu.memory_space<vmem>>
    %dma_wait3A_85 = tpu.memref_squeeze %dma_wait3A_84 : memref<1x1x64xi32, #tpu.memory_space<vmem>> -> memref<64xi32, #tpu.memory_space<vmem>>
    %dma_wait3A_86 = arith.constant 0 : i32
    %dma_wait3A_87 = arith.constant 0 : i32
    %dma_wait3A_88 = tpu.memref_slice %arg2[%dma_wait3A_86, %dma_wait3A_87] : memref<20480x128xf32, #tpu.memory_space<hbm>> -> memref<20480x128xf32, #tpu.memory_space<hbm>>
    tpu.wait_indirect_dma semaphore(%arg11 : memref<!tpu.dma_semaphore, #tpu.memory_space<semaphore_mem>>) src(%dma_wait3A_88 : memref<20480x128xf32, #tpu.memory_space<hbm>>) dst(%arg8 : memref<64x128xf32, #tpu.memory_space<vmem>>)
    %dma_start3A_89 = arith.constant 1 : i32
    %dma_start3A_90 = arith.constant 3 : i32
    %dma_start3A_91 = arith.constant 0 : i32
    %dma_start3A_92 = tpu.memref_slice %arg6[%dma_start3A_89, %dma_start3A_90, %dma_start3A_91] : memref<2x8x64xi32, #tpu.memory_space<vmem>> -> memref<1x1x64xi32, #tpu.memory_space<vmem>>
    %dma_start3A_93 = tpu.memref_squeeze %dma_start3A_92 : memref<1x1x64xi32, #tpu.memory_space<vmem>> -> memref<64xi32, #tpu.memory_space<vmem>>
    %dma_start3A_94 = arith.constant 0 : i32
    %dma_start3A_95 = arith.constant 0 : i32
    %dma_start3A_96 = tpu.memref_slice %arg2[%dma_start3A_94, %dma_start3A_95] : memref<20480x128xf32, #tpu.memory_space<hbm>> -> memref<20480x128xf32, #tpu.memory_space<hbm>>
    tpu.enqueue_indirect_dma source(%dma_start3A_96 : memref<20480x128xf32, #tpu.memory_space<hbm>>) target(%arg9 : memref<64x128xf32, #tpu.memory_space<vmem>>) offsets(%dma_start3A_93 : memref<64xi32, #tpu.memory_space<vmem>>) semaphore(%arg12 : memref<!tpu.dma_semaphore, #tpu.memory_space<semaphore_mem>>)
    %run_scoped3A_97 = arith.constant 1 : i32
    %run_scoped3A_98 = arith.constant 2 : i32
    "tpu.region"() ({
      %run_scoped3A_185 = tpu.sem_alloc : memref<!tpu.dma_semaphore, #tpu.memory_space<semaphore_mem>>
      %dma_start3A_186 = arith.constant 0 : i32
      %dma_start3A_187 = tpu.memref_slice %arg7[%run_scoped3A_97, %run_scoped3A_98, %dma_start3A_186] : memref<2x8x64xi32, #tpu.memory_space<vmem>> -> memref<1x1x64xi32, #tpu.memory_space<vmem>>
      %dma_start3A_188 = tpu.memref_squeeze %dma_start3A_187 : memref<1x1x64xi32, #tpu.memory_space<vmem>> -> memref<64xi32, #tpu.memory_space<vmem>>
      %dma_start3A_189 = arith.constant 0 : i32
      %dma_start3A_190 = arith.constant 0 : i32
      %dma_start3A_191 = tpu.memref_slice %arg10[%dma_start3A_189, %dma_start3A_190] : memref<10240x128xf32, #tpu.memory_space<vmem_shared>> -> memref<10240x128xf32, #tpu.memory_space<vmem_shared>>
      tpu.enqueue_indirect_dma source(%arg8 : memref<64x128xf32, #tpu.memory_space<vmem>>) target(%dma_start3A_191 : memref<10240x128xf32, #tpu.memory_space<vmem_shared>>) offsets(%dma_start3A_188 : memref<64xi32, #tpu.memory_space<vmem>>) semaphore(%run_scoped3A_185 : memref<!tpu.dma_semaphore, #tpu.memory_space<semaphore_mem>>) {add = true}
      %dma_wait3A_192 = arith.constant 0 : i32
      %dma_wait3A_193 = tpu.memref_slice %arg7[%run_scoped3A_97, %run_scoped3A_98, %dma_wait3A_192] : memref<2x8x64xi32, #tpu.memory_space<vmem>> -> memref<1x1x64xi32, #tpu.memory_space<vmem>>
      %dma_wait3A_194 = tpu.memref_squeeze %dma_wait3A_193 : memref<1x1x64xi32, #tpu.memory_space<vmem>> -> memref<64xi32, #tpu.memory_space<vmem>>
      %dma_wait3A_195 = arith.constant 0 : i32
      %dma_wait3A_196 = arith.constant 0 : i32
      %dma_wait3A_197 = tpu.memref_slice %arg10[%dma_wait3A_195, %dma_wait3A_196] : memref<10240x128xf32, #tpu.memory_space<vmem_shared>> -> memref<10240x128xf32, #tpu.memory_space<vmem_shared>>
      tpu.wait_indirect_dma semaphore(%run_scoped3A_185 : memref<!tpu.dma_semaphore, #tpu.memory_space<semaphore_mem>>) src(%arg8 : memref<64x128xf32, #tpu.memory_space<vmem>>) dst(%dma_wait3A_197 : memref<10240x128xf32, #tpu.memory_space<vmem_shared>>)
      tpu.yield
    }) : () -> ()
    %dma_wait3A_99 = arith.constant 1 : i32
    %dma_wait3A_100 = arith.constant 3 : i32
    %dma_wait3A_101 = arith.constant 0 : i32
    %dma_wait3A_102 = tpu.memref_slice %arg6[%dma_wait3A_99, %dma_wait3A_100, %dma_wait3A_101] : memref<2x8x64xi32, #tpu.memory_space<vmem>> -> memref<1x1x64xi32, #tpu.memory_space<vmem>>
    %dma_wait3A_103 = tpu.memref_squeeze %dma_wait3A_102 : memref<1x1x64xi32, #tpu.memory_space<vmem>> -> memref<64xi32, #tpu.memory_space<vmem>>
    %dma_wait3A_104 = arith.constant 0 : i32
    %dma_wait3A_105 = arith.constant 0 : i32
    %dma_wait3A_106 = tpu.memref_slice %arg2[%dma_wait3A_104, %dma_wait3A_105] : memref<20480x128xf32, #tpu.memory_space<hbm>> -> memref<20480x128xf32, #tpu.memory_space<hbm>>
    tpu.wait_indirect_dma semaphore(%arg12 : memref<!tpu.dma_semaphore, #tpu.memory_space<semaphore_mem>>) src(%dma_wait3A_106 : memref<20480x128xf32, #tpu.memory_space<hbm>>) dst(%arg9 : memref<64x128xf32, #tpu.memory_space<vmem>>)
    %dma_start3A_107 = arith.constant 1 : i32
    %dma_start3A_108 = arith.constant 4 : i32
    %dma_start3A_109 = arith.constant 0 : i32
    %dma_start3A_110 = tpu.memref_slice %arg6[%dma_start3A_107, %dma_start3A_108, %dma_start3A_109] : memref<2x8x64xi32, #tpu.memory_space<vmem>> -> memref<1x1x64xi32, #tpu.memory_space<vmem>>
    %dma_start3A_111 = tpu.memref_squeeze %dma_start3A_110 : memref<1x1x64xi32, #tpu.memory_space<vmem>> -> memref<64xi32, #tpu.memory_space<vmem>>
    %dma_start3A_112 = arith.constant 0 : i32
    %dma_start3A_113 = arith.constant 0 : i32
    %dma_start3A_114 = tpu.memref_slice %arg2[%dma_start3A_112, %dma_start3A_113] : memref<20480x128xf32, #tpu.memory_space<hbm>> -> memref<20480x128xf32, #tpu.memory_space<hbm>>
    tpu.enqueue_indirect_dma source(%dma_start3A_114 : memref<20480x128xf32, #tpu.memory_space<hbm>>) target(%arg8 : memref<64x128xf32, #tpu.memory_space<vmem>>) offsets(%dma_start3A_111 : memref<64xi32, #tpu.memory_space<vmem>>) semaphore(%arg11 : memref<!tpu.dma_semaphore, #tpu.memory_space<semaphore_mem>>)
    %run_scoped3A_115 = arith.constant 1 : i32
    %run_scoped3A_116 = arith.constant 3 : i32
    "tpu.region"() ({
      %run_scoped3A_185 = tpu.sem_alloc : memref<!tpu.dma_semaphore, #tpu.memory_space<semaphore_mem>>
      %dma_start3A_186 = arith.constant 0 : i32
      %dma_start3A_187 = tpu.memref_slice %arg7[%run_scoped3A_115, %run_scoped3A_116, %dma_start3A_186] : memref<2x8x64xi32, #tpu.memory_space<vmem>> -> memref<1x1x64xi32, #tpu.memory_space<vmem>>
      %dma_start3A_188 = tpu.memref_squeeze %dma_start3A_187 : memref<1x1x64xi32, #tpu.memory_space<vmem>> -> memref<64xi32, #tpu.memory_space<vmem>>
      %dma_start3A_189 = arith.constant 0 : i32
      %dma_start3A_190 = arith.constant 0 : i32
      %dma_start3A_191 = tpu.memref_slice %arg10[%dma_start3A_189, %dma_start3A_190] : memref<10240x128xf32, #tpu.memory_space<vmem_shared>> -> memref<10240x128xf32, #tpu.memory_space<vmem_shared>>
      tpu.enqueue_indirect_dma source(%arg9 : memref<64x128xf32, #tpu.memory_space<vmem>>) target(%dma_start3A_191 : memref<10240x128xf32, #tpu.memory_space<vmem_shared>>) offsets(%dma_start3A_188 : memref<64xi32, #tpu.memory_space<vmem>>) semaphore(%run_scoped3A_185 : memref<!tpu.dma_semaphore, #tpu.memory_space<semaphore_mem>>) {add = true}
      %dma_wait3A_192 = arith.constant 0 : i32
      %dma_wait3A_193 = tpu.memref_slice %arg7[%run_scoped3A_115, %run_scoped3A_116, %dma_wait3A_192] : memref<2x8x64xi32, #tpu.memory_space<vmem>> -> memref<1x1x64xi32, #tpu.memory_space<vmem>>
      %dma_wait3A_194 = tpu.memref_squeeze %dma_wait3A_193 : memref<1x1x64xi32, #tpu.memory_space<vmem>> -> memref<64xi32, #tpu.memory_space<vmem>>
      %dma_wait3A_195 = arith.constant 0 : i32
      %dma_wait3A_196 = arith.constant 0 : i32
      %dma_wait3A_197 = tpu.memref_slice %arg10[%dma_wait3A_195, %dma_wait3A_196] : memref<10240x128xf32, #tpu.memory_space<vmem_shared>> -> memref<10240x128xf32, #tpu.memory_space<vmem_shared>>
      tpu.wait_indirect_dma semaphore(%run_scoped3A_185 : memref<!tpu.dma_semaphore, #tpu.memory_space<semaphore_mem>>) src(%arg9 : memref<64x128xf32, #tpu.memory_space<vmem>>) dst(%dma_wait3A_197 : memref<10240x128xf32, #tpu.memory_space<vmem_shared>>)
      tpu.yield
    }) : () -> ()
    %dma_wait3A_117 = arith.constant 1 : i32
    %dma_wait3A_118 = arith.constant 4 : i32
    %dma_wait3A_119 = arith.constant 0 : i32
    %dma_wait3A_120 = tpu.memref_slice %arg6[%dma_wait3A_117, %dma_wait3A_118, %dma_wait3A_119] : memref<2x8x64xi32, #tpu.memory_space<vmem>> -> memref<1x1x64xi32, #tpu.memory_space<vmem>>
    %dma_wait3A_121 = tpu.memref_squeeze %dma_wait3A_120 : memref<1x1x64xi32, #tpu.memory_space<vmem>> -> memref<64xi32, #tpu.memory_space<vmem>>
    %dma_wait3A_122 = arith.constant 0 : i32
    %dma_wait3A_123 = arith.constant 0 : i32
    %dma_wait3A_124 = tpu.memref_slice %arg2[%dma_wait3A_122, %dma_wait3A_123] : memref<20480x128xf32, #tpu.memory_space<hbm>> -> memref<20480x128xf32, #tpu.memory_space<hbm>>
    tpu.wait_indirect_dma semaphore(%arg11 : memref<!tpu.dma_semaphore, #tpu.memory_space<semaphore_mem>>) src(%dma_wait3A_124 : memref<20480x128xf32, #tpu.memory_space<hbm>>) dst(%arg8 : memref<64x128xf32, #tpu.memory_space<vmem>>)
    %dma_start3A_125 = arith.constant 1 : i32
    %dma_start3A_126 = arith.constant 5 : i32
    %dma_start3A_127 = arith.constant 0 : i32
    %dma_start3A_128 = tpu.memref_slice %arg6[%dma_start3A_125, %dma_start3A_126, %dma_start3A_127] : memref<2x8x64xi32, #tpu.memory_space<vmem>> -> memref<1x1x64xi32, #tpu.memory_space<vmem>>
    %dma_start3A_129 = tpu.memref_squeeze %dma_start3A_128 : memref<1x1x64xi32, #tpu.memory_space<vmem>> -> memref<64xi32, #tpu.memory_space<vmem>>
    %dma_start3A_130 = arith.constant 0 : i32
    %dma_start3A_131 = arith.constant 0 : i32
    %dma_start3A_132 = tpu.memref_slice %arg2[%dma_start3A_130, %dma_start3A_131] : memref<20480x128xf32, #tpu.memory_space<hbm>> -> memref<20480x128xf32, #tpu.memory_space<hbm>>
    tpu.enqueue_indirect_dma source(%dma_start3A_132 : memref<20480x128xf32, #tpu.memory_space<hbm>>) target(%arg9 : memref<64x128xf32, #tpu.memory_space<vmem>>) offsets(%dma_start3A_129 : memref<64xi32, #tpu.memory_space<vmem>>) semaphore(%arg12 : memref<!tpu.dma_semaphore, #tpu.memory_space<semaphore_mem>>)
    %run_scoped3A_133 = arith.constant 1 : i32
    %run_scoped3A_134 = arith.constant 4 : i32
    "tpu.region"() ({
      %run_scoped3A_185 = tpu.sem_alloc : memref<!tpu.dma_semaphore, #tpu.memory_space<semaphore_mem>>
      %dma_start3A_186 = arith.constant 0 : i32
      %dma_start3A_187 = tpu.memref_slice %arg7[%run_scoped3A_133, %run_scoped3A_134, %dma_start3A_186] : memref<2x8x64xi32, #tpu.memory_space<vmem>> -> memref<1x1x64xi32, #tpu.memory_space<vmem>>
      %dma_start3A_188 = tpu.memref_squeeze %dma_start3A_187 : memref<1x1x64xi32, #tpu.memory_space<vmem>> -> memref<64xi32, #tpu.memory_space<vmem>>
      %dma_start3A_189 = arith.constant 0 : i32
      %dma_start3A_190 = arith.constant 0 : i32
      %dma_start3A_191 = tpu.memref_slice %arg10[%dma_start3A_189, %dma_start3A_190] : memref<10240x128xf32, #tpu.memory_space<vmem_shared>> -> memref<10240x128xf32, #tpu.memory_space<vmem_shared>>
      tpu.enqueue_indirect_dma source(%arg8 : memref<64x128xf32, #tpu.memory_space<vmem>>) target(%dma_start3A_191 : memref<10240x128xf32, #tpu.memory_space<vmem_shared>>) offsets(%dma_start3A_188 : memref<64xi32, #tpu.memory_space<vmem>>) semaphore(%run_scoped3A_185 : memref<!tpu.dma_semaphore, #tpu.memory_space<semaphore_mem>>) {add = true}
      %dma_wait3A_192 = arith.constant 0 : i32
      %dma_wait3A_193 = tpu.memref_slice %arg7[%run_scoped3A_133, %run_scoped3A_134, %dma_wait3A_192] : memref<2x8x64xi32, #tpu.memory_space<vmem>> -> memref<1x1x64xi32, #tpu.memory_space<vmem>>
      %dma_wait3A_194 = tpu.memref_squeeze %dma_wait3A_193 : memref<1x1x64xi32, #tpu.memory_space<vmem>> -> memref<64xi32, #tpu.memory_space<vmem>>
      %dma_wait3A_195 = arith.constant 0 : i32
      %dma_wait3A_196 = arith.constant 0 : i32
      %dma_wait3A_197 = tpu.memref_slice %arg10[%dma_wait3A_195, %dma_wait3A_196] : memref<10240x128xf32, #tpu.memory_space<vmem_shared>> -> memref<10240x128xf32, #tpu.memory_space<vmem_shared>>
      tpu.wait_indirect_dma semaphore(%run_scoped3A_185 : memref<!tpu.dma_semaphore, #tpu.memory_space<semaphore_mem>>) src(%arg8 : memref<64x128xf32, #tpu.memory_space<vmem>>) dst(%dma_wait3A_197 : memref<10240x128xf32, #tpu.memory_space<vmem_shared>>)
      tpu.yield
    }) : () -> ()
    %dma_wait3A_135 = arith.constant 1 : i32
    %dma_wait3A_136 = arith.constant 5 : i32
    %dma_wait3A_137 = arith.constant 0 : i32
    %dma_wait3A_138 = tpu.memref_slice %arg6[%dma_wait3A_135, %dma_wait3A_136, %dma_wait3A_137] : memref<2x8x64xi32, #tpu.memory_space<vmem>> -> memref<1x1x64xi32, #tpu.memory_space<vmem>>
    %dma_wait3A_139 = tpu.memref_squeeze %dma_wait3A_138 : memref<1x1x64xi32, #tpu.memory_space<vmem>> -> memref<64xi32, #tpu.memory_space<vmem>>
    %dma_wait3A_140 = arith.constant 0 : i32
    %dma_wait3A_141 = arith.constant 0 : i32
    %dma_wait3A_142 = tpu.memref_slice %arg2[%dma_wait3A_140, %dma_wait3A_141] : memref<20480x128xf32, #tpu.memory_space<hbm>> -> memref<20480x128xf32, #tpu.memory_space<hbm>>
    tpu.wait_indirect_dma semaphore(%arg12 : memref<!tpu.dma_semaphore, #tpu.memory_space<semaphore_mem>>) src(%dma_wait3A_142 : memref<20480x128xf32, #tpu.memory_space<hbm>>) dst(%arg9 : memref<64x128xf32, #tpu.memory_space<vmem>>)
    %dma_start3A_143 = arith.constant 1 : i32
    %dma_start3A_144 = arith.constant 6 : i32
    %dma_start3A_145 = arith.constant 0 : i32
    %dma_start3A_146 = tpu.memref_slice %arg6[%dma_start3A_143, %dma_start3A_144, %dma_start3A_145] : memref<2x8x64xi32, #tpu.memory_space<vmem>> -> memref<1x1x64xi32, #tpu.memory_space<vmem>>
    %dma_start3A_147 = tpu.memref_squeeze %dma_start3A_146 : memref<1x1x64xi32, #tpu.memory_space<vmem>> -> memref<64xi32, #tpu.memory_space<vmem>>
    %dma_start3A_148 = arith.constant 0 : i32
    %dma_start3A_149 = arith.constant 0 : i32
    %dma_start3A_150 = tpu.memref_slice %arg2[%dma_start3A_148, %dma_start3A_149] : memref<20480x128xf32, #tpu.memory_space<hbm>> -> memref<20480x128xf32, #tpu.memory_space<hbm>>
    tpu.enqueue_indirect_dma source(%dma_start3A_150 : memref<20480x128xf32, #tpu.memory_space<hbm>>) target(%arg8 : memref<64x128xf32, #tpu.memory_space<vmem>>) offsets(%dma_start3A_147 : memref<64xi32, #tpu.memory_space<vmem>>) semaphore(%arg11 : memref<!tpu.dma_semaphore, #tpu.memory_space<semaphore_mem>>)
    %run_scoped3A_151 = arith.constant 1 : i32
    %run_scoped3A_152 = arith.constant 5 : i32
    "tpu.region"() ({
      %run_scoped3A_185 = tpu.sem_alloc : memref<!tpu.dma_semaphore, #tpu.memory_space<semaphore_mem>>
      %dma_start3A_186 = arith.constant 0 : i32
      %dma_start3A_187 = tpu.memref_slice %arg7[%run_scoped3A_151, %run_scoped3A_152, %dma_start3A_186] : memref<2x8x64xi32, #tpu.memory_space<vmem>> -> memref<1x1x64xi32, #tpu.memory_space<vmem>>
      %dma_start3A_188 = tpu.memref_squeeze %dma_start3A_187 : memref<1x1x64xi32, #tpu.memory_space<vmem>> -> memref<64xi32, #tpu.memory_space<vmem>>
      %dma_start3A_189 = arith.constant 0 : i32
      %dma_start3A_190 = arith.constant 0 : i32
      %dma_start3A_191 = tpu.memref_slice %arg10[%dma_start3A_189, %dma_start3A_190] : memref<10240x128xf32, #tpu.memory_space<vmem_shared>> -> memref<10240x128xf32, #tpu.memory_space<vmem_shared>>
      tpu.enqueue_indirect_dma source(%arg9 : memref<64x128xf32, #tpu.memory_space<vmem>>) target(%dma_start3A_191 : memref<10240x128xf32, #tpu.memory_space<vmem_shared>>) offsets(%dma_start3A_188 : memref<64xi32, #tpu.memory_space<vmem>>) semaphore(%run_scoped3A_185 : memref<!tpu.dma_semaphore, #tpu.memory_space<semaphore_mem>>) {add = true}
      %dma_wait3A_192 = arith.constant 0 : i32
      %dma_wait3A_193 = tpu.memref_slice %arg7[%run_scoped3A_151, %run_scoped3A_152, %dma_wait3A_192] : memref<2x8x64xi32, #tpu.memory_space<vmem>> -> memref<1x1x64xi32, #tpu.memory_space<vmem>>
      %dma_wait3A_194 = tpu.memref_squeeze %dma_wait3A_193 : memref<1x1x64xi32, #tpu.memory_space<vmem>> -> memref<64xi32, #tpu.memory_space<vmem>>
      %dma_wait3A_195 = arith.constant 0 : i32
      %dma_wait3A_196 = arith.constant 0 : i32
      %dma_wait3A_197 = tpu.memref_slice %arg10[%dma_wait3A_195, %dma_wait3A_196] : memref<10240x128xf32, #tpu.memory_space<vmem_shared>> -> memref<10240x128xf32, #tpu.memory_space<vmem_shared>>
      tpu.wait_indirect_dma semaphore(%run_scoped3A_185 : memref<!tpu.dma_semaphore, #tpu.memory_space<semaphore_mem>>) src(%arg9 : memref<64x128xf32, #tpu.memory_space<vmem>>) dst(%dma_wait3A_197 : memref<10240x128xf32, #tpu.memory_space<vmem_shared>>)
      tpu.yield
    }) : () -> ()
    %dma_wait3A_153 = arith.constant 1 : i32
    %dma_wait3A_154 = arith.constant 6 : i32
    %dma_wait3A_155 = arith.constant 0 : i32
    %dma_wait3A_156 = tpu.memref_slice %arg6[%dma_wait3A_153, %dma_wait3A_154, %dma_wait3A_155] : memref<2x8x64xi32, #tpu.memory_space<vmem>> -> memref<1x1x64xi32, #tpu.memory_space<vmem>>
    %dma_wait3A_157 = tpu.memref_squeeze %dma_wait3A_156 : memref<1x1x64xi32, #tpu.memory_space<vmem>> -> memref<64xi32, #tpu.memory_space<vmem>>
    %dma_wait3A_158 = arith.constant 0 : i32
    %dma_wait3A_159 = arith.constant 0 : i32
    %dma_wait3A_160 = tpu.memref_slice %arg2[%dma_wait3A_158, %dma_wait3A_159] : memref<20480x128xf32, #tpu.memory_space<hbm>> -> memref<20480x128xf32, #tpu.memory_space<hbm>>
    tpu.wait_indirect_dma semaphore(%arg11 : memref<!tpu.dma_semaphore, #tpu.memory_space<semaphore_mem>>) src(%dma_wait3A_160 : memref<20480x128xf32, #tpu.memory_space<hbm>>) dst(%arg8 : memref<64x128xf32, #tpu.memory_space<vmem>>)
    %dma_start3A_161 = arith.constant 1 : i32
    %dma_start3A_162 = arith.constant 7 : i32
    %dma_start3A_163 = arith.constant 0 : i32
    %dma_start3A_164 = tpu.memref_slice %arg6[%dma_start3A_161, %dma_start3A_162, %dma_start3A_163] : memref<2x8x64xi32, #tpu.memory_space<vmem>> -> memref<1x1x64xi32, #tpu.memory_space<vmem>>
    %dma_start3A_165 = tpu.memref_squeeze %dma_start3A_164 : memref<1x1x64xi32, #tpu.memory_space<vmem>> -> memref<64xi32, #tpu.memory_space<vmem>>
    %dma_start3A_166 = arith.constant 0 : i32
    %dma_start3A_167 = arith.constant 0 : i32
    %dma_start3A_168 = tpu.memref_slice %arg2[%dma_start3A_166, %dma_start3A_167] : memref<20480x128xf32, #tpu.memory_space<hbm>> -> memref<20480x128xf32, #tpu.memory_space<hbm>>
    tpu.enqueue_indirect_dma source(%dma_start3A_168 : memref<20480x128xf32, #tpu.memory_space<hbm>>) target(%arg9 : memref<64x128xf32, #tpu.memory_space<vmem>>) offsets(%dma_start3A_165 : memref<64xi32, #tpu.memory_space<vmem>>) semaphore(%arg12 : memref<!tpu.dma_semaphore, #tpu.memory_space<semaphore_mem>>)
    %run_scoped3A_169 = arith.constant 1 : i32
    %run_scoped3A_170 = arith.constant 6 : i32
    "tpu.region"() ({
      %run_scoped3A_185 = tpu.sem_alloc : memref<!tpu.dma_semaphore, #tpu.memory_space<semaphore_mem>>
      %dma_start3A_186 = arith.constant 0 : i32
      %dma_start3A_187 = tpu.memref_slice %arg7[%run_scoped3A_169, %run_scoped3A_170, %dma_start3A_186] : memref<2x8x64xi32, #tpu.memory_space<vmem>> -> memref<1x1x64xi32, #tpu.memory_space<vmem>>
      %dma_start3A_188 = tpu.memref_squeeze %dma_start3A_187 : memref<1x1x64xi32, #tpu.memory_space<vmem>> -> memref<64xi32, #tpu.memory_space<vmem>>
      %dma_start3A_189 = arith.constant 0 : i32
      %dma_start3A_190 = arith.constant 0 : i32
      %dma_start3A_191 = tpu.memref_slice %arg10[%dma_start3A_189, %dma_start3A_190] : memref<10240x128xf32, #tpu.memory_space<vmem_shared>> -> memref<10240x128xf32, #tpu.memory_space<vmem_shared>>
      tpu.enqueue_indirect_dma source(%arg8 : memref<64x128xf32, #tpu.memory_space<vmem>>) target(%dma_start3A_191 : memref<10240x128xf32, #tpu.memory_space<vmem_shared>>) offsets(%dma_start3A_188 : memref<64xi32, #tpu.memory_space<vmem>>) semaphore(%run_scoped3A_185 : memref<!tpu.dma_semaphore, #tpu.memory_space<semaphore_mem>>) {add = true}
      %dma_wait3A_192 = arith.constant 0 : i32
      %dma_wait3A_193 = tpu.memref_slice %arg7[%run_scoped3A_169, %run_scoped3A_170, %dma_wait3A_192] : memref<2x8x64xi32, #tpu.memory_space<vmem>> -> memref<1x1x64xi32, #tpu.memory_space<vmem>>
      %dma_wait3A_194 = tpu.memref_squeeze %dma_wait3A_193 : memref<1x1x64xi32, #tpu.memory_space<vmem>> -> memref<64xi32, #tpu.memory_space<vmem>>
      %dma_wait3A_195 = arith.constant 0 : i32
      %dma_wait3A_196 = arith.constant 0 : i32
      %dma_wait3A_197 = tpu.memref_slice %arg10[%dma_wait3A_195, %dma_wait3A_196] : memref<10240x128xf32, #tpu.memory_space<vmem_shared>> -> memref<10240x128xf32, #tpu.memory_space<vmem_shared>>
      tpu.wait_indirect_dma semaphore(%run_scoped3A_185 : memref<!tpu.dma_semaphore, #tpu.memory_space<semaphore_mem>>) src(%arg8 : memref<64x128xf32, #tpu.memory_space<vmem>>) dst(%dma_wait3A_197 : memref<10240x128xf32, #tpu.memory_space<vmem_shared>>)
      tpu.yield
    }) : () -> ()
    %dma_wait3A_171 = arith.constant 1 : i32
    %dma_wait3A_172 = arith.constant 7 : i32
    %dma_wait3A_173 = arith.constant 0 : i32
    %dma_wait3A_174 = tpu.memref_slice %arg6[%dma_wait3A_171, %dma_wait3A_172, %dma_wait3A_173] : memref<2x8x64xi32, #tpu.memory_space<vmem>> -> memref<1x1x64xi32, #tpu.memory_space<vmem>>
    %dma_wait3A_175 = tpu.memref_squeeze %dma_wait3A_174 : memref<1x1x64xi32, #tpu.memory_space<vmem>> -> memref<64xi32, #tpu.memory_space<vmem>>
    %dma_wait3A_176 = arith.constant 0 : i32
    %dma_wait3A_177 = arith.constant 0 : i32
    %dma_wait3A_178 = tpu.memref_slice %arg2[%dma_wait3A_176, %dma_wait3A_177] : memref<20480x128xf32, #tpu.memory_space<hbm>> -> memref<20480x128xf32, #tpu.memory_space<hbm>>
    tpu.wait_indirect_dma semaphore(%arg12 : memref<!tpu.dma_semaphore, #tpu.memory_space<semaphore_mem>>) src(%dma_wait3A_178 : memref<20480x128xf32, #tpu.memory_space<hbm>>) dst(%arg9 : memref<64x128xf32, #tpu.memory_space<vmem>>)
    %run_scoped3A_179 = arith.constant 1 : i32
    %run_scoped3A_180 = arith.constant 7 : i32
    "tpu.region"() ({
      %run_scoped3A_185 = tpu.sem_alloc : memref<!tpu.dma_semaphore, #tpu.memory_space<semaphore_mem>>
      %dma_start3A_186 = arith.constant 0 : i32
      %dma_start3A_187 = tpu.memref_slice %arg7[%run_scoped3A_179, %run_scoped3A_180, %dma_start3A_186] : memref<2x8x64xi32, #tpu.memory_space<vmem>> -> memref<1x1x64xi32, #tpu.memory_space<vmem>>
      %dma_start3A_188 = tpu.memref_squeeze %dma_start3A_187 : memref<1x1x64xi32, #tpu.memory_space<vmem>> -> memref<64xi32, #tpu.memory_space<vmem>>
      %dma_start3A_189 = arith.constant 0 : i32
      %dma_start3A_190 = arith.constant 0 : i32
      %dma_start3A_191 = tpu.memref_slice %arg10[%dma_start3A_189, %dma_start3A_190] : memref<10240x128xf32, #tpu.memory_space<vmem_shared>> -> memref<10240x128xf32, #tpu.memory_space<vmem_shared>>
      tpu.enqueue_indirect_dma source(%arg9 : memref<64x128xf32, #tpu.memory_space<vmem>>) target(%dma_start3A_191 : memref<10240x128xf32, #tpu.memory_space<vmem_shared>>) offsets(%dma_start3A_188 : memref<64xi32, #tpu.memory_space<vmem>>) semaphore(%run_scoped3A_185 : memref<!tpu.dma_semaphore, #tpu.memory_space<semaphore_mem>>) {add = true}
      %dma_wait3A_192 = arith.constant 0 : i32
      %dma_wait3A_193 = tpu.memref_slice %arg7[%run_scoped3A_179, %run_scoped3A_180, %dma_wait3A_192] : memref<2x8x64xi32, #tpu.memory_space<vmem>> -> memref<1x1x64xi32, #tpu.memory_space<vmem>>
      %dma_wait3A_194 = tpu.memref_squeeze %dma_wait3A_193 : memref<1x1x64xi32, #tpu.memory_space<vmem>> -> memref<64xi32, #tpu.memory_space<vmem>>
      %dma_wait3A_195 = arith.constant 0 : i32
      %dma_wait3A_196 = arith.constant 0 : i32
      %dma_wait3A_197 = tpu.memref_slice %arg10[%dma_wait3A_195, %dma_wait3A_196] : memref<10240x128xf32, #tpu.memory_space<vmem_shared>> -> memref<10240x128xf32, #tpu.memory_space<vmem_shared>>
      tpu.wait_indirect_dma semaphore(%run_scoped3A_185 : memref<!tpu.dma_semaphore, #tpu.memory_space<semaphore_mem>>) src(%arg9 : memref<64x128xf32, #tpu.memory_space<vmem>>) dst(%dma_wait3A_197 : memref<10240x128xf32, #tpu.memory_space<vmem_shared>>)
      tpu.yield
    }) : () -> ()
    %barrier3A_181 = arith.constant 0 : index
    tpu.barrier barrier_id(%barrier3A_181)
    %mul3A_182 = arith.constant 10240 : i32
    %mul3A_183 = arith.muli %arg0, %mul3A_182 : i32
    %add3A_184 = arith.addi %mul3A_183, %mul3A_6 : i32
    "tpu.region"() ({
      %run_scoped3A_185 = tpu.sem_alloc : memref<!tpu.dma_semaphore, #tpu.memory_space<semaphore_mem>>
      %dma_start3A_186 = arith.constant 0 : i32
      %dma_start3A_187 = tpu.memref_slice %arg5[%add3A_184, %dma_start3A_186] : memref<20480x128xf32, #tpu.memory_space<hbm>> -> memref<640x128xf32, #tpu.memory_space<hbm>>
      %dma_start3A_188 = arith.constant 0 : i32
      %dma_start3A_189 = tpu.memref_slice %arg10[%mul3A_6, %dma_start3A_188] : memref<10240x128xf32, #tpu.memory_space<vmem_shared>> -> memref<640x128xf32, #tpu.memory_space<vmem_shared>>
      tpu.enqueue_dma source(%dma_start3A_189 : memref<640x128xf32, #tpu.memory_space<vmem_shared>>) target(%dma_start3A_187 : memref<640x128xf32, #tpu.memory_space<hbm>>) target_semaphore(%run_scoped3A_185 : memref<!tpu.dma_semaphore, #tpu.memory_space<semaphore_mem>>)
      %dma_wait3A_190 = arith.constant 0 : i32
      %dma_wait3A_191 = tpu.memref_slice %arg5[%add3A_184, %dma_wait3A_190] : memref<20480x128xf32, #tpu.memory_space<hbm>> -> memref<640x128xf32, #tpu.memory_space<hbm>>
      %dma_wait3A_192 = arith.constant 0 : i32
      %dma_wait3A_193 = tpu.memref_slice %arg10[%mul3A_6, %dma_wait3A_192] : memref<10240x128xf32, #tpu.memory_space<vmem_shared>> -> memref<640x128xf32, #tpu.memory_space<vmem_shared>>
      tpu.wait_dma2 semaphore(%run_scoped3A_185 : memref<!tpu.dma_semaphore, #tpu.memory_space<semaphore_mem>>) src(%dma_wait3A_193 : memref<640x128xf32, #tpu.memory_space<vmem_shared>>) dst(%dma_wait3A_191 : memref<640x128xf32, #tpu.memory_space<hbm>>)
      tpu.yield
    }) : () -> ()
    return
  }
}

#map = affine_map<(d0, d1) -> (0, 0, 0)>
#map1 = affine_map<(d0, d1) -> (0, 0)>
module attributes {stable_mosaic.version = 14 : i64} {
  func.func @_xcor_kernel(%arg0: i32, %arg1: i32, %arg2: memref<32x8x64xi32, #tpu.memory_space<hbm>>, %arg3: memref<10240x128xf32, #tpu.memory_space<hbm>>, %arg4: memref<10240x128xf32, #tpu.memory_space<hbm>>, %arg5: memref<8x64xi32, #tpu.memory_space<vmem>>, %arg6: memref<64x128xf32, #tpu.memory_space<vmem>>, %arg7: memref<!tpu.dma_semaphore, #tpu.memory_space<semaphore_mem>>) attributes {dimension_semantics = [#tpu.dimension_semantics<core_parallel>, #tpu.dimension_semantics<subcore_parallel>], iteration_bounds = array<i64: 2, 16>, scalar_prefetch = 0 : i64, scratch_operands = 3 : i64, tpu.core_type = #tpu.core_type<sc_vector_subcore>, window_params = [{transform_indices = #map}, {transform_indices = #map1}, {transform_indices = #map1}]} {
    %mul3A = arith.constant 16 : i32
    %mul3A_0 = arith.muli %arg0, %mul3A : i32
    %add3A = arith.addi %mul3A_0, %arg1 : i32
    "tpu.region"() ({
      %run_scoped3A = tpu.sem_alloc : memref<!tpu.dma_semaphore, #tpu.memory_space<semaphore_mem>>
      %dma_start3A = arith.constant 0 : i32
      %dma_start3A_10 = arith.constant 0 : i32
      %dma_start3A_11 = tpu.memref_slice %arg2[%add3A, %dma_start3A, %dma_start3A_10] : memref<32x8x64xi32, #tpu.memory_space<hbm>> -> memref<1x8x64xi32, #tpu.memory_space<hbm>>
      %dma_start3A_12 = tpu.memref_squeeze %dma_start3A_11 : memref<1x8x64xi32, #tpu.memory_space<hbm>> -> memref<8x64xi32, #tpu.memory_space<hbm>>
      %dma_start3A_13 = arith.constant 0 : i32
      %dma_start3A_14 = arith.constant 0 : i32
      %dma_start3A_15 = tpu.memref_slice %arg2[%add3A, %dma_start3A_13, %dma_start3A_14] : memref<32x8x64xi32, #tpu.memory_space<hbm>> -> memref<1x8x64xi32, #tpu.memory_space<hbm>>
      %dma_start3A_16 = tpu.memref_squeeze %dma_start3A_15 : memref<1x8x64xi32, #tpu.memory_space<hbm>> -> memref<8x64xi32, #tpu.memory_space<hbm>>
      tpu.enqueue_dma source(%dma_start3A_16 : memref<8x64xi32, #tpu.memory_space<hbm>>) target(%arg5 : memref<8x64xi32, #tpu.memory_space<vmem>>) target_semaphore(%run_scoped3A : memref<!tpu.dma_semaphore, #tpu.memory_space<semaphore_mem>>)
      %dma_wait3A = arith.constant 0 : i32
      %dma_wait3A_17 = arith.constant 0 : i32
      %dma_wait3A_18 = tpu.memref_slice %arg2[%add3A, %dma_wait3A, %dma_wait3A_17] : memref<32x8x64xi32, #tpu.memory_space<hbm>> -> memref<1x8x64xi32, #tpu.memory_space<hbm>>
      %dma_wait3A_19 = tpu.memref_squeeze %dma_wait3A_18 : memref<1x8x64xi32, #tpu.memory_space<hbm>> -> memref<8x64xi32, #tpu.memory_space<hbm>>
      %dma_wait3A_20 = arith.constant 0 : i32
      %dma_wait3A_21 = arith.constant 0 : i32
      %dma_wait3A_22 = tpu.memref_slice %arg2[%add3A, %dma_wait3A_20, %dma_wait3A_21] : memref<32x8x64xi32, #tpu.memory_space<hbm>> -> memref<1x8x64xi32, #tpu.memory_space<hbm>>
      %dma_wait3A_23 = tpu.memref_squeeze %dma_wait3A_22 : memref<1x8x64xi32, #tpu.memory_space<hbm>> -> memref<8x64xi32, #tpu.memory_space<hbm>>
      tpu.wait_dma2 semaphore(%run_scoped3A : memref<!tpu.dma_semaphore, #tpu.memory_space<semaphore_mem>>) src(%dma_wait3A_23 : memref<8x64xi32, #tpu.memory_space<hbm>>) dst(%arg5 : memref<8x64xi32, #tpu.memory_space<vmem>>)
      tpu.yield
    }) : () -> ()
    %mul3A_1 = arith.constant 5 : i32
    %mul3A_2 = arith.muli %add3A, %mul3A_1 : i32
    %mul3A_3 = arith.constant 64 : i32
    %mul3A_4 = arith.muli %mul3A_2, %mul3A_3 : i32
    %scan3A = arith.constant 0 : i32
    %scan3A_5 = arith.constant 0 : i32
    %scan3A_6 = arith.constant 5 : i32
    %scan3A_7 = arith.addi %scan3A_5, %scan3A_6 : i32
    %scan3A_8 = arith.constant 1 : i32
    scf.for %scan3A_10 = %scan3A_5 to %scan3A_7 step %scan3A_8  : i32 {
      %dma_start3A = arith.constant 0 : i32
      %dma_start3A_11 = tpu.memref_slice %arg5[%scan3A_10, %dma_start3A] : memref<8x64xi32, #tpu.memory_space<vmem>> -> memref<1x64xi32, #tpu.memory_space<vmem>>
      %dma_start3A_12 = tpu.memref_squeeze %dma_start3A_11 : memref<1x64xi32, #tpu.memory_space<vmem>> -> memref<64xi32, #tpu.memory_space<vmem>>
      %dma_start3A_13 = arith.constant 0 : i32
      %dma_start3A_14 = arith.constant 0 : i32
      %dma_start3A_15 = tpu.memref_slice %arg3[%dma_start3A_13, %dma_start3A_14] : memref<10240x128xf32, #tpu.memory_space<hbm>> -> memref<10240x128xf32, #tpu.memory_space<hbm>>
      tpu.enqueue_indirect_dma source(%dma_start3A_15 : memref<10240x128xf32, #tpu.memory_space<hbm>>) target(%arg6 : memref<64x128xf32, #tpu.memory_space<vmem>>) offsets(%dma_start3A_12 : memref<64xi32, #tpu.memory_space<vmem>>) semaphore(%arg7 : memref<!tpu.dma_semaphore, #tpu.memory_space<semaphore_mem>>)
      %dma_wait3A = arith.constant 0 : i32
      %dma_wait3A_16 = tpu.memref_slice %arg5[%scan3A_10, %dma_wait3A] : memref<8x64xi32, #tpu.memory_space<vmem>> -> memref<1x64xi32, #tpu.memory_space<vmem>>
      %dma_wait3A_17 = tpu.memref_squeeze %dma_wait3A_16 : memref<1x64xi32, #tpu.memory_space<vmem>> -> memref<64xi32, #tpu.memory_space<vmem>>
      %dma_wait3A_18 = arith.constant 0 : i32
      %dma_wait3A_19 = arith.constant 0 : i32
      %dma_wait3A_20 = tpu.memref_slice %arg3[%dma_wait3A_18, %dma_wait3A_19] : memref<10240x128xf32, #tpu.memory_space<hbm>> -> memref<10240x128xf32, #tpu.memory_space<hbm>>
      tpu.wait_indirect_dma semaphore(%arg7 : memref<!tpu.dma_semaphore, #tpu.memory_space<semaphore_mem>>) src(%dma_wait3A_20 : memref<10240x128xf32, #tpu.memory_space<hbm>>) dst(%arg6 : memref<64x128xf32, #tpu.memory_space<vmem>>)
      %mul3A_21 = arith.constant 64 : i32
      %mul3A_22 = arith.muli %scan3A_10, %mul3A_21 : i32
      %add3A_23 = arith.addi %mul3A_4, %mul3A_22 : i32
      "tpu.region"() ({
        %run_scoped3A = tpu.sem_alloc : memref<!tpu.dma_semaphore, #tpu.memory_space<semaphore_mem>>
        %dma_start3A_24 = arith.constant 0 : i32
        %dma_start3A_25 = tpu.memref_slice %arg4[%add3A_23, %dma_start3A_24] : memref<10240x128xf32, #tpu.memory_space<hbm>> -> memref<64x128xf32, #tpu.memory_space<hbm>>
        %dma_start3A_26 = arith.constant 0 : i32
        %dma_start3A_27 = tpu.memref_slice %arg4[%add3A_23, %dma_start3A_26] : memref<10240x128xf32, #tpu.memory_space<hbm>> -> memref<64x128xf32, #tpu.memory_space<hbm>>
        tpu.enqueue_dma source(%arg6 : memref<64x128xf32, #tpu.memory_space<vmem>>) target(%dma_start3A_27 : memref<64x128xf32, #tpu.memory_space<hbm>>) target_semaphore(%run_scoped3A : memref<!tpu.dma_semaphore, #tpu.memory_space<semaphore_mem>>)
        %dma_wait3A_28 = arith.constant 0 : i32
        %dma_wait3A_29 = tpu.memref_slice %arg4[%add3A_23, %dma_wait3A_28] : memref<10240x128xf32, #tpu.memory_space<hbm>> -> memref<64x128xf32, #tpu.memory_space<hbm>>
        %dma_wait3A_30 = arith.constant 0 : i32
        %dma_wait3A_31 = tpu.memref_slice %arg4[%add3A_23, %dma_wait3A_30] : memref<10240x128xf32, #tpu.memory_space<hbm>> -> memref<64x128xf32, #tpu.memory_space<hbm>>
        tpu.wait_dma2 semaphore(%run_scoped3A : memref<!tpu.dma_semaphore, #tpu.memory_space<semaphore_mem>>) src(%arg6 : memref<64x128xf32, #tpu.memory_space<vmem>>) dst(%dma_wait3A_31 : memref<64x128xf32, #tpu.memory_space<hbm>>)
        tpu.yield
      }) : () -> ()
    }
    %scan3A_9 = arith.constant 5 : i32
    return
  }
}

module attributes {stable_mosaic.version = 14 : i64} {
  func.func @_dense1_body(%arg0: i32, %arg1: memref<256x128xf32, #tpu.memory_space<vmem>>, %arg2: memref<256x128xf32, #tpu.memory_space<vmem>>, %arg3: memref<128x128xf32, #tpu.memory_space<vmem>>, %arg4: memref<256x16xf32, #tpu.memory_space<vmem>>, %arg5: memref<2x256x128xf32, #tpu.memory_space<vmem>>) attributes {dimension_semantics = [#tpu.dimension_semantics<arbitrary>], iteration_bounds = array<i64: 40>, scalar_prefetch = 0 : i64, scratch_operands = 0 : i64, tpu.core_type = #tpu.core_type<tc>, window_params = [{transform_indices = @transform_0, window_bounds = array<i64: 256, 128>}, {transform_indices = @transform_1, window_bounds = array<i64: 256, 128>}, {pipeline_mode = #tpu.pipeline_mode<synchronous>, transform_indices = @transform_2, window_bounds = array<i64: 128, 128>}, {transform_indices = @transform_3, window_bounds = array<i64: 256, 16>}, {transform_indices = @transform_4, window_bounds = array<i64: 2, 256, 128>}]} {
    %get3A = arith.constant 0 : index
    %get3A_0 = arith.constant 0 : index
    %get3A_1 = vector.load %arg4[%get3A, %get3A_0] : memref<256x16xf32, #tpu.memory_space<vmem>>, vector<256x1xf32>
    %get3A_2 = vector.shape_cast %get3A_1 : vector<256x1xf32> to vector<256xf32>
    %add3A = arith.constant 1.000000e+00 : f32
    %add3A_3 = vector.broadcast %add3A : f32 to vector<256xf32>
    %add3A_4 = arith.addf %get3A_2, %add3A_3 : vector<256xf32>
    %rsqrt3A = math.rsqrt %add3A_4 : vector<256xf32>
    %broadcast_in_dim3A = vector.shape_cast %rsqrt3A : vector<256xf32> to vector<256x1xf32>
    %get3A_5 = arith.constant 0 : index
    %get3A_6 = arith.constant 0 : index
    %get3A_7 = vector.load %arg1[%get3A_5, %get3A_6] : memref<256x128xf32, #tpu.memory_space<vmem>>, vector<256x128xf32>
    %get3A_8 = arith.constant 0 : index
    %get3A_9 = arith.constant 0 : index
    %get3A_10 = vector.load %arg3[%get3A_8, %get3A_9] : memref<128x128xf32, #tpu.memory_space<vmem>>, vector<128x128xf32>
    %dot_general3A = arith.constant dense<0.000000e+00> : vector<256x128xf32>
    %dot_general3A_11 = tpu.matmul %get3A_7, %get3A_10, %dot_general3A {dimension_numbers = #tpu.dot_dimension_numbers<[1], [0], [0], [1], [0, 0, 1, 1], [], []>, transpose_lhs_hint = false} : vector<256x128xf32>, vector<128x128xf32>, vector<256x128xf32> -> vector<256x128xf32>
    %mul3A = vector.broadcast %broadcast_in_dim3A : vector<256x1xf32> to vector<256x128xf32>
    %mul3A_12 = arith.mulf %mul3A, %dot_general3A_11 : vector<256x128xf32>
    %swap3A = arith.constant 0 : index
    %swap3A_13 = arith.constant 0 : index
    %swap3A_14 = arith.constant 0 : index
    %swap3A_15 = vector.load %arg5[%swap3A, %swap3A_13, %swap3A_14] : memref<2x256x128xf32, #tpu.memory_space<vmem>>, vector<1x256x128xf32>
    %swap3A_16 = vector.shape_cast %swap3A_15 : vector<1x256x128xf32> to vector<256x128xf32>
    %swap3A_17 = vector.shape_cast %mul3A_12 : vector<256x128xf32> to vector<1x256x128xf32>
    tpu.vector_store %arg5[%swap3A, %swap3A_13, %swap3A_14], %swap3A_17 {strides = array<i32>} : memref<2x256x128xf32, #tpu.memory_space<vmem>>, vector<1x256x128xf32>,
    %get3A_18 = arith.constant 0 : index
    %get3A_19 = arith.constant 0 : index
    %get3A_20 = vector.load %arg2[%get3A_18, %get3A_19] : memref<256x128xf32, #tpu.memory_space<vmem>>, vector<256x128xf32>
    %get3A_21 = arith.constant 0 : index
    %get3A_22 = arith.constant 0 : index
    %get3A_23 = vector.load %arg3[%get3A_21, %get3A_22] : memref<128x128xf32, #tpu.memory_space<vmem>>, vector<128x128xf32>
    %dot_general3A_24 = arith.constant dense<0.000000e+00> : vector<256x128xf32>
    %dot_general3A_25 = tpu.matmul %get3A_20, %get3A_23, %dot_general3A_24 {dimension_numbers = #tpu.dot_dimension_numbers<[1], [0], [0], [1], [0, 0, 1, 1], [], []>, transpose_lhs_hint = false} : vector<256x128xf32>, vector<128x128xf32>, vector<256x128xf32> -> vector<256x128xf32>
    %mul3A_26 = vector.broadcast %broadcast_in_dim3A : vector<256x1xf32> to vector<256x128xf32>
    %mul3A_27 = arith.mulf %mul3A_26, %dot_general3A_25 : vector<256x128xf32>
    %swap3A_28 = arith.constant 1 : index
    %swap3A_29 = arith.constant 0 : index
    %swap3A_30 = arith.constant 0 : index
    %swap3A_31 = vector.load %arg5[%swap3A_28, %swap3A_29, %swap3A_30] : memref<2x256x128xf32, #tpu.memory_space<vmem>>, vector<1x256x128xf32>
    %swap3A_32 = vector.shape_cast %swap3A_31 : vector<1x256x128xf32> to vector<256x128xf32>
    %swap3A_33 = vector.shape_cast %mul3A_27 : vector<256x128xf32> to vector<1x256x128xf32>
    tpu.vector_store %arg5[%swap3A_28, %swap3A_29, %swap3A_30], %swap3A_33 {strides = array<i32>} : memref<2x256x128xf32, #tpu.memory_space<vmem>>, vector<1x256x128xf32>,
    return
  }
  func.func @transform_0(%arg0: i32) -> (i32, i32) {
    %c0_i32 = arith.constant 0 : i32
    %c0_i32_0 = arith.constant 0 : i32
    return %arg0, %c0_i32 : i32, i32
  }
  func.func @transform_1(%arg0: i32) -> (i32, i32) {
    %c0_i32 = arith.constant 0 : i32
    %c0_i32_0 = arith.constant 0 : i32
    return %arg0, %c0_i32 : i32, i32
  }
  func.func @transform_2(%arg0: i32) -> (i32, i32) {
    %c0_i32 = arith.constant 0 : i32
    %c0_i32_0 = arith.constant 0 : i32
    %c0_i32_1 = arith.constant 0 : i32
    return %c0_i32, %c0_i32_0 : i32, i32
  }
  func.func @transform_3(%arg0: i32) -> (i32, i32) {
    %c0_i32 = arith.constant 0 : i32
    %c0_i32_0 = arith.constant 0 : i32
    return %arg0, %c0_i32 : i32, i32
  }
  func.func @transform_4(%arg0: i32) -> (i32, i32, i32) {
    %c0_i32 = arith.constant 0 : i32
    %c0_i32_0 = arith.constant 0 : i32
    %c0_i32_1 = arith.constant 0 : i32
    return %c0_i32, %arg0, %c0_i32_0 : i32, i32, i32
  }
}

module attributes {stable_mosaic.version = 14 : i64} {
  func.func @_dense2_body(%arg0: i32, %arg1: i32, %arg2: memref<1x256x128xf32, #tpu.memory_space<vmem>>, %arg3: memref<1x256x128xf32, #tpu.memory_space<vmem>>, %arg4: memref<256x16xf32, #tpu.memory_space<vmem>>, %arg5: memref<128x128xf32, #tpu.memory_space<vmem>>, %arg6: memref<1x128xf32, #tpu.memory_space<vmem>>, %arg7: memref<1x256x128xf32, #tpu.memory_space<vmem>>) attributes {dimension_semantics = [#tpu.dimension_semantics<arbitrary>, #tpu.dimension_semantics<arbitrary>], iteration_bounds = array<i64: 2, 40>, scalar_prefetch = 0 : i64, scratch_operands = 0 : i64, tpu.core_type = #tpu.core_type<tc>, window_params = [{transform_indices = @transform_0, window_bounds = array<i64: 1, 256, 128>}, {transform_indices = @transform_1, window_bounds = array<i64: 1, 256, 128>}, {transform_indices = @transform_2, window_bounds = array<i64: 256, 16>}, {pipeline_mode = #tpu.pipeline_mode<synchronous>, transform_indices = @transform_3, window_bounds = array<i64: 128, 128>}, {pipeline_mode = #tpu.pipeline_mode<synchronous>, transform_indices = @transform_4, window_bounds = array<i64: 1, 128>}, {transform_indices = @transform_5, window_bounds = array<i64: 1, 256, 128>}]} {
    %get3A = arith.constant 0 : index
    %get3A_0 = arith.constant 0 : index
    %get3A_1 = vector.load %arg4[%get3A, %get3A_0] : memref<256x16xf32, #tpu.memory_space<vmem>>, vector<256x1xf32>
    %get3A_2 = vector.shape_cast %get3A_1 : vector<256x1xf32> to vector<256xf32>
    %add3A = arith.constant 1.000000e+00 : f32
    %add3A_3 = vector.broadcast %add3A : f32 to vector<256xf32>
    %add3A_4 = arith.addf %get3A_2, %add3A_3 : vector<256xf32>
    %rsqrt3A = math.rsqrt %add3A_4 : vector<256xf32>
    %broadcast_in_dim3A = vector.shape_cast %rsqrt3A : vector<256xf32> to vector<256x1xf32>
    %get3A_5 = arith.constant 0 : index
    %get3A_6 = arith.constant 0 : index
    %get3A_7 = arith.constant 0 : index
    %get3A_8 = vector.load %arg2[%get3A_5, %get3A_6, %get3A_7] : memref<1x256x128xf32, #tpu.memory_space<vmem>>, vector<1x256x128xf32>
    %get3A_9 = vector.shape_cast %get3A_8 : vector<1x256x128xf32> to vector<256x128xf32>
    %get3A_10 = arith.constant 0 : index
    %get3A_11 = arith.constant 0 : index
    %get3A_12 = arith.constant 0 : index
    %get3A_13 = vector.load %arg3[%get3A_10, %get3A_11, %get3A_12] : memref<1x256x128xf32, #tpu.memory_space<vmem>>, vector<1x256x128xf32>
    %get3A_14 = vector.shape_cast %get3A_13 : vector<1x256x128xf32> to vector<256x128xf32>
    %add3A_15 = arith.addf %get3A_9, %get3A_14 : vector<256x128xf32>
    %mul3A = vector.broadcast %broadcast_in_dim3A : vector<256x1xf32> to vector<256x128xf32>
    %mul3A_16 = arith.mulf %mul3A, %add3A_15 : vector<256x128xf32>
    %get3A_17 = arith.constant 0 : index
    %get3A_18 = arith.constant 0 : index
    %get3A_19 = vector.load %arg6[%get3A_17, %get3A_18] : memref<1x128xf32, #tpu.memory_space<vmem>>, vector<1x128xf32>
    %add3A_20 = vector.broadcast %get3A_19 : vector<1x128xf32> to vector<256x128xf32>
    %add3A_21 = arith.addf %mul3A_16, %add3A_20 : vector<256x128xf32>
    %max3A = arith.constant 0.000000e+00 : f32
    %max3A_22 = vector.broadcast %max3A : f32 to vector<256x128xf32>
    %max3A_23 = arith.maximumf %add3A_21, %max3A_22 : vector<256x128xf32>
    %get3A_24 = arith.constant 0 : index
    %get3A_25 = arith.constant 0 : index
    %get3A_26 = vector.load %arg5[%get3A_24, %get3A_25] : memref<128x128xf32, #tpu.memory_space<vmem>>, vector<128x128xf32>
    %dot_general3A = arith.constant dense<0.000000e+00> : vector<256x128xf32>
    %dot_general3A_27 = tpu.matmul %max3A_23, %get3A_26, %dot_general3A {dimension_numbers = #tpu.dot_dimension_numbers<[1], [0], [0], [1], [0, 0, 1, 1], [], []>, transpose_lhs_hint = false} : vector<256x128xf32>, vector<128x128xf32>, vector<256x128xf32> -> vector<256x128xf32>
    %mul3A_28 = vector.broadcast %broadcast_in_dim3A : vector<256x1xf32> to vector<256x128xf32>
    %mul3A_29 = arith.mulf %mul3A_28, %dot_general3A_27 : vector<256x128xf32>
    %swap3A = arith.constant 0 : index
    %swap3A_30 = arith.constant 0 : index
    %swap3A_31 = arith.constant 0 : index
    %swap3A_32 = vector.load %arg7[%swap3A, %swap3A_30, %swap3A_31] : memref<1x256x128xf32, #tpu.memory_space<vmem>>, vector<1x256x128xf32>
    %swap3A_33 = vector.shape_cast %swap3A_32 : vector<1x256x128xf32> to vector<256x128xf32>
    %swap3A_34 = vector.shape_cast %mul3A_29 : vector<256x128xf32> to vector<1x256x128xf32>
    tpu.vector_store %arg7[%swap3A, %swap3A_30, %swap3A_31], %swap3A_34 {strides = array<i32>} : memref<1x256x128xf32, #tpu.memory_space<vmem>>, vector<1x256x128xf32>,
    return
  }
  func.func @transform_0(%arg0: i32, %arg1: i32) -> (i32, i32, i32) {
    %c0_i32 = arith.constant 0 : i32
    %c0_i32_0 = arith.constant 0 : i32
    return %arg0, %arg1, %c0_i32 : i32, i32, i32
  }
  func.func @transform_1(%arg0: i32, %arg1: i32) -> (i32, i32, i32) {
    %c0_i32 = arith.constant 0 : i32
    %c0_i32_0 = arith.constant 0 : i32
    return %arg0, %arg1, %c0_i32 : i32, i32, i32
  }
  func.func @transform_2(%arg0: i32, %arg1: i32) -> (i32, i32) {
    %c0_i32 = arith.constant 0 : i32
    %c0_i32_0 = arith.constant 0 : i32
    return %arg1, %c0_i32 : i32, i32
  }
  func.func @transform_3(%arg0: i32, %arg1: i32) -> (i32, i32) {
    %c0_i32 = arith.constant 0 : i32
    %c0_i32_0 = arith.constant 0 : i32
    %c0_i32_1 = arith.constant 0 : i32
    return %c0_i32, %c0_i32_0 : i32, i32
  }
  func.func @transform_4(%arg0: i32, %arg1: i32) -> (i32, i32) {
    %c0_i32 = arith.constant 0 : i32
    %c0_i32_0 = arith.constant 0 : i32
    %c0_i32_1 = arith.constant 0 : i32
    return %c0_i32, %c0_i32_0 : i32, i32
  }
  func.func @transform_5(%arg0: i32, %arg1: i32) -> (i32, i32, i32) {
    %c0_i32 = arith.constant 0 : i32
    %c0_i32_0 = arith.constant 0 : i32
    return %arg0, %arg1, %c0_i32 : i32, i32, i32
  }
}

module attributes {stable_mosaic.version = 14 : i64} {
  func.func @_final_body(%arg0: i32, %arg1: i32, %arg2: memref<1x256x128xf32, #tpu.memory_space<vmem>>, %arg3: memref<1x256x128xf32, #tpu.memory_space<vmem>>, %arg4: memref<256x16xf32, #tpu.memory_space<vmem>>, %arg5: memref<1x128xf32, #tpu.memory_space<vmem>>, %arg6: memref<1x256x128xf32, #tpu.memory_space<vmem>>, %arg7: memref<8x128xf32, #tpu.memory_space<vmem>>, %arg8: memref<8x128xf32, #tpu.memory_space<vmem>>) attributes {dimension_semantics = [#tpu.dimension_semantics<arbitrary>, #tpu.dimension_semantics<arbitrary>], iteration_bounds = array<i64: 2, 40>, scalar_prefetch = 0 : i64, scratch_operands = 1 : i64, tpu.core_type = #tpu.core_type<tc>, window_params = [{transform_indices = @transform_0, window_bounds = array<i64: 1, 256, 128>}, {transform_indices = @transform_1, window_bounds = array<i64: 1, 256, 128>}, {transform_indices = @transform_2, window_bounds = array<i64: 256, 16>}, {pipeline_mode = #tpu.pipeline_mode<synchronous>, transform_indices = @transform_3, window_bounds = array<i64: 1, 128>}, {transform_indices = @transform_4, window_bounds = array<i64: 1, 256, 128>}, {pipeline_mode = #tpu.pipeline_mode<synchronous>, transform_indices = @transform_5, window_bounds = array<i64: 8, 128>}]} {
    %get3A = arith.constant 0 : index
    %get3A_0 = arith.constant 0 : index
    %get3A_1 = vector.load %arg4[%get3A, %get3A_0] : memref<256x16xf32, #tpu.memory_space<vmem>>, vector<256x1xf32>
    %get3A_2 = vector.shape_cast %get3A_1 : vector<256x1xf32> to vector<256xf32>
    %add3A = arith.constant 1.000000e+00 : f32
    %add3A_3 = vector.broadcast %add3A : f32 to vector<256xf32>
    %add3A_4 = arith.addf %get3A_2, %add3A_3 : vector<256xf32>
    %rsqrt3A = math.rsqrt %add3A_4 : vector<256xf32>
    %broadcast_in_dim3A = vector.shape_cast %rsqrt3A : vector<256xf32> to vector<256x1xf32>
    %get3A_5 = arith.constant 0 : index
    %get3A_6 = arith.constant 0 : index
    %get3A_7 = arith.constant 0 : index
    %get3A_8 = vector.load %arg2[%get3A_5, %get3A_6, %get3A_7] : memref<1x256x128xf32, #tpu.memory_space<vmem>>, vector<1x256x128xf32>
    %get3A_9 = vector.shape_cast %get3A_8 : vector<1x256x128xf32> to vector<256x128xf32>
    %get3A_10 = arith.constant 0 : index
    %get3A_11 = arith.constant 0 : index
    %get3A_12 = arith.constant 0 : index
    %get3A_13 = vector.load %arg3[%get3A_10, %get3A_11, %get3A_12] : memref<1x256x128xf32, #tpu.memory_space<vmem>>, vector<1x256x128xf32>
    %get3A_14 = vector.shape_cast %get3A_13 : vector<1x256x128xf32> to vector<256x128xf32>
    %add3A_15 = arith.addf %get3A_9, %get3A_14 : vector<256x128xf32>
    %mul3A = vector.broadcast %broadcast_in_dim3A : vector<256x1xf32> to vector<256x128xf32>
    %mul3A_16 = arith.mulf %mul3A, %add3A_15 : vector<256x128xf32>
    %get3A_17 = arith.constant 0 : index
    %get3A_18 = arith.constant 0 : index
    %get3A_19 = vector.load %arg5[%get3A_17, %get3A_18] : memref<1x128xf32, #tpu.memory_space<vmem>>, vector<1x128xf32>
    %add3A_20 = vector.broadcast %get3A_19 : vector<1x128xf32> to vector<256x128xf32>
    %add3A_21 = arith.addf %mul3A_16, %add3A_20 : vector<256x128xf32>
    %swap3A = arith.constant 0 : index
    %swap3A_22 = arith.constant 0 : index
    %swap3A_23 = arith.constant 0 : index
    %swap3A_24 = vector.load %arg6[%swap3A, %swap3A_22, %swap3A_23] : memref<1x256x128xf32, #tpu.memory_space<vmem>>, vector<1x256x128xf32>
    %swap3A_25 = vector.shape_cast %swap3A_24 : vector<1x256x128xf32> to vector<256x128xf32>
    %swap3A_26 = vector.shape_cast %add3A_21 : vector<256x128xf32> to vector<1x256x128xf32>
    tpu.vector_store %arg6[%swap3A, %swap3A_22, %swap3A_23], %swap3A_26 {strides = array<i32>} : memref<1x256x128xf32, #tpu.memory_space<vmem>>, vector<1x256x128xf32>,
    %eq3A = arith.constant 0 : i32
    %eq3A_27 = arith.cmpi eq, %arg0, %eq3A : i32
    %eq3A_28 = arith.constant 0 : i32
    %eq3A_29 = arith.cmpi eq, %arg1, %eq3A_28 : i32
    %and3A = arith.andi %eq3A_27, %eq3A_29 : i1
    %convert_element_type3A = arith.extui %and3A : i1 to i32
    %cond3A = arith.constant 0 : i32
    %cond3A_30 = arith.cmpi ne, %convert_element_type3A, %cond3A : i32
    scf.if %cond3A_30 {
      %broadcast_in_dim3A_44 = arith.constant 0.000000e+00 : f32
      %broadcast_in_dim3A_45 = vector.broadcast %broadcast_in_dim3A_44 : f32 to vector<8x128xf32>
      %swap3A_46 = arith.constant 0 : index
      %swap3A_47 = arith.constant 0 : index
      %swap3A_48 = vector.load %arg8[%swap3A_46, %swap3A_47] : memref<8x128xf32, #tpu.memory_space<vmem>>, vector<8x128xf32>
      tpu.vector_store %arg8[%swap3A_46, %swap3A_47], %broadcast_in_dim3A_45 {strides = array<i32>} : memref<8x128xf32, #tpu.memory_space<vmem>>, vector<8x128xf32>,
    } else {
    }
    %eq3A_31 = arith.constant 0 : i32
    %eq3A_32 = arith.cmpi eq, %arg0, %eq3A_31 : i32
    %convert_element_type3A_33 = arith.extui %eq3A_32 : i1 to i32
    %cond3A_34 = arith.constant 0 : i32
    %cond3A_35 = arith.cmpi ne, %convert_element_type3A_33, %cond3A_34 : i32
    scf.if %cond3A_35 {
      %mul3A_44 = arith.constant 256 : i32
      %mul3A_45 = arith.muli %arg1, %mul3A_44 : i32
      %iota3A = tpu.iota {dimensions = array<i32: 0>} : vector<256x1xi32>
      %add3A_46 = vector.broadcast %mul3A_45 : i32 to vector<256x1xi32>
      %add3A_47 = arith.addi %add3A_46, %iota3A : vector<256x1xi32>
      %lt3A = arith.constant 10000 : i32
      %lt3A_48 = vector.broadcast %lt3A : i32 to vector<256x1xi32>
      %lt3A_49 = arith.cmpi slt, %add3A_47, %lt3A_48 : vector<256x1xi32>
      %jit3A = arith.constant 0.000000e+00 : f32
      %broadcast_in_dim3A_50 = vector.shape_cast %lt3A_49 : vector<256x1xi1> to vector<256x1xi1>
      %broadcast_in_dim3A_51 = vector.broadcast %broadcast_in_dim3A_50 : vector<256x1xi1> to vector<256x128xi1>
      %broadcast_in_dim3A_52 = vector.broadcast %jit3A : f32 to vector<256x128xf32>
      %select_n3A = arith.select %broadcast_in_dim3A_51, %add3A_21, %broadcast_in_dim3A_52 : vector<256x128xi1>, vector<256x128xf32>
      %get3A_53 = arith.constant 0 : index
      %get3A_54 = arith.constant 0 : index
      %get3A_55 = vector.load %arg8[%get3A_53, %get3A_54] : memref<8x128xf32, #tpu.memory_space<vmem>>, vector<8x128xf32>
      %reshape3A = vector.shape_cast %select_n3A : vector<256x128xf32> to vector<32x8x128xf32>
      %reduce_sum3A = arith.constant dense<0.000000e+00> : vector<8x128xf32>
      %reduce_sum3A_56 = vector.multi_reduction <add>, %reshape3A, %reduce_sum3A [0] : vector<32x8x128xf32> to vector<8x128xf32>
      %add3A_57 = arith.addf %get3A_55, %reduce_sum3A_56 : vector<8x128xf32>
      %swap3A_58 = arith.constant 0 : index
      %swap3A_59 = arith.constant 0 : index
      %swap3A_60 = vector.load %arg8[%swap3A_58, %swap3A_59] : memref<8x128xf32, #tpu.memory_space<vmem>>, vector<8x128xf32>
      tpu.vector_store %arg8[%swap3A_58, %swap3A_59], %add3A_57 {strides = array<i32>} : memref<8x128xf32, #tpu.memory_space<vmem>>, vector<8x128xf32>,
    } else {
    }
    %eq3A_36 = arith.constant 0 : i32
    %eq3A_37 = arith.cmpi eq, %arg0, %eq3A_36 : i32
    %eq3A_38 = arith.constant 39 : i32
    %eq3A_39 = arith.cmpi eq, %arg1, %eq3A_38 : i32
    %and3A_40 = arith.andi %eq3A_37, %eq3A_39 : i1
    %convert_element_type3A_41 = arith.extui %and3A_40 : i1 to i32
    %cond3A_42 = arith.constant 0 : i32
    %cond3A_43 = arith.cmpi ne, %convert_element_type3A_41, %cond3A_42 : i32
    scf.if %cond3A_43 {
      %get3A_44 = arith.constant 0 : index
      %get3A_45 = arith.constant 0 : index
      %get3A_46 = vector.load %arg8[%get3A_44, %get3A_45] : memref<8x128xf32, #tpu.memory_space<vmem>>, vector<8x128xf32>
      %reduce_sum3A = arith.constant dense<0.000000e+00> : vector<128xf32>
      %reduce_sum3A_47 = vector.multi_reduction <add>, %get3A_46, %reduce_sum3A [0] : vector<8x128xf32> to vector<128xf32>
      %broadcast_in_dim3A_48 = vector.shape_cast %reduce_sum3A_47 : vector<128xf32> to vector<1x128xf32>
      %div3A = arith.constant 1.000000e+04 : f32
      %div3A_49 = vector.broadcast %div3A : f32 to vector<1x128xf32>
      %div3A_50 = arith.divf %broadcast_in_dim3A_48, %div3A_49 : vector<1x128xf32>
      %broadcast_in_dim3A_51 = vector.shape_cast %div3A_50 : vector<1x128xf32> to vector<1x128xf32>
      %broadcast_in_dim3A_52 = vector.broadcast %broadcast_in_dim3A_51 : vector<1x128xf32> to vector<8x128xf32>
      %neg3A = arith.constant 0.000000e+00 : f32
      %neg3A_53 = vector.broadcast %neg3A : f32 to vector<8x128xf32>
      %neg3A_54 = arith.subf %neg3A_53, %broadcast_in_dim3A_52 : vector<8x128xf32>
      %exp3A = math.exp %neg3A_54 : vector<8x128xf32>
      %add3A_55 = arith.constant 1.000000e+00 : f32
      %add3A_56 = vector.broadcast %add3A_55 : f32 to vector<8x128xf32>
      %add3A_57 = arith.addf %add3A_56, %exp3A : vector<8x128xf32>
      %div3A_58 = arith.constant 1.000000e+00 : f32
      %div3A_59 = vector.broadcast %div3A_58 : f32 to vector<8x128xf32>
      %div3A_60 = arith.divf %div3A_59, %add3A_57 : vector<8x128xf32>
      %swap3A_61 = arith.constant 0 : index
      %swap3A_62 = arith.constant 0 : index
      %swap3A_63 = vector.load %arg7[%swap3A_61, %swap3A_62] : memref<8x128xf32, #tpu.memory_space<vmem>>, vector<8x128xf32>
      tpu.vector_store %arg7[%swap3A_61, %swap3A_62], %div3A_60 {strides = array<i32>} : memref<8x128xf32, #tpu.memory_space<vmem>>, vector<8x128xf32>,
    } else {
    }
    return
  }
  func.func @transform_0(%arg0: i32, %arg1: i32) -> (i32, i32, i32) {
    %c0_i32 = arith.constant 0 : i32
    %c0_i32_0 = arith.constant 0 : i32
    return %arg0, %arg1, %c0_i32 : i32, i32, i32
  }
  func.func @transform_1(%arg0: i32, %arg1: i32) -> (i32, i32, i32) {
    %c0_i32 = arith.constant 0 : i32
    %c0_i32_0 = arith.constant 0 : i32
    return %arg0, %arg1, %c0_i32 : i32, i32, i32
  }
  func.func @transform_2(%arg0: i32, %arg1: i32) -> (i32, i32) {
    %c0_i32 = arith.constant 0 : i32
    %c0_i32_0 = arith.constant 0 : i32
    return %arg1, %c0_i32 : i32, i32
  }
  func.func @transform_3(%arg0: i32, %arg1: i32) -> (i32, i32) {
    %c0_i32 = arith.constant 0 : i32
    %c0_i32_0 = arith.constant 0 : i32
    %c0_i32_1 = arith.constant 0 : i32
    return %c0_i32, %c0_i32_0 : i32, i32
  }
  func.func @transform_4(%arg0: i32, %arg1: i32) -> (i32, i32, i32) {
    %c0_i32 = arith.constant 0 : i32
    %c0_i32_0 = arith.constant 0 : i32
    return %arg0, %arg1, %c0_i32 : i32, i32, i32
  }
  func.func @transform_5(%arg0: i32, %arg1: i32) -> (i32, i32) {
    %c0_i32 = arith.constant 0 : i32
    %c0_i32_0 = arith.constant 0 : i32
    %c0_i32_1 = arith.constant 0 : i32
    return %c0_i32, %c0_i32_0 : i32, i32
  }
}

</mosaic_0001>

<sc_bundles>
// kernel: kernel.12.cloned.1.call-start
scs
__scs_entry_jumppad:
0x0: {  	(pc) =	sbr.rel $0x88, $3  }
0x1: {  	(tag) =	ssettag $0x0;
	lr =	simm.s32 $0x1  }
0x2: {  	[smem:$0x3F9B] =	sst lr;
	_ =	strace $0xD0000000  }
0x3: {  	_ = 	snop  }
0x4: {  	_ = 	snop  }
0x5: {  	_ = 	snop  }
0x6: {  	_ = 	snop  }
0x7: {  	_ = 	snop  }
__scs_overlays_trampoline_lowered:
0x8: {  	[smem:$0x3FAA] =	sst s0  }
0x9: {  	[smem:$0x3FAB] =	sst s1  }
0xa: {  	[smem:$0x3FAC] =	sst s2  }
0xb: {  	[smem:$0x3FAD] =	sst s3  }
0xc: {  	[smem:$0x3FAE] =	sst s4  }
0xd: {  	[smem:$0x3FAF] =	sst s5  }
0xe: {  	[smem:$0x3FB0] =	sst s6  }
0xf: {  	[smem:$0x3FB1] =	sst s7  }
0x10: {  	[smem:$0x3FB2] =	sst s8  }
0x11: {  	[smem:$0x3FB3] =	sst s9;
	s0 =	simm.s32 @!p0 $0x0  }
0x12: {  	s1 =	sld [smem:$0x3F99];
	s0 =	simm.s32 @p0 $0x1  }
0x13: {  	[smem:$0x3FB4] =	sst s0;
	s0 =	simm.s32 @!p1 $0x0  }
0x14: {  	s2 =	sld [smem:$0x3F98];
	s0 =	simm.s32 @p1 $0x1  }
0x15: {  	[smem:$0x3FB5] =	sst s0;
	s0 =	simm.s32 @!p2 $0x0  }
0x16: {  	s3 =	sld [smem:$0x3FDB];
	s0 =	simm.s32 @p2 $0x1  }
0x17: {  	s4 =	simm.s32 $0x1BF5;
	[smem:$0x3FB7] =	sst s0  }
0x18: {  	s0 =	sld [smem:$0x3F9A];
	_ =	swait.ge [sflag:s4], $0x0  }
0x19: {  	s7 =	sld [smem:$0x3F9B]  }
0x1a: {  	s8 =	sadd.s32 $0xFFFFE003, lr  }
0x1b: {  	s9 =	sadd.s32 $0xFFFFFEF7, lr;
	s5 =	simm.s32 $0xFFFFFFFF;
	p2 =	slt.u32 s8, $0xFFFFF086  }
0x1c: {  	p1 =	slt.u32 s9, $0xF7A;
	s5 =	simm.s32 @!p2 $0x0  }
0x1d: {  	s5 =	simm.s32 @p1 $0x1;
	p0 =	seq.s32 s7, s2  }
0x1e: {  	s7 =	smul.u32 @!p0 $0xF7A, s2;
	p2 =	seq.s32 @!p0 s5, $0x0  }
0x1f: {  	s9 =	smul.u32 $0xF7A, s1;
	s8 =	simm.s32 @!p0 $0x1BF5;
	p2 =	por !p2, p0  }
0x20: {  	[sflag:s8] =	ssyncset.s32 @!p0 $0xFFFFF086;
	s6 =	sadd.s32 @!p0 s3, s7;
	s7 =	simm.s32 @!p0 $0x108  }
0x21: {  	s3 =	sadd.s32 s3, s9;
	s6 =	sadd.s32 @!p0 $0x88, s6;
	s7 =	simm.s32 @p2 $0x1082  }
0x22: {  	[simem:s7], [sflag:s8] =	dma.local @!p0 [hbm:s6], $0xF7A  }
0x23: {  	s9 =	sor.u32 $0xD0000000, s2;
	s6 =	simm.s32 $0x108;
	_ =	swait.ge @!p0 [sflag:s8], $0x0  }
0x24: {  	s3 =	sadd.s32 $0x88, s3;
	s6 =	simm.s32 @!p1 $0x1082;
	[sflag:s4] =	ssyncset.s32 $0xFFFFF086  }
0x25: {  	[simem:s6], [sflag:s4] =	dma.local [hbm:s3], $0xF7A  }
0x26: {  	[smem:$0x3F9B] =	sst s1;
	(tag) =	ssettag s2;
	_ =	strace s9  }
0x27: {  	s1 =	sld [smem:$0x3FAB]  }
0x28: {  	s2 =	sld [smem:$0x3FAC]  }
0x29: {  	s4 =	sld [smem:$0x3FAE]  }
0x2a: {  	p0 =	seq.s32 s5, $0x0;
	s5 =	sld [smem:$0x3FAF]  }
0x2b: {  	s6 =	sld [smem:$0x3FB0]  }
0x2c: {  	s7 =	sld [smem:$0x3FB1]  }
0x2d: {  	s3 =	simm.s32 $0x108;
	s8 =	sld [smem:$0x3FB2]  }
0x2e: {  	s3 =	simm.s32 @!p0 $0x1082;
	s9 =	sld [smem:$0x3FB3]  }
0x2f: {  	lr =	sadd.s32 s0, s3;
	s0 =	sld [smem:$0x3FAA]  }
0x30: {  	s3 =	sld [smem:$0x3FAD]  }
0x31: {  	[smem:$0x3FB6] =	sst s10  }
0x32: {  	s10 =	sld [smem:$0x3FB4];
	_ =	sdelay $0x3  }
0x33: {  	p0 =	seq.s32 s10, $0x1;
	s10 =	sld [smem:$0x3FB6];
	_ =	sdelay $0x3  }
0x34: {  	[smem:$0x3FB6] =	sst s10  }
0x35: {  	s10 =	sld [smem:$0x3FB5];
	_ =	sdelay $0x3  }
0x36: {  	p1 =	seq.s32 s10, $0x1;
	s10 =	sld [smem:$0x3FB6];
	_ =	sdelay $0x3  }
0x37: {  	[smem:$0x3FB6] =	sst s10  }
0x38: {  	s10 =	sld [smem:$0x3FB7]  }
0x39: {  	_ = 	snop;
	(pc) =	sbr.ind lr, $3  }
0x3a: {  	_ = 	snop  }
0x3b: {  	_ = 	snop  }
0x3c: {  	p2 =	seq.s32 s10, $0x1;
	s10 =	sld [smem:$0x3FB6]  }
0x3d: {  	_ =	shalt  }
0x3e: {  	_ =	shalt  }
0x3f: {  	_ =	shalt  }
0x40: {  	_ =	shalt  }
0x41: {  	_ =	shalt  }
0x42: {  	_ =	shalt  }
0x43: {  	_ =	shalt  }
0x44: {  	_ =	shalt  }
0x45: {  	_ =	shalt  }
0x46: {  	_ =	shalt  }
0x47: {  	_ =	shalt  }
0x48: {  	_ =	shalt  }
0x49: {  	_ =	shalt  }
0x4a: {  	_ =	shalt  }
0x4b: {  	_ =	shalt  }
0x4c: {  	_ =	shalt  }
0x4d: {  	_ =	shalt  }
0x4e: {  	_ =	shalt  }
0x4f: {  	_ =	shalt  }
0x50: {  	_ =	shalt  }
0x51: {  	_ =	shalt  }
0x52: {  	_ =	shalt  }
0x53: {  	_ =	shalt  }
0x54: {  	_ =	shalt  }
0x55: {  	_ =	shalt  }
0x56: {  	_ =	shalt  }
0x57: {  	_ =	shalt  }
0x58: {  	_ =	shalt  }
0x59: {  	_ =	shalt  }
0x5a: {  	_ =	shalt  }
0x5b: {  	_ =	shalt  }
0x5c: {  	_ =	shalt  }
0x5d: {  	_ =	shalt  }
0x5e: {  	_ =	shalt  }
0x5f: {  	_ =	shalt  }
0x60: {  	_ =	shalt  }
0x61: {  	_ =	shalt  }
0x62: {  	_ =	shalt  }
0x63: {  	_ =	shalt  }
0x64: {  	_ =	shalt  }
0x65: {  	_ =	shalt  }
0x66: {  	_ =	shalt  }
0x67: {  	_ =	shalt  }
0x68: {  	_ =	shalt  }
0x69: {  	_ =	shalt  }
0x6a: {  	_ =	shalt  }
0x6b: {  	_ =	shalt  }
0x6c: {  	_ =	shalt  }
0x6d: {  	_ =	shalt  }
0x6e: {  	_ =	shalt  }
0x6f: {  	_ =	shalt  }
0x70: {  	_ =	shalt  }
0x71: {  	_ =	shalt  }
0x72: {  	_ =	shalt  }
0x73: {  	_ =	shalt  }
0x74: {  	_ =	shalt  }
0x75: {  	_ =	shalt  }
0x76: {  	_ =	shalt  }
0x77: {  	_ =	shalt  }
0x78: {  	_ =	shalt  }
0x79: {  	_ =	shalt  }
0x7a: {  	_ =	shalt  }
0x7b: {  	_ =	shalt  }
0x7c: {  	_ =	shalt  }
0x7d: {  	_ =	shalt  }
0x7e: {  	_ =	shalt  }
0x7f: {  	_ =	shalt  }
0x80: {  	_ =	shalt  }
0x81: {  	_ =	shalt  }
0x82: {  	_ =	shalt  }
0x83: {  	_ =	shalt  }
0x84: {  	_ =	shalt  }
0x85: {  	_ =	shalt  }
0x86: {  	_ =	shalt  }
0x87: {  	_ =	shalt  }
.Lfunc_end0:
.L_simem_size_0:
called_computation.1_lowered:
.L_overlay_start_0:
0x88: {  	s2 =	sld [smem:$0x3FD9]  }
0x89: {  	s3 =	sld [smem:$0x3FFE];
	_ =	sdelay $0x1  }
0x8a: {  	s1 =	srdreg.scid  }
0x8b: {  	s0 =	sand.u32 $0x1, s1  }
0x8c: {  	s14 =	sshll.u32 s0, $0xA;
	s2 =	sadd.s32 s3, s2  }
0x8d: {  	s2 =	sadd.s32 s2, s14  }
0x8e: {  	[smem:$0x3FC2] =	sst s2  }
0x8f: {  	_ = 	snop  }
0x90: {  	s2 =	sld [smem:$0x3FD0];
	_ =	sdelay $0x2  }
0x91: {  	s15 =	simm.s32 $0xB;
	s4 =	simm.s32 $0x10  }
0x92: {  	[smem:s4], [sflag:s15] =	dma.local [hbm:s2], $0x1  }
0x93: {  	_ =	swait.eq [sflag:s15], $0x1  }
0x94: {  	[sflag:s15] =	ssyncset.done $0x0  }
0x95: {  	[sflag:s15] =	ssyncadd.s32 $0xFFFFFFFF  }
0x96: {  	s16 =	sld [smem:$0x10];
	(tm) =	ssettm $0x1  }
0x97: {  	s17 =	sld [smem:$0x3FFB];
	_ =	sdelay $0x3  }
0x98: {  	_ =	strace s17  }
0x99: {  	s3 =	sld [smem:$0x3FFC];
	_ =	sdelay $0x3  }
0x9a: {  	_ =	strace s3  }
0x9b: {  	s3 =	sld [smem:$0x3FFD];
	_ =	sdelay $0x3  }
0x9c: {  	_ =	strace s3  }
0x9d: {  	_ =	strace $0x8FFFFFFF  }
0x9e: {  	s18 =	sld [smem:$0x3FDB];
	_ =	sdelay $0x1  }
0x9f: {  	s19 =	simm.s32 $_scs_section_size  }
0xa0: {  	s5 =	simm.s32 $_size__tile_overlayer_lowered;
	s6 =	simm.s32 $_tile_overlayer_lowered  }
0xa1: {  	s22 =	simm.s32 $0x1BFF;
	s21 =	sshll.u32 s6, $0x1;
	s3 =	sadd.s32 s19, s18  }
0xa2: {  	s7 =	simm.s32 $0x0;
	s20 =	sshll.u32 s5, $0x1;
	s5 =	sadd.s32 s21, s3  }
0xa3: {  	[timem:s7], [sflag:s22] =	dma.local [hbm:s5], s20  }
0xa4: {  	_ =	swait.ge [sflag:s22], s20  }
0xa5: {  	s4 =	ssub.s32 $0x0, s20;
	[sflag:s22] =	ssyncset.done $0x0  }
0xa6: {  	[sflag:s22] =	ssyncadd.s32 s4;
	_ =	sdelay $0x1  }
0xa7: {  	s23 =	simm.s32 $0x1B8B  }
0xa8: {  	_ =	swait.ge [sflag:s23], $0x1  }
0xa9: {  	[sflag:s23] =	ssyncset.done $0x0  }
0xaa: {  	s25 =	simm.s32 $0x1B8E;
	s24 =	sld [smem:$0x3FFE];
	[sflag:s23] =	ssyncadd.s32 $0xFFFFFFFF  }
0xab: {  	s26 =	simm.s32 $execute0_lowered;
	[smem:$0x3FD2] =	sst s25  }
0xac: {  	s5 =	sshll.u32 s26, $0x1;
	_ =	strace $0x80000046;
	[dreg:$0x1] =	wrdreg $0xFFFFFFFF  }
0xad: {  	s28 =	simm.s32 $_size_execute0_lowered;
	s3 =	sadd.s32 s3, s5;
	[dreg:$0x0] =	wrdreg $0x0  }
0xae: {  	s5 =	sshll.u32 s28, $0x1;
	[dreg:$0x2] =	wrdreg s3  }
0xaf: {  	[dreg:$0x3] =	wrdreg s5  }
0xb0: {  	[dreg:$0x4] =	wrdreg $0xC0  }
0xb1: {  	_ =	task [dreg:s7], $0x5FFFF  }
0xb2: {  	[dreg:$0x1] =	wrdreg $0xFFFFFFFF  }
0xb3: {  	[dreg:$0x0] =	wrdreg $0x60  }
0xb4: {  	[dreg:$0x2] =	wrdreg s24  }
0xb5: {  	[dreg:$0x3] =	wrdreg s16  }
0xb6: {  	[dreg:$0x4] =	wrdreg $0x50000  }
0xb7: {  	[dreg:$0x5] =	wrdreg $0xA  }
0xb8: {  	_ =	task.clear_ibuf [dreg:s7], $0x6FFFF;
	_ =	strace $0x90000046  }
0xb9: {  	s29 =	simm.s32 $0xA;
	_ =	strace $0x80000048  }
0xba: {  	_ =	swait.ge [sflag:s29], $0x1  }
0xbb: {  	[sflag:s29] =	ssyncadd.s32 $0xFFFFFFFF  }
0xbc: {  	_ =	strace $0x90000048  }
0xbd: {  	_ =	sfence  }
0xbe: {  	s30 =	sld [smem:$0x0];
	_ =	sdelay $0x2  }
0xbf: {  	s31 =	sshll.u32 s1, $0xD;
	s1 =	sshrl.u32 s1, $0x2  }
0xc0: {  	s3 =	sand.u32 $0x4000, s31;
	s1 =	sadd.s32 s1, s30  }
0xc1: {  	s0 =	sor.u32 s3, s0;
	s1 =	sshll.u32 s1, $0x11  }
0xc2: {  	s0 =	sor.u32 s1, s0  }
0xc3: {  	s0 =	sadd.s32 $0x8F2B, s0  }
0xc4: {  	[sflag:s0] =	ssyncadd.remote.s32 $0x1  }
0xc5: {  	_ =	sfence.sel $0xFFFF  }
0xc6: {  	[dreg:$0x0] =	wrdreg $0xFFFFFFFF;
	(pc) =	sbr.abs _section_cstart, $3  }
0xc7: {  	[dreg:$0x1] =	wrdreg $0xFFFFFFFF  }
0xc8: {  	_ =	task.clear_ibuf [dreg:s7], $0x2FFFF;
	_ =	strace $0x9FFFFFFF  }
0xc9: {  	(tm) =	ssettm $0x7FFFFFFF  }
tec
execute0_lowered:
.L_overlay_start_1:
0x0: {  	(tag) =	ssettag $0x1  }
0x1: {  	s0 =	rddreg [dreg:$0x0]  }
0x2: {  	s1 =	rddreg [dreg:$0x1]  }
0x3: {  	s2 =	rddreg [dreg:$0x2]  }
0x4: {  	s4 =	srdreg.scid;
	s11 =	stileid.u32  }
0x5: {  	s3 =	simm.s32 $0x0;
	s28 =	simm.s32 $0x2;
	s29 =	simm.s32 $0x3  }
0x6: {  	s30 =	simm.s32 $0x4;
	s31 =	simm.s32 $0x0;
	s5 =	smul.u32 $0x2800, s11  }
0x7: {  	s6 =	sand.u32 $0x1, s4;
	[smem:$0x7FF] =	sst s3;
	s18 =	smul.u32 $0x50000, s11  }
0x8: {  	s4 =	sadd.s32 $0x600, s0;
	s8 =	sadd.s32 $0x50600, s0;
	s7 =	smul.u32 $0x28000, s6  }
0x9: {  	_ =	strace $0x80000047;
	s19 =	ssub.s32 $0x2, s6;
	s10 =	sshll.u32 s6, $0x4  }
0xa: {  	s6 =	smul.u32 $0x14000, s6;
	s9 =	sshrl.u32 s19, $0x1;
	s20 =	sor.u32 s11, s10  }
0xb: {  	s5 =	sadd.s32 s5, s7;
	s7 =	sshrl.u32 s18, $0x2;
	s22 =	smul.u32 $0x1400, s20  }
0xc: {  	s18 =	ssub.s32 s19, s9;
	s19 =	smul.u32 $0x1400, s11;
	s25 =	sadd.s32 s6, s8  }
0xd: {  	s0 =	sadd.s32 s5, s0;
	s5 =	sadd.s32 s7, s2;
	s18 =	smax.u32 s18, $0x1  }
0xe: {  	s7 =	sadd.s32 $0x2000, s5;
	s21 =	sadd.s32 $0x4000, s5;
	s23 =	sadd.s32 $0x6000, s5  }
0xf: {  	s24 =	sadd.s32 $0x8000, s5;
	s10 =	sadd.s32 $0xA000, s5;
	s11 =	sadd.s32 $0xC000, s5  }
0x10: {  	s12 =	sadd.s32 $0xE000, s5;
	s13 =	sadd.s32 $0x10000, s5;
	s14 =	sadd.s32 $0x12000, s5  }
0x11: {  	s15 =	sadd.s32 s8, s22;
	s16 =	sadd.s32 s1, s19;
	[dreg:$0x4] =	wrdreg s7  }
0x12: {  	s17 =	sadd.s32 $0x78600, s0;
	s26 =	sadd.s32 s19, s25;
	[dreg:$0x5] =	wrdreg s21  }
0x13: {  	s22 =	simm.s32 $0x5;
	s25 =	simm.s32 $0x1;
	[dreg:$0x6] =	wrdreg s23  }
0x14: {  	[dreg:$0x7] =	wrdreg s24;
	s19 =	sadd.s32 $0x80, s26;
	s20 =	sadd.s32 $0x80, s16  }
0x15: {  	v0 =	vimm.f32 $0.0e+00;
	s21 =	simm.s32 $0x1000;
	s24 =	simm.s32 $0x40;
	s26 =	simm.s32 $0x3000  }
.LBB2_1:
0x16: {  	s0 =	simm.s32 $0x0;
	s1 =	simm.s32 $0x200  }
.LBB2_2:
0x17: {  	p0 =	sne.s32 s1, $0x7E00;
	[tilespmem:s0+$0x1070] =	vst v0  }
0x18: {  	[tilespmem:s0+$0x1000] =	vst v0  }
0x19: {  	[tilespmem:s0+$0x1010] =	vst v0  }
.Ltmp0:
0x1a: {  	[tilespmem:s0+$0x1020] =	vst v0;
	(pc) =	sbr.rel @p0 .LBB2_2-.Ltmp0, $4  }
0x1b: {  	[tilespmem:s0+$0x1030] =	vst v0  }
0x1c: {  	[tilespmem:s0+$0x1040] =	vst v0  }
0x1d: {  	[tilespmem:s0+$0x1050] =	vst v0  }
0x1e: {  	[tilespmem:s0+$0x1060] =	vst v0;
	s0 =	sshra.s32 s1, $0x2;
	s1 =	sadd.s32 $0x200, s1  }
0x1f: {  	[tilespmem:s0+$0x1070] =	vst v0  }
0x20: {  	[tilespmem:s0+$0x1000] =	vst v0  }
0x21: {  	[tilespmem:s0+$0x1010] =	vst v0  }
0x22: {  	[tilespmem:s0+$0x1020] =	vst v0  }
0x23: {  	[tilespmem:s0+$0x1030] =	vst v0  }
0x24: {  	[tilespmem:s0+$0x1040] =	vst v0  }
0x25: {  	[tilespmem:s0+$0x1050] =	vst v0  }
0x26: {  	[tilespmem:s0+$0x1060] =	vst v0  }
0x27: {  	[spmem:s5] =	stream.linear.scatter [tilespmem:s21], [sflag:$0x5], $0x2000, $0x38;
	[tilespmem:$0x19000] =	vst v63  }
0x28: {  	_ =	swait.ge [sflag:s22], $0x2000  }
0x29: {  	[sflag:s22] =	ssyncset.done $0x0  }
0x2a: {  	s23 =	rddreg [dreg:$0x4];
	[sflag:s22] =	ssyncadd.s32 $0xFFFFE000  }
0x2b: {  	[spmem:s23] =	stream.linear.scatter [tilespmem:s21], [sflag:$0x5], $0x2000, $0x38;
	[tilespmem:$0x19000] =	vst v63  }
0x2c: {  	_ =	swait.ge [sflag:s22], $0x2000  }
0x2d: {  	[sflag:s22] =	ssyncset.done $0x0  }
0x2e: {  	s1 =	rddreg [dreg:$0x5];
	[sflag:s22] =	ssyncadd.s32 $0xFFFFE000  }
0x2f: {  	[spmem:s1] =	stream.linear.scatter [tilespmem:s21], [sflag:$0x5], $0x2000, $0x38;
	[tilespmem:$0x19000] =	vst v63  }
0x30: {  	_ =	swait.ge [sflag:s22], $0x2000  }
0x31: {  	[sflag:s22] =	ssyncset.done $0x0  }
0x32: {  	s6 =	rddreg [dreg:$0x6];
	[sflag:s22] =	ssyncadd.s32 $0xFFFFE000  }
0x33: {  	[spmem:s6] =	stream.linear.scatter [tilespmem:s21], [sflag:$0x5], $0x2000, $0x38;
	[tilespmem:$0x19000] =	vst v63  }
0x34: {  	_ =	swait.ge [sflag:s22], $0x2000  }
0x35: {  	[sflag:s22] =	ssyncset.done $0x0  }
0x36: {  	s7 =	rddreg [dreg:$0x7];
	[sflag:s22] =	ssyncadd.s32 $0xFFFFE000  }
0x37: {  	[spmem:s7] =	stream.linear.scatter [tilespmem:s21], [sflag:$0x5], $0x2000, $0x38;
	[tilespmem:$0x19000] =	vst v63  }
0x38: {  	_ =	swait.ge [sflag:s22], $0x2000  }
0x39: {  	[sflag:s22] =	ssyncset.done $0x0  }
0x3a: {  	[sflag:s22] =	ssyncadd.s32 $0xFFFFE000  }
0x3b: {  	[spmem:s10] =	stream.linear.scatter [tilespmem:s21], [sflag:$0x5], $0x2000, $0x38;
	[tilespmem:$0x19000] =	vst v63  }
0x3c: {  	_ =	swait.ge [sflag:s22], $0x2000  }
0x3d: {  	[sflag:s22] =	ssyncset.done $0x0  }
0x3e: {  	[sflag:s22] =	ssyncadd.s32 $0xFFFFE000  }
0x3f: {  	[spmem:s11] =	stream.linear.scatter [tilespmem:s21], [sflag:$0x5], $0x2000, $0x38;
	[tilespmem:$0x19000] =	vst v63  }
0x40: {  	_ =	swait.ge [sflag:s22], $0x2000  }
0x41: {  	[sflag:s22] =	ssyncset.done $0x0  }
0x42: {  	[sflag:s22] =	ssyncadd.s32 $0xFFFFE000  }
0x43: {  	[spmem:s12] =	stream.linear.scatter [tilespmem:s21], [sflag:$0x5], $0x2000, $0x38;
	[tilespmem:$0x19000] =	vst v63  }
0x44: {  	_ =	swait.ge [sflag:s22], $0x2000  }
0x45: {  	[sflag:s22] =	ssyncset.done $0x0  }
0x46: {  	[sflag:s22] =	ssyncadd.s32 $0xFFFFE000  }
0x47: {  	[spmem:s13] =	stream.linear.scatter [tilespmem:s21], [sflag:$0x5], $0x2000, $0x38;
	[tilespmem:$0x19000] =	vst v63  }
0x48: {  	_ =	swait.ge [sflag:s22], $0x2000  }
0x49: {  	[sflag:s22] =	ssyncset.done $0x0  }
0x4a: {  	[sflag:s22] =	ssyncadd.s32 $0xFFFFE000  }
0x4b: {  	[spmem:s14] =	stream.linear.scatter [tilespmem:s21], [sflag:$0x5], $0x2000, $0x38;
	[tilespmem:$0x19000] =	vst v63  }
0x4c: {  	_ =	swait.ge [sflag:s22], $0x2000  }
0x4d: {  	[sflag:s22] =	ssyncset.done $0x0  }
0x4e: {  	[sflag:s22] =	ssyncadd.s32 $0xFFFFE000  }
0x4f: {  	s8 =	simm.s32 $0x0;
	[bflag:$0x0] =	sbarrier.arrive $0xFFFF  }
0x50: {  	[tilespmem:s8], [sflag:$0x5] =	stream.linear.gather [hbm4b:s15+s8], $0x400, $0x38;
	[tilespmem:$0x19000] =	vst v63  }
0x51: {  	_ =	swait.ge [sflag:s22], $0x400  }
0x52: {  	[sflag:s22] =	ssyncset.done $0x0  }
0x53: {  	s1 =	simm.s32 $0x800;
	[sflag:s22] =	ssyncadd.s32 $0xFFFFFC00  }
0x54: {  	[tilespmem:s1], [sflag:$0x5] =	stream.linear.gather [hbm4b:s16+s8], $0x400, $0x38;
	[tilespmem:$0x19000] =	vst v63  }
0x55: {  	_ =	swait.ge [sflag:s22], $0x400  }
0x56: {  	[sflag:s22] =	ssyncset.done $0x0  }
0x57: {  	s0 =	sand.u32 $0x400, s8;
	[sflag:s22] =	ssyncadd.s32 $0xFFFFFC00  }
0x58: {  	[tilespmem:s21], [sflag:$0x1] =	stream.indirect.gather [hbm4b:s4+s24], $0x80, s8, s24, $0xb8;
	[tilespmem:$0x19000] =	vst v63  }
0x59: {  	s1 =	sxor.u32 $0x400, s0  }
0x5a: {  	[tilespmem:s1], [sflag:$0x3] =	stream.linear.gather [hbm4b:s19+s3], $0x400, $0x38;
	[tilespmem:$0x19000] =	vst v63  }
0x5b: {  	s6 =	sor.u32 $0x800, s1  }
0x5c: {  	[tilespmem:s6], [sflag:$0x4] =	stream.linear.gather [hbm4b:s20+s3], $0x400, $0x38;
	[tilespmem:$0x19000] =	vst v63  }
0x5d: {  	_ =	swait.ge [sflag:s25], $0x2000  }
0x5e: {  	[sflag:s25] =	ssyncset.done $0x0  }
0x5f: {  	s9 =	sor.u32 $0x80, s0;
	[sflag:s25] =	ssyncadd.s32 $0xFFFFE000  }
0x60: {  	[tilespmem:s26], [sflag:$0x2] =	stream.indirect.gather [hbm4b:s4+s24], $0x80, s9, s24, $0xb8;
	[tilespmem:$0x19000] =	vst v63  }
0x61: {  	s23 =	sor.u32 $0x800, s0  }
0x62: {  	[spmem:s2] =	stream.indirect.scatter.add.f32 [tilespmem:s21], [sflag:$0x5], $0x80, s23, s24, $0xb8;
	[tilespmem:$0x19000] =	vst v63  }
0x63: {  	_ =	swait.ge [sflag:s22], $0x2000  }
0x64: {  	[sflag:s22] =	ssyncset.done $0x0  }
0x65: {  	[sflag:s22] =	ssyncadd.s32 $0xFFFFE000  }
0x66: {  	_ =	swait.ge [sflag:s28], $0x2000  }
0x67: {  	[sflag:s28] =	ssyncset.done $0x0  }
0x68: {  	s7 =	sor.u32 $0x100, s0;
	[sflag:s28] =	ssyncadd.s32 $0xFFFFE000  }
0x69: {  	[tilespmem:s21], [sflag:$0x1] =	stream.indirect.gather [hbm4b:s4+s24], $0x80, s7, s24, $0xb8;
	[tilespmem:$0x19000] =	vst v63  }
0x6a: {  	s8 =	sor.u32 $0x880, s0  }
0x6b: {  	[spmem:s2] =	stream.indirect.scatter.add.f32 [tilespmem:s26], [sflag:$0x5], $0x80, s8, s24, $0xb8;
	[tilespmem:$0x19000] =	vst v63  }
0x6c: {  	_ =	swait.ge [sflag:s22], $0x2000  }
0x6d: {  	[sflag:s22] =	ssyncset.done $0x0  }
0x6e: {  	[sflag:s22] =	ssyncadd.s32 $0xFFFFE000  }
0x6f: {  	_ =	swait.ge [sflag:s25], $0x2000  }
0x70: {  	[sflag:s25] =	ssyncset.done $0x0  }
0x71: {  	s9 =	sor.u32 $0x180, s0;
	[sflag:s25] =	ssyncadd.s32 $0xFFFFE000  }
0x72: {  	[tilespmem:s26], [sflag:$0x2] =	stream.indirect.gather [hbm4b:s4+s24], $0x80, s9, s24, $0xb8;
	[tilespmem:$0x19000] =	vst v63  }
0x73: {  	s23 =	sor.u32 $0x900, s0  }
0x74: {  	[spmem:s2] =	stream.indirect.scatter.add.f32 [tilespmem:s21], [sflag:$0x5], $0x80, s23, s24, $0xb8;
	[tilespmem:$0x19000] =	vst v63  }
0x75: {  	_ =	swait.ge [sflag:s22], $0x2000  }
0x76: {  	[sflag:s22] =	ssyncset.done $0x0  }
0x77: {  	[sflag:s22] =	ssyncadd.s32 $0xFFFFE000  }
0x78: {  	_ =	swait.ge [sflag:s28], $0x2000  }
0x79: {  	[sflag:s28] =	ssyncset.done $0x0  }
0x7a: {  	s7 =	sor.u32 $0x200, s0;
	[sflag:s28] =	ssyncadd.s32 $0xFFFFE000  }
0x7b: {  	[tilespmem:s21], [sflag:$0x1] =	stream.indirect.gather [hbm4b:s4+s24], $0x80, s7, s24, $0xb8;
	[tilespmem:$0x19000] =	vst v63  }
0x7c: {  	s8 =	sor.u32 $0x980, s0  }
0x7d: {  	[spmem:s2] =	stream.indirect.scatter.add.f32 [tilespmem:s26], [sflag:$0x5], $0x80, s8, s24, $0xb8;
	[tilespmem:$0x19000] =	vst v63  }
0x7e: {  	_ =	swait.ge [sflag:s22], $0x2000  }
0x7f: {  	[sflag:s22] =	ssyncset.done $0x0  }
0x80: {  	[sflag:s22] =	ssyncadd.s32 $0xFFFFE000  }
0x81: {  	_ =	swait.ge [sflag:s25], $0x2000  }
0x82: {  	[sflag:s25] =	ssyncset.done $0x0  }
0x83: {  	s9 =	sor.u32 $0x280, s0;
	[sflag:s25] =	ssyncadd.s32 $0xFFFFE000  }
0x84: {  	[tilespmem:s26], [sflag:$0x2] =	stream.indirect.gather [hbm4b:s4+s24], $0x80, s9, s24, $0xb8;
	[tilespmem:$0x19000] =	vst v63  }
0x85: {  	s23 =	sor.u32 $0xA00, s0  }
0x86: {  	[spmem:s2] =	stream.indirect.scatter.add.f32 [tilespmem:s21], [sflag:$0x5], $0x80, s23, s24, $0xb8;
	[tilespmem:$0x19000] =	vst v63  }
0x87: {  	_ =	swait.ge [sflag:s22], $0x2000  }
0x88: {  	[sflag:s22] =	ssyncset.done $0x0  }
0x89: {  	[sflag:s22] =	ssyncadd.s32 $0xFFFFE000  }
0x8a: {  	_ =	swait.ge [sflag:s28], $0x2000  }
0x8b: {  	[sflag:s28] =	ssyncset.done $0x0  }
0x8c: {  	s7 =	sor.u32 $0x300, s0;
	[sflag:s28] =	ssyncadd.s32 $0xFFFFE000  }
0x8d: {  	[tilespmem:s21], [sflag:$0x1] =	stream.indirect.gather [hbm4b:s4+s24], $0x80, s7, s24, $0xb8;
	[tilespmem:$0x19000] =	vst v63  }
0x8e: {  	s8 =	sor.u32 $0xA80, s0  }
0x8f: {  	[spmem:s2] =	stream.indirect.scatter.add.f32 [tilespmem:s26], [sflag:$0x5], $0x80, s8, s24, $0xb8;
	[tilespmem:$0x19000] =	vst v63  }
0x90: {  	_ =	swait.ge [sflag:s22], $0x2000  }
0x91: {  	[sflag:s22] =	ssyncset.done $0x0  }
0x92: {  	[sflag:s22] =	ssyncadd.s32 $0xFFFFE000  }
0x93: {  	_ =	swait.ge [sflag:s25], $0x2000  }
0x94: {  	[sflag:s25] =	ssyncset.done $0x0  }
0x95: {  	[sflag:s25] =	ssyncadd.s32 $0xFFFFE000  }
0x96: {  	_ =	swait.ge [sflag:s29], $0x400  }
0x97: {  	[sflag:s29] =	ssyncset.done $0x0  }
0x98: {  	[sflag:s29] =	ssyncadd.s32 $0xFFFFFC00  }
0x99: {  	_ =	swait.ge [sflag:s30], $0x400  }
0x9a: {  	[sflag:s30] =	ssyncset.done $0x0  }
0x9b: {  	s9 =	sor.u32 $0x380, s0;
	[sflag:s30] =	ssyncadd.s32 $0xFFFFFC00  }
0x9c: {  	[tilespmem:s26], [sflag:$0x2] =	stream.indirect.gather [hbm4b:s4+s24], $0x80, s9, s24, $0xb8;
	[tilespmem:$0x19000] =	vst v63  }
0x9d: {  	s23 =	sor.u32 $0xB00, s0  }
0x9e: {  	[spmem:s2] =	stream.indirect.scatter.add.f32 [tilespmem:s21], [sflag:$0x5], $0x80, s23, s24, $0xb8;
	[tilespmem:$0x19000] =	vst v63  }
0x9f: {  	_ =	swait.ge [sflag:s22], $0x2000  }
0xa0: {  	[sflag:s22] =	ssyncset.done $0x0  }
0xa1: {  	[sflag:s22] =	ssyncadd.s32 $0xFFFFE000  }
0xa2: {  	_ =	swait.ge [sflag:s28], $0x2000  }
0xa3: {  	[sflag:s28] =	ssyncset.done $0x0  }
0xa4: {  	[sflag:s28] =	ssyncadd.s32 $0xFFFFE000  }
0xa5: {  	[tilespmem:s21], [sflag:$0x1] =	stream.indirect.gather [hbm4b:s4+s24], $0x80, s1, s24, $0xb8;
	[tilespmem:$0x19000] =	vst v63  }
0xa6: {  	s0 =	sor.u32 $0xB80, s0  }
0xa7: {  	[spmem:s2] =	stream.indirect.scatter.add.f32 [tilespmem:s26], [sflag:$0x5], $0x80, s0, s24, $0xb8;
	[tilespmem:$0x19000] =	vst v63  }
0xa8: {  	s8 =	simm.s32 $0x800;
	s23 =	sadd.s32 $0x80, s19;
	_ =	swait.ge [sflag:s22], $0x2000  }
0xa9: {  	s1 =	simm.s32 $0x400;
	s0 =	sadd.s32 $0x80, s20;
	[sflag:s22] =	ssyncset.done $0x0  }
.LBB2_4:
0xaa: {  	s7 =	sand.u32 $0x400, s1  }
0xab: {  	[sflag:s22] =	ssyncadd.s32 $0xFFFFE000;
	s1 =	smov.u32 s8;
	s6 =	sadd.s32 $0x400, s8  }
0xac: {  	p0 =	sne.s32 s8, $0x9800;
	s8 =	sxor.u32 $0x400, s7  }
0xad: {  	[tilespmem:s8], [sflag:$0x3] =	stream.linear.gather [hbm4b:s23+s3], $0x400, $0x38;
	[tilespmem:$0x19000] =	vst v63  }
0xae: {  	s9 =	sor.u32 $0x800, s8  }
0xaf: {  	[tilespmem:s9], [sflag:$0x4] =	stream.linear.gather [hbm4b:s0+s3], $0x400, $0x38;
	[tilespmem:$0x19000] =	vst v63  }
0xb0: {  	_ =	swait.ge [sflag:s25], $0x2000  }
0xb1: {  	[sflag:s25] =	ssyncset.done $0x0  }
0xb2: {  	s9 =	sor.u32 $0x80, s7;
	[sflag:s25] =	ssyncadd.s32 $0xFFFFE000  }
0xb3: {  	[tilespmem:s26], [sflag:$0x2] =	stream.indirect.gather [hbm4b:s4+s24], $0x80, s9, s24, $0xb8;
	[tilespmem:$0x19000] =	vst v63  }
0xb4: {  	s9 =	sor.u32 $0x800, s7  }
0xb5: {  	[spmem:s2] =	stream.indirect.scatter.add.f32 [tilespmem:s21], [sflag:$0x5], $0x80, s9, s24, $0xb8;
	[tilespmem:$0x19000] =	vst v63  }
0xb6: {  	_ =	swait.ge [sflag:s22], $0x2000  }
0xb7: {  	[sflag:s22] =	ssyncset.done $0x0  }
0xb8: {  	[sflag:s22] =	ssyncadd.s32 $0xFFFFE000  }
0xb9: {  	_ =	swait.ge [sflag:s28], $0x2000  }
0xba: {  	[sflag:s28] =	ssyncset.done $0x0  }
0xbb: {  	s9 =	sor.u32 $0x100, s7;
	[sflag:s28] =	ssyncadd.s32 $0xFFFFE000  }
0xbc: {  	[tilespmem:s21], [sflag:$0x1] =	stream.indirect.gather [hbm4b:s4+s24], $0x80, s9, s24, $0xb8;
	[tilespmem:$0x19000] =	vst v63  }
0xbd: {  	s9 =	sor.u32 $0x880, s7  }
0xbe: {  	[spmem:s2] =	stream.indirect.scatter.add.f32 [tilespmem:s26], [sflag:$0x5], $0x80, s9, s24, $0xb8;
	[tilespmem:$0x19000] =	vst v63  }
0xbf: {  	_ =	swait.ge [sflag:s22], $0x2000  }
0xc0: {  	[sflag:s22] =	ssyncset.done $0x0  }
0xc1: {  	[sflag:s22] =	ssyncadd.s32 $0xFFFFE000  }
0xc2: {  	_ =	swait.ge [sflag:s25], $0x2000  }
0xc3: {  	[sflag:s25] =	ssyncset.done $0x0  }
0xc4: {  	s9 =	sor.u32 $0x180, s7;
	[sflag:s25] =	ssyncadd.s32 $0xFFFFE000  }
0xc5: {  	[tilespmem:s26], [sflag:$0x2] =	stream.indirect.gather [hbm4b:s4+s24], $0x80, s9, s24, $0xb8;
	[tilespmem:$0x19000] =	vst v63  }
0xc6: {  	s9 =	sor.u32 $0x900, s7  }
0xc7: {  	[spmem:s2] =	stream.indirect.scatter.add.f32 [tilespmem:s21], [sflag:$0x5], $0x80, s9, s24, $0xb8;
	[tilespmem:$0x19000] =	vst v63  }
0xc8: {  	_ =	swait.ge [sflag:s22], $0x2000  }
0xc9: {  	[sflag:s22] =	ssyncset.done $0x0  }
0xca: {  	[sflag:s22] =	ssyncadd.s32 $0xFFFFE000  }
0xcb: {  	_ =	swait.ge [sflag:s28], $0x2000  }
0xcc: {  	[sflag:s28] =	ssyncset.done $0x0  }
0xcd: {  	s9 =	sor.u32 $0x200, s7;
	[sflag:s28] =	ssyncadd.s32 $0xFFFFE000  }
0xce: {  	[tilespmem:s21], [sflag:$0x1] =	stream.indirect.gather [hbm4b:s4+s24], $0x80, s9, s24, $0xb8;
	[tilespmem:$0x19000] =	vst v63  }
0xcf: {  	s9 =	sor.u32 $0x980, s7  }
0xd0: {  	[spmem:s2] =	stream.indirect.scatter.add.f32 [tilespmem:s26], [sflag:$0x5], $0x80, s9, s24, $0xb8;
	[tilespmem:$0x19000] =	vst v63  }
0xd1: {  	_ =	swait.ge [sflag:s22], $0x2000  }
0xd2: {  	[sflag:s22] =	ssyncset.done $0x0  }
0xd3: {  	[sflag:s22] =	ssyncadd.s32 $0xFFFFE000  }
0xd4: {  	_ =	swait.ge [sflag:s25], $0x2000  }
0xd5: {  	[sflag:s25] =	ssyncset.done $0x0  }
0xd6: {  	s9 =	sor.u32 $0x280, s7;
	[sflag:s25] =	ssyncadd.s32 $0xFFFFE000  }
0xd7: {  	[tilespmem:s26], [sflag:$0x2] =	stream.indirect.gather [hbm4b:s4+s24], $0x80, s9, s24, $0xb8;
	[tilespmem:$0x19000] =	vst v63  }
0xd8: {  	s9 =	sor.u32 $0xA00, s7  }
0xd9: {  	[spmem:s2] =	stream.indirect.scatter.add.f32 [tilespmem:s21], [sflag:$0x5], $0x80, s9, s24, $0xb8;
	[tilespmem:$0x19000] =	vst v63  }
0xda: {  	_ =	swait.ge [sflag:s22], $0x2000  }
0xdb: {  	[sflag:s22] =	ssyncset.done $0x0  }
0xdc: {  	[sflag:s22] =	ssyncadd.s32 $0xFFFFE000  }
0xdd: {  	_ =	swait.ge [sflag:s28], $0x2000  }
0xde: {  	[sflag:s28] =	ssyncset.done $0x0  }
0xdf: {  	s9 =	sor.u32 $0x300, s7;
	[sflag:s28] =	ssyncadd.s32 $0xFFFFE000  }
0xe0: {  	[tilespmem:s21], [sflag:$0x1] =	stream.indirect.gather [hbm4b:s4+s24], $0x80, s9, s24, $0xb8;
	[tilespmem:$0x19000] =	vst v63  }
0xe1: {  	s9 =	sor.u32 $0xA80, s7  }
0xe2: {  	[spmem:s2] =	stream.indirect.scatter.add.f32 [tilespmem:s26], [sflag:$0x5], $0x80, s9, s24, $0xb8;
	[tilespmem:$0x19000] =	vst v63  }
0xe3: {  	_ =	swait.ge [sflag:s22], $0x2000  }
0xe4: {  	[sflag:s22] =	ssyncset.done $0x0  }
0xe5: {  	[sflag:s22] =	ssyncadd.s32 $0xFFFFE000  }
0xe6: {  	_ =	swait.ge [sflag:s25], $0x2000  }
0xe7: {  	[sflag:s25] =	ssyncset.done $0x0  }
0xe8: {  	[sflag:s25] =	ssyncadd.s32 $0xFFFFE000  }
0xe9: {  	_ =	swait.ge [sflag:s29], $0x400  }
0xea: {  	[sflag:s29] =	ssyncset.done $0x0  }
0xeb: {  	[sflag:s29] =	ssyncadd.s32 $0xFFFFFC00  }
0xec: {  	_ =	swait.ge [sflag:s30], $0x400  }
0xed: {  	[sflag:s30] =	ssyncset.done $0x0  }
0xee: {  	s9 =	sor.u32 $0x380, s7;
	[sflag:s30] =	ssyncadd.s32 $0xFFFFFC00  }
0xef: {  	[tilespmem:s26], [sflag:$0x2] =	stream.indirect.gather [hbm4b:s4+s24], $0x80, s9, s24, $0xb8;
	[tilespmem:$0x19000] =	vst v63  }
0xf0: {  	s9 =	sor.u32 $0xB00, s7  }
0xf1: {  	[spmem:s2] =	stream.indirect.scatter.add.f32 [tilespmem:s21], [sflag:$0x5], $0x80, s9, s24, $0xb8;
	[tilespmem:$0x19000] =	vst v63  }
0xf2: {  	_ =	swait.ge [sflag:s22], $0x2000  }
0xf3: {  	[sflag:s22] =	ssyncset.done $0x0  }
0xf4: {  	[sflag:s22] =	ssyncadd.s32 $0xFFFFE000  }
0xf5: {  	_ =	swait.ge [sflag:s28], $0x2000  }
0xf6: {  	[sflag:s28] =	ssyncset.done $0x0  }
0xf7: {  	[sflag:s28] =	ssyncadd.s32 $0xFFFFE000  }
0xf8: {  	[tilespmem:s21], [sflag:$0x1] =	stream.indirect.gather [hbm4b:s4+s24], $0x80, s8, s24, $0xb8;
	[tilespmem:$0x19000] =	vst v63  }
.Ltmp1:
0xf9: {  	_ = 	snop;
	(pc) =	sbr.rel @p0 .LBB2_4-.Ltmp1, $4  }
0xfa: {  	s7 =	sor.u32 $0xB80, s7  }
0xfb: {  	[spmem:s2] =	stream.indirect.scatter.add.f32 [tilespmem:s26], [sflag:$0x5], $0x80, s7, s24, $0xb8;
	[tilespmem:$0x19000] =	vst v63  }
0xfc: {  	s23 =	sadd.s32 $0x80, s23;
	_ =	swait.ge [sflag:s22], $0x2000  }
0xfd: {  	s0 =	sadd.s32 $0x80, s0;
	s8 =	smov.u32 s6;
	[sflag:s22] =	ssyncset.done $0x0  }
0xfe: {  	s1 =	sand.u32 $0x400, s1  }
0xff: {  	[sflag:s22] =	ssyncadd.s32 $0xFFFFE000;
	s6 =	sxor.u32 $0x400, s1  }
0x100: {  	[tilespmem:s6], [sflag:$0x3] =	stream.linear.gather [hbm4b:s23+s3], $0x400, $0x38;
	[tilespmem:$0x19000] =	vst v63  }
0x101: {  	s7 =	sor.u32 $0x800, s6  }
0x102: {  	[tilespmem:s7], [sflag:$0x4] =	stream.linear.gather [hbm4b:s0+s3], $0x400, $0x38;
	[tilespmem:$0x19000] =	vst v63  }
0x103: {  	_ =	swait.ge [sflag:s25], $0x2000  }
0x104: {  	[sflag:s25] =	ssyncset.done $0x0  }
0x105: {  	s9 =	sor.u32 $0x80, s1;
	[sflag:s25] =	ssyncadd.s32 $0xFFFFE000  }
0x106: {  	[tilespmem:s26], [sflag:$0x2] =	stream.indirect.gather [hbm4b:s4+s24], $0x80, s9, s24, $0xb8;
	[tilespmem:$0x19000] =	vst v63  }
0x107: {  	s23 =	sor.u32 $0x800, s1  }
0x108: {  	[spmem:s2] =	stream.indirect.scatter.add.f32 [tilespmem:s21], [sflag:$0x5], $0x80, s23, s24, $0xb8;
	[tilespmem:$0x19000] =	vst v63  }
0x109: {  	_ =	swait.ge [sflag:s22], $0x2000  }
0x10a: {  	[sflag:s22] =	ssyncset.done $0x0  }
0x10b: {  	[sflag:s22] =	ssyncadd.s32 $0xFFFFE000  }
0x10c: {  	_ =	swait.ge [sflag:s28], $0x2000  }
0x10d: {  	[sflag:s28] =	ssyncset.done $0x0  }
0x10e: {  	s7 =	sor.u32 $0x100, s1;
	[sflag:s28] =	ssyncadd.s32 $0xFFFFE000  }
0x10f: {  	[tilespmem:s21], [sflag:$0x1] =	stream.indirect.gather [hbm4b:s4+s24], $0x80, s7, s24, $0xb8;
	[tilespmem:$0x19000] =	vst v63  }
0x110: {  	s8 =	sor.u32 $0x880, s1  }
0x111: {  	[spmem:s2] =	stream.indirect.scatter.add.f32 [tilespmem:s26], [sflag:$0x5], $0x80, s8, s24, $0xb8;
	[tilespmem:$0x19000] =	vst v63  }
0x112: {  	_ =	swait.ge [sflag:s22], $0x2000  }
0x113: {  	[sflag:s22] =	ssyncset.done $0x0  }
0x114: {  	[sflag:s22] =	ssyncadd.s32 $0xFFFFE000  }
0x115: {  	_ =	swait.ge [sflag:s25], $0x2000  }
0x116: {  	[sflag:s25] =	ssyncset.done $0x0  }
0x117: {  	s9 =	sor.u32 $0x180, s1;
	[sflag:s25] =	ssyncadd.s32 $0xFFFFE000  }
0x118: {  	[tilespmem:s26], [sflag:$0x2] =	stream.indirect.gather [hbm4b:s4+s24], $0x80, s9, s24, $0xb8;
	[tilespmem:$0x19000] =	vst v63  }
0x119: {  	s23 =	sor.u32 $0x900, s1  }
0x11a: {  	[spmem:s2] =	stream.indirect.scatter.add.f32 [tilespmem:s21], [sflag:$0x5], $0x80, s23, s24, $0xb8;
	[tilespmem:$0x19000] =	vst v63  }
0x11b: {  	_ =	swait.ge [sflag:s22], $0x2000  }
0x11c: {  	[sflag:s22] =	ssyncset.done $0x0  }
0x11d: {  	[sflag:s22] =	ssyncadd.s32 $0xFFFFE000  }
0x11e: {  	_ =	swait.ge [sflag:s28], $0x2000  }
0x11f: {  	[sflag:s28] =	ssyncset.done $0x0  }
0x120: {  	s7 =	sor.u32 $0x200, s1;
	[sflag:s28] =	ssyncadd.s32 $0xFFFFE000  }
0x121: {  	[tilespmem:s21], [sflag:$0x1] =	stream.indirect.gather [hbm4b:s4+s24], $0x80, s7, s24, $0xb8;
	[tilespmem:$0x19000] =	vst v63  }
0x122: {  	s8 =	sor.u32 $0x980, s1  }
0x123: {  	[spmem:s2] =	stream.indirect.scatter.add.f32 [tilespmem:s26], [sflag:$0x5], $0x80, s8, s24, $0xb8;
	[tilespmem:$0x19000] =	vst v63  }
0x124: {  	_ =	swait.ge [sflag:s22], $0x2000  }
0x125: {  	[sflag:s22] =	ssyncset.done $0x0  }
0x126: {  	[sflag:s22] =	ssyncadd.s32 $0xFFFFE000  }
0x127: {  	_ =	swait.ge [sflag:s25], $0x2000  }
0x128: {  	[sflag:s25] =	ssyncset.done $0x0  }
0x129: {  	s9 =	sor.u32 $0x280, s1;
	[sflag:s25] =	ssyncadd.s32 $0xFFFFE000  }
0x12a: {  	[tilespmem:s26], [sflag:$0x2] =	stream.indirect.gather [hbm4b:s4+s24], $0x80, s9, s24, $0xb8;
	[tilespmem:$0x19000] =	vst v63  }
0x12b: {  	s23 =	sor.u32 $0xA00, s1  }
0x12c: {  	[spmem:s2] =	stream.indirect.scatter.add.f32 [tilespmem:s21], [sflag:$0x5], $0x80, s23, s24, $0xb8;
	[tilespmem:$0x19000] =	vst v63  }
0x12d: {  	_ =	swait.ge [sflag:s22], $0x2000  }
0x12e: {  	[sflag:s22] =	ssyncset.done $0x0  }
0x12f: {  	[sflag:s22] =	ssyncadd.s32 $0xFFFFE000  }
0x130: {  	_ =	swait.ge [sflag:s28], $0x2000  }
0x131: {  	[sflag:s28] =	ssyncset.done $0x0  }
0x132: {  	s7 =	sor.u32 $0x300, s1;
	[sflag:s28] =	ssyncadd.s32 $0xFFFFE000  }
0x133: {  	[tilespmem:s21], [sflag:$0x1] =	stream.indirect.gather [hbm4b:s4+s24], $0x80, s7, s24, $0xb8;
	[tilespmem:$0x19000] =	vst v63  }
0x134: {  	s8 =	sor.u32 $0xA80, s1  }
0x135: {  	[spmem:s2] =	stream.indirect.scatter.add.f32 [tilespmem:s26], [sflag:$0x5], $0x80, s8, s24, $0xb8;
	[tilespmem:$0x19000] =	vst v63  }
0x136: {  	_ =	swait.ge [sflag:s22], $0x2000  }
0x137: {  	[sflag:s22] =	ssyncset.done $0x0  }
0x138: {  	[sflag:s22] =	ssyncadd.s32 $0xFFFFE000  }
0x139: {  	_ =	swait.ge [sflag:s25], $0x2000  }
0x13a: {  	[sflag:s25] =	ssyncset.done $0x0  }
0x13b: {  	[sflag:s25] =	ssyncadd.s32 $0xFFFFE000  }
0x13c: {  	_ =	swait.ge [sflag:s29], $0x400  }
0x13d: {  	[sflag:s29] =	ssyncset.done $0x0  }
0x13e: {  	[sflag:s29] =	ssyncadd.s32 $0xFFFFFC00  }
0x13f: {  	_ =	swait.ge [sflag:s30], $0x400  }
0x140: {  	[sflag:s30] =	ssyncset.done $0x0  }
0x141: {  	s9 =	sor.u32 $0x380, s1;
	[sflag:s30] =	ssyncadd.s32 $0xFFFFFC00  }
0x142: {  	[tilespmem:s26], [sflag:$0x2] =	stream.indirect.gather [hbm4b:s4+s24], $0x80, s9, s24, $0xb8;
	[tilespmem:$0x19000] =	vst v63  }
0x143: {  	s23 =	sor.u32 $0xB00, s1  }
0x144: {  	[spmem:s2] =	stream.indirect.scatter.add.f32 [tilespmem:s21], [sflag:$0x5], $0x80, s23, s24, $0xb8;
	[tilespmem:$0x19000] =	vst v63  }
0x145: {  	_ =	swait.ge [sflag:s22], $0x2000  }
0x146: {  	[sflag:s22] =	ssyncset.done $0x0  }
0x147: {  	[sflag:s22] =	ssyncadd.s32 $0xFFFFE000  }
0x148: {  	_ =	swait.ge [sflag:s28], $0x2000  }
0x149: {  	[sflag:s28] =	ssyncset.done $0x0  }
0x14a: {  	[sflag:s28] =	ssyncadd.s32 $0xFFFFE000  }
0x14b: {  	[tilespmem:s21], [sflag:$0x1] =	stream.indirect.gather [hbm4b:s4+s24], $0x80, s6, s24, $0xb8;
	[tilespmem:$0x19000] =	vst v63  }
0x14c: {  	s1 =	sor.u32 $0xB80, s1  }
0x14d: {  	[spmem:s2] =	stream.indirect.scatter.add.f32 [tilespmem:s26], [sflag:$0x5], $0x80, s1, s24, $0xb8;
	[tilespmem:$0x19000] =	vst v63  }
0x14e: {  	_ =	swait.ge [sflag:s22], $0x2000  }
0x14f: {  	[sflag:s22] =	ssyncset.done $0x0  }
0x150: {  	[sflag:s22] =	ssyncadd.s32 $0xFFFFE000  }
0x151: {  	_ =	swait.ge [sflag:s25], $0x2000  }
0x152: {  	[sflag:s25] =	ssyncset.done $0x0  }
0x153: {  	s6 =	simm.s32 $0x480;
	[sflag:s25] =	ssyncadd.s32 $0xFFFFE000  }
0x154: {  	[tilespmem:s26], [sflag:$0x2] =	stream.indirect.gather [hbm4b:s4+s24], $0x80, s6, s24, $0xb8;
	[tilespmem:$0x19000] =	vst v63  }
0x155: {  	s7 =	simm.s32 $0xC00  }
0x156: {  	[spmem:s2] =	stream.indirect.scatter.add.f32 [tilespmem:s21], [sflag:$0x5], $0x80, s7, s24, $0xb8;
	[tilespmem:$0x19000] =	vst v63  }
0x157: {  	_ =	swait.ge [sflag:s22], $0x2000  }
0x158: {  	[sflag:s22] =	ssyncset.done $0x0  }
0x159: {  	[sflag:s22] =	ssyncadd.s32 $0xFFFFE000  }
0x15a: {  	_ =	swait.ge [sflag:s28], $0x2000  }
0x15b: {  	[sflag:s28] =	ssyncset.done $0x0  }
0x15c: {  	s8 =	simm.s32 $0x500;
	[sflag:s28] =	ssyncadd.s32 $0xFFFFE000  }
0x15d: {  	[tilespmem:s21], [sflag:$0x1] =	stream.indirect.gather [hbm4b:s4+s24], $0x80, s8, s24, $0xb8;
	[tilespmem:$0x19000] =	vst v63  }
0x15e: {  	s9 =	simm.s32 $0xC80  }
0x15f: {  	[spmem:s2] =	stream.indirect.scatter.add.f32 [tilespmem:s26], [sflag:$0x5], $0x80, s9, s24, $0xb8;
	[tilespmem:$0x19000] =	vst v63  }
0x160: {  	_ =	swait.ge [sflag:s22], $0x2000  }
0x161: {  	[sflag:s22] =	ssyncset.done $0x0  }
0x162: {  	[sflag:s22] =	ssyncadd.s32 $0xFFFFE000  }
0x163: {  	_ =	swait.ge [sflag:s25], $0x2000  }
0x164: {  	[sflag:s25] =	ssyncset.done $0x0  }
0x165: {  	s23 =	simm.s32 $0x580;
	[sflag:s25] =	ssyncadd.s32 $0xFFFFE000  }
0x166: {  	[tilespmem:s26], [sflag:$0x2] =	stream.indirect.gather [hbm4b:s4+s24], $0x80, s23, s24, $0xb8;
	[tilespmem:$0x19000] =	vst v63  }
0x167: {  	s1 =	simm.s32 $0xD00  }
0x168: {  	[spmem:s2] =	stream.indirect.scatter.add.f32 [tilespmem:s21], [sflag:$0x5], $0x80, s1, s24, $0xb8;
	[tilespmem:$0x19000] =	vst v63  }
0x169: {  	_ =	swait.ge [sflag:s22], $0x2000  }
0x16a: {  	[sflag:s22] =	ssyncset.done $0x0  }
0x16b: {  	[sflag:s22] =	ssyncadd.s32 $0xFFFFE000  }
0x16c: {  	_ =	swait.ge [sflag:s28], $0x2000  }
0x16d: {  	[sflag:s28] =	ssyncset.done $0x0  }
0x16e: {  	s6 =	simm.s32 $0x600;
	[sflag:s28] =	ssyncadd.s32 $0xFFFFE000  }
0x16f: {  	[tilespmem:s21], [sflag:$0x1] =	stream.indirect.gather [hbm4b:s4+s24], $0x80, s6, s24, $0xb8;
	[tilespmem:$0x19000] =	vst v63  }
0x170: {  	s7 =	simm.s32 $0xD80  }
0x171: {  	[spmem:s2] =	stream.indirect.scatter.add.f32 [tilespmem:s26], [sflag:$0x5], $0x80, s7, s24, $0xb8;
	[tilespmem:$0x19000] =	vst v63  }
0x172: {  	_ =	swait.ge [sflag:s22], $0x2000  }
0x173: {  	[sflag:s22] =	ssyncset.done $0x0  }
0x174: {  	[sflag:s22] =	ssyncadd.s32 $0xFFFFE000  }
0x175: {  	_ =	swait.ge [sflag:s25], $0x2000  }
0x176: {  	[sflag:s25] =	ssyncset.done $0x0  }
0x177: {  	s8 =	simm.s32 $0x680;
	[sflag:s25] =	ssyncadd.s32 $0xFFFFE000  }
0x178: {  	[tilespmem:s26], [sflag:$0x2] =	stream.indirect.gather [hbm4b:s4+s24], $0x80, s8, s24, $0xb8;
	[tilespmem:$0x19000] =	vst v63  }
0x179: {  	s9 =	simm.s32 $0xE00  }
0x17a: {  	[spmem:s2] =	stream.indirect.scatter.add.f32 [tilespmem:s21], [sflag:$0x5], $0x80, s9, s24, $0xb8;
	[tilespmem:$0x19000] =	vst v63  }
0x17b: {  	_ =	swait.ge [sflag:s22], $0x2000  }
0x17c: {  	[sflag:s22] =	ssyncset.done $0x0  }
0x17d: {  	[sflag:s22] =	ssyncadd.s32 $0xFFFFE000  }
0x17e: {  	_ =	swait.ge [sflag:s28], $0x2000  }
0x17f: {  	[sflag:s28] =	ssyncset.done $0x0  }
0x180: {  	s23 =	simm.s32 $0x700;
	[sflag:s28] =	ssyncadd.s32 $0xFFFFE000  }
0x181: {  	[tilespmem:s21], [sflag:$0x1] =	stream.indirect.gather [hbm4b:s4+s24], $0x80, s23, s24, $0xb8;
	[tilespmem:$0x19000] =	vst v63  }
0x182: {  	s1 =	simm.s32 $0xE80  }
0x183: {  	[spmem:s2] =	stream.indirect.scatter.add.f32 [tilespmem:s26], [sflag:$0x5], $0x80, s1, s24, $0xb8;
	[tilespmem:$0x19000] =	vst v63  }
0x184: {  	_ =	swait.ge [sflag:s22], $0x2000  }
0x185: {  	[sflag:s22] =	ssyncset.done $0x0  }
0x186: {  	[sflag:s22] =	ssyncadd.s32 $0xFFFFE000  }
0x187: {  	_ =	swait.ge [sflag:s25], $0x2000  }
0x188: {  	[sflag:s25] =	ssyncset.done $0x0  }
0x189: {  	s6 =	simm.s32 $0x780;
	[sflag:s25] =	ssyncadd.s32 $0xFFFFE000  }
0x18a: {  	[tilespmem:s26], [sflag:$0x2] =	stream.indirect.gather [hbm4b:s4+s24], $0x80, s6, s24, $0xb8;
	[tilespmem:$0x19000] =	vst v63  }
0x18b: {  	s7 =	simm.s32 $0xF00  }
0x18c: {  	[spmem:s2] =	stream.indirect.scatter.add.f32 [tilespmem:s21], [sflag:$0x5], $0x80, s7, s24, $0xb8;
	[tilespmem:$0x19000] =	vst v63  }
0x18d: {  	_ =	swait.ge [sflag:s22], $0x2000  }
0x18e: {  	[sflag:s22] =	ssyncset.done $0x0  }
0x18f: {  	[sflag:s22] =	ssyncadd.s32 $0xFFFFE000  }
0x190: {  	_ =	swait.ge [sflag:s28], $0x2000  }
0x191: {  	[sflag:s28] =	ssyncset.done $0x0  }
0x192: {  	s8 =	simm.s32 $0xF80;
	[sflag:s28] =	ssyncadd.s32 $0xFFFFE000  }
0x193: {  	[spmem:s2] =	stream.indirect.scatter.add.f32 [tilespmem:s26], [sflag:$0x5], $0x80, s8, s24, $0xb8;
	[tilespmem:$0x19000] =	vst v63  }
0x194: {  	s9 =	stileid.u32;
	_ =	swait.ge [sflag:s22], $0x2000  }
0x195: {  	s31 =	sadd.s32 $0x1, s31;
	s0 =	sshll.u32 s9, $0x6;
	[sflag:s22] =	ssyncset.done $0x0  }
0x196: {  	p0 =	sne.s32 s31, s18;
	s0 =	sor.u32 $0x1C05, s0;
	[sflag:s22] =	ssyncadd.s32 $0xFFFFE000  }
.Ltmp2:
0x197: {  	s23 =	sshrl.u32 s5, $0x3;
	[bflag:$0x0] =	sbarrier.arrive $0xFFFF;
	(pc) =	sbr.rel @p0 .LBB2_1-.Ltmp2, $4  }
0x198: {  	[hbm:s17], [sflag:s0] =	dma.local [spmem:s23], $0x2800  }
0x199: {  	_ =	swait.ge [sflag:s22], $0x2800  }
0x19a: {  	[sflag:s22] =	ssyncset.done $0x0  }
0x19b: {  	[sflag:s22] =	ssyncadd.s32 $0xFFFFD800  }
0x19c: {  	_ =	sfence.sel $0x180000  }
0x19d: {  	[bflag:$0x0] =	sbarrier.arrive $0xFFFF  }
0x19e: {  	_ =	strace $0x90000047  }
0x19f: {  	s0 =	stileid.u32;
	[bflag:$0x2] =	sbarrier.arrive $0xFFFF  }
0x1a0: {  	p0 =	sne.s32 s0, $0x0;
	s0 =	rddreg [dreg:$0x3]  }
0x1a1: {  	s0 =	sadd.s32 @!p0 $0x100000, s0  }
0x1a2: {  	[sflag:s0] =	ssyncadd.tile.s32 @!p0 $0x1;
	_ =	shalt  }
.Lfunc_end2:
_tile_overlayer_lowered:
.L_overlay_start_2:
0x1a3: {  	(tag) =	ssettag $0x2  }
0x1a4: {  	s0 =	rddreg [dreg:$0x0];
	s2 =	stileid.u32  }
0x1a5: {  	s1 =	rddreg [dreg:$0x1];
	p0 =	sne.s32 s2, $0x0  }
0x1a6: {  	s3 =	rddreg [dreg:$0x2];
	[bflag:$0x3] =	sbarrier.arrive $0xFFFF;
	s2 =	simm.s32 @!p0 $0x1C05  }
0x1a7: {  	[timem:s3], [sflag:s2] =	dma.local @!p0 [hbm:s0], s1  }
0x1a8: {  	s0 =	simm.s32 @!p0 $0x5  }
0x1a9: {  	_ =	swait.ge @!p0 [sflag:s0], s1  }
0x1aa: {  	s1 =	ssub.s32 @!p0 $0x0, s1;
	[sflag:s0] =	ssyncset.done @!p0 $0x0  }
0x1ab: {  	[sflag:s0] =	ssyncadd.s32 @!p0 s1  }
0x1ac: {  	[bflag:$0x3] =	sbarrier.arrive $0xFFFF  }
0x1ad: {  	_ =	shalt  }

// kernel: kernel.15.cloned.1.call-start
scs
__scs_entry_jumppad:
0x0: {  	(pc) =	sbr.rel $0x88, $3  }
0x1: {  	(tag) =	ssettag $0x0;
	lr =	simm.s32 $0x1  }
0x2: {  	[smem:$0x3F9B] =	sst lr;
	_ =	strace $0xD0000000  }
0x3: {  	_ = 	snop  }
0x4: {  	_ = 	snop  }
0x5: {  	_ = 	snop  }
0x6: {  	_ = 	snop  }
0x7: {  	_ = 	snop  }
__scs_overlays_trampoline_lowered:
0x8: {  	[smem:$0x3FAA] =	sst s0  }
0x9: {  	[smem:$0x3FAB] =	sst s1  }
0xa: {  	[smem:$0x3FAC] =	sst s2  }
0xb: {  	[smem:$0x3FAD] =	sst s3  }
0xc: {  	[smem:$0x3FAE] =	sst s4  }
0xd: {  	[smem:$0x3FAF] =	sst s5  }
0xe: {  	[smem:$0x3FB0] =	sst s6  }
0xf: {  	[smem:$0x3FB1] =	sst s7  }
0x10: {  	[smem:$0x3FB2] =	sst s8  }
0x11: {  	[smem:$0x3FB3] =	sst s9;
	s0 =	simm.s32 @!p0 $0x0  }
0x12: {  	s1 =	sld [smem:$0x3F99];
	s0 =	simm.s32 @p0 $0x1  }
0x13: {  	[smem:$0x3FB4] =	sst s0;
	s0 =	simm.s32 @!p1 $0x0  }
0x14: {  	s2 =	sld [smem:$0x3F98];
	s0 =	simm.s32 @p1 $0x1  }
0x15: {  	[smem:$0x3FB5] =	sst s0;
	s0 =	simm.s32 @!p2 $0x0  }
0x16: {  	s3 =	sld [smem:$0x3FDB];
	s0 =	simm.s32 @p2 $0x1  }
0x17: {  	s4 =	simm.s32 $0x1BF5;
	[smem:$0x3FB7] =	sst s0  }
0x18: {  	s0 =	sld [smem:$0x3F9A];
	_ =	swait.ge [sflag:s4], $0x0  }
0x19: {  	s7 =	sld [smem:$0x3F9B]  }
0x1a: {  	s8 =	sadd.s32 $0xFFFFE003, lr  }
0x1b: {  	s9 =	sadd.s32 $0xFFFFFEF7, lr;
	s5 =	simm.s32 $0xFFFFFFFF;
	p2 =	slt.u32 s8, $0xFFFFF086  }
0x1c: {  	p1 =	slt.u32 s9, $0xF7A;
	s5 =	simm.s32 @!p2 $0x0  }
0x1d: {  	s5 =	simm.s32 @p1 $0x1;
	p0 =	seq.s32 s7, s2  }
0x1e: {  	s7 =	smul.u32 @!p0 $0xF7A, s2;
	p2 =	seq.s32 @!p0 s5, $0x0  }
0x1f: {  	s9 =	smul.u32 $0xF7A, s1;
	s8 =	simm.s32 @!p0 $0x1BF5;
	p2 =	por !p2, p0  }
0x20: {  	[sflag:s8] =	ssyncset.s32 @!p0 $0xFFFFF086;
	s6 =	sadd.s32 @!p0 s3, s7;
	s7 =	simm.s32 @!p0 $0x108  }
0x21: {  	s3 =	sadd.s32 s3, s9;
	s6 =	sadd.s32 @!p0 $0x88, s6;
	s7 =	simm.s32 @p2 $0x1082  }
0x22: {  	[simem:s7], [sflag:s8] =	dma.local @!p0 [hbm:s6], $0xF7A  }
0x23: {  	s9 =	sor.u32 $0xD0000000, s2;
	s6 =	simm.s32 $0x108;
	_ =	swait.ge @!p0 [sflag:s8], $0x0  }
0x24: {  	s3 =	sadd.s32 $0x88, s3;
	s6 =	simm.s32 @!p1 $0x1082;
	[sflag:s4] =	ssyncset.s32 $0xFFFFF086  }
0x25: {  	[simem:s6], [sflag:s4] =	dma.local [hbm:s3], $0xF7A  }
0x26: {  	[smem:$0x3F9B] =	sst s1;
	(tag) =	ssettag s2;
	_ =	strace s9  }
0x27: {  	s1 =	sld [smem:$0x3FAB]  }
0x28: {  	s2 =	sld [smem:$0x3FAC]  }
0x29: {  	s4 =	sld [smem:$0x3FAE]  }
0x2a: {  	p0 =	seq.s32 s5, $0x0;
	s5 =	sld [smem:$0x3FAF]  }
0x2b: {  	s6 =	sld [smem:$0x3FB0]  }
0x2c: {  	s7 =	sld [smem:$0x3FB1]  }
0x2d: {  	s3 =	simm.s32 $0x108;
	s8 =	sld [smem:$0x3FB2]  }
0x2e: {  	s3 =	simm.s32 @!p0 $0x1082;
	s9 =	sld [smem:$0x3FB3]  }
0x2f: {  	lr =	sadd.s32 s0, s3;
	s0 =	sld [smem:$0x3FAA]  }
0x30: {  	s3 =	sld [smem:$0x3FAD]  }
0x31: {  	[smem:$0x3FB6] =	sst s10  }
0x32: {  	s10 =	sld [smem:$0x3FB4];
	_ =	sdelay $0x3  }
0x33: {  	p0 =	seq.s32 s10, $0x1;
	s10 =	sld [smem:$0x3FB6];
	_ =	sdelay $0x3  }
0x34: {  	[smem:$0x3FB6] =	sst s10  }
0x35: {  	s10 =	sld [smem:$0x3FB5];
	_ =	sdelay $0x3  }
0x36: {  	p1 =	seq.s32 s10, $0x1;
	s10 =	sld [smem:$0x3FB6];
	_ =	sdelay $0x3  }
0x37: {  	[smem:$0x3FB6] =	sst s10  }
0x38: {  	s10 =	sld [smem:$0x3FB7]  }
0x39: {  	_ = 	snop;
	(pc) =	sbr.ind lr, $3  }
0x3a: {  	_ = 	snop  }
0x3b: {  	_ = 	snop  }
0x3c: {  	p2 =	seq.s32 s10, $0x1;
	s10 =	sld [smem:$0x3FB6]  }
0x3d: {  	_ =	shalt  }
0x3e: {  	_ =	shalt  }
0x3f: {  	_ =	shalt  }
0x40: {  	_ =	shalt  }
0x41: {  	_ =	shalt  }
0x42: {  	_ =	shalt  }
0x43: {  	_ =	shalt  }
0x44: {  	_ =	shalt  }
0x45: {  	_ =	shalt  }
0x46: {  	_ =	shalt  }
0x47: {  	_ =	shalt  }
0x48: {  	_ =	shalt  }
0x49: {  	_ =	shalt  }
0x4a: {  	_ =	shalt  }
0x4b: {  	_ =	shalt  }
0x4c: {  	_ =	shalt  }
0x4d: {  	_ =	shalt  }
0x4e: {  	_ =	shalt  }
0x4f: {  	_ =	shalt  }
0x50: {  	_ =	shalt  }
0x51: {  	_ =	shalt  }
0x52: {  	_ =	shalt  }
0x53: {  	_ =	shalt  }
0x54: {  	_ =	shalt  }
0x55: {  	_ =	shalt  }
0x56: {  	_ =	shalt  }
0x57: {  	_ =	shalt  }
0x58: {  	_ =	shalt  }
0x59: {  	_ =	shalt  }
0x5a: {  	_ =	shalt  }
0x5b: {  	_ =	shalt  }
0x5c: {  	_ =	shalt  }
0x5d: {  	_ =	shalt  }
0x5e: {  	_ =	shalt  }
0x5f: {  	_ =	shalt  }
0x60: {  	_ =	shalt  }
0x61: {  	_ =	shalt  }
0x62: {  	_ =	shalt  }
0x63: {  	_ =	shalt  }
0x64: {  	_ =	shalt  }
0x65: {  	_ =	shalt  }
0x66: {  	_ =	shalt  }
0x67: {  	_ =	shalt  }
0x68: {  	_ =	shalt  }
0x69: {  	_ =	shalt  }
0x6a: {  	_ =	shalt  }
0x6b: {  	_ =	shalt  }
0x6c: {  	_ =	shalt  }
0x6d: {  	_ =	shalt  }
0x6e: {  	_ =	shalt  }
0x6f: {  	_ =	shalt  }
0x70: {  	_ =	shalt  }
0x71: {  	_ =	shalt  }
0x72: {  	_ =	shalt  }
0x73: {  	_ =	shalt  }
0x74: {  	_ =	shalt  }
0x75: {  	_ =	shalt  }
0x76: {  	_ =	shalt  }
0x77: {  	_ =	shalt  }
0x78: {  	_ =	shalt  }
0x79: {  	_ =	shalt  }
0x7a: {  	_ =	shalt  }
0x7b: {  	_ =	shalt  }
0x7c: {  	_ =	shalt  }
0x7d: {  	_ =	shalt  }
0x7e: {  	_ =	shalt  }
0x7f: {  	_ =	shalt  }
0x80: {  	_ =	shalt  }
0x81: {  	_ =	shalt  }
0x82: {  	_ =	shalt  }
0x83: {  	_ =	shalt  }
0x84: {  	_ =	shalt  }
0x85: {  	_ =	shalt  }
0x86: {  	_ =	shalt  }
0x87: {  	_ =	shalt  }
.Lfunc_end0:
.L_simem_size_0:
called_computation.2_lowered:
.L_overlay_start_0:
0x88: {  	s2 =	sld [smem:$0x3FD9]  }
0x89: {  	s3 =	sld [smem:$0x3FFE];
	_ =	sdelay $0x1  }
0x8a: {  	s1 =	srdreg.scid  }
0x8b: {  	s0 =	sand.u32 $0x1, s1  }
0x8c: {  	s14 =	sshll.u32 s0, $0xA;
	s2 =	sadd.s32 s3, s2  }
0x8d: {  	s2 =	sadd.s32 s2, s14  }
0x8e: {  	[smem:$0x3FC2] =	sst s2  }
0x8f: {  	_ = 	snop  }
0x90: {  	s2 =	sld [smem:$0x3FD0];
	_ =	sdelay $0x2  }
0x91: {  	s15 =	simm.s32 $0xB;
	s4 =	simm.s32 $0x10  }
0x92: {  	[smem:s4], [sflag:s15] =	dma.local [hbm:s2], $0x1  }
0x93: {  	_ =	swait.eq [sflag:s15], $0x1  }
0x94: {  	[sflag:s15] =	ssyncset.done $0x0  }
0x95: {  	[sflag:s15] =	ssyncadd.s32 $0xFFFFFFFF  }
0x96: {  	s16 =	sld [smem:$0x10];
	(tm) =	ssettm $0x1  }
0x97: {  	s17 =	sld [smem:$0x3FFB];
	_ =	sdelay $0x3  }
0x98: {  	_ =	strace s17  }
0x99: {  	s3 =	sld [smem:$0x3FFC];
	_ =	sdelay $0x3  }
0x9a: {  	_ =	strace s3  }
0x9b: {  	s3 =	sld [smem:$0x3FFD];
	_ =	sdelay $0x3  }
0x9c: {  	_ =	strace s3  }
0x9d: {  	_ =	strace $0x8FFFFFFF  }
0x9e: {  	s18 =	sld [smem:$0x3FDB];
	_ =	sdelay $0x1  }
0x9f: {  	s19 =	simm.s32 $_scs_section_size  }
0xa0: {  	s5 =	simm.s32 $_size__tile_overlayer_lowered;
	s6 =	simm.s32 $_tile_overlayer_lowered  }
0xa1: {  	s22 =	simm.s32 $0x1BFF;
	s21 =	sshll.u32 s6, $0x1;
	s3 =	sadd.s32 s19, s18  }
0xa2: {  	s7 =	simm.s32 $0x0;
	s20 =	sshll.u32 s5, $0x1;
	s5 =	sadd.s32 s21, s3  }
0xa3: {  	[timem:s7], [sflag:s22] =	dma.local [hbm:s5], s20  }
0xa4: {  	_ =	swait.ge [sflag:s22], s20  }
0xa5: {  	s4 =	ssub.s32 $0x0, s20;
	[sflag:s22] =	ssyncset.done $0x0  }
0xa6: {  	[sflag:s22] =	ssyncadd.s32 s4;
	_ =	sdelay $0x1  }
0xa7: {  	s23 =	simm.s32 $0x1B8B  }
0xa8: {  	_ =	swait.ge [sflag:s23], $0x1  }
0xa9: {  	[sflag:s23] =	ssyncset.done $0x0  }
0xaa: {  	s25 =	simm.s32 $0x1B8E;
	s24 =	sld [smem:$0x3FFE];
	[sflag:s23] =	ssyncadd.s32 $0xFFFFFFFF  }
0xab: {  	s26 =	simm.s32 $execute0_lowered;
	[smem:$0x3FD2] =	sst s25  }
0xac: {  	s5 =	sshll.u32 s26, $0x1;
	_ =	strace $0x8000004C;
	[dreg:$0x1] =	wrdreg $0xFFFFFFFF  }
0xad: {  	s28 =	simm.s32 $_size_execute0_lowered;
	s3 =	sadd.s32 s3, s5;
	[dreg:$0x0] =	wrdreg $0x0  }
0xae: {  	s5 =	sshll.u32 s28, $0x1;
	[dreg:$0x2] =	wrdreg s3  }
0xaf: {  	[dreg:$0x3] =	wrdreg s5  }
0xb0: {  	[dreg:$0x4] =	wrdreg $0xC0  }
0xb1: {  	_ =	task [dreg:s7], $0x5FFFF  }
0xb2: {  	[dreg:$0x1] =	wrdreg $0xFFFFFFFF  }
0xb3: {  	[dreg:$0x0] =	wrdreg $0x60  }
0xb4: {  	[dreg:$0x2] =	wrdreg s24  }
0xb5: {  	[dreg:$0x3] =	wrdreg s16  }
0xb6: {  	[dreg:$0x4] =	wrdreg $0x50000  }
0xb7: {  	[dreg:$0x5] =	wrdreg $0x9  }
0xb8: {  	_ =	task.clear_ibuf [dreg:s7], $0x6FFFF;
	_ =	strace $0x9000004C  }
0xb9: {  	s29 =	simm.s32 $0x9;
	_ =	strace $0x8000004E  }
0xba: {  	_ =	swait.ge [sflag:s29], $0x1  }
0xbb: {  	[sflag:s29] =	ssyncadd.s32 $0xFFFFFFFF  }
0xbc: {  	_ =	strace $0x9000004E  }
0xbd: {  	_ =	sfence  }
0xbe: {  	s30 =	sld [smem:$0x0];
	_ =	sdelay $0x2  }
0xbf: {  	s31 =	sshll.u32 s1, $0xD;
	s1 =	sshrl.u32 s1, $0x2  }
0xc0: {  	s3 =	sand.u32 $0x4000, s31;
	s1 =	sadd.s32 s1, s30  }
0xc1: {  	s0 =	sor.u32 s3, s0;
	s1 =	sshll.u32 s1, $0x11  }
0xc2: {  	s0 =	sor.u32 s1, s0  }
0xc3: {  	s0 =	sadd.s32 $0x8F2B, s0  }
0xc4: {  	[sflag:s0] =	ssyncadd.remote.s32 $0x1  }
0xc5: {  	_ =	sfence.sel $0xFFFF  }
0xc6: {  	[dreg:$0x0] =	wrdreg $0xFFFFFFFF;
	(pc) =	sbr.abs _section_cstart, $3  }
0xc7: {  	[dreg:$0x1] =	wrdreg $0xFFFFFFFF  }
0xc8: {  	_ =	task.clear_ibuf [dreg:s7], $0x2FFFF;
	_ =	strace $0x9FFFFFFF  }
0xc9: {  	(tm) =	ssettm $0x7FFFFFFF  }
tec
execute0_lowered:
.L_overlay_start_1:
0x0: {  	(tag) =	ssettag $0x1  }
0x1: {  	s0 =	rddreg [dreg:$0x0]  }
0x2: {  	s1 =	rddreg [dreg:$0x1]  }
0x3: {  	s2 =	rddreg [dreg:$0x2]  }
0x4: {  	s4 =	srdreg.scid;
	s11 =	stileid.u32  }
0x5: {  	s3 =	simm.s32 $0x0;
	s28 =	simm.s32 $0x2;
	s29 =	simm.s32 $0x3  }
0x6: {  	s30 =	simm.s32 $0x4;
	s31 =	simm.s32 $0x0;
	s5 =	smul.u32 $0x2800, s11  }
0x7: {  	s6 =	sand.u32 $0x1, s4;
	[smem:$0x7FF] =	sst s3;
	s18 =	smul.u32 $0x50000, s11  }
0x8: {  	s4 =	sadd.s32 $0x600, s0;
	s8 =	sadd.s32 $0x118600, s0;
	s7 =	smul.u32 $0x28000, s6  }
0x9: {  	_ =	strace $0x8000004D;
	s19 =	ssub.s32 $0x2, s6;
	s10 =	sshll.u32 s6, $0x4  }
0xa: {  	s6 =	smul.u32 $0x14000, s6;
	s9 =	sshrl.u32 s19, $0x1;
	s20 =	sor.u32 s11, s10  }
0xb: {  	s5 =	sadd.s32 s5, s7;
	s7 =	sshrl.u32 s18, $0x2;
	s22 =	smul.u32 $0x1400, s20  }
0xc: {  	s18 =	ssub.s32 s19, s9;
	s19 =	smul.u32 $0x1400, s11;
	s25 =	sadd.s32 s6, s8  }
0xd: {  	s0 =	sadd.s32 s5, s0;
	s5 =	sadd.s32 s7, s2;
	s18 =	smax.u32 s18, $0x1  }
0xe: {  	s7 =	sadd.s32 $0x2000, s5;
	s21 =	sadd.s32 $0x4000, s5;
	s23 =	sadd.s32 $0x6000, s5  }
0xf: {  	s24 =	sadd.s32 $0x8000, s5;
	s10 =	sadd.s32 $0xA000, s5;
	s11 =	sadd.s32 $0xC000, s5  }
0x10: {  	s12 =	sadd.s32 $0xE000, s5;
	s13 =	sadd.s32 $0x10000, s5;
	s14 =	sadd.s32 $0x12000, s5  }
0x11: {  	s15 =	sadd.s32 s8, s22;
	s16 =	sadd.s32 s1, s19;
	[dreg:$0x4] =	wrdreg s7  }
0x12: {  	s17 =	sadd.s32 $0x50600, s0;
	s26 =	sadd.s32 s19, s25;
	[dreg:$0x5] =	wrdreg s21  }
0x13: {  	s22 =	simm.s32 $0x5;
	s25 =	simm.s32 $0x1;
	[dreg:$0x6] =	wrdreg s23  }
0x14: {  	[dreg:$0x7] =	wrdreg s24;
	s19 =	sadd.s32 $0x80, s26;
	s20 =	sadd.s32 $0x80, s16  }
0x15: {  	v0 =	vimm.f32 $0.0e+00;
	s21 =	simm.s32 $0x1000;
	s24 =	simm.s32 $0x40;
	s26 =	simm.s32 $0x3000  }
.LBB2_1:
0x16: {  	s0 =	simm.s32 $0x0;
	s1 =	simm.s32 $0x200  }
.LBB2_2:
0x17: {  	p0 =	sne.s32 s1, $0x7E00;
	[tilespmem:s0+$0x1070] =	vst v0  }
0x18: {  	[tilespmem:s0+$0x1000] =	vst v0  }
0x19: {  	[tilespmem:s0+$0x1010] =	vst v0  }
.Ltmp0:
0x1a: {  	[tilespmem:s0+$0x1020] =	vst v0;
	(pc) =	sbr.rel @p0 .LBB2_2-.Ltmp0, $4  }
0x1b: {  	[tilespmem:s0+$0x1030] =	vst v0  }
0x1c: {  	[tilespmem:s0+$0x1040] =	vst v0  }
0x1d: {  	[tilespmem:s0+$0x1050] =	vst v0  }
0x1e: {  	[tilespmem:s0+$0x1060] =	vst v0;
	s0 =	sshra.s32 s1, $0x2;
	s1 =	sadd.s32 $0x200, s1  }
0x1f: {  	[tilespmem:s0+$0x1070] =	vst v0  }
0x20: {  	[tilespmem:s0+$0x1000] =	vst v0  }
0x21: {  	[tilespmem:s0+$0x1010] =	vst v0  }
0x22: {  	[tilespmem:s0+$0x1020] =	vst v0  }
0x23: {  	[tilespmem:s0+$0x1030] =	vst v0  }
0x24: {  	[tilespmem:s0+$0x1040] =	vst v0  }
0x25: {  	[tilespmem:s0+$0x1050] =	vst v0  }
0x26: {  	[tilespmem:s0+$0x1060] =	vst v0  }
0x27: {  	[spmem:s5] =	stream.linear.scatter [tilespmem:s21], [sflag:$0x5], $0x2000, $0x38;
	[tilespmem:$0x19000] =	vst v63  }
0x28: {  	_ =	swait.ge [sflag:s22], $0x2000  }
0x29: {  	[sflag:s22] =	ssyncset.done $0x0  }
0x2a: {  	s23 =	rddreg [dreg:$0x4];
	[sflag:s22] =	ssyncadd.s32 $0xFFFFE000  }
0x2b: {  	[spmem:s23] =	stream.linear.scatter [tilespmem:s21], [sflag:$0x5], $0x2000, $0x38;
	[tilespmem:$0x19000] =	vst v63  }
0x2c: {  	_ =	swait.ge [sflag:s22], $0x2000  }
0x2d: {  	[sflag:s22] =	ssyncset.done $0x0  }
0x2e: {  	s1 =	rddreg [dreg:$0x5];
	[sflag:s22] =	ssyncadd.s32 $0xFFFFE000  }
0x2f: {  	[spmem:s1] =	stream.linear.scatter [tilespmem:s21], [sflag:$0x5], $0x2000, $0x38;
	[tilespmem:$0x19000] =	vst v63  }
0x30: {  	_ =	swait.ge [sflag:s22], $0x2000  }
0x31: {  	[sflag:s22] =	ssyncset.done $0x0  }
0x32: {  	s6 =	rddreg [dreg:$0x6];
	[sflag:s22] =	ssyncadd.s32 $0xFFFFE000  }
0x33: {  	[spmem:s6] =	stream.linear.scatter [tilespmem:s21], [sflag:$0x5], $0x2000, $0x38;
	[tilespmem:$0x19000] =	vst v63  }
0x34: {  	_ =	swait.ge [sflag:s22], $0x2000  }
0x35: {  	[sflag:s22] =	ssyncset.done $0x0  }
0x36: {  	s7 =	rddreg [dreg:$0x7];
	[sflag:s22] =	ssyncadd.s32 $0xFFFFE000  }
0x37: {  	[spmem:s7] =	stream.linear.scatter [tilespmem:s21], [sflag:$0x5], $0x2000, $0x38;
	[tilespmem:$0x19000] =	vst v63  }
0x38: {  	_ =	swait.ge [sflag:s22], $0x2000  }
0x39: {  	[sflag:s22] =	ssyncset.done $0x0  }
0x3a: {  	[sflag:s22] =	ssyncadd.s32 $0xFFFFE000  }
0x3b: {  	[spmem:s10] =	stream.linear.scatter [tilespmem:s21], [sflag:$0x5], $0x2000, $0x38;
	[tilespmem:$0x19000] =	vst v63  }
0x3c: {  	_ =	swait.ge [sflag:s22], $0x2000  }
0x3d: {  	[sflag:s22] =	ssyncset.done $0x0  }
0x3e: {  	[sflag:s22] =	ssyncadd.s32 $0xFFFFE000  }
0x3f: {  	[spmem:s11] =	stream.linear.scatter [tilespmem:s21], [sflag:$0x5], $0x2000, $0x38;
	[tilespmem:$0x19000] =	vst v63  }
0x40: {  	_ =	swait.ge [sflag:s22], $0x2000  }
0x41: {  	[sflag:s22] =	ssyncset.done $0x0  }
0x42: {  	[sflag:s22] =	ssyncadd.s32 $0xFFFFE000  }
0x43: {  	[spmem:s12] =	stream.linear.scatter [tilespmem:s21], [sflag:$0x5], $0x2000, $0x38;
	[tilespmem:$0x19000] =	vst v63  }
0x44: {  	_ =	swait.ge [sflag:s22], $0x2000  }
0x45: {  	[sflag:s22] =	ssyncset.done $0x0  }
0x46: {  	[sflag:s22] =	ssyncadd.s32 $0xFFFFE000  }
0x47: {  	[spmem:s13] =	stream.linear.scatter [tilespmem:s21], [sflag:$0x5], $0x2000, $0x38;
	[tilespmem:$0x19000] =	vst v63  }
0x48: {  	_ =	swait.ge [sflag:s22], $0x2000  }
0x49: {  	[sflag:s22] =	ssyncset.done $0x0  }
0x4a: {  	[sflag:s22] =	ssyncadd.s32 $0xFFFFE000  }
0x4b: {  	[spmem:s14] =	stream.linear.scatter [tilespmem:s21], [sflag:$0x5], $0x2000, $0x38;
	[tilespmem:$0x19000] =	vst v63  }
0x4c: {  	_ =	swait.ge [sflag:s22], $0x2000  }
0x4d: {  	[sflag:s22] =	ssyncset.done $0x0  }
0x4e: {  	[sflag:s22] =	ssyncadd.s32 $0xFFFFE000  }
0x4f: {  	s8 =	simm.s32 $0x0;
	[bflag:$0x0] =	sbarrier.arrive $0xFFFF  }
0x50: {  	[tilespmem:s8], [sflag:$0x5] =	stream.linear.gather [hbm4b:s15+s8], $0x400, $0x38;
	[tilespmem:$0x19000] =	vst v63  }
0x51: {  	_ =	swait.ge [sflag:s22], $0x400  }
0x52: {  	[sflag:s22] =	ssyncset.done $0x0  }
0x53: {  	s1 =	simm.s32 $0x800;
	[sflag:s22] =	ssyncadd.s32 $0xFFFFFC00  }
0x54: {  	[tilespmem:s1], [sflag:$0x5] =	stream.linear.gather [hbm4b:s16+s8], $0x400, $0x38;
	[tilespmem:$0x19000] =	vst v63  }
0x55: {  	_ =	swait.ge [sflag:s22], $0x400  }
0x56: {  	[sflag:s22] =	ssyncset.done $0x0  }
0x57: {  	s0 =	sand.u32 $0x400, s8;
	[sflag:s22] =	ssyncadd.s32 $0xFFFFFC00  }
0x58: {  	[tilespmem:s21], [sflag:$0x1] =	stream.indirect.gather [hbm4b:s4+s24], $0x80, s8, s24, $0xb8;
	[tilespmem:$0x19000] =	vst v63  }
0x59: {  	s1 =	sxor.u32 $0x400, s0  }
0x5a: {  	[tilespmem:s1], [sflag:$0x3] =	stream.linear.gather [hbm4b:s19+s3], $0x400, $0x38;
	[tilespmem:$0x19000] =	vst v63  }
0x5b: {  	s6 =	sor.u32 $0x800, s1  }
0x5c: {  	[tilespmem:s6], [sflag:$0x4] =	stream.linear.gather [hbm4b:s20+s3], $0x400, $0x38;
	[tilespmem:$0x19000] =	vst v63  }
0x5d: {  	_ =	swait.ge [sflag:s25], $0x2000  }
0x5e: {  	[sflag:s25] =	ssyncset.done $0x0  }
0x5f: {  	s9 =	sor.u32 $0x80, s0;
	[sflag:s25] =	ssyncadd.s32 $0xFFFFE000  }
0x60: {  	[tilespmem:s26], [sflag:$0x2] =	stream.indirect.gather [hbm4b:s4+s24], $0x80, s9, s24, $0xb8;
	[tilespmem:$0x19000] =	vst v63  }
0x61: {  	s23 =	sor.u32 $0x800, s0  }
0x62: {  	[spmem:s2] =	stream.indirect.scatter.add.f32 [tilespmem:s21], [sflag:$0x5], $0x80, s23, s24, $0xb8;
	[tilespmem:$0x19000] =	vst v63  }
0x63: {  	_ =	swait.ge [sflag:s22], $0x2000  }
0x64: {  	[sflag:s22] =	ssyncset.done $0x0  }
0x65: {  	[sflag:s22] =	ssyncadd.s32 $0xFFFFE000  }
0x66: {  	_ =	swait.ge [sflag:s28], $0x2000  }
0x67: {  	[sflag:s28] =	ssyncset.done $0x0  }
0x68: {  	s7 =	sor.u32 $0x100, s0;
	[sflag:s28] =	ssyncadd.s32 $0xFFFFE000  }
0x69: {  	[tilespmem:s21], [sflag:$0x1] =	stream.indirect.gather [hbm4b:s4+s24], $0x80, s7, s24, $0xb8;
	[tilespmem:$0x19000] =	vst v63  }
0x6a: {  	s8 =	sor.u32 $0x880, s0  }
0x6b: {  	[spmem:s2] =	stream.indirect.scatter.add.f32 [tilespmem:s26], [sflag:$0x5], $0x80, s8, s24, $0xb8;
	[tilespmem:$0x19000] =	vst v63  }
0x6c: {  	_ =	swait.ge [sflag:s22], $0x2000  }
0x6d: {  	[sflag:s22] =	ssyncset.done $0x0  }
0x6e: {  	[sflag:s22] =	ssyncadd.s32 $0xFFFFE000  }
0x6f: {  	_ =	swait.ge [sflag:s25], $0x2000  }
0x70: {  	[sflag:s25] =	ssyncset.done $0x0  }
0x71: {  	s9 =	sor.u32 $0x180, s0;
	[sflag:s25] =	ssyncadd.s32 $0xFFFFE000  }
0x72: {  	[tilespmem:s26], [sflag:$0x2] =	stream.indirect.gather [hbm4b:s4+s24], $0x80, s9, s24, $0xb8;
	[tilespmem:$0x19000] =	vst v63  }
0x73: {  	s23 =	sor.u32 $0x900, s0  }
0x74: {  	[spmem:s2] =	stream.indirect.scatter.add.f32 [tilespmem:s21], [sflag:$0x5], $0x80, s23, s24, $0xb8;
	[tilespmem:$0x19000] =	vst v63  }
0x75: {  	_ =	swait.ge [sflag:s22], $0x2000  }
0x76: {  	[sflag:s22] =	ssyncset.done $0x0  }
0x77: {  	[sflag:s22] =	ssyncadd.s32 $0xFFFFE000  }
0x78: {  	_ =	swait.ge [sflag:s28], $0x2000  }
0x79: {  	[sflag:s28] =	ssyncset.done $0x0  }
0x7a: {  	s7 =	sor.u32 $0x200, s0;
	[sflag:s28] =	ssyncadd.s32 $0xFFFFE000  }
0x7b: {  	[tilespmem:s21], [sflag:$0x1] =	stream.indirect.gather [hbm4b:s4+s24], $0x80, s7, s24, $0xb8;
	[tilespmem:$0x19000] =	vst v63  }
0x7c: {  	s8 =	sor.u32 $0x980, s0  }
0x7d: {  	[spmem:s2] =	stream.indirect.scatter.add.f32 [tilespmem:s26], [sflag:$0x5], $0x80, s8, s24, $0xb8;
	[tilespmem:$0x19000] =	vst v63  }
0x7e: {  	_ =	swait.ge [sflag:s22], $0x2000  }
0x7f: {  	[sflag:s22] =	ssyncset.done $0x0  }
0x80: {  	[sflag:s22] =	ssyncadd.s32 $0xFFFFE000  }
0x81: {  	_ =	swait.ge [sflag:s25], $0x2000  }
0x82: {  	[sflag:s25] =	ssyncset.done $0x0  }
0x83: {  	s9 =	sor.u32 $0x280, s0;
	[sflag:s25] =	ssyncadd.s32 $0xFFFFE000  }
0x84: {  	[tilespmem:s26], [sflag:$0x2] =	stream.indirect.gather [hbm4b:s4+s24], $0x80, s9, s24, $0xb8;
	[tilespmem:$0x19000] =	vst v63  }
0x85: {  	s23 =	sor.u32 $0xA00, s0  }
0x86: {  	[spmem:s2] =	stream.indirect.scatter.add.f32 [tilespmem:s21], [sflag:$0x5], $0x80, s23, s24, $0xb8;
	[tilespmem:$0x19000] =	vst v63  }
0x87: {  	_ =	swait.ge [sflag:s22], $0x2000  }
0x88: {  	[sflag:s22] =	ssyncset.done $0x0  }
0x89: {  	[sflag:s22] =	ssyncadd.s32 $0xFFFFE000  }
0x8a: {  	_ =	swait.ge [sflag:s28], $0x2000  }
0x8b: {  	[sflag:s28] =	ssyncset.done $0x0  }
0x8c: {  	s7 =	sor.u32 $0x300, s0;
	[sflag:s28] =	ssyncadd.s32 $0xFFFFE000  }
0x8d: {  	[tilespmem:s21], [sflag:$0x1] =	stream.indirect.gather [hbm4b:s4+s24], $0x80, s7, s24, $0xb8;
	[tilespmem:$0x19000] =	vst v63  }
0x8e: {  	s8 =	sor.u32 $0xA80, s0  }
0x8f: {  	[spmem:s2] =	stream.indirect.scatter.add.f32 [tilespmem:s26], [sflag:$0x5], $0x80, s8, s24, $0xb8;
	[tilespmem:$0x19000] =	vst v63  }
0x90: {  	_ =	swait.ge [sflag:s22], $0x2000  }
0x91: {  	[sflag:s22] =	ssyncset.done $0x0  }
0x92: {  	[sflag:s22] =	ssyncadd.s32 $0xFFFFE000  }
0x93: {  	_ =	swait.ge [sflag:s25], $0x2000  }
0x94: {  	[sflag:s25] =	ssyncset.done $0x0  }
0x95: {  	[sflag:s25] =	ssyncadd.s32 $0xFFFFE000  }
0x96: {  	_ =	swait.ge [sflag:s29], $0x400  }
0x97: {  	[sflag:s29] =	ssyncset.done $0x0  }
0x98: {  	[sflag:s29] =	ssyncadd.s32 $0xFFFFFC00  }
0x99: {  	_ =	swait.ge [sflag:s30], $0x400  }
0x9a: {  	[sflag:s30] =	ssyncset.done $0x0  }
0x9b: {  	s9 =	sor.u32 $0x380, s0;
	[sflag:s30] =	ssyncadd.s32 $0xFFFFFC00  }
0x9c: {  	[tilespmem:s26], [sflag:$0x2] =	stream.indirect.gather [hbm4b:s4+s24], $0x80, s9, s24, $0xb8;
	[tilespmem:$0x19000] =	vst v63  }
0x9d: {  	s23 =	sor.u32 $0xB00, s0  }
0x9e: {  	[spmem:s2] =	stream.indirect.scatter.add.f32 [tilespmem:s21], [sflag:$0x5], $0x80, s23, s24, $0xb8;
	[tilespmem:$0x19000] =	vst v63  }
0x9f: {  	_ =	swait.ge [sflag:s22], $0x2000  }
0xa0: {  	[sflag:s22] =	ssyncset.done $0x0  }
0xa1: {  	[sflag:s22] =	ssyncadd.s32 $0xFFFFE000  }
0xa2: {  	_ =	swait.ge [sflag:s28], $0x2000  }
0xa3: {  	[sflag:s28] =	ssyncset.done $0x0  }
0xa4: {  	[sflag:s28] =	ssyncadd.s32 $0xFFFFE000  }
0xa5: {  	[tilespmem:s21], [sflag:$0x1] =	stream.indirect.gather [hbm4b:s4+s24], $0x80, s1, s24, $0xb8;
	[tilespmem:$0x19000] =	vst v63  }
0xa6: {  	s0 =	sor.u32 $0xB80, s0  }
0xa7: {  	[spmem:s2] =	stream.indirect.scatter.add.f32 [tilespmem:s26], [sflag:$0x5], $0x80, s0, s24, $0xb8;
	[tilespmem:$0x19000] =	vst v63  }
0xa8: {  	s8 =	simm.s32 $0x800;
	s23 =	sadd.s32 $0x80, s19;
	_ =	swait.ge [sflag:s22], $0x2000  }
0xa9: {  	s1 =	simm.s32 $0x400;
	s0 =	sadd.s32 $0x80, s20;
	[sflag:s22] =	ssyncset.done $0x0  }
.LBB2_4:
0xaa: {  	s7 =	sand.u32 $0x400, s1  }
0xab: {  	[sflag:s22] =	ssyncadd.s32 $0xFFFFE000;
	s1 =	smov.u32 s8;
	s6 =	sadd.s32 $0x400, s8  }
0xac: {  	p0 =	sne.s32 s8, $0x9800;
	s8 =	sxor.u32 $0x400, s7  }
0xad: {  	[tilespmem:s8], [sflag:$0x3] =	stream.linear.gather [hbm4b:s23+s3], $0x400, $0x38;
	[tilespmem:$0x19000] =	vst v63  }
0xae: {  	s9 =	sor.u32 $0x800, s8  }
0xaf: {  	[tilespmem:s9], [sflag:$0x4] =	stream.linear.gather [hbm4b:s0+s3], $0x400, $0x38;
	[tilespmem:$0x19000] =	vst v63  }
0xb0: {  	_ =	swait.ge [sflag:s25], $0x2000  }
0xb1: {  	[sflag:s25] =	ssyncset.done $0x0  }
0xb2: {  	s9 =	sor.u32 $0x80, s7;
	[sflag:s25] =	ssyncadd.s32 $0xFFFFE000  }
0xb3: {  	[tilespmem:s26], [sflag:$0x2] =	stream.indirect.gather [hbm4b:s4+s24], $0x80, s9, s24, $0xb8;
	[tilespmem:$0x19000] =	vst v63  }
0xb4: {  	s9 =	sor.u32 $0x800, s7  }
0xb5: {  	[spmem:s2] =	stream.indirect.scatter.add.f32 [tilespmem:s21], [sflag:$0x5], $0x80, s9, s24, $0xb8;
	[tilespmem:$0x19000] =	vst v63  }
0xb6: {  	_ =	swait.ge [sflag:s22], $0x2000  }
0xb7: {  	[sflag:s22] =	ssyncset.done $0x0  }
0xb8: {  	[sflag:s22] =	ssyncadd.s32 $0xFFFFE000  }
0xb9: {  	_ =	swait.ge [sflag:s28], $0x2000  }
0xba: {  	[sflag:s28] =	ssyncset.done $0x0  }
0xbb: {  	s9 =	sor.u32 $0x100, s7;
	[sflag:s28] =	ssyncadd.s32 $0xFFFFE000  }
0xbc: {  	[tilespmem:s21], [sflag:$0x1] =	stream.indirect.gather [hbm4b:s4+s24], $0x80, s9, s24, $0xb8;
	[tilespmem:$0x19000] =	vst v63  }
0xbd: {  	s9 =	sor.u32 $0x880, s7  }
0xbe: {  	[spmem:s2] =	stream.indirect.scatter.add.f32 [tilespmem:s26], [sflag:$0x5], $0x80, s9, s24, $0xb8;
	[tilespmem:$0x19000] =	vst v63  }
0xbf: {  	_ =	swait.ge [sflag:s22], $0x2000  }
0xc0: {  	[sflag:s22] =	ssyncset.done $0x0  }
0xc1: {  	[sflag:s22] =	ssyncadd.s32 $0xFFFFE000  }
0xc2: {  	_ =	swait.ge [sflag:s25], $0x2000  }
0xc3: {  	[sflag:s25] =	ssyncset.done $0x0  }
0xc4: {  	s9 =	sor.u32 $0x180, s7;
	[sflag:s25] =	ssyncadd.s32 $0xFFFFE000  }
0xc5: {  	[tilespmem:s26], [sflag:$0x2] =	stream.indirect.gather [hbm4b:s4+s24], $0x80, s9, s24, $0xb8;
	[tilespmem:$0x19000] =	vst v63  }
0xc6: {  	s9 =	sor.u32 $0x900, s7  }
0xc7: {  	[spmem:s2] =	stream.indirect.scatter.add.f32 [tilespmem:s21], [sflag:$0x5], $0x80, s9, s24, $0xb8;
	[tilespmem:$0x19000] =	vst v63  }
0xc8: {  	_ =	swait.ge [sflag:s22], $0x2000  }
0xc9: {  	[sflag:s22] =	ssyncset.done $0x0  }
0xca: {  	[sflag:s22] =	ssyncadd.s32 $0xFFFFE000  }
0xcb: {  	_ =	swait.ge [sflag:s28], $0x2000  }
0xcc: {  	[sflag:s28] =	ssyncset.done $0x0  }
0xcd: {  	s9 =	sor.u32 $0x200, s7;
	[sflag:s28] =	ssyncadd.s32 $0xFFFFE000  }
0xce: {  	[tilespmem:s21], [sflag:$0x1] =	stream.indirect.gather [hbm4b:s4+s24], $0x80, s9, s24, $0xb8;
	[tilespmem:$0x19000] =	vst v63  }
0xcf: {  	s9 =	sor.u32 $0x980, s7  }
0xd0: {  	[spmem:s2] =	stream.indirect.scatter.add.f32 [tilespmem:s26], [sflag:$0x5], $0x80, s9, s24, $0xb8;
	[tilespmem:$0x19000] =	vst v63  }
0xd1: {  	_ =	swait.ge [sflag:s22], $0x2000  }
0xd2: {  	[sflag:s22] =	ssyncset.done $0x0  }
0xd3: {  	[sflag:s22] =	ssyncadd.s32 $0xFFFFE000  }
0xd4: {  	_ =	swait.ge [sflag:s25], $0x2000  }
0xd5: {  	[sflag:s25] =	ssyncset.done $0x0  }
0xd6: {  	s9 =	sor.u32 $0x280, s7;
	[sflag:s25] =	ssyncadd.s32 $0xFFFFE000  }
0xd7: {  	[tilespmem:s26], [sflag:$0x2] =	stream.indirect.gather [hbm4b:s4+s24], $0x80, s9, s24, $0xb8;
	[tilespmem:$0x19000] =	vst v63  }
0xd8: {  	s9 =	sor.u32 $0xA00, s7  }
0xd9: {  	[spmem:s2] =	stream.indirect.scatter.add.f32 [tilespmem:s21], [sflag:$0x5], $0x80, s9, s24, $0xb8;
	[tilespmem:$0x19000] =	vst v63  }
0xda: {  	_ =	swait.ge [sflag:s22], $0x2000  }
0xdb: {  	[sflag:s22] =	ssyncset.done $0x0  }
0xdc: {  	[sflag:s22] =	ssyncadd.s32 $0xFFFFE000  }
0xdd: {  	_ =	swait.ge [sflag:s28], $0x2000  }
0xde: {  	[sflag:s28] =	ssyncset.done $0x0  }
0xdf: {  	s9 =	sor.u32 $0x300, s7;
	[sflag:s28] =	ssyncadd.s32 $0xFFFFE000  }
0xe0: {  	[tilespmem:s21], [sflag:$0x1] =	stream.indirect.gather [hbm4b:s4+s24], $0x80, s9, s24, $0xb8;
	[tilespmem:$0x19000] =	vst v63  }
0xe1: {  	s9 =	sor.u32 $0xA80, s7  }
0xe2: {  	[spmem:s2] =	stream.indirect.scatter.add.f32 [tilespmem:s26], [sflag:$0x5], $0x80, s9, s24, $0xb8;
	[tilespmem:$0x19000] =	vst v63  }
0xe3: {  	_ =	swait.ge [sflag:s22], $0x2000  }
0xe4: {  	[sflag:s22] =	ssyncset.done $0x0  }
0xe5: {  	[sflag:s22] =	ssyncadd.s32 $0xFFFFE000  }
0xe6: {  	_ =	swait.ge [sflag:s25], $0x2000  }
0xe7: {  	[sflag:s25] =	ssyncset.done $0x0  }
0xe8: {  	[sflag:s25] =	ssyncadd.s32 $0xFFFFE000  }
0xe9: {  	_ =	swait.ge [sflag:s29], $0x400  }
0xea: {  	[sflag:s29] =	ssyncset.done $0x0  }
0xeb: {  	[sflag:s29] =	ssyncadd.s32 $0xFFFFFC00  }
0xec: {  	_ =	swait.ge [sflag:s30], $0x400  }
0xed: {  	[sflag:s30] =	ssyncset.done $0x0  }
0xee: {  	s9 =	sor.u32 $0x380, s7;
	[sflag:s30] =	ssyncadd.s32 $0xFFFFFC00  }
0xef: {  	[tilespmem:s26], [sflag:$0x2] =	stream.indirect.gather [hbm4b:s4+s24], $0x80, s9, s24, $0xb8;
	[tilespmem:$0x19000] =	vst v63  }
0xf0: {  	s9 =	sor.u32 $0xB00, s7  }
0xf1: {  	[spmem:s2] =	stream.indirect.scatter.add.f32 [tilespmem:s21], [sflag:$0x5], $0x80, s9, s24, $0xb8;
	[tilespmem:$0x19000] =	vst v63  }
0xf2: {  	_ =	swait.ge [sflag:s22], $0x2000  }
0xf3: {  	[sflag:s22] =	ssyncset.done $0x0  }
0xf4: {  	[sflag:s22] =	ssyncadd.s32 $0xFFFFE000  }
0xf5: {  	_ =	swait.ge [sflag:s28], $0x2000  }
0xf6: {  	[sflag:s28] =	ssyncset.done $0x0  }
0xf7: {  	[sflag:s28] =	ssyncadd.s32 $0xFFFFE000  }
0xf8: {  	[tilespmem:s21], [sflag:$0x1] =	stream.indirect.gather [hbm4b:s4+s24], $0x80, s8, s24, $0xb8;
	[tilespmem:$0x19000] =	vst v63  }
.Ltmp1:
0xf9: {  	_ = 	snop;
	(pc) =	sbr.rel @p0 .LBB2_4-.Ltmp1, $4  }
0xfa: {  	s7 =	sor.u32 $0xB80, s7  }
0xfb: {  	[spmem:s2] =	stream.indirect.scatter.add.f32 [tilespmem:s26], [sflag:$0x5], $0x80, s7, s24, $0xb8;
	[tilespmem:$0x19000] =	vst v63  }
0xfc: {  	s23 =	sadd.s32 $0x80, s23;
	_ =	swait.ge [sflag:s22], $0x2000  }
0xfd: {  	s0 =	sadd.s32 $0x80, s0;
	s8 =	smov.u32 s6;
	[sflag:s22] =	ssyncset.done $0x0  }
0xfe: {  	s1 =	sand.u32 $0x400, s1  }
0xff: {  	[sflag:s22] =	ssyncadd.s32 $0xFFFFE000;
	s6 =	sxor.u32 $0x400, s1  }
0x100: {  	[tilespmem:s6], [sflag:$0x3] =	stream.linear.gather [hbm4b:s23+s3], $0x400, $0x38;
	[tilespmem:$0x19000] =	vst v63  }
0x101: {  	s7 =	sor.u32 $0x800, s6  }
0x102: {  	[tilespmem:s7], [sflag:$0x4] =	stream.linear.gather [hbm4b:s0+s3], $0x400, $0x38;
	[tilespmem:$0x19000] =	vst v63  }
0x103: {  	_ =	swait.ge [sflag:s25], $0x2000  }
0x104: {  	[sflag:s25] =	ssyncset.done $0x0  }
0x105: {  	s9 =	sor.u32 $0x80, s1;
	[sflag:s25] =	ssyncadd.s32 $0xFFFFE000  }
0x106: {  	[tilespmem:s26], [sflag:$0x2] =	stream.indirect.gather [hbm4b:s4+s24], $0x80, s9, s24, $0xb8;
	[tilespmem:$0x19000] =	vst v63  }
0x107: {  	s23 =	sor.u32 $0x800, s1  }
0x108: {  	[spmem:s2] =	stream.indirect.scatter.add.f32 [tilespmem:s21], [sflag:$0x5], $0x80, s23, s24, $0xb8;
	[tilespmem:$0x19000] =	vst v63  }
0x109: {  	_ =	swait.ge [sflag:s22], $0x2000  }
0x10a: {  	[sflag:s22] =	ssyncset.done $0x0  }
0x10b: {  	[sflag:s22] =	ssyncadd.s32 $0xFFFFE000  }
0x10c: {  	_ =	swait.ge [sflag:s28], $0x2000  }
0x10d: {  	[sflag:s28] =	ssyncset.done $0x0  }
0x10e: {  	s7 =	sor.u32 $0x100, s1;
	[sflag:s28] =	ssyncadd.s32 $0xFFFFE000  }
0x10f: {  	[tilespmem:s21], [sflag:$0x1] =	stream.indirect.gather [hbm4b:s4+s24], $0x80, s7, s24, $0xb8;
	[tilespmem:$0x19000] =	vst v63  }
0x110: {  	s8 =	sor.u32 $0x880, s1  }
0x111: {  	[spmem:s2] =	stream.indirect.scatter.add.f32 [tilespmem:s26], [sflag:$0x5], $0x80, s8, s24, $0xb8;
	[tilespmem:$0x19000] =	vst v63  }
0x112: {  	_ =	swait.ge [sflag:s22], $0x2000  }
0x113: {  	[sflag:s22] =	ssyncset.done $0x0  }
0x114: {  	[sflag:s22] =	ssyncadd.s32 $0xFFFFE000  }
0x115: {  	_ =	swait.ge [sflag:s25], $0x2000  }
0x116: {  	[sflag:s25] =	ssyncset.done $0x0  }
0x117: {  	s9 =	sor.u32 $0x180, s1;
	[sflag:s25] =	ssyncadd.s32 $0xFFFFE000  }
0x118: {  	[tilespmem:s26], [sflag:$0x2] =	stream.indirect.gather [hbm4b:s4+s24], $0x80, s9, s24, $0xb8;
	[tilespmem:$0x19000] =	vst v63  }
0x119: {  	s23 =	sor.u32 $0x900, s1  }
0x11a: {  	[spmem:s2] =	stream.indirect.scatter.add.f32 [tilespmem:s21], [sflag:$0x5], $0x80, s23, s24, $0xb8;
	[tilespmem:$0x19000] =	vst v63  }
0x11b: {  	_ =	swait.ge [sflag:s22], $0x2000  }
0x11c: {  	[sflag:s22] =	ssyncset.done $0x0  }
0x11d: {  	[sflag:s22] =	ssyncadd.s32 $0xFFFFE000  }
0x11e: {  	_ =	swait.ge [sflag:s28], $0x2000  }
0x11f: {  	[sflag:s28] =	ssyncset.done $0x0  }
0x120: {  	s7 =	sor.u32 $0x200, s1;
	[sflag:s28] =	ssyncadd.s32 $0xFFFFE000  }
0x121: {  	[tilespmem:s21], [sflag:$0x1] =	stream.indirect.gather [hbm4b:s4+s24], $0x80, s7, s24, $0xb8;
	[tilespmem:$0x19000] =	vst v63  }
0x122: {  	s8 =	sor.u32 $0x980, s1  }
0x123: {  	[spmem:s2] =	stream.indirect.scatter.add.f32 [tilespmem:s26], [sflag:$0x5], $0x80, s8, s24, $0xb8;
	[tilespmem:$0x19000] =	vst v63  }
0x124: {  	_ =	swait.ge [sflag:s22], $0x2000  }
0x125: {  	[sflag:s22] =	ssyncset.done $0x0  }
0x126: {  	[sflag:s22] =	ssyncadd.s32 $0xFFFFE000  }
0x127: {  	_ =	swait.ge [sflag:s25], $0x2000  }
0x128: {  	[sflag:s25] =	ssyncset.done $0x0  }
0x129: {  	s9 =	sor.u32 $0x280, s1;
	[sflag:s25] =	ssyncadd.s32 $0xFFFFE000  }
0x12a: {  	[tilespmem:s26], [sflag:$0x2] =	stream.indirect.gather [hbm4b:s4+s24], $0x80, s9, s24, $0xb8;
	[tilespmem:$0x19000] =	vst v63  }
0x12b: {  	s23 =	sor.u32 $0xA00, s1  }
0x12c: {  	[spmem:s2] =	stream.indirect.scatter.add.f32 [tilespmem:s21], [sflag:$0x5], $0x80, s23, s24, $0xb8;
	[tilespmem:$0x19000] =	vst v63  }
0x12d: {  	_ =	swait.ge [sflag:s22], $0x2000  }
0x12e: {  	[sflag:s22] =	ssyncset.done $0x0  }
0x12f: {  	[sflag:s22] =	ssyncadd.s32 $0xFFFFE000  }
0x130: {  	_ =	swait.ge [sflag:s28], $0x2000  }
0x131: {  	[sflag:s28] =	ssyncset.done $0x0  }
0x132: {  	s7 =	sor.u32 $0x300, s1;
	[sflag:s28] =	ssyncadd.s32 $0xFFFFE000  }
0x133: {  	[tilespmem:s21], [sflag:$0x1] =	stream.indirect.gather [hbm4b:s4+s24], $0x80, s7, s24, $0xb8;
	[tilespmem:$0x19000] =	vst v63  }
0x134: {  	s8 =	sor.u32 $0xA80, s1  }
0x135: {  	[spmem:s2] =	stream.indirect.scatter.add.f32 [tilespmem:s26], [sflag:$0x5], $0x80, s8, s24, $0xb8;
	[tilespmem:$0x19000] =	vst v63  }
0x136: {  	_ =	swait.ge [sflag:s22], $0x2000  }
0x137: {  	[sflag:s22] =	ssyncset.done $0x0  }
0x138: {  	[sflag:s22] =	ssyncadd.s32 $0xFFFFE000  }
0x139: {  	_ =	swait.ge [sflag:s25], $0x2000  }
0x13a: {  	[sflag:s25] =	ssyncset.done $0x0  }
0x13b: {  	[sflag:s25] =	ssyncadd.s32 $0xFFFFE000  }
0x13c: {  	_ =	swait.ge [sflag:s29], $0x400  }
0x13d: {  	[sflag:s29] =	ssyncset.done $0x0  }
0x13e: {  	[sflag:s29] =	ssyncadd.s32 $0xFFFFFC00  }
0x13f: {  	_ =	swait.ge [sflag:s30], $0x400  }
0x140: {  	[sflag:s30] =	ssyncset.done $0x0  }
0x141: {  	s9 =	sor.u32 $0x380, s1;
	[sflag:s30] =	ssyncadd.s32 $0xFFFFFC00  }
0x142: {  	[tilespmem:s26], [sflag:$0x2] =	stream.indirect.gather [hbm4b:s4+s24], $0x80, s9, s24, $0xb8;
	[tilespmem:$0x19000] =	vst v63  }
0x143: {  	s23 =	sor.u32 $0xB00, s1  }
0x144: {  	[spmem:s2] =	stream.indirect.scatter.add.f32 [tilespmem:s21], [sflag:$0x5], $0x80, s23, s24, $0xb8;
	[tilespmem:$0x19000] =	vst v63  }
0x145: {  	_ =	swait.ge [sflag:s22], $0x2000  }
0x146: {  	[sflag:s22] =	ssyncset.done $0x0  }
0x147: {  	[sflag:s22] =	ssyncadd.s32 $0xFFFFE000  }
0x148: {  	_ =	swait.ge [sflag:s28], $0x2000  }
0x149: {  	[sflag:s28] =	ssyncset.done $0x0  }
0x14a: {  	[sflag:s28] =	ssyncadd.s32 $0xFFFFE000  }
0x14b: {  	[tilespmem:s21], [sflag:$0x1] =	stream.indirect.gather [hbm4b:s4+s24], $0x80, s6, s24, $0xb8;
	[tilespmem:$0x19000] =	vst v63  }
0x14c: {  	s1 =	sor.u32 $0xB80, s1  }
0x14d: {  	[spmem:s2] =	stream.indirect.scatter.add.f32 [tilespmem:s26], [sflag:$0x5], $0x80, s1, s24, $0xb8;
	[tilespmem:$0x19000] =	vst v63  }
0x14e: {  	_ =	swait.ge [sflag:s22], $0x2000  }
0x14f: {  	[sflag:s22] =	ssyncset.done $0x0  }
0x150: {  	[sflag:s22] =	ssyncadd.s32 $0xFFFFE000  }
0x151: {  	_ =	swait.ge [sflag:s25], $0x2000  }
0x152: {  	[sflag:s25] =	ssyncset.done $0x0  }
0x153: {  	s6 =	simm.s32 $0x480;
	[sflag:s25] =	ssyncadd.s32 $0xFFFFE000  }
0x154: {  	[tilespmem:s26], [sflag:$0x2] =	stream.indirect.gather [hbm4b:s4+s24], $0x80, s6, s24, $0xb8;
	[tilespmem:$0x19000] =	vst v63  }
0x155: {  	s7 =	simm.s32 $0xC00  }
0x156: {  	[spmem:s2] =	stream.indirect.scatter.add.f32 [tilespmem:s21], [sflag:$0x5], $0x80, s7, s24, $0xb8;
	[tilespmem:$0x19000] =	vst v63  }
0x157: {  	_ =	swait.ge [sflag:s22], $0x2000  }
0x158: {  	[sflag:s22] =	ssyncset.done $0x0  }
0x159: {  	[sflag:s22] =	ssyncadd.s32 $0xFFFFE000  }
0x15a: {  	_ =	swait.ge [sflag:s28], $0x2000  }
0x15b: {  	[sflag:s28] =	ssyncset.done $0x0  }
0x15c: {  	s8 =	simm.s32 $0x500;
	[sflag:s28] =	ssyncadd.s32 $0xFFFFE000  }
0x15d: {  	[tilespmem:s21], [sflag:$0x1] =	stream.indirect.gather [hbm4b:s4+s24], $0x80, s8, s24, $0xb8;
	[tilespmem:$0x19000] =	vst v63  }
0x15e: {  	s9 =	simm.s32 $0xC80  }
0x15f: {  	[spmem:s2] =	stream.indirect.scatter.add.f32 [tilespmem:s26], [sflag:$0x5], $0x80, s9, s24, $0xb8;
	[tilespmem:$0x19000] =	vst v63  }
0x160: {  	_ =	swait.ge [sflag:s22], $0x2000  }
0x161: {  	[sflag:s22] =	ssyncset.done $0x0  }
0x162: {  	[sflag:s22] =	ssyncadd.s32 $0xFFFFE000  }
0x163: {  	_ =	swait.ge [sflag:s25], $0x2000  }
0x164: {  	[sflag:s25] =	ssyncset.done $0x0  }
0x165: {  	s23 =	simm.s32 $0x580;
	[sflag:s25] =	ssyncadd.s32 $0xFFFFE000  }
0x166: {  	[tilespmem:s26], [sflag:$0x2] =	stream.indirect.gather [hbm4b:s4+s24], $0x80, s23, s24, $0xb8;
	[tilespmem:$0x19000] =	vst v63  }
0x167: {  	s1 =	simm.s32 $0xD00  }
0x168: {  	[spmem:s2] =	stream.indirect.scatter.add.f32 [tilespmem:s21], [sflag:$0x5], $0x80, s1, s24, $0xb8;
	[tilespmem:$0x19000] =	vst v63  }
0x169: {  	_ =	swait.ge [sflag:s22], $0x2000  }
0x16a: {  	[sflag:s22] =	ssyncset.done $0x0  }
0x16b: {  	[sflag:s22] =	ssyncadd.s32 $0xFFFFE000  }
0x16c: {  	_ =	swait.ge [sflag:s28], $0x2000  }
0x16d: {  	[sflag:s28] =	ssyncset.done $0x0  }
0x16e: {  	s6 =	simm.s32 $0x600;
	[sflag:s28] =	ssyncadd.s32 $0xFFFFE000  }
0x16f: {  	[tilespmem:s21], [sflag:$0x1] =	stream.indirect.gather [hbm4b:s4+s24], $0x80, s6, s24, $0xb8;
	[tilespmem:$0x19000] =	vst v63  }
0x170: {  	s7 =	simm.s32 $0xD80  }
0x171: {  	[spmem:s2] =	stream.indirect.scatter.add.f32 [tilespmem:s26], [sflag:$0x5], $0x80, s7, s24, $0xb8;
	[tilespmem:$0x19000] =	vst v63  }
0x172: {  	_ =	swait.ge [sflag:s22], $0x2000  }
0x173: {  	[sflag:s22] =	ssyncset.done $0x0  }
0x174: {  	[sflag:s22] =	ssyncadd.s32 $0xFFFFE000  }
0x175: {  	_ =	swait.ge [sflag:s25], $0x2000  }
0x176: {  	[sflag:s25] =	ssyncset.done $0x0  }
0x177: {  	s8 =	simm.s32 $0x680;
	[sflag:s25] =	ssyncadd.s32 $0xFFFFE000  }
0x178: {  	[tilespmem:s26], [sflag:$0x2] =	stream.indirect.gather [hbm4b:s4+s24], $0x80, s8, s24, $0xb8;
	[tilespmem:$0x19000] =	vst v63  }
0x179: {  	s9 =	simm.s32 $0xE00  }
0x17a: {  	[spmem:s2] =	stream.indirect.scatter.add.f32 [tilespmem:s21], [sflag:$0x5], $0x80, s9, s24, $0xb8;
	[tilespmem:$0x19000] =	vst v63  }
0x17b: {  	_ =	swait.ge [sflag:s22], $0x2000  }
0x17c: {  	[sflag:s22] =	ssyncset.done $0x0  }
0x17d: {  	[sflag:s22] =	ssyncadd.s32 $0xFFFFE000  }
0x17e: {  	_ =	swait.ge [sflag:s28], $0x2000  }
0x17f: {  	[sflag:s28] =	ssyncset.done $0x0  }
0x180: {  	s23 =	simm.s32 $0x700;
	[sflag:s28] =	ssyncadd.s32 $0xFFFFE000  }
0x181: {  	[tilespmem:s21], [sflag:$0x1] =	stream.indirect.gather [hbm4b:s4+s24], $0x80, s23, s24, $0xb8;
	[tilespmem:$0x19000] =	vst v63  }
0x182: {  	s1 =	simm.s32 $0xE80  }
0x183: {  	[spmem:s2] =	stream.indirect.scatter.add.f32 [tilespmem:s26], [sflag:$0x5], $0x80, s1, s24, $0xb8;
	[tilespmem:$0x19000] =	vst v63  }
0x184: {  	_ =	swait.ge [sflag:s22], $0x2000  }
0x185: {  	[sflag:s22] =	ssyncset.done $0x0  }
0x186: {  	[sflag:s22] =	ssyncadd.s32 $0xFFFFE000  }
0x187: {  	_ =	swait.ge [sflag:s25], $0x2000  }
0x188: {  	[sflag:s25] =	ssyncset.done $0x0  }
0x189: {  	s6 =	simm.s32 $0x780;
	[sflag:s25] =	ssyncadd.s32 $0xFFFFE000  }
0x18a: {  	[tilespmem:s26], [sflag:$0x2] =	stream.indirect.gather [hbm4b:s4+s24], $0x80, s6, s24, $0xb8;
	[tilespmem:$0x19000] =	vst v63  }
0x18b: {  	s7 =	simm.s32 $0xF00  }
0x18c: {  	[spmem:s2] =	stream.indirect.scatter.add.f32 [tilespmem:s21], [sflag:$0x5], $0x80, s7, s24, $0xb8;
	[tilespmem:$0x19000] =	vst v63  }
0x18d: {  	_ =	swait.ge [sflag:s22], $0x2000  }
0x18e: {  	[sflag:s22] =	ssyncset.done $0x0  }
0x18f: {  	[sflag:s22] =	ssyncadd.s32 $0xFFFFE000  }
0x190: {  	_ =	swait.ge [sflag:s28], $0x2000  }
0x191: {  	[sflag:s28] =	ssyncset.done $0x0  }
0x192: {  	s8 =	simm.s32 $0xF80;
	[sflag:s28] =	ssyncadd.s32 $0xFFFFE000  }
0x193: {  	[spmem:s2] =	stream.indirect.scatter.add.f32 [tilespmem:s26], [sflag:$0x5], $0x80, s8, s24, $0xb8;
	[tilespmem:$0x19000] =	vst v63  }
0x194: {  	s9 =	stileid.u32;
	_ =	swait.ge [sflag:s22], $0x2000  }
0x195: {  	s31 =	sadd.s32 $0x1, s31;
	s0 =	sshll.u32 s9, $0x6;
	[sflag:s22] =	ssyncset.done $0x0  }
0x196: {  	p0 =	sne.s32 s31, s18;
	s0 =	sor.u32 $0x1C05, s0;
	[sflag:s22] =	ssyncadd.s32 $0xFFFFE000  }
.Ltmp2:
0x197: {  	s23 =	sshrl.u32 s5, $0x3;
	[bflag:$0x0] =	sbarrier.arrive $0xFFFF;
	(pc) =	sbr.rel @p0 .LBB2_1-.Ltmp2, $4  }
0x198: {  	[hbm:s17], [sflag:s0] =	dma.local [spmem:s23], $0x2800  }
0x199: {  	_ =	swait.ge [sflag:s22], $0x2800  }
0x19a: {  	[sflag:s22] =	ssyncset.done $0x0  }
0x19b: {  	[sflag:s22] =	ssyncadd.s32 $0xFFFFD800  }
0x19c: {  	_ =	sfence.sel $0x180000  }
0x19d: {  	[bflag:$0x0] =	sbarrier.arrive $0xFFFF  }
0x19e: {  	_ =	strace $0x9000004D  }
0x19f: {  	s0 =	stileid.u32;
	[bflag:$0x2] =	sbarrier.arrive $0xFFFF  }
0x1a0: {  	p0 =	sne.s32 s0, $0x0;
	s0 =	rddreg [dreg:$0x3]  }
0x1a1: {  	s0 =	sadd.s32 @!p0 $0x100000, s0  }
0x1a2: {  	[sflag:s0] =	ssyncadd.tile.s32 @!p0 $0x1;
	_ =	shalt  }
.Lfunc_end2:
_tile_overlayer_lowered:
.L_overlay_start_2:
0x1a3: {  	(tag) =	ssettag $0x2  }
0x1a4: {  	s0 =	rddreg [dreg:$0x0];
	s2 =	stileid.u32  }
0x1a5: {  	s1 =	rddreg [dreg:$0x1];
	p0 =	sne.s32 s2, $0x0  }
0x1a6: {  	s3 =	rddreg [dreg:$0x2];
	[bflag:$0x3] =	sbarrier.arrive $0xFFFF;
	s2 =	simm.s32 @!p0 $0x1C05  }
0x1a7: {  	[timem:s3], [sflag:s2] =	dma.local @!p0 [hbm:s0], s1  }
0x1a8: {  	s0 =	simm.s32 @!p0 $0x5  }
0x1a9: {  	_ =	swait.ge @!p0 [sflag:s0], s1  }
0x1aa: {  	s1 =	ssub.s32 @!p0 $0x0, s1;
	[sflag:s0] =	ssyncset.done @!p0 $0x0  }
0x1ab: {  	[sflag:s0] =	ssyncadd.s32 @!p0 s1  }
0x1ac: {  	[bflag:$0x3] =	sbarrier.arrive $0xFFFF  }
0x1ad: {  	_ =	shalt  }

// kernel: kernel.18.cloned.1.call-start
scs
__scs_entry_jumppad:
0x0: {  	(pc) =	sbr.rel $0x88, $3  }
0x1: {  	(tag) =	ssettag $0x0;
	lr =	simm.s32 $0x1  }
0x2: {  	[smem:$0x3F9B] =	sst lr;
	_ =	strace $0xD0000000  }
0x3: {  	_ = 	snop  }
0x4: {  	_ = 	snop  }
0x5: {  	_ = 	snop  }
0x6: {  	_ = 	snop  }
0x7: {  	_ = 	snop  }
__scs_overlays_trampoline_lowered:
0x8: {  	[smem:$0x3FAA] =	sst s0  }
0x9: {  	[smem:$0x3FAB] =	sst s1  }
0xa: {  	[smem:$0x3FAC] =	sst s2  }
0xb: {  	[smem:$0x3FAD] =	sst s3  }
0xc: {  	[smem:$0x3FAE] =	sst s4  }
0xd: {  	[smem:$0x3FAF] =	sst s5  }
0xe: {  	[smem:$0x3FB0] =	sst s6  }
0xf: {  	[smem:$0x3FB1] =	sst s7  }
0x10: {  	[smem:$0x3FB2] =	sst s8  }
0x11: {  	[smem:$0x3FB3] =	sst s9;
	s0 =	simm.s32 @!p0 $0x0  }
0x12: {  	s1 =	sld [smem:$0x3F99];
	s0 =	simm.s32 @p0 $0x1  }
0x13: {  	[smem:$0x3FB4] =	sst s0;
	s0 =	simm.s32 @!p1 $0x0  }
0x14: {  	s2 =	sld [smem:$0x3F98];
	s0 =	simm.s32 @p1 $0x1  }
0x15: {  	[smem:$0x3FB5] =	sst s0;
	s0 =	simm.s32 @!p2 $0x0  }
0x16: {  	s3 =	sld [smem:$0x3FDB];
	s0 =	simm.s32 @p2 $0x1  }
0x17: {  	s4 =	simm.s32 $0x1BF5;
	[smem:$0x3FB7] =	sst s0  }
0x18: {  	s0 =	sld [smem:$0x3F9A];
	_ =	swait.ge [sflag:s4], $0x0  }
0x19: {  	s7 =	sld [smem:$0x3F9B]  }
0x1a: {  	s8 =	sadd.s32 $0xFFFFE003, lr  }
0x1b: {  	s9 =	sadd.s32 $0xFFFFFEF7, lr;
	s5 =	simm.s32 $0xFFFFFFFF;
	p2 =	slt.u32 s8, $0xFFFFF086  }
0x1c: {  	p1 =	slt.u32 s9, $0xF7A;
	s5 =	simm.s32 @!p2 $0x0  }
0x1d: {  	s5 =	simm.s32 @p1 $0x1;
	p0 =	seq.s32 s7, s2  }
0x1e: {  	s7 =	smul.u32 @!p0 $0xF7A, s2;
	p2 =	seq.s32 @!p0 s5, $0x0  }
0x1f: {  	s9 =	smul.u32 $0xF7A, s1;
	s8 =	simm.s32 @!p0 $0x1BF5;
	p2 =	por !p2, p0  }
0x20: {  	[sflag:s8] =	ssyncset.s32 @!p0 $0xFFFFF086;
	s6 =	sadd.s32 @!p0 s3, s7;
	s7 =	simm.s32 @!p0 $0x108  }
0x21: {  	s3 =	sadd.s32 s3, s9;
	s6 =	sadd.s32 @!p0 $0x88, s6;
	s7 =	simm.s32 @p2 $0x1082  }
0x22: {  	[simem:s7], [sflag:s8] =	dma.local @!p0 [hbm:s6], $0xF7A  }
0x23: {  	s9 =	sor.u32 $0xD0000000, s2;
	s6 =	simm.s32 $0x108;
	_ =	swait.ge @!p0 [sflag:s8], $0x0  }
0x24: {  	s3 =	sadd.s32 $0x88, s3;
	s6 =	simm.s32 @!p1 $0x1082;
	[sflag:s4] =	ssyncset.s32 $0xFFFFF086  }
0x25: {  	[simem:s6], [sflag:s4] =	dma.local [hbm:s3], $0xF7A  }
0x26: {  	[smem:$0x3F9B] =	sst s1;
	(tag) =	ssettag s2;
	_ =	strace s9  }
0x27: {  	s1 =	sld [smem:$0x3FAB]  }
0x28: {  	s2 =	sld [smem:$0x3FAC]  }
0x29: {  	s4 =	sld [smem:$0x3FAE]  }
0x2a: {  	p0 =	seq.s32 s5, $0x0;
	s5 =	sld [smem:$0x3FAF]  }
0x2b: {  	s6 =	sld [smem:$0x3FB0]  }
0x2c: {  	s7 =	sld [smem:$0x3FB1]  }
0x2d: {  	s3 =	simm.s32 $0x108;
	s8 =	sld [smem:$0x3FB2]  }
0x2e: {  	s3 =	simm.s32 @!p0 $0x1082;
	s9 =	sld [smem:$0x3FB3]  }
0x2f: {  	lr =	sadd.s32 s0, s3;
	s0 =	sld [smem:$0x3FAA]  }
0x30: {  	s3 =	sld [smem:$0x3FAD]  }
0x31: {  	[smem:$0x3FB6] =	sst s10  }
0x32: {  	s10 =	sld [smem:$0x3FB4];
	_ =	sdelay $0x3  }
0x33: {  	p0 =	seq.s32 s10, $0x1;
	s10 =	sld [smem:$0x3FB6];
	_ =	sdelay $0x3  }
0x34: {  	[smem:$0x3FB6] =	sst s10  }
0x35: {  	s10 =	sld [smem:$0x3FB5];
	_ =	sdelay $0x3  }
0x36: {  	p1 =	seq.s32 s10, $0x1;
	s10 =	sld [smem:$0x3FB6];
	_ =	sdelay $0x3  }
0x37: {  	[smem:$0x3FB6] =	sst s10  }
0x38: {  	s10 =	sld [smem:$0x3FB7]  }
0x39: {  	_ = 	snop;
	(pc) =	sbr.ind lr, $3  }
0x3a: {  	_ = 	snop  }
0x3b: {  	_ = 	snop  }
0x3c: {  	p2 =	seq.s32 s10, $0x1;
	s10 =	sld [smem:$0x3FB6]  }
0x3d: {  	_ =	shalt  }
0x3e: {  	_ =	shalt  }
0x3f: {  	_ =	shalt  }
0x40: {  	_ =	shalt  }
0x41: {  	_ =	shalt  }
0x42: {  	_ =	shalt  }
0x43: {  	_ =	shalt  }
0x44: {  	_ =	shalt  }
0x45: {  	_ =	shalt  }
0x46: {  	_ =	shalt  }
0x47: {  	_ =	shalt  }
0x48: {  	_ =	shalt  }
0x49: {  	_ =	shalt  }
0x4a: {  	_ =	shalt  }
0x4b: {  	_ =	shalt  }
0x4c: {  	_ =	shalt  }
0x4d: {  	_ =	shalt  }
0x4e: {  	_ =	shalt  }
0x4f: {  	_ =	shalt  }
0x50: {  	_ =	shalt  }
0x51: {  	_ =	shalt  }
0x52: {  	_ =	shalt  }
0x53: {  	_ =	shalt  }
0x54: {  	_ =	shalt  }
0x55: {  	_ =	shalt  }
0x56: {  	_ =	shalt  }
0x57: {  	_ =	shalt  }
0x58: {  	_ =	shalt  }
0x59: {  	_ =	shalt  }
0x5a: {  	_ =	shalt  }
0x5b: {  	_ =	shalt  }
0x5c: {  	_ =	shalt  }
0x5d: {  	_ =	shalt  }
0x5e: {  	_ =	shalt  }
0x5f: {  	_ =	shalt  }
0x60: {  	_ =	shalt  }
0x61: {  	_ =	shalt  }
0x62: {  	_ =	shalt  }
0x63: {  	_ =	shalt  }
0x64: {  	_ =	shalt  }
0x65: {  	_ =	shalt  }
0x66: {  	_ =	shalt  }
0x67: {  	_ =	shalt  }
0x68: {  	_ =	shalt  }
0x69: {  	_ =	shalt  }
0x6a: {  	_ =	shalt  }
0x6b: {  	_ =	shalt  }
0x6c: {  	_ =	shalt  }
0x6d: {  	_ =	shalt  }
0x6e: {  	_ =	shalt  }
0x6f: {  	_ =	shalt  }
0x70: {  	_ =	shalt  }
0x71: {  	_ =	shalt  }
0x72: {  	_ =	shalt  }
0x73: {  	_ =	shalt  }
0x74: {  	_ =	shalt  }
0x75: {  	_ =	shalt  }
0x76: {  	_ =	shalt  }
0x77: {  	_ =	shalt  }
0x78: {  	_ =	shalt  }
0x79: {  	_ =	shalt  }
0x7a: {  	_ =	shalt  }
0x7b: {  	_ =	shalt  }
0x7c: {  	_ =	shalt  }
0x7d: {  	_ =	shalt  }
0x7e: {  	_ =	shalt  }
0x7f: {  	_ =	shalt  }
0x80: {  	_ =	shalt  }
0x81: {  	_ =	shalt  }
0x82: {  	_ =	shalt  }
0x83: {  	_ =	shalt  }
0x84: {  	_ =	shalt  }
0x85: {  	_ =	shalt  }
0x86: {  	_ =	shalt  }
0x87: {  	_ =	shalt  }
.Lfunc_end0:
.L_simem_size_0:
called_computation.3_lowered:
.L_overlay_start_0:
0x88: {  	s2 =	sld [smem:$0x3FD9]  }
0x89: {  	s3 =	sld [smem:$0x3FFE];
	_ =	sdelay $0x1  }
0x8a: {  	s1 =	srdreg.scid  }
0x8b: {  	s0 =	sand.u32 $0x1, s1  }
0x8c: {  	s14 =	sshll.u32 s0, $0xA;
	s2 =	sadd.s32 s3, s2  }
0x8d: {  	s2 =	sadd.s32 s2, s14  }
0x8e: {  	[smem:$0x3FC2] =	sst s2  }
0x8f: {  	_ = 	snop  }
0x90: {  	s2 =	sld [smem:$0x3FD0];
	_ =	sdelay $0x2  }
0x91: {  	s15 =	simm.s32 $0xB;
	s4 =	simm.s32 $0x10  }
0x92: {  	[smem:s4], [sflag:s15] =	dma.local [hbm:s2], $0x1  }
0x93: {  	_ =	swait.eq [sflag:s15], $0x1  }
0x94: {  	[sflag:s15] =	ssyncset.done $0x0  }
0x95: {  	[sflag:s15] =	ssyncadd.s32 $0xFFFFFFFF  }
0x96: {  	s16 =	sld [smem:$0x10];
	(tm) =	ssettm $0x1  }
0x97: {  	s17 =	sld [smem:$0x3FFB];
	_ =	sdelay $0x3  }
0x98: {  	_ =	strace s17  }
0x99: {  	s3 =	sld [smem:$0x3FFC];
	_ =	sdelay $0x3  }
0x9a: {  	_ =	strace s3  }
0x9b: {  	s3 =	sld [smem:$0x3FFD];
	_ =	sdelay $0x3  }
0x9c: {  	_ =	strace s3  }
0x9d: {  	_ =	strace $0x8FFFFFFF  }
0x9e: {  	s18 =	sld [smem:$0x3FDB];
	_ =	sdelay $0x1  }
0x9f: {  	s19 =	simm.s32 $_scs_section_size  }
0xa0: {  	s5 =	simm.s32 $_size__tile_overlayer_lowered;
	s6 =	simm.s32 $_tile_overlayer_lowered  }
0xa1: {  	s22 =	simm.s32 $0x1BFF;
	s21 =	sshll.u32 s6, $0x1;
	s3 =	sadd.s32 s19, s18  }
0xa2: {  	s7 =	simm.s32 $0x0;
	s20 =	sshll.u32 s5, $0x1;
	s5 =	sadd.s32 s21, s3  }
0xa3: {  	[timem:s7], [sflag:s22] =	dma.local [hbm:s5], s20  }
0xa4: {  	_ =	swait.ge [sflag:s22], s20  }
0xa5: {  	s4 =	ssub.s32 $0x0, s20;
	[sflag:s22] =	ssyncset.done $0x0  }
0xa6: {  	[sflag:s22] =	ssyncadd.s32 s4;
	_ =	sdelay $0x1  }
0xa7: {  	s23 =	simm.s32 $0x1B8B  }
0xa8: {  	_ =	swait.ge [sflag:s23], $0x1  }
0xa9: {  	[sflag:s23] =	ssyncset.done $0x0  }
0xaa: {  	s25 =	simm.s32 $0x1B8E;
	s24 =	sld [smem:$0x3FFE];
	[sflag:s23] =	ssyncadd.s32 $0xFFFFFFFF  }
0xab: {  	s26 =	simm.s32 $execute0_lowered;
	[smem:$0x3FD2] =	sst s25  }
0xac: {  	s5 =	sshll.u32 s26, $0x1;
	_ =	strace $0x8000004F;
	[dreg:$0x1] =	wrdreg $0xFFFFFFFF  }
0xad: {  	s28 =	simm.s32 $_size_execute0_lowered;
	s3 =	sadd.s32 s3, s5;
	[dreg:$0x0] =	wrdreg $0x0  }
0xae: {  	s5 =	sshll.u32 s28, $0x1;
	[dreg:$0x2] =	wrdreg s3  }
0xaf: {  	[dreg:$0x3] =	wrdreg s5  }
0xb0: {  	[dreg:$0x4] =	wrdreg $0xC0  }
0xb1: {  	_ =	task [dreg:s7], $0x5FFFF  }
0xb2: {  	[dreg:$0x1] =	wrdreg $0xFFFFFFFF  }
0xb3: {  	[dreg:$0x0] =	wrdreg $0x60  }
0xb4: {  	[dreg:$0x2] =	wrdreg s24  }
0xb5: {  	[dreg:$0x3] =	wrdreg s16  }
0xb6: {  	[dreg:$0x4] =	wrdreg $0x50000  }
0xb7: {  	[dreg:$0x5] =	wrdreg $0x9  }
0xb8: {  	_ =	task.clear_ibuf [dreg:s7], $0x6FFFF;
	_ =	strace $0x9000004F  }
0xb9: {  	s29 =	simm.s32 $0x9;
	_ =	strace $0x80000051  }
0xba: {  	_ =	swait.ge [sflag:s29], $0x1  }
0xbb: {  	[sflag:s29] =	ssyncadd.s32 $0xFFFFFFFF  }
0xbc: {  	_ =	strace $0x90000051  }
0xbd: {  	_ =	sfence  }
0xbe: {  	s30 =	sld [smem:$0x0];
	_ =	sdelay $0x2  }
0xbf: {  	s31 =	sshll.u32 s1, $0xD;
	s1 =	sshrl.u32 s1, $0x2  }
0xc0: {  	s3 =	sand.u32 $0x4000, s31;
	s1 =	sadd.s32 s1, s30  }
0xc1: {  	s0 =	sor.u32 s3, s0;
	s1 =	sshll.u32 s1, $0x11  }
0xc2: {  	s0 =	sor.u32 s1, s0  }
0xc3: {  	s0 =	sadd.s32 $0x8F2B, s0  }
0xc4: {  	[sflag:s0] =	ssyncadd.remote.s32 $0x1  }
0xc5: {  	_ =	sfence.sel $0xFFFF  }
0xc6: {  	[dreg:$0x0] =	wrdreg $0xFFFFFFFF;
	(pc) =	sbr.abs _section_cstart, $3  }
0xc7: {  	[dreg:$0x1] =	wrdreg $0xFFFFFFFF  }
0xc8: {  	_ =	task.clear_ibuf [dreg:s7], $0x2FFFF;
	_ =	strace $0x9FFFFFFF  }
0xc9: {  	(tm) =	ssettm $0x7FFFFFFF  }
tec
execute0_lowered:
.L_overlay_start_1:
0x0: {  	(tag) =	ssettag $0x1  }
0x1: {  	s0 =	rddreg [dreg:$0x0]  }
0x2: {  	s1 =	rddreg [dreg:$0x1]  }
0x3: {  	s2 =	rddreg [dreg:$0x2]  }
0x4: {  	s4 =	srdreg.scid;
	s11 =	stileid.u32  }
0x5: {  	s3 =	simm.s32 $0x0;
	s28 =	simm.s32 $0x2;
	s29 =	simm.s32 $0x3  }
0x6: {  	s30 =	simm.s32 $0x4;
	s31 =	simm.s32 $0x0;
	s5 =	smul.u32 $0x2800, s11  }
0x7: {  	s6 =	sand.u32 $0x1, s4;
	[smem:$0x7FF] =	sst s3;
	s18 =	smul.u32 $0x50000, s11  }
0x8: {  	s4 =	sadd.s32 $0x600, s0;
	s8 =	sadd.s32 $0x118600, s0;
	s7 =	smul.u32 $0x28000, s6  }
0x9: {  	_ =	strace $0x80000050;
	s19 =	ssub.s32 $0x2, s6;
	s10 =	sshll.u32 s6, $0x4  }
0xa: {  	s6 =	smul.u32 $0x14000, s6;
	s9 =	sshrl.u32 s19, $0x1;
	s20 =	sor.u32 s11, s10  }
0xb: {  	s5 =	sadd.s32 s5, s7;
	s7 =	sshrl.u32 s18, $0x2;
	s22 =	smul.u32 $0x1400, s20  }
0xc: {  	s18 =	ssub.s32 s19, s9;
	s19 =	smul.u32 $0x1400, s11;
	s25 =	sadd.s32 s6, s8  }
0xd: {  	s0 =	sadd.s32 s5, s0;
	s5 =	sadd.s32 s7, s2;
	s18 =	smax.u32 s18, $0x1  }
0xe: {  	s7 =	sadd.s32 $0x2000, s5;
	s21 =	sadd.s32 $0x4000, s5;
	s23 =	sadd.s32 $0x6000, s5  }
0xf: {  	s24 =	sadd.s32 $0x8000, s5;
	s10 =	sadd.s32 $0xA000, s5;
	s11 =	sadd.s32 $0xC000, s5  }
0x10: {  	s12 =	sadd.s32 $0xE000, s5;
	s13 =	sadd.s32 $0x10000, s5;
	s14 =	sadd.s32 $0x12000, s5  }
0x11: {  	s15 =	sadd.s32 s8, s22;
	s16 =	sadd.s32 s1, s19;
	[dreg:$0x4] =	wrdreg s7  }
0x12: {  	s17 =	sadd.s32 $0x50600, s0;
	s26 =	sadd.s32 s19, s25;
	[dreg:$0x5] =	wrdreg s21  }
0x13: {  	s22 =	simm.s32 $0x5;
	s25 =	simm.s32 $0x1;
	[dreg:$0x6] =	wrdreg s23  }
0x14: {  	[dreg:$0x7] =	wrdreg s24;
	s19 =	sadd.s32 $0x80, s26;
	s20 =	sadd.s32 $0x80, s16  }
0x15: {  	v0 =	vimm.f32 $0.0e+00;
	s21 =	simm.s32 $0x1000;
	s24 =	simm.s32 $0x40;
	s26 =	simm.s32 $0x3000  }
.LBB2_1:
0x16: {  	s0 =	simm.s32 $0x0;
	s1 =	simm.s32 $0x200  }
.LBB2_2:
0x17: {  	p0 =	sne.s32 s1, $0x7E00;
	[tilespmem:s0+$0x1070] =	vst v0  }
0x18: {  	[tilespmem:s0+$0x1000] =	vst v0  }
0x19: {  	[tilespmem:s0+$0x1010] =	vst v0  }
.Ltmp0:
0x1a: {  	[tilespmem:s0+$0x1020] =	vst v0;
	(pc) =	sbr.rel @p0 .LBB2_2-.Ltmp0, $4  }
0x1b: {  	[tilespmem:s0+$0x1030] =	vst v0  }
0x1c: {  	[tilespmem:s0+$0x1040] =	vst v0  }
0x1d: {  	[tilespmem:s0+$0x1050] =	vst v0  }
0x1e: {  	[tilespmem:s0+$0x1060] =	vst v0;
	s0 =	sshra.s32 s1, $0x2;
	s1 =	sadd.s32 $0x200, s1  }
0x1f: {  	[tilespmem:s0+$0x1070] =	vst v0  }
0x20: {  	[tilespmem:s0+$0x1000] =	vst v0  }
0x21: {  	[tilespmem:s0+$0x1010] =	vst v0  }
0x22: {  	[tilespmem:s0+$0x1020] =	vst v0  }
0x23: {  	[tilespmem:s0+$0x1030] =	vst v0  }
0x24: {  	[tilespmem:s0+$0x1040] =	vst v0  }
0x25: {  	[tilespmem:s0+$0x1050] =	vst v0  }
0x26: {  	[tilespmem:s0+$0x1060] =	vst v0  }
0x27: {  	[spmem:s5] =	stream.linear.scatter [tilespmem:s21], [sflag:$0x5], $0x2000, $0x38;
	[tilespmem:$0x19000] =	vst v63  }
0x28: {  	_ =	swait.ge [sflag:s22], $0x2000  }
0x29: {  	[sflag:s22] =	ssyncset.done $0x0  }
0x2a: {  	s23 =	rddreg [dreg:$0x4];
	[sflag:s22] =	ssyncadd.s32 $0xFFFFE000  }
0x2b: {  	[spmem:s23] =	stream.linear.scatter [tilespmem:s21], [sflag:$0x5], $0x2000, $0x38;
	[tilespmem:$0x19000] =	vst v63  }
0x2c: {  	_ =	swait.ge [sflag:s22], $0x2000  }
0x2d: {  	[sflag:s22] =	ssyncset.done $0x0  }
0x2e: {  	s1 =	rddreg [dreg:$0x5];
	[sflag:s22] =	ssyncadd.s32 $0xFFFFE000  }
0x2f: {  	[spmem:s1] =	stream.linear.scatter [tilespmem:s21], [sflag:$0x5], $0x2000, $0x38;
	[tilespmem:$0x19000] =	vst v63  }
0x30: {  	_ =	swait.ge [sflag:s22], $0x2000  }
0x31: {  	[sflag:s22] =	ssyncset.done $0x0  }
0x32: {  	s6 =	rddreg [dreg:$0x6];
	[sflag:s22] =	ssyncadd.s32 $0xFFFFE000  }
0x33: {  	[spmem:s6] =	stream.linear.scatter [tilespmem:s21], [sflag:$0x5], $0x2000, $0x38;
	[tilespmem:$0x19000] =	vst v63  }
0x34: {  	_ =	swait.ge [sflag:s22], $0x2000  }
0x35: {  	[sflag:s22] =	ssyncset.done $0x0  }
0x36: {  	s7 =	rddreg [dreg:$0x7];
	[sflag:s22] =	ssyncadd.s32 $0xFFFFE000  }
0x37: {  	[spmem:s7] =	stream.linear.scatter [tilespmem:s21], [sflag:$0x5], $0x2000, $0x38;
	[tilespmem:$0x19000] =	vst v63  }
0x38: {  	_ =	swait.ge [sflag:s22], $0x2000  }
0x39: {  	[sflag:s22] =	ssyncset.done $0x0  }
0x3a: {  	[sflag:s22] =	ssyncadd.s32 $0xFFFFE000  }
0x3b: {  	[spmem:s10] =	stream.linear.scatter [tilespmem:s21], [sflag:$0x5], $0x2000, $0x38;
	[tilespmem:$0x19000] =	vst v63  }
0x3c: {  	_ =	swait.ge [sflag:s22], $0x2000  }
0x3d: {  	[sflag:s22] =	ssyncset.done $0x0  }
0x3e: {  	[sflag:s22] =	ssyncadd.s32 $0xFFFFE000  }
0x3f: {  	[spmem:s11] =	stream.linear.scatter [tilespmem:s21], [sflag:$0x5], $0x2000, $0x38;
	[tilespmem:$0x19000] =	vst v63  }
0x40: {  	_ =	swait.ge [sflag:s22], $0x2000  }
0x41: {  	[sflag:s22] =	ssyncset.done $0x0  }
0x42: {  	[sflag:s22] =	ssyncadd.s32 $0xFFFFE000  }
0x43: {  	[spmem:s12] =	stream.linear.scatter [tilespmem:s21], [sflag:$0x5], $0x2000, $0x38;
	[tilespmem:$0x19000] =	vst v63  }
0x44: {  	_ =	swait.ge [sflag:s22], $0x2000  }
0x45: {  	[sflag:s22] =	ssyncset.done $0x0  }
0x46: {  	[sflag:s22] =	ssyncadd.s32 $0xFFFFE000  }
0x47: {  	[spmem:s13] =	stream.linear.scatter [tilespmem:s21], [sflag:$0x5], $0x2000, $0x38;
	[tilespmem:$0x19000] =	vst v63  }
0x48: {  	_ =	swait.ge [sflag:s22], $0x2000  }
0x49: {  	[sflag:s22] =	ssyncset.done $0x0  }
0x4a: {  	[sflag:s22] =	ssyncadd.s32 $0xFFFFE000  }
0x4b: {  	[spmem:s14] =	stream.linear.scatter [tilespmem:s21], [sflag:$0x5], $0x2000, $0x38;
	[tilespmem:$0x19000] =	vst v63  }
0x4c: {  	_ =	swait.ge [sflag:s22], $0x2000  }
0x4d: {  	[sflag:s22] =	ssyncset.done $0x0  }
0x4e: {  	[sflag:s22] =	ssyncadd.s32 $0xFFFFE000  }
0x4f: {  	s8 =	simm.s32 $0x0;
	[bflag:$0x0] =	sbarrier.arrive $0xFFFF  }
0x50: {  	[tilespmem:s8], [sflag:$0x5] =	stream.linear.gather [hbm4b:s15+s8], $0x400, $0x38;
	[tilespmem:$0x19000] =	vst v63  }
0x51: {  	_ =	swait.ge [sflag:s22], $0x400  }
0x52: {  	[sflag:s22] =	ssyncset.done $0x0  }
0x53: {  	s1 =	simm.s32 $0x800;
	[sflag:s22] =	ssyncadd.s32 $0xFFFFFC00  }
0x54: {  	[tilespmem:s1], [sflag:$0x5] =	stream.linear.gather [hbm4b:s16+s8], $0x400, $0x38;
	[tilespmem:$0x19000] =	vst v63  }
0x55: {  	_ =	swait.ge [sflag:s22], $0x400  }
0x56: {  	[sflag:s22] =	ssyncset.done $0x0  }
0x57: {  	s0 =	sand.u32 $0x400, s8;
	[sflag:s22] =	ssyncadd.s32 $0xFFFFFC00  }
0x58: {  	[tilespmem:s21], [sflag:$0x1] =	stream.indirect.gather [hbm4b:s4+s24], $0x80, s8, s24, $0xb8;
	[tilespmem:$0x19000] =	vst v63  }
0x59: {  	s1 =	sxor.u32 $0x400, s0  }
0x5a: {  	[tilespmem:s1], [sflag:$0x3] =	stream.linear.gather [hbm4b:s19+s3], $0x400, $0x38;
	[tilespmem:$0x19000] =	vst v63  }
0x5b: {  	s6 =	sor.u32 $0x800, s1  }
0x5c: {  	[tilespmem:s6], [sflag:$0x4] =	stream.linear.gather [hbm4b:s20+s3], $0x400, $0x38;
	[tilespmem:$0x19000] =	vst v63  }
0x5d: {  	_ =	swait.ge [sflag:s25], $0x2000  }
0x5e: {  	[sflag:s25] =	ssyncset.done $0x0  }
0x5f: {  	s9 =	sor.u32 $0x80, s0;
	[sflag:s25] =	ssyncadd.s32 $0xFFFFE000  }
0x60: {  	[tilespmem:s26], [sflag:$0x2] =	stream.indirect.gather [hbm4b:s4+s24], $0x80, s9, s24, $0xb8;
	[tilespmem:$0x19000] =	vst v63  }
0x61: {  	s23 =	sor.u32 $0x800, s0  }
0x62: {  	[spmem:s2] =	stream.indirect.scatter.add.f32 [tilespmem:s21], [sflag:$0x5], $0x80, s23, s24, $0xb8;
	[tilespmem:$0x19000] =	vst v63  }
0x63: {  	_ =	swait.ge [sflag:s22], $0x2000  }
0x64: {  	[sflag:s22] =	ssyncset.done $0x0  }
0x65: {  	[sflag:s22] =	ssyncadd.s32 $0xFFFFE000  }
0x66: {  	_ =	swait.ge [sflag:s28], $0x2000  }
0x67: {  	[sflag:s28] =	ssyncset.done $0x0  }
0x68: {  	s7 =	sor.u32 $0x100, s0;
	[sflag:s28] =	ssyncadd.s32 $0xFFFFE000  }
0x69: {  	[tilespmem:s21], [sflag:$0x1] =	stream.indirect.gather [hbm4b:s4+s24], $0x80, s7, s24, $0xb8;
	[tilespmem:$0x19000] =	vst v63  }
0x6a: {  	s8 =	sor.u32 $0x880, s0  }
0x6b: {  	[spmem:s2] =	stream.indirect.scatter.add.f32 [tilespmem:s26], [sflag:$0x5], $0x80, s8, s24, $0xb8;
	[tilespmem:$0x19000] =	vst v63  }
0x6c: {  	_ =	swait.ge [sflag:s22], $0x2000  }
0x6d: {  	[sflag:s22] =	ssyncset.done $0x0  }
0x6e: {  	[sflag:s22] =	ssyncadd.s32 $0xFFFFE000  }
0x6f: {  	_ =	swait.ge [sflag:s25], $0x2000  }
0x70: {  	[sflag:s25] =	ssyncset.done $0x0  }
0x71: {  	s9 =	sor.u32 $0x180, s0;
	[sflag:s25] =	ssyncadd.s32 $0xFFFFE000  }
0x72: {  	[tilespmem:s26], [sflag:$0x2] =	stream.indirect.gather [hbm4b:s4+s24], $0x80, s9, s24, $0xb8;
	[tilespmem:$0x19000] =	vst v63  }
0x73: {  	s23 =	sor.u32 $0x900, s0  }
0x74: {  	[spmem:s2] =	stream.indirect.scatter.add.f32 [tilespmem:s21], [sflag:$0x5], $0x80, s23, s24, $0xb8;
	[tilespmem:$0x19000] =	vst v63  }
0x75: {  	_ =	swait.ge [sflag:s22], $0x2000  }
0x76: {  	[sflag:s22] =	ssyncset.done $0x0  }
0x77: {  	[sflag:s22] =	ssyncadd.s32 $0xFFFFE000  }
0x78: {  	_ =	swait.ge [sflag:s28], $0x2000  }
0x79: {  	[sflag:s28] =	ssyncset.done $0x0  }
0x7a: {  	s7 =	sor.u32 $0x200, s0;
	[sflag:s28] =	ssyncadd.s32 $0xFFFFE000  }
0x7b: {  	[tilespmem:s21], [sflag:$0x1] =	stream.indirect.gather [hbm4b:s4+s24], $0x80, s7, s24, $0xb8;
	[tilespmem:$0x19000] =	vst v63  }
0x7c: {  	s8 =	sor.u32 $0x980, s0  }
0x7d: {  	[spmem:s2] =	stream.indirect.scatter.add.f32 [tilespmem:s26], [sflag:$0x5], $0x80, s8, s24, $0xb8;
	[tilespmem:$0x19000] =	vst v63  }
0x7e: {  	_ =	swait.ge [sflag:s22], $0x2000  }
0x7f: {  	[sflag:s22] =	ssyncset.done $0x0  }
0x80: {  	[sflag:s22] =	ssyncadd.s32 $0xFFFFE000  }
0x81: {  	_ =	swait.ge [sflag:s25], $0x2000  }
0x82: {  	[sflag:s25] =	ssyncset.done $0x0  }
0x83: {  	s9 =	sor.u32 $0x280, s0;
	[sflag:s25] =	ssyncadd.s32 $0xFFFFE000  }
0x84: {  	[tilespmem:s26], [sflag:$0x2] =	stream.indirect.gather [hbm4b:s4+s24], $0x80, s9, s24, $0xb8;
	[tilespmem:$0x19000] =	vst v63  }
0x85: {  	s23 =	sor.u32 $0xA00, s0  }
0x86: {  	[spmem:s2] =	stream.indirect.scatter.add.f32 [tilespmem:s21], [sflag:$0x5], $0x80, s23, s24, $0xb8;
	[tilespmem:$0x19000] =	vst v63  }
0x87: {  	_ =	swait.ge [sflag:s22], $0x2000  }
0x88: {  	[sflag:s22] =	ssyncset.done $0x0  }
0x89: {  	[sflag:s22] =	ssyncadd.s32 $0xFFFFE000  }
0x8a: {  	_ =	swait.ge [sflag:s28], $0x2000  }
0x8b: {  	[sflag:s28] =	ssyncset.done $0x0  }
0x8c: {  	s7 =	sor.u32 $0x300, s0;
	[sflag:s28] =	ssyncadd.s32 $0xFFFFE000  }
0x8d: {  	[tilespmem:s21], [sflag:$0x1] =	stream.indirect.gather [hbm4b:s4+s24], $0x80, s7, s24, $0xb8;
	[tilespmem:$0x19000] =	vst v63  }
0x8e: {  	s8 =	sor.u32 $0xA80, s0  }
0x8f: {  	[spmem:s2] =	stream.indirect.scatter.add.f32 [tilespmem:s26], [sflag:$0x5], $0x80, s8, s24, $0xb8;
	[tilespmem:$0x19000] =	vst v63  }
0x90: {  	_ =	swait.ge [sflag:s22], $0x2000  }
0x91: {  	[sflag:s22] =	ssyncset.done $0x0  }
0x92: {  	[sflag:s22] =	ssyncadd.s32 $0xFFFFE000  }
0x93: {  	_ =	swait.ge [sflag:s25], $0x2000  }
0x94: {  	[sflag:s25] =	ssyncset.done $0x0  }
0x95: {  	[sflag:s25] =	ssyncadd.s32 $0xFFFFE000  }
0x96: {  	_ =	swait.ge [sflag:s29], $0x400  }
0x97: {  	[sflag:s29] =	ssyncset.done $0x0  }
0x98: {  	[sflag:s29] =	ssyncadd.s32 $0xFFFFFC00  }
0x99: {  	_ =	swait.ge [sflag:s30], $0x400  }
0x9a: {  	[sflag:s30] =	ssyncset.done $0x0  }
0x9b: {  	s9 =	sor.u32 $0x380, s0;
	[sflag:s30] =	ssyncadd.s32 $0xFFFFFC00  }
0x9c: {  	[tilespmem:s26], [sflag:$0x2] =	stream.indirect.gather [hbm4b:s4+s24], $0x80, s9, s24, $0xb8;
	[tilespmem:$0x19000] =	vst v63  }
0x9d: {  	s23 =	sor.u32 $0xB00, s0  }
0x9e: {  	[spmem:s2] =	stream.indirect.scatter.add.f32 [tilespmem:s21], [sflag:$0x5], $0x80, s23, s24, $0xb8;
	[tilespmem:$0x19000] =	vst v63  }
0x9f: {  	_ =	swait.ge [sflag:s22], $0x2000  }
0xa0: {  	[sflag:s22] =	ssyncset.done $0x0  }
0xa1: {  	[sflag:s22] =	ssyncadd.s32 $0xFFFFE000  }
0xa2: {  	_ =	swait.ge [sflag:s28], $0x2000  }
0xa3: {  	[sflag:s28] =	ssyncset.done $0x0  }
0xa4: {  	[sflag:s28] =	ssyncadd.s32 $0xFFFFE000  }
0xa5: {  	[tilespmem:s21], [sflag:$0x1] =	stream.indirect.gather [hbm4b:s4+s24], $0x80, s1, s24, $0xb8;
	[tilespmem:$0x19000] =	vst v63  }
0xa6: {  	s0 =	sor.u32 $0xB80, s0  }
0xa7: {  	[spmem:s2] =	stream.indirect.scatter.add.f32 [tilespmem:s26], [sflag:$0x5], $0x80, s0, s24, $0xb8;
	[tilespmem:$0x19000] =	vst v63  }
0xa8: {  	s8 =	simm.s32 $0x800;
	s23 =	sadd.s32 $0x80, s19;
	_ =	swait.ge [sflag:s22], $0x2000  }
0xa9: {  	s1 =	simm.s32 $0x400;
	s0 =	sadd.s32 $0x80, s20;
	[sflag:s22] =	ssyncset.done $0x0  }
.LBB2_4:
0xaa: {  	s7 =	sand.u32 $0x400, s1  }
0xab: {  	[sflag:s22] =	ssyncadd.s32 $0xFFFFE000;
	s1 =	smov.u32 s8;
	s6 =	sadd.s32 $0x400, s8  }
0xac: {  	p0 =	sne.s32 s8, $0x9800;
	s8 =	sxor.u32 $0x400, s7  }
0xad: {  	[tilespmem:s8], [sflag:$0x3] =	stream.linear.gather [hbm4b:s23+s3], $0x400, $0x38;
	[tilespmem:$0x19000] =	vst v63  }
0xae: {  	s9 =	sor.u32 $0x800, s8  }
0xaf: {  	[tilespmem:s9], [sflag:$0x4] =	stream.linear.gather [hbm4b:s0+s3], $0x400, $0x38;
	[tilespmem:$0x19000] =	vst v63  }
0xb0: {  	_ =	swait.ge [sflag:s25], $0x2000  }
0xb1: {  	[sflag:s25] =	ssyncset.done $0x0  }
0xb2: {  	s9 =	sor.u32 $0x80, s7;
	[sflag:s25] =	ssyncadd.s32 $0xFFFFE000  }
0xb3: {  	[tilespmem:s26], [sflag:$0x2] =	stream.indirect.gather [hbm4b:s4+s24], $0x80, s9, s24, $0xb8;
	[tilespmem:$0x19000] =	vst v63  }
0xb4: {  	s9 =	sor.u32 $0x800, s7  }
0xb5: {  	[spmem:s2] =	stream.indirect.scatter.add.f32 [tilespmem:s21], [sflag:$0x5], $0x80, s9, s24, $0xb8;
	[tilespmem:$0x19000] =	vst v63  }
0xb6: {  	_ =	swait.ge [sflag:s22], $0x2000  }
0xb7: {  	[sflag:s22] =	ssyncset.done $0x0  }
0xb8: {  	[sflag:s22] =	ssyncadd.s32 $0xFFFFE000  }
0xb9: {  	_ =	swait.ge [sflag:s28], $0x2000  }
0xba: {  	[sflag:s28] =	ssyncset.done $0x0  }
0xbb: {  	s9 =	sor.u32 $0x100, s7;
	[sflag:s28] =	ssyncadd.s32 $0xFFFFE000  }
0xbc: {  	[tilespmem:s21], [sflag:$0x1] =	stream.indirect.gather [hbm4b:s4+s24], $0x80, s9, s24, $0xb8;
	[tilespmem:$0x19000] =	vst v63  }
0xbd: {  	s9 =	sor.u32 $0x880, s7  }
0xbe: {  	[spmem:s2] =	stream.indirect.scatter.add.f32 [tilespmem:s26], [sflag:$0x5], $0x80, s9, s24, $0xb8;
	[tilespmem:$0x19000] =	vst v63  }
0xbf: {  	_ =	swait.ge [sflag:s22], $0x2000  }
0xc0: {  	[sflag:s22] =	ssyncset.done $0x0  }
0xc1: {  	[sflag:s22] =	ssyncadd.s32 $0xFFFFE000  }
0xc2: {  	_ =	swait.ge [sflag:s25], $0x2000  }
0xc3: {  	[sflag:s25] =	ssyncset.done $0x0  }
0xc4: {  	s9 =	sor.u32 $0x180, s7;
	[sflag:s25] =	ssyncadd.s32 $0xFFFFE000  }
0xc5: {  	[tilespmem:s26], [sflag:$0x2] =	stream.indirect.gather [hbm4b:s4+s24], $0x80, s9, s24, $0xb8;
	[tilespmem:$0x19000] =	vst v63  }
0xc6: {  	s9 =	sor.u32 $0x900, s7  }
0xc7: {  	[spmem:s2] =	stream.indirect.scatter.add.f32 [tilespmem:s21], [sflag:$0x5], $0x80, s9, s24, $0xb8;
	[tilespmem:$0x19000] =	vst v63  }
0xc8: {  	_ =	swait.ge [sflag:s22], $0x2000  }
0xc9: {  	[sflag:s22] =	ssyncset.done $0x0  }
0xca: {  	[sflag:s22] =	ssyncadd.s32 $0xFFFFE000  }
0xcb: {  	_ =	swait.ge [sflag:s28], $0x2000  }
0xcc: {  	[sflag:s28] =	ssyncset.done $0x0  }
0xcd: {  	s9 =	sor.u32 $0x200, s7;
	[sflag:s28] =	ssyncadd.s32 $0xFFFFE000  }
0xce: {  	[tilespmem:s21], [sflag:$0x1] =	stream.indirect.gather [hbm4b:s4+s24], $0x80, s9, s24, $0xb8;
	[tilespmem:$0x19000] =	vst v63  }
0xcf: {  	s9 =	sor.u32 $0x980, s7  }
0xd0: {  	[spmem:s2] =	stream.indirect.scatter.add.f32 [tilespmem:s26], [sflag:$0x5], $0x80, s9, s24, $0xb8;
	[tilespmem:$0x19000] =	vst v63  }
0xd1: {  	_ =	swait.ge [sflag:s22], $0x2000  }
0xd2: {  	[sflag:s22] =	ssyncset.done $0x0  }
0xd3: {  	[sflag:s22] =	ssyncadd.s32 $0xFFFFE000  }
0xd4: {  	_ =	swait.ge [sflag:s25], $0x2000  }
0xd5: {  	[sflag:s25] =	ssyncset.done $0x0  }
0xd6: {  	s9 =	sor.u32 $0x280, s7;
	[sflag:s25] =	ssyncadd.s32 $0xFFFFE000  }
0xd7: {  	[tilespmem:s26], [sflag:$0x2] =	stream.indirect.gather [hbm4b:s4+s24], $0x80, s9, s24, $0xb8;
	[tilespmem:$0x19000] =	vst v63  }
0xd8: {  	s9 =	sor.u32 $0xA00, s7  }
0xd9: {  	[spmem:s2] =	stream.indirect.scatter.add.f32 [tilespmem:s21], [sflag:$0x5], $0x80, s9, s24, $0xb8;
	[tilespmem:$0x19000] =	vst v63  }
0xda: {  	_ =	swait.ge [sflag:s22], $0x2000  }
0xdb: {  	[sflag:s22] =	ssyncset.done $0x0  }
0xdc: {  	[sflag:s22] =	ssyncadd.s32 $0xFFFFE000  }
0xdd: {  	_ =	swait.ge [sflag:s28], $0x2000  }
0xde: {  	[sflag:s28] =	ssyncset.done $0x0  }
0xdf: {  	s9 =	sor.u32 $0x300, s7;
	[sflag:s28] =	ssyncadd.s32 $0xFFFFE000  }
0xe0: {  	[tilespmem:s21], [sflag:$0x1] =	stream.indirect.gather [hbm4b:s4+s24], $0x80, s9, s24, $0xb8;
	[tilespmem:$0x19000] =	vst v63  }
0xe1: {  	s9 =	sor.u32 $0xA80, s7  }
0xe2: {  	[spmem:s2] =	stream.indirect.scatter.add.f32 [tilespmem:s26], [sflag:$0x5], $0x80, s9, s24, $0xb8;
	[tilespmem:$0x19000] =	vst v63  }
0xe3: {  	_ =	swait.ge [sflag:s22], $0x2000  }
0xe4: {  	[sflag:s22] =	ssyncset.done $0x0  }
0xe5: {  	[sflag:s22] =	ssyncadd.s32 $0xFFFFE000  }
0xe6: {  	_ =	swait.ge [sflag:s25], $0x2000  }
0xe7: {  	[sflag:s25] =	ssyncset.done $0x0  }
0xe8: {  	[sflag:s25] =	ssyncadd.s32 $0xFFFFE000  }
0xe9: {  	_ =	swait.ge [sflag:s29], $0x400  }
0xea: {  	[sflag:s29] =	ssyncset.done $0x0  }
0xeb: {  	[sflag:s29] =	ssyncadd.s32 $0xFFFFFC00  }
0xec: {  	_ =	swait.ge [sflag:s30], $0x400  }
0xed: {  	[sflag:s30] =	ssyncset.done $0x0  }
0xee: {  	s9 =	sor.u32 $0x380, s7;
	[sflag:s30] =	ssyncadd.s32 $0xFFFFFC00  }
0xef: {  	[tilespmem:s26], [sflag:$0x2] =	stream.indirect.gather [hbm4b:s4+s24], $0x80, s9, s24, $0xb8;
	[tilespmem:$0x19000] =	vst v63  }
0xf0: {  	s9 =	sor.u32 $0xB00, s7  }
0xf1: {  	[spmem:s2] =	stream.indirect.scatter.add.f32 [tilespmem:s21], [sflag:$0x5], $0x80, s9, s24, $0xb8;
	[tilespmem:$0x19000] =	vst v63  }
0xf2: {  	_ =	swait.ge [sflag:s22], $0x2000  }
0xf3: {  	[sflag:s22] =	ssyncset.done $0x0  }
0xf4: {  	[sflag:s22] =	ssyncadd.s32 $0xFFFFE000  }
0xf5: {  	_ =	swait.ge [sflag:s28], $0x2000  }
0xf6: {  	[sflag:s28] =	ssyncset.done $0x0  }
0xf7: {  	[sflag:s28] =	ssyncadd.s32 $0xFFFFE000  }
0xf8: {  	[tilespmem:s21], [sflag:$0x1] =	stream.indirect.gather [hbm4b:s4+s24], $0x80, s8, s24, $0xb8;
	[tilespmem:$0x19000] =	vst v63  }
.Ltmp1:
0xf9: {  	_ = 	snop;
	(pc) =	sbr.rel @p0 .LBB2_4-.Ltmp1, $4  }
0xfa: {  	s7 =	sor.u32 $0xB80, s7  }
0xfb: {  	[spmem:s2] =	stream.indirect.scatter.add.f32 [tilespmem:s26], [sflag:$0x5], $0x80, s7, s24, $0xb8;
	[tilespmem:$0x19000] =	vst v63  }
0xfc: {  	s23 =	sadd.s32 $0x80, s23;
	_ =	swait.ge [sflag:s22], $0x2000  }
0xfd: {  	s0 =	sadd.s32 $0x80, s0;
	s8 =	smov.u32 s6;
	[sflag:s22] =	ssyncset.done $0x0  }
0xfe: {  	s1 =	sand.u32 $0x400, s1  }
0xff: {  	[sflag:s22] =	ssyncadd.s32 $0xFFFFE000;
	s6 =	sxor.u32 $0x400, s1  }
0x100: {  	[tilespmem:s6], [sflag:$0x3] =	stream.linear.gather [hbm4b:s23+s3], $0x400, $0x38;
	[tilespmem:$0x19000] =	vst v63  }
0x101: {  	s7 =	sor.u32 $0x800, s6  }
0x102: {  	[tilespmem:s7], [sflag:$0x4] =	stream.linear.gather [hbm4b:s0+s3], $0x400, $0x38;
	[tilespmem:$0x19000] =	vst v63  }
0x103: {  	_ =	swait.ge [sflag:s25], $0x2000  }
0x104: {  	[sflag:s25] =	ssyncset.done $0x0  }
0x105: {  	s9 =	sor.u32 $0x80, s1;
	[sflag:s25] =	ssyncadd.s32 $0xFFFFE000  }
0x106: {  	[tilespmem:s26], [sflag:$0x2] =	stream.indirect.gather [hbm4b:s4+s24], $0x80, s9, s24, $0xb8;
	[tilespmem:$0x19000] =	vst v63  }
0x107: {  	s23 =	sor.u32 $0x800, s1  }
0x108: {  	[spmem:s2] =	stream.indirect.scatter.add.f32 [tilespmem:s21], [sflag:$0x5], $0x80, s23, s24, $0xb8;
	[tilespmem:$0x19000] =	vst v63  }
0x109: {  	_ =	swait.ge [sflag:s22], $0x2000  }
0x10a: {  	[sflag:s22] =	ssyncset.done $0x0  }
0x10b: {  	[sflag:s22] =	ssyncadd.s32 $0xFFFFE000  }
0x10c: {  	_ =	swait.ge [sflag:s28], $0x2000  }
0x10d: {  	[sflag:s28] =	ssyncset.done $0x0  }
0x10e: {  	s7 =	sor.u32 $0x100, s1;
	[sflag:s28] =	ssyncadd.s32 $0xFFFFE000  }
0x10f: {  	[tilespmem:s21], [sflag:$0x1] =	stream.indirect.gather [hbm4b:s4+s24], $0x80, s7, s24, $0xb8;
	[tilespmem:$0x19000] =	vst v63  }
0x110: {  	s8 =	sor.u32 $0x880, s1  }
0x111: {  	[spmem:s2] =	stream.indirect.scatter.add.f32 [tilespmem:s26], [sflag:$0x5], $0x80, s8, s24, $0xb8;
	[tilespmem:$0x19000] =	vst v63  }
0x112: {  	_ =	swait.ge [sflag:s22], $0x2000  }
0x113: {  	[sflag:s22] =	ssyncset.done $0x0  }
0x114: {  	[sflag:s22] =	ssyncadd.s32 $0xFFFFE000  }
0x115: {  	_ =	swait.ge [sflag:s25], $0x2000  }
0x116: {  	[sflag:s25] =	ssyncset.done $0x0  }
0x117: {  	s9 =	sor.u32 $0x180, s1;
	[sflag:s25] =	ssyncadd.s32 $0xFFFFE000  }
0x118: {  	[tilespmem:s26], [sflag:$0x2] =	stream.indirect.gather [hbm4b:s4+s24], $0x80, s9, s24, $0xb8;
	[tilespmem:$0x19000] =	vst v63  }
0x119: {  	s23 =	sor.u32 $0x900, s1  }
0x11a: {  	[spmem:s2] =	stream.indirect.scatter.add.f32 [tilespmem:s21], [sflag:$0x5], $0x80, s23, s24, $0xb8;
	[tilespmem:$0x19000] =	vst v63  }
0x11b: {  	_ =	swait.ge [sflag:s22], $0x2000  }
0x11c: {  	[sflag:s22] =	ssyncset.done $0x0  }
0x11d: {  	[sflag:s22] =	ssyncadd.s32 $0xFFFFE000  }
0x11e: {  	_ =	swait.ge [sflag:s28], $0x2000  }
0x11f: {  	[sflag:s28] =	ssyncset.done $0x0  }
0x120: {  	s7 =	sor.u32 $0x200, s1;
	[sflag:s28] =	ssyncadd.s32 $0xFFFFE000  }
0x121: {  	[tilespmem:s21], [sflag:$0x1] =	stream.indirect.gather [hbm4b:s4+s24], $0x80, s7, s24, $0xb8;
	[tilespmem:$0x19000] =	vst v63  }
0x122: {  	s8 =	sor.u32 $0x980, s1  }
0x123: {  	[spmem:s2] =	stream.indirect.scatter.add.f32 [tilespmem:s26], [sflag:$0x5], $0x80, s8, s24, $0xb8;
	[tilespmem:$0x19000] =	vst v63  }
0x124: {  	_ =	swait.ge [sflag:s22], $0x2000  }
0x125: {  	[sflag:s22] =	ssyncset.done $0x0  }
0x126: {  	[sflag:s22] =	ssyncadd.s32 $0xFFFFE000  }
0x127: {  	_ =	swait.ge [sflag:s25], $0x2000  }
0x128: {  	[sflag:s25] =	ssyncset.done $0x0  }
0x129: {  	s9 =	sor.u32 $0x280, s1;
	[sflag:s25] =	ssyncadd.s32 $0xFFFFE000  }
0x12a: {  	[tilespmem:s26], [sflag:$0x2] =	stream.indirect.gather [hbm4b:s4+s24], $0x80, s9, s24, $0xb8;
	[tilespmem:$0x19000] =	vst v63  }
0x12b: {  	s23 =	sor.u32 $0xA00, s1  }
0x12c: {  	[spmem:s2] =	stream.indirect.scatter.add.f32 [tilespmem:s21], [sflag:$0x5], $0x80, s23, s24, $0xb8;
	[tilespmem:$0x19000] =	vst v63  }
0x12d: {  	_ =	swait.ge [sflag:s22], $0x2000  }
0x12e: {  	[sflag:s22] =	ssyncset.done $0x0  }
0x12f: {  	[sflag:s22] =	ssyncadd.s32 $0xFFFFE000  }
0x130: {  	_ =	swait.ge [sflag:s28], $0x2000  }
0x131: {  	[sflag:s28] =	ssyncset.done $0x0  }
0x132: {  	s7 =	sor.u32 $0x300, s1;
	[sflag:s28] =	ssyncadd.s32 $0xFFFFE000  }
0x133: {  	[tilespmem:s21], [sflag:$0x1] =	stream.indirect.gather [hbm4b:s4+s24], $0x80, s7, s24, $0xb8;
	[tilespmem:$0x19000] =	vst v63  }
0x134: {  	s8 =	sor.u32 $0xA80, s1  }
0x135: {  	[spmem:s2] =	stream.indirect.scatter.add.f32 [tilespmem:s26], [sflag:$0x5], $0x80, s8, s24, $0xb8;
	[tilespmem:$0x19000] =	vst v63  }
0x136: {  	_ =	swait.ge [sflag:s22], $0x2000  }
0x137: {  	[sflag:s22] =	ssyncset.done $0x0  }
0x138: {  	[sflag:s22] =	ssyncadd.s32 $0xFFFFE000  }
0x139: {  	_ =	swait.ge [sflag:s25], $0x2000  }
0x13a: {  	[sflag:s25] =	ssyncset.done $0x0  }
0x13b: {  	[sflag:s25] =	ssyncadd.s32 $0xFFFFE000  }
0x13c: {  	_ =	swait.ge [sflag:s29], $0x400  }
0x13d: {  	[sflag:s29] =	ssyncset.done $0x0  }
0x13e: {  	[sflag:s29] =	ssyncadd.s32 $0xFFFFFC00  }
0x13f: {  	_ =	swait.ge [sflag:s30], $0x400  }
0x140: {  	[sflag:s30] =	ssyncset.done $0x0  }
0x141: {  	s9 =	sor.u32 $0x380, s1;
	[sflag:s30] =	ssyncadd.s32 $0xFFFFFC00  }
0x142: {  	[tilespmem:s26], [sflag:$0x2] =	stream.indirect.gather [hbm4b:s4+s24], $0x80, s9, s24, $0xb8;
	[tilespmem:$0x19000] =	vst v63  }
0x143: {  	s23 =	sor.u32 $0xB00, s1  }
0x144: {  	[spmem:s2] =	stream.indirect.scatter.add.f32 [tilespmem:s21], [sflag:$0x5], $0x80, s23, s24, $0xb8;
	[tilespmem:$0x19000] =	vst v63  }
0x145: {  	_ =	swait.ge [sflag:s22], $0x2000  }
0x146: {  	[sflag:s22] =	ssyncset.done $0x0  }
0x147: {  	[sflag:s22] =	ssyncadd.s32 $0xFFFFE000  }
0x148: {  	_ =	swait.ge [sflag:s28], $0x2000  }
0x149: {  	[sflag:s28] =	ssyncset.done $0x0  }
0x14a: {  	[sflag:s28] =	ssyncadd.s32 $0xFFFFE000  }
0x14b: {  	[tilespmem:s21], [sflag:$0x1] =	stream.indirect.gather [hbm4b:s4+s24], $0x80, s6, s24, $0xb8;
	[tilespmem:$0x19000] =	vst v63  }
0x14c: {  	s1 =	sor.u32 $0xB80, s1  }
0x14d: {  	[spmem:s2] =	stream.indirect.scatter.add.f32 [tilespmem:s26], [sflag:$0x5], $0x80, s1, s24, $0xb8;
	[tilespmem:$0x19000] =	vst v63  }
0x14e: {  	_ =	swait.ge [sflag:s22], $0x2000  }
0x14f: {  	[sflag:s22] =	ssyncset.done $0x0  }
0x150: {  	[sflag:s22] =	ssyncadd.s32 $0xFFFFE000  }
0x151: {  	_ =	swait.ge [sflag:s25], $0x2000  }
0x152: {  	[sflag:s25] =	ssyncset.done $0x0  }
0x153: {  	s6 =	simm.s32 $0x480;
	[sflag:s25] =	ssyncadd.s32 $0xFFFFE000  }
0x154: {  	[tilespmem:s26], [sflag:$0x2] =	stream.indirect.gather [hbm4b:s4+s24], $0x80, s6, s24, $0xb8;
	[tilespmem:$0x19000] =	vst v63  }
0x155: {  	s7 =	simm.s32 $0xC00  }
0x156: {  	[spmem:s2] =	stream.indirect.scatter.add.f32 [tilespmem:s21], [sflag:$0x5], $0x80, s7, s24, $0xb8;
	[tilespmem:$0x19000] =	vst v63  }
0x157: {  	_ =	swait.ge [sflag:s22], $0x2000  }
0x158: {  	[sflag:s22] =	ssyncset.done $0x0  }
0x159: {  	[sflag:s22] =	ssyncadd.s32 $0xFFFFE000  }
0x15a: {  	_ =	swait.ge [sflag:s28], $0x2000  }
0x15b: {  	[sflag:s28] =	ssyncset.done $0x0  }
0x15c: {  	s8 =	simm.s32 $0x500;
	[sflag:s28] =	ssyncadd.s32 $0xFFFFE000  }
0x15d: {  	[tilespmem:s21], [sflag:$0x1] =	stream.indirect.gather [hbm4b:s4+s24], $0x80, s8, s24, $0xb8;
	[tilespmem:$0x19000] =	vst v63  }
0x15e: {  	s9 =	simm.s32 $0xC80  }
0x15f: {  	[spmem:s2] =	stream.indirect.scatter.add.f32 [tilespmem:s26], [sflag:$0x5], $0x80, s9, s24, $0xb8;
	[tilespmem:$0x19000] =	vst v63  }
0x160: {  	_ =	swait.ge [sflag:s22], $0x2000  }
0x161: {  	[sflag:s22] =	ssyncset.done $0x0  }
0x162: {  	[sflag:s22] =	ssyncadd.s32 $0xFFFFE000  }
0x163: {  	_ =	swait.ge [sflag:s25], $0x2000  }
0x164: {  	[sflag:s25] =	ssyncset.done $0x0  }
0x165: {  	s23 =	simm.s32 $0x580;
	[sflag:s25] =	ssyncadd.s32 $0xFFFFE000  }
0x166: {  	[tilespmem:s26], [sflag:$0x2] =	stream.indirect.gather [hbm4b:s4+s24], $0x80, s23, s24, $0xb8;
	[tilespmem:$0x19000] =	vst v63  }
0x167: {  	s1 =	simm.s32 $0xD00  }
0x168: {  	[spmem:s2] =	stream.indirect.scatter.add.f32 [tilespmem:s21], [sflag:$0x5], $0x80, s1, s24, $0xb8;
	[tilespmem:$0x19000] =	vst v63  }
0x169: {  	_ =	swait.ge [sflag:s22], $0x2000  }
0x16a: {  	[sflag:s22] =	ssyncset.done $0x0  }
0x16b: {  	[sflag:s22] =	ssyncadd.s32 $0xFFFFE000  }
0x16c: {  	_ =	swait.ge [sflag:s28], $0x2000  }
0x16d: {  	[sflag:s28] =	ssyncset.done $0x0  }
0x16e: {  	s6 =	simm.s32 $0x600;
	[sflag:s28] =	ssyncadd.s32 $0xFFFFE000  }
0x16f: {  	[tilespmem:s21], [sflag:$0x1] =	stream.indirect.gather [hbm4b:s4+s24], $0x80, s6, s24, $0xb8;
	[tilespmem:$0x19000] =	vst v63  }
0x170: {  	s7 =	simm.s32 $0xD80  }
0x171: {  	[spmem:s2] =	stream.indirect.scatter.add.f32 [tilespmem:s26], [sflag:$0x5], $0x80, s7, s24, $0xb8;
	[tilespmem:$0x19000] =	vst v63  }
0x172: {  	_ =	swait.ge [sflag:s22], $0x2000  }
0x173: {  	[sflag:s22] =	ssyncset.done $0x0  }
0x174: {  	[sflag:s22] =	ssyncadd.s32 $0xFFFFE000  }
0x175: {  	_ =	swait.ge [sflag:s25], $0x2000  }
0x176: {  	[sflag:s25] =	ssyncset.done $0x0  }
0x177: {  	s8 =	simm.s32 $0x680;
	[sflag:s25] =	ssyncadd.s32 $0xFFFFE000  }
0x178: {  	[tilespmem:s26], [sflag:$0x2] =	stream.indirect.gather [hbm4b:s4+s24], $0x80, s8, s24, $0xb8;
	[tilespmem:$0x19000] =	vst v63  }
0x179: {  	s9 =	simm.s32 $0xE00  }
0x17a: {  	[spmem:s2] =	stream.indirect.scatter.add.f32 [tilespmem:s21], [sflag:$0x5], $0x80, s9, s24, $0xb8;
	[tilespmem:$0x19000] =	vst v63  }
0x17b: {  	_ =	swait.ge [sflag:s22], $0x2000  }
0x17c: {  	[sflag:s22] =	ssyncset.done $0x0  }
0x17d: {  	[sflag:s22] =	ssyncadd.s32 $0xFFFFE000  }
0x17e: {  	_ =	swait.ge [sflag:s28], $0x2000  }
0x17f: {  	[sflag:s28] =	ssyncset.done $0x0  }
0x180: {  	s23 =	simm.s32 $0x700;
	[sflag:s28] =	ssyncadd.s32 $0xFFFFE000  }
0x181: {  	[tilespmem:s21], [sflag:$0x1] =	stream.indirect.gather [hbm4b:s4+s24], $0x80, s23, s24, $0xb8;
	[tilespmem:$0x19000] =	vst v63  }
0x182: {  	s1 =	simm.s32 $0xE80  }
0x183: {  	[spmem:s2] =	stream.indirect.scatter.add.f32 [tilespmem:s26], [sflag:$0x5], $0x80, s1, s24, $0xb8;
	[tilespmem:$0x19000] =	vst v63  }
0x184: {  	_ =	swait.ge [sflag:s22], $0x2000  }
0x185: {  	[sflag:s22] =	ssyncset.done $0x0  }
0x186: {  	[sflag:s22] =	ssyncadd.s32 $0xFFFFE000  }
0x187: {  	_ =	swait.ge [sflag:s25], $0x2000  }
0x188: {  	[sflag:s25] =	ssyncset.done $0x0  }
0x189: {  	s6 =	simm.s32 $0x780;
	[sflag:s25] =	ssyncadd.s32 $0xFFFFE000  }
0x18a: {  	[tilespmem:s26], [sflag:$0x2] =	stream.indirect.gather [hbm4b:s4+s24], $0x80, s6, s24, $0xb8;
	[tilespmem:$0x19000] =	vst v63  }
0x18b: {  	s7 =	simm.s32 $0xF00  }
0x18c: {  	[spmem:s2] =	stream.indirect.scatter.add.f32 [tilespmem:s21], [sflag:$0x5], $0x80, s7, s24, $0xb8;
	[tilespmem:$0x19000] =	vst v63  }
0x18d: {  	_ =	swait.ge [sflag:s22], $0x2000  }
0x18e: {  	[sflag:s22] =	ssyncset.done $0x0  }
0x18f: {  	[sflag:s22] =	ssyncadd.s32 $0xFFFFE000  }
0x190: {  	_ =	swait.ge [sflag:s28], $0x2000  }
0x191: {  	[sflag:s28] =	ssyncset.done $0x0  }
0x192: {  	s8 =	simm.s32 $0xF80;
	[sflag:s28] =	ssyncadd.s32 $0xFFFFE000  }
0x193: {  	[spmem:s2] =	stream.indirect.scatter.add.f32 [tilespmem:s26], [sflag:$0x5], $0x80, s8, s24, $0xb8;
	[tilespmem:$0x19000] =	vst v63  }
0x194: {  	s9 =	stileid.u32;
	_ =	swait.ge [sflag:s22], $0x2000  }
0x195: {  	s31 =	sadd.s32 $0x1, s31;
	s0 =	sshll.u32 s9, $0x6;
	[sflag:s22] =	ssyncset.done $0x0  }
0x196: {  	p0 =	sne.s32 s31, s18;
	s0 =	sor.u32 $0x1C05, s0;
	[sflag:s22] =	ssyncadd.s32 $0xFFFFE000  }
.Ltmp2:
0x197: {  	s23 =	sshrl.u32 s5, $0x3;
	[bflag:$0x0] =	sbarrier.arrive $0xFFFF;
	(pc) =	sbr.rel @p0 .LBB2_1-.Ltmp2, $4  }
0x198: {  	[hbm:s17], [sflag:s0] =	dma.local [spmem:s23], $0x2800  }
0x199: {  	_ =	swait.ge [sflag:s22], $0x2800  }
0x19a: {  	[sflag:s22] =	ssyncset.done $0x0  }
0x19b: {  	[sflag:s22] =	ssyncadd.s32 $0xFFFFD800  }
0x19c: {  	_ =	sfence.sel $0x180000  }
0x19d: {  	[bflag:$0x0] =	sbarrier.arrive $0xFFFF  }
0x19e: {  	_ =	strace $0x90000050  }
0x19f: {  	s0 =	stileid.u32;
	[bflag:$0x2] =	sbarrier.arrive $0xFFFF  }
0x1a0: {  	p0 =	sne.s32 s0, $0x0;
	s0 =	rddreg [dreg:$0x3]  }
0x1a1: {  	s0 =	sadd.s32 @!p0 $0x100000, s0  }
0x1a2: {  	[sflag:s0] =	ssyncadd.tile.s32 @!p0 $0x1;
	_ =	shalt  }
.Lfunc_end2:
_tile_overlayer_lowered:
.L_overlay_start_2:
0x1a3: {  	(tag) =	ssettag $0x2  }
0x1a4: {  	s0 =	rddreg [dreg:$0x0];
	s2 =	stileid.u32  }
0x1a5: {  	s1 =	rddreg [dreg:$0x1];
	p0 =	sne.s32 s2, $0x0  }
0x1a6: {  	s3 =	rddreg [dreg:$0x2];
	[bflag:$0x3] =	sbarrier.arrive $0xFFFF;
	s2 =	simm.s32 @!p0 $0x1C05  }
0x1a7: {  	[timem:s3], [sflag:s2] =	dma.local @!p0 [hbm:s0], s1  }
0x1a8: {  	s0 =	simm.s32 @!p0 $0x5  }
0x1a9: {  	_ =	swait.ge @!p0 [sflag:s0], s1  }
0x1aa: {  	s1 =	ssub.s32 @!p0 $0x0, s1;
	[sflag:s0] =	ssyncset.done @!p0 $0x0  }
0x1ab: {  	[sflag:s0] =	ssyncadd.s32 @!p0 s1  }
0x1ac: {  	[bflag:$0x3] =	sbarrier.arrive $0xFFFF  }
0x1ad: {  	_ =	shalt  }

// kernel: kernel.9.cloned.1.call-start
scs
__scs_entry_jumppad:
0x0: {  	(pc) =	sbr.rel $0x88, $3  }
0x1: {  	(tag) =	ssettag $0x0;
	lr =	simm.s32 $0x1  }
0x2: {  	[smem:$0x3F9B] =	sst lr;
	_ =	strace $0xD0000000  }
0x3: {  	_ = 	snop  }
0x4: {  	_ = 	snop  }
0x5: {  	_ = 	snop  }
0x6: {  	_ = 	snop  }
0x7: {  	_ = 	snop  }
__scs_overlays_trampoline_lowered:
0x8: {  	[smem:$0x3FAA] =	sst s0  }
0x9: {  	[smem:$0x3FAB] =	sst s1  }
0xa: {  	[smem:$0x3FAC] =	sst s2  }
0xb: {  	[smem:$0x3FAD] =	sst s3  }
0xc: {  	[smem:$0x3FAE] =	sst s4  }
0xd: {  	[smem:$0x3FAF] =	sst s5  }
0xe: {  	[smem:$0x3FB0] =	sst s6  }
0xf: {  	[smem:$0x3FB1] =	sst s7  }
0x10: {  	[smem:$0x3FB2] =	sst s8  }
0x11: {  	[smem:$0x3FB3] =	sst s9;
	s0 =	simm.s32 @!p0 $0x0  }
0x12: {  	s1 =	sld [smem:$0x3F99];
	s0 =	simm.s32 @p0 $0x1  }
0x13: {  	[smem:$0x3FB4] =	sst s0;
	s0 =	simm.s32 @!p1 $0x0  }
0x14: {  	s2 =	sld [smem:$0x3F98];
	s0 =	simm.s32 @p1 $0x1  }
0x15: {  	[smem:$0x3FB5] =	sst s0;
	s0 =	simm.s32 @!p2 $0x0  }
0x16: {  	s3 =	sld [smem:$0x3FDB];
	s0 =	simm.s32 @p2 $0x1  }
0x17: {  	s4 =	simm.s32 $0x1BF5;
	[smem:$0x3FB7] =	sst s0  }
0x18: {  	s0 =	sld [smem:$0x3F9A];
	_ =	swait.ge [sflag:s4], $0x0  }
0x19: {  	s7 =	sld [smem:$0x3F9B]  }
0x1a: {  	s8 =	sadd.s32 $0xFFFFE003, lr  }
0x1b: {  	s9 =	sadd.s32 $0xFFFFFEF7, lr;
	s5 =	simm.s32 $0xFFFFFFFF;
	p2 =	slt.u32 s8, $0xFFFFF086  }
0x1c: {  	p1 =	slt.u32 s9, $0xF7A;
	s5 =	simm.s32 @!p2 $0x0  }
0x1d: {  	s5 =	simm.s32 @p1 $0x1;
	p0 =	seq.s32 s7, s2  }
0x1e: {  	s7 =	smul.u32 @!p0 $0xF7A, s2;
	p2 =	seq.s32 @!p0 s5, $0x0  }
0x1f: {  	s9 =	smul.u32 $0xF7A, s1;
	s8 =	simm.s32 @!p0 $0x1BF5;
	p2 =	por !p2, p0  }
0x20: {  	[sflag:s8] =	ssyncset.s32 @!p0 $0xFFFFF086;
	s6 =	sadd.s32 @!p0 s3, s7;
	s7 =	simm.s32 @!p0 $0x108  }
0x21: {  	s3 =	sadd.s32 s3, s9;
	s6 =	sadd.s32 @!p0 $0x88, s6;
	s7 =	simm.s32 @p2 $0x1082  }
0x22: {  	[simem:s7], [sflag:s8] =	dma.local @!p0 [hbm:s6], $0xF7A  }
0x23: {  	s9 =	sor.u32 $0xD0000000, s2;
	s6 =	simm.s32 $0x108;
	_ =	swait.ge @!p0 [sflag:s8], $0x0  }
0x24: {  	s3 =	sadd.s32 $0x88, s3;
	s6 =	simm.s32 @!p1 $0x1082;
	[sflag:s4] =	ssyncset.s32 $0xFFFFF086  }
0x25: {  	[simem:s6], [sflag:s4] =	dma.local [hbm:s3], $0xF7A  }
0x26: {  	[smem:$0x3F9B] =	sst s1;
	(tag) =	ssettag s2;
	_ =	strace s9  }
0x27: {  	s1 =	sld [smem:$0x3FAB]  }
0x28: {  	s2 =	sld [smem:$0x3FAC]  }
0x29: {  	s4 =	sld [smem:$0x3FAE]  }
0x2a: {  	p0 =	seq.s32 s5, $0x0;
	s5 =	sld [smem:$0x3FAF]  }
0x2b: {  	s6 =	sld [smem:$0x3FB0]  }
0x2c: {  	s7 =	sld [smem:$0x3FB1]  }
0x2d: {  	s3 =	simm.s32 $0x108;
	s8 =	sld [smem:$0x3FB2]  }
0x2e: {  	s3 =	simm.s32 @!p0 $0x1082;
	s9 =	sld [smem:$0x3FB3]  }
0x2f: {  	lr =	sadd.s32 s0, s3;
	s0 =	sld [smem:$0x3FAA]  }
0x30: {  	s3 =	sld [smem:$0x3FAD]  }
0x31: {  	[smem:$0x3FB6] =	sst s10  }
0x32: {  	s10 =	sld [smem:$0x3FB4];
	_ =	sdelay $0x3  }
0x33: {  	p0 =	seq.s32 s10, $0x1;
	s10 =	sld [smem:$0x3FB6];
	_ =	sdelay $0x3  }
0x34: {  	[smem:$0x3FB6] =	sst s10  }
0x35: {  	s10 =	sld [smem:$0x3FB5];
	_ =	sdelay $0x3  }
0x36: {  	p1 =	seq.s32 s10, $0x1;
	s10 =	sld [smem:$0x3FB6];
	_ =	sdelay $0x3  }
0x37: {  	[smem:$0x3FB6] =	sst s10  }
0x38: {  	s10 =	sld [smem:$0x3FB7]  }
0x39: {  	_ = 	snop;
	(pc) =	sbr.ind lr, $3  }
0x3a: {  	_ = 	snop  }
0x3b: {  	_ = 	snop  }
0x3c: {  	p2 =	seq.s32 s10, $0x1;
	s10 =	sld [smem:$0x3FB6]  }
0x3d: {  	_ =	shalt  }
0x3e: {  	_ =	shalt  }
0x3f: {  	_ =	shalt  }
0x40: {  	_ =	shalt  }
0x41: {  	_ =	shalt  }
0x42: {  	_ =	shalt  }
0x43: {  	_ =	shalt  }
0x44: {  	_ =	shalt  }
0x45: {  	_ =	shalt  }
0x46: {  	_ =	shalt  }
0x47: {  	_ =	shalt  }
0x48: {  	_ =	shalt  }
0x49: {  	_ =	shalt  }
0x4a: {  	_ =	shalt  }
0x4b: {  	_ =	shalt  }
0x4c: {  	_ =	shalt  }
0x4d: {  	_ =	shalt  }
0x4e: {  	_ =	shalt  }
0x4f: {  	_ =	shalt  }
0x50: {  	_ =	shalt  }
0x51: {  	_ =	shalt  }
0x52: {  	_ =	shalt  }
0x53: {  	_ =	shalt  }
0x54: {  	_ =	shalt  }
0x55: {  	_ =	shalt  }
0x56: {  	_ =	shalt  }
0x57: {  	_ =	shalt  }
0x58: {  	_ =	shalt  }
0x59: {  	_ =	shalt  }
0x5a: {  	_ =	shalt  }
0x5b: {  	_ =	shalt  }
0x5c: {  	_ =	shalt  }
0x5d: {  	_ =	shalt  }
0x5e: {  	_ =	shalt  }
0x5f: {  	_ =	shalt  }
0x60: {  	_ =	shalt  }
0x61: {  	_ =	shalt  }
0x62: {  	_ =	shalt  }
0x63: {  	_ =	shalt  }
0x64: {  	_ =	shalt  }
0x65: {  	_ =	shalt  }
0x66: {  	_ =	shalt  }
0x67: {  	_ =	shalt  }
0x68: {  	_ =	shalt  }
0x69: {  	_ =	shalt  }
0x6a: {  	_ =	shalt  }
0x6b: {  	_ =	shalt  }
0x6c: {  	_ =	shalt  }
0x6d: {  	_ =	shalt  }
0x6e: {  	_ =	shalt  }
0x6f: {  	_ =	shalt  }
0x70: {  	_ =	shalt  }
0x71: {  	_ =	shalt  }
0x72: {  	_ =	shalt  }
0x73: {  	_ =	shalt  }
0x74: {  	_ =	shalt  }
0x75: {  	_ =	shalt  }
0x76: {  	_ =	shalt  }
0x77: {  	_ =	shalt  }
0x78: {  	_ =	shalt  }
0x79: {  	_ =	shalt  }
0x7a: {  	_ =	shalt  }
0x7b: {  	_ =	shalt  }
0x7c: {  	_ =	shalt  }
0x7d: {  	_ =	shalt  }
0x7e: {  	_ =	shalt  }
0x7f: {  	_ =	shalt  }
0x80: {  	_ =	shalt  }
0x81: {  	_ =	shalt  }
0x82: {  	_ =	shalt  }
0x83: {  	_ =	shalt  }
0x84: {  	_ =	shalt  }
0x85: {  	_ =	shalt  }
0x86: {  	_ =	shalt  }
0x87: {  	_ =	shalt  }
.Lfunc_end0:
.L_simem_size_0:
called_computation_lowered:
.L_overlay_start_0:
0x88: {  	s2 =	sld [smem:$0x3FD9]  }
0x89: {  	s3 =	sld [smem:$0x3FFE];
	_ =	sdelay $0x1  }
0x8a: {  	s1 =	srdreg.scid  }
0x8b: {  	s0 =	sand.u32 $0x1, s1  }
0x8c: {  	s15 =	sshll.u32 s0, $0xA;
	s2 =	sadd.s32 s3, s2  }
0x8d: {  	s2 =	sadd.s32 s2, s15  }
0x8e: {  	[smem:$0x3FC2] =	sst s2  }
0x8f: {  	_ = 	snop  }
0x90: {  	s2 =	sld [smem:$0x3FD0];
	_ =	sdelay $0x2  }
0x91: {  	s16 =	simm.s32 $0xB;
	s4 =	simm.s32 $0x10  }
0x92: {  	[smem:s4], [sflag:s16] =	dma.local [hbm:s2], $0x1  }
0x93: {  	_ =	swait.eq [sflag:s16], $0x1  }
0x94: {  	[sflag:s16] =	ssyncset.done $0x0  }
0x95: {  	[sflag:s16] =	ssyncadd.s32 $0xFFFFFFFF  }
0x96: {  	s17 =	sld [smem:$0x11];
	(tm) =	ssettm $0x1  }
0x97: {  	s18 =	sld [smem:$0x3FFB];
	_ =	sdelay $0x3  }
0x98: {  	_ =	strace s18  }
0x99: {  	s2 =	sld [smem:$0x3FFC];
	_ =	sdelay $0x3  }
0x9a: {  	_ =	strace s2  }
0x9b: {  	s2 =	sld [smem:$0x3FFD];
	_ =	sdelay $0x3  }
0x9c: {  	_ =	strace s2  }
0x9d: {  	_ =	strace $0x8FFFFFFF  }
0x9e: {  	s19 =	sld [smem:$0x3FDB];
	_ =	sdelay $0x1  }
0x9f: {  	s20 =	simm.s32 $_scs_section_size  }
0xa0: {  	s5 =	simm.s32 $_size__tile_overlayer_lowered;
	s6 =	simm.s32 $_tile_overlayer_lowered  }
0xa1: {  	s7 =	simm.s32 $0x1BFF;
	s21 =	sshll.u32 s6, $0x1;
	s4 =	sadd.s32 s20, s19  }
0xa2: {  	s22 =	simm.s32 $0x0;
	s5 =	sshll.u32 s5, $0x1;
	s6 =	sadd.s32 s21, s4  }
0xa3: {  	[timem:s22], [sflag:s7] =	dma.local [hbm:s6], s5  }
0xa4: {  	_ =	swait.ge [sflag:s7], s5  }
0xa5: {  	s5 =	ssub.s32 $0x0, s5;
	[sflag:s7] =	ssyncset.done $0x0  }
0xa6: {  	[sflag:s7] =	ssyncadd.s32 s5;
	_ =	sdelay $0x1  }
0xa7: {  	s23 =	simm.s32 $0x1B8B  }
0xa8: {  	_ =	swait.ge [sflag:s23], $0x1  }
0xa9: {  	[sflag:s23] =	ssyncset.done $0x0  }
0xaa: {  	[sflag:s23] =	ssyncadd.s32 $0xFFFFFFFF  }
0xab: {  	s5 =	sld [smem:$0x0]  }
0xac: {  	s6 =	sand.u32 $0xFFFFFFFE, s1  }
0xad: {  	p0 =	sne.s32 s1, s6  }
0xae: {  	s6 =	sshll.u32 @p0 s6, $0xE  }
0xaf: {  	s6 =	sadd.s32 @p0 $0x11B8D, s6;
	s7 =	sshll.u32 @p0 s5, $0x11  }
0xb0: {  	s6 =	sor.u32 @p0 s7, s6  }
0xb1: {  	[sflag:s6] =	ssyncadd.remote.s32 @p0 $0x1;
	_ =	sdelay $0x1  }
0xb2: {  	s6 =	simm.s32 @p0 $0x1B8D  }
0xb3: {  	_ =	swait.eq @p0 [sflag:s6], $0x1  }
0xb4: {  	[sflag:s6] =	ssyncadd.s32 @p0 $0xFFFFFFFF  }
0xb5: {  	s7 =	sshll.u32 @!p0 s1, $0xE  }
0xb6: {  	s7 =	sor.u32 @!p0 $0x4000, s7;
	s6 =	simm.s32 @!p0 $0x1B8D  }
0xb7: {  	s5 =	sshll.u32 @!p0 s5, $0x11;
	s7 =	sadd.s32 @!p0 $0x11B8D, s7;
	_ =	swait.eq @!p0 [sflag:s6], $0x1  }
0xb8: {  	s5 =	sor.u32 @!p0 s5, s7;
	[sflag:s6] =	ssyncadd.s32 @!p0 $0xFFFFFFFF  }
0xb9: {  	s25 =	simm.s32 $0x1B8E;
	s24 =	sld [smem:$0x3FFE];
	[sflag:s5] =	ssyncadd.remote.s32 @!p0 $0x1  }
0xba: {  	s26 =	simm.s32 $execute0_lowered;
	[smem:$0x3FD2] =	sst s25  }
0xbb: {  	s6 =	sshll.u32 s26, $0x1;
	_ =	strace $0x80000049;
	[dreg:$0x1] =	wrdreg $0xFFFFFFFF  }
0xbc: {  	s28 =	simm.s32 $_size_execute0_lowered;
	s4 =	sadd.s32 s4, s6;
	[dreg:$0x0] =	wrdreg $0x0  }
0xbd: {  	s6 =	sshll.u32 s28, $0x1;
	[dreg:$0x2] =	wrdreg s4  }
0xbe: {  	[dreg:$0x3] =	wrdreg s6  }
0xbf: {  	[dreg:$0x4] =	wrdreg $0xC0  }
0xc0: {  	_ =	task [dreg:s22], $0x5FFFF  }
0xc1: {  	[dreg:$0x1] =	wrdreg $0xFFFFFFFF  }
0xc2: {  	[dreg:$0x0] =	wrdreg $0x60  }
0xc3: {  	[dreg:$0x2] =	wrdreg s17  }
0xc4: {  	[dreg:$0x3] =	wrdreg s24  }
0xc5: {  	[dreg:$0x4] =	wrdreg $0x9  }
0xc6: {  	_ =	task.clear_ibuf [dreg:s22], $0x5FFFF;
	_ =	strace $0x90000049  }
0xc7: {  	s29 =	simm.s32 $0x9;
	_ =	strace $0x8000004B  }
0xc8: {  	_ =	swait.ge [sflag:s29], $0x1  }
0xc9: {  	[sflag:s29] =	ssyncadd.s32 $0xFFFFFFFF  }
0xca: {  	_ =	strace $0x9000004B  }
0xcb: {  	_ =	sfence  }
0xcc: {  	s30 =	sld [smem:$0x0];
	_ =	sdelay $0x2  }
0xcd: {  	s31 =	sshll.u32 s1, $0xD;
	s1 =	sshrl.u32 s1, $0x2  }
0xce: {  	s4 =	sand.u32 $0x4000, s31;
	s1 =	sadd.s32 s1, s30  }
0xcf: {  	s0 =	sor.u32 s4, s0;
	s1 =	sshll.u32 s1, $0x11  }
0xd0: {  	s0 =	sor.u32 s1, s0  }
0xd1: {  	s0 =	sadd.s32 $0x8F2B, s0  }
0xd2: {  	[sflag:s0] =	ssyncadd.remote.s32 $0x1  }
0xd3: {  	_ =	sfence.sel $0xFFFF  }
0xd4: {  	[dreg:$0x0] =	wrdreg $0xFFFFFFFF;
	(pc) =	sbr.abs _section_cstart, $3  }
0xd5: {  	[dreg:$0x1] =	wrdreg $0xFFFFFFFF  }
0xd6: {  	_ =	task.clear_ibuf [dreg:s22], $0x2FFFF;
	_ =	strace $0x9FFFFFFF  }
0xd7: {  	(tm) =	ssettm $0x7FFFFFFF  }
tec
execute0_lowered:
.L_overlay_start_1:
0x0: {  	(tag) =	ssettag $0x1  }
0x1: {  	s0 =	srdreg.scid  }
0x2: {  	s3 =	rddreg [dreg:$0x0];
	s16 =	sand.u32 $0x1, s0  }
0x3: {  	s9 =	rddreg [dreg:$0x1];
	s1 =	stileid.u32;
	s4 =	sshll.u32 s16, $0x4  }
0x4: {  	s2 =	simm.s32 $0x0;
	s0 =	rddreg [dreg:$0x2];
	s6 =	sor.u32 s1, s4  }
0x5: {  	[smem:$0x7FF] =	sst s2;
	s4 =	sshll.u32 s6, $0x7  }
0x6: {  	_ =	strace $0x8000004A;
	s4 =	sadd.s32 s3, s4;
	s3 =	simm.s32 $0x2  }
0x7: {  	[tilespmem:s2], [sflag:$0x2] =	stream.linear.gather [hbm4b:s4+s2], $0x400, $0x38;
	[tilespmem:$0x2400] =	vst v63  }
0x8: {  	s7 =	simm.s32 $0x400;
	_ =	swait.ge [sflag:s3], $0x400  }
0x9: {  	s8 =	simm.s32 $0x1;
	s5 =	sadd.s32 $0xC8600, s9;
	[sflag:s3] =	ssyncset.done $0x0  }
0xa: {  	s10 =	smul.u32 $0xA000, s6;
	s6 =	simm.s32 $0x40;
	[sflag:s3] =	ssyncadd.s32 $0xFFFFFC00  }
0xb: {  	[tilespmem:s7], [sflag:$0x1] =	stream.indirect.gather [hbm4b:s5+s6], $0x80, s2, s6, $0xb8;
	[tilespmem:$0x2400] =	vst v63  }
0xc: {  	s10 =	sshrl.u32 s10, $0x3;
	_ =	swait.ge [sflag:s8], $0x2000  }
0xd: {  	s17 =	sadd.s32 s10, s9;
	[sflag:s8] =	ssyncset.done $0x0  }
0xe: {  	s9 =	sadd.s32 $0xF0600, s17;
	[sflag:s8] =	ssyncadd.s32 $0xFFFFE000  }
0xf: {  	[hbm4b:s9+s2] =	stream.linear.scatter [tilespmem:s7], [sflag:$0x2], $0x2000, $0x38;
	[tilespmem:$0x2400] =	vst v63  }
0x10: {  	_ =	swait.ge [sflag:s3], $0x2000  }
0x11: {  	[sflag:s3] =	ssyncset.done $0x0  }
0x12: {  	s10 =	simm.s32 $0x80;
	[sflag:s3] =	ssyncadd.s32 $0xFFFFE000  }
0x13: {  	[tilespmem:s7], [sflag:$0x1] =	stream.indirect.gather [hbm4b:s5+s6], $0x80, s10, s6, $0xb8;
	[tilespmem:$0x2400] =	vst v63  }
0x14: {  	_ =	swait.ge [sflag:s8], $0x2000  }
0x15: {  	[sflag:s8] =	ssyncset.done $0x0  }
0x16: {  	s11 =	sadd.s32 $0xF0A00, s17;
	[sflag:s8] =	ssyncadd.s32 $0xFFFFE000  }
0x17: {  	[hbm4b:s11+s2] =	stream.linear.scatter [tilespmem:s7], [sflag:$0x2], $0x2000, $0x38;
	[tilespmem:$0x2400] =	vst v63  }
0x18: {  	_ =	swait.ge [sflag:s3], $0x2000  }
0x19: {  	[sflag:s3] =	ssyncset.done $0x0  }
0x1a: {  	s12 =	simm.s32 $0x100;
	[sflag:s3] =	ssyncadd.s32 $0xFFFFE000  }
0x1b: {  	[tilespmem:s7], [sflag:$0x1] =	stream.indirect.gather [hbm4b:s5+s6], $0x80, s12, s6, $0xb8;
	[tilespmem:$0x2400] =	vst v63  }
0x1c: {  	_ =	swait.ge [sflag:s8], $0x2000  }
0x1d: {  	[sflag:s8] =	ssyncset.done $0x0  }
0x1e: {  	s13 =	sadd.s32 $0xF0E00, s17;
	[sflag:s8] =	ssyncadd.s32 $0xFFFFE000  }
0x1f: {  	[hbm4b:s13+s2] =	stream.linear.scatter [tilespmem:s7], [sflag:$0x2], $0x2000, $0x38;
	[tilespmem:$0x2400] =	vst v63  }
0x20: {  	_ =	swait.ge [sflag:s3], $0x2000  }
0x21: {  	[sflag:s3] =	ssyncset.done $0x0  }
0x22: {  	s14 =	simm.s32 $0x180;
	[sflag:s3] =	ssyncadd.s32 $0xFFFFE000  }
0x23: {  	[tilespmem:s7], [sflag:$0x1] =	stream.indirect.gather [hbm4b:s5+s6], $0x80, s14, s6, $0xb8;
	[tilespmem:$0x2400] =	vst v63  }
0x24: {  	_ =	swait.ge [sflag:s8], $0x2000  }
0x25: {  	[sflag:s8] =	ssyncset.done $0x0  }
0x26: {  	s18 =	ssub.s32 $0x2, s16;
	s15 =	sadd.s32 $0xF1200, s17;
	[sflag:s8] =	ssyncadd.s32 $0xFFFFE000  }
0x27: {  	[hbm4b:s15+s2] =	stream.linear.scatter [tilespmem:s7], [sflag:$0x2], $0x2000, $0x38;
	[tilespmem:$0x2400] =	vst v63  }
0x28: {  	s19 =	sshrl.u32 s18, $0x1;
	_ =	swait.ge [sflag:s3], $0x2000  }
0x29: {  	s18 =	ssub.s32 s18, s19;
	[sflag:s3] =	ssyncset.done $0x0  }
0x2a: {  	s16 =	simm.s32 $0x200;
	s18 =	smax.u32 s18, $0x1;
	[sflag:s3] =	ssyncadd.s32 $0xFFFFE000  }
0x2b: {  	[tilespmem:s7], [sflag:$0x1] =	stream.indirect.gather [hbm4b:s5+s6], $0x80, s16, s6, $0xb8;
	[tilespmem:$0x2400] =	vst v63  }
0x2c: {  	p0 =	sne.s32 s18, $0x1;
	_ =	swait.ge [sflag:s8], $0x2000  }
.Ltmp0:
0x2d: {  	[sflag:s8] =	ssyncset.done $0x0;
	(pc) =	sbr.rel @!p0 .LBB2_2-.Ltmp0, $4  }
0x2e: {  	s17 =	sadd.s32 $0xF1600, s17;
	[sflag:s8] =	ssyncadd.s32 $0xFFFFE000  }
0x2f: {  	[hbm4b:s17+s2] =	stream.linear.scatter [tilespmem:s7], [sflag:$0x2], $0x2000, $0x38;
	[tilespmem:$0x2400] =	vst v63  }
0x30: {  	_ =	swait.ge [sflag:s3], $0x2000  }
0x31: {  	s18 =	sadd.s32 $0xFFFFFFFF, s18;
	[sflag:s3] =	ssyncset.done $0x0  }
.LBB2_1:
0x32: {  	p0 =	sne.s32 s18, $0x1;
	s18 =	sadd.s32 $0xFFFFFFFF, s18;
	[sflag:s3] =	ssyncadd.s32 $0xFFFFE000  }
0x33: {  	[tilespmem:s2], [sflag:$0x2] =	stream.linear.gather [hbm4b:s4+s2], $0x400, $0x38;
	[tilespmem:$0x2400] =	vst v63  }
0x34: {  	_ =	swait.ge [sflag:s3], $0x400  }
0x35: {  	[sflag:s3] =	ssyncset.done $0x0  }
0x36: {  	[sflag:s3] =	ssyncadd.s32 $0xFFFFFC00  }
0x37: {  	[tilespmem:s7], [sflag:$0x1] =	stream.indirect.gather [hbm4b:s5+s6], $0x80, s2, s6, $0xb8;
	[tilespmem:$0x2400] =	vst v63  }
0x38: {  	_ =	swait.ge [sflag:s8], $0x2000  }
0x39: {  	[sflag:s8] =	ssyncset.done $0x0  }
0x3a: {  	[sflag:s8] =	ssyncadd.s32 $0xFFFFE000  }
0x3b: {  	[hbm4b:s9+s2] =	stream.linear.scatter [tilespmem:s7], [sflag:$0x2], $0x2000, $0x38;
	[tilespmem:$0x2400] =	vst v63  }
0x3c: {  	_ =	swait.ge [sflag:s3], $0x2000  }
0x3d: {  	[sflag:s3] =	ssyncset.done $0x0  }
0x3e: {  	[sflag:s3] =	ssyncadd.s32 $0xFFFFE000  }
0x3f: {  	[tilespmem:s7], [sflag:$0x1] =	stream.indirect.gather [hbm4b:s5+s6], $0x80, s10, s6, $0xb8;
	[tilespmem:$0x2400] =	vst v63  }
0x40: {  	_ =	swait.ge [sflag:s8], $0x2000  }
0x41: {  	[sflag:s8] =	ssyncset.done $0x0  }
0x42: {  	[sflag:s8] =	ssyncadd.s32 $0xFFFFE000  }
0x43: {  	[hbm4b:s11+s2] =	stream.linear.scatter [tilespmem:s7], [sflag:$0x2], $0x2000, $0x38;
	[tilespmem:$0x2400] =	vst v63  }
0x44: {  	_ =	swait.ge [sflag:s3], $0x2000  }
0x45: {  	[sflag:s3] =	ssyncset.done $0x0  }
0x46: {  	[sflag:s3] =	ssyncadd.s32 $0xFFFFE000  }
0x47: {  	[tilespmem:s7], [sflag:$0x1] =	stream.indirect.gather [hbm4b:s5+s6], $0x80, s12, s6, $0xb8;
	[tilespmem:$0x2400] =	vst v63  }
0x48: {  	_ =	swait.ge [sflag:s8], $0x2000  }
0x49: {  	[sflag:s8] =	ssyncset.done $0x0  }
0x4a: {  	[sflag:s8] =	ssyncadd.s32 $0xFFFFE000  }
0x4b: {  	[hbm4b:s13+s2] =	stream.linear.scatter [tilespmem:s7], [sflag:$0x2], $0x2000, $0x38;
	[tilespmem:$0x2400] =	vst v63  }
0x4c: {  	_ =	swait.ge [sflag:s3], $0x2000  }
0x4d: {  	[sflag:s3] =	ssyncset.done $0x0  }
0x4e: {  	[sflag:s3] =	ssyncadd.s32 $0xFFFFE000  }
0x4f: {  	[tilespmem:s7], [sflag:$0x1] =	stream.indirect.gather [hbm4b:s5+s6], $0x80, s14, s6, $0xb8;
	[tilespmem:$0x2400] =	vst v63  }
0x50: {  	_ =	swait.ge [sflag:s8], $0x2000  }
0x51: {  	[sflag:s8] =	ssyncset.done $0x0  }
0x52: {  	[sflag:s8] =	ssyncadd.s32 $0xFFFFE000  }
0x53: {  	[hbm4b:s15+s2] =	stream.linear.scatter [tilespmem:s7], [sflag:$0x2], $0x2000, $0x38;
	[tilespmem:$0x2400] =	vst v63  }
0x54: {  	_ =	swait.ge [sflag:s3], $0x2000  }
0x55: {  	[sflag:s3] =	ssyncset.done $0x0  }
0x56: {  	[sflag:s3] =	ssyncadd.s32 $0xFFFFE000  }
0x57: {  	[tilespmem:s7], [sflag:$0x1] =	stream.indirect.gather [hbm4b:s5+s6], $0x80, s16, s6, $0xb8;
	[tilespmem:$0x2400] =	vst v63  }
0x58: {  	_ =	swait.ge [sflag:s8], $0x2000  }
.Ltmp1:
0x59: {  	[sflag:s8] =	ssyncset.done $0x0;
	(pc) =	sbr.rel @p0 .LBB2_1-.Ltmp1, $4  }
0x5a: {  	[sflag:s8] =	ssyncadd.s32 $0xFFFFE000  }
0x5b: {  	[hbm4b:s17+s2] =	stream.linear.scatter [tilespmem:s7], [sflag:$0x2], $0x2000, $0x38;
	[tilespmem:$0x2400] =	vst v63  }
0x5c: {  	_ =	swait.ge [sflag:s3], $0x2000  }
0x5d: {  	[sflag:s3] =	ssyncset.done $0x0  }
.LBB2_2:
0x5e: {  	[sflag:s3] =	ssyncadd.s32 $0xFFFFE000  }
0x5f: {  	_ =	sfence.sel $0x180000  }
0x60: {  	[bflag:$0x0] =	sbarrier.arrive $0xFFFF  }
0x61: {  	p0 =	sne.s32 s1, $0x0;
	_ =	strace $0x9000004A  }
0x62: {  	s0 =	sadd.s32 @!p0 $0x100000, s0;
	[bflag:$0x2] =	sbarrier.arrive $0xFFFF  }
0x63: {  	[sflag:s0] =	ssyncadd.tile.s32 @!p0 $0x1;
	_ =	shalt  }
.Lfunc_end2:
_tile_overlayer_lowered:
.L_overlay_start_2:
0x64: {  	(tag) =	ssettag $0x2  }
0x65: {  	s0 =	rddreg [dreg:$0x0];
	s2 =	stileid.u32  }
0x66: {  	s1 =	rddreg [dreg:$0x1];
	p0 =	sne.s32 s2, $0x0  }
0x67: {  	s3 =	rddreg [dreg:$0x2];
	[bflag:$0x3] =	sbarrier.arrive $0xFFFF;
	s2 =	simm.s32 @!p0 $0x1C02  }
0x68: {  	[timem:s3], [sflag:s2] =	dma.local @!p0 [hbm:s0], s1  }
0x69: {  	s0 =	simm.s32 @!p0 $0x2  }
0x6a: {  	_ =	swait.ge @!p0 [sflag:s0], s1  }
0x6b: {  	s1 =	ssub.s32 @!p0 $0x0, s1;
	[sflag:s0] =	ssyncset.done @!p0 $0x0  }
0x6c: {  	[sflag:s0] =	ssyncadd.s32 @!p0 s1  }
0x6d: {  	[bflag:$0x3] =	sbarrier.arrive $0xFFFF  }
0x6e: {  	_ =	shalt  }

</sc_bundles>
